<compile_context>
chip_gen: v7x
topology: tpu7x:2x2x1
jax: 0.10.2.dev20260603
libtpu: 0.0.44.dev20260713+nightly
codegen_flags: <defaults>
</compile_context>

<pallas_src>
import functools

import jax
import jax.numpy as jnp
import numpy as np
from jax import lax
from jax.experimental import pallas as pl
from jax.experimental.pallas import tpu as pltpu
from jax.experimental.pallas import tpu_sc as plsc

_NC = 2
_NS = 16
_L = 16
_NW = _NC * _NS

_INT_MIN = np.int32(-(2 ** 31))
_NBINS = 2048


@functools.cache
def _make_sc_kernel(B, N):
  assert B % _NW == 0 and N % _L == 0
  rpw = B // _NW
  nv = N // _L

  mesh = plsc.VectorSubcoreMesh(
      core_axis_name="c", subcore_axis_name="s",
      num_cores=_NC, num_subcores=_NS)

  @functools.partial(
      pl.kernel,
      out_type=jax.ShapeDtypeStruct((B, N), jnp.float32),
      mesh=mesh,
      scratch_types=[
          pltpu.VMEM((N,), jnp.float32),
          pltpu.VMEM((N,), jnp.float32),
          pltpu.VMEM((_NBINS,), jnp.int32),
          pltpu.VMEM((rpw * _L,), jnp.int32),
          pltpu.VMEM((_L,), jnp.int32),
          pltpu.SemaphoreType.DMA,
          pltpu.SemaphoreType.DMA,
          pltpu.SemaphoreType.DMA,
          pltpu.SemaphoreType.DMA,
      ],
      compiler_params=pltpu.CompilerParams(needs_layout_passes=False),
  )
  def body(x_hbm, k_hbm, t_hbm, out_hbm, buf0, buf1, hist_v,
           k_v, t_v, si0, si1, so0, so1):
    wid = lax.axis_index("s") * _NC + lax.axis_index("c")
    pltpu.sync_copy(t_hbm, t_v)
    pltpu.sync_copy(k_hbm.at[wid], k_v)
    tmask = t_v[...] != 0
    zi = jnp.zeros((_L,), jnp.int32)
    zf = jnp.zeros((_L,), jnp.float32)
    ones = jnp.full((_L,), 1, jnp.int32)
    bufs = (buf0, buf1)
    insems = (si0, si1)
    outsems = (so0, so1)

    def zero_hist(i):
      hist_v[pl.ds(i * _L, _L)] = zi
    plsc.parallel_loop(0, _NBINS // _L)(zero_hist)

    def locate(nbins, kp):
      def lbody(i, carry):
        run, bacc, cbacc = carry
        h = hist_v[pl.ds(i * _L, _L)]
        hist_v[pl.ds(i * _L, _L)] = zi
        s = run + plsc.cumsum(h)
        m = s <= kp
        bacc = bacc + plsc.all_reduce_population_count(m)
        cbacc = cbacc + jnp.where(m, h, np.int32(0))
        run = run + jnp.broadcast_to(jnp.sum(h), (_L,))
        return run, bacc, cbacc
      _, b, cbacc = plsc.parallel_loop(
          0, nbins // _L, carry=(zi, zi, zi))(lbody)
      cbelow = jnp.broadcast_to(jnp.sum(cbacc), (_L,))
      return b, kp - cbelow

    def locate3(kp, hi21):
      hi_bits = lax.shift_left(hi21, np.int32(10))
      def lbody(i, carry):
        run, bacc, dacc = carry
        h = hist_v[pl.ds(i * _L, _L)]
        hist_v[pl.ds(i * _L, _L)] = zi
        s = run + plsc.cumsum(h)
        m = s <= kp
        bacc = bacc + plsc.all_reduce_population_count(m)
        idx = lax.iota(jnp.int32, 16) + i * np.int32(_L)
        keyb = jnp.bitwise_or(hi_bits, idx)
        bv = plsc.bitcast(
            jnp.where(keyb >= 0, jnp.bitwise_not(keyb),
                      jnp.bitwise_xor(keyb, _INT_MIN)), jnp.float32)
        dacc = dacc + jnp.where(m, np.float32(0.0),
                                h.astype(jnp.float32) * bv)
        run = run + jnp.broadcast_to(jnp.sum(h), (_L,))
        return run, bacc, dacc
      _, b, dacc = plsc.parallel_loop(
          0, 1024 // _L, carry=(zi, zi, zf))(lbody)
      return b, dacc

    out_descs = [None] * rpw
    pltpu.async_copy(x_hbm.at[wid * rpw], bufs[0], insems[0])

    for r in range(rpw):
      buf = bufs[r % 2]
      nxt = (r + 1) % 2
      if r + 1 < rpw:
        if r >= 1:
          out_descs[r - 1].wait()
        pltpu.async_copy(x_hbm.at[wid * rpw + r + 1], bufs[nxt],
                         insems[nxt])
      pltpu.make_async_copy(x_hbm.at[wid * rpw + r], buf,
                            insems[r % 2]).wait()
      kp = k_v[pl.ds(r * _L, _L)]

      def pass_a(i, acc, buf=buf):
        v = buf[pl.ds(i * _L, _L)]
        b = plsc.bitcast(v, jnp.int32)
        ub = jnp.where(b >= 0, jnp.bitwise_xor(b, _INT_MIN),
                       jnp.bitwise_not(b))
        buf[pl.ds(i * _L, _L)] = plsc.bitcast(ub, jnp.float32)
        d = lax.shift_right_logical(ub, np.int32(21))
        cnts, last = plsc.scan_count(d)
        plsc.addupdate_scatter(hist_v, [d], cnts, mask=last)
        return acc + v
      na = plsc.parallel_loop(0, nv, unroll=8, carry=zf)(pass_a)
      num = jnp.broadcast_to(jnp.sum(na), (_L,))

      b1, k2 = locate(2048, kp)

      def pass_h2(i, buf=buf):
        ub = plsc.bitcast(buf[pl.ds(i * _L, _L)], jnp.int32)
        m = lax.shift_right_logical(ub, np.int32(21)) == b1
        d = jnp.bitwise_and(lax.shift_right_logical(ub, np.int32(10)),
                            np.int32(0x7FF))
        plsc.addupdate_scatter(hist_v, [d], ones, mask=m)
      plsc.parallel_loop(0, nv, unroll=8)(pass_h2)

      b2, k3 = locate(2048, k2)
      hi21 = jnp.bitwise_or(lax.shift_left(b1, np.int32(11)), b2)

      def pass_h3(i, acc, buf=buf):
        ub = plsc.bitcast(buf[pl.ds(i * _L, _L)], jnp.int32)
        v = plsc.bitcast(
            jnp.where(ub >= 0, jnp.bitwise_not(ub),
                      jnp.bitwise_xor(ub, _INT_MIN)), jnp.float32)
        hi22 = lax.shift_right_logical(ub, np.int32(10))
        m_eq = hi22 == hi21
        d = jnp.bitwise_and(ub, np.int32(0x3FF))
        plsc.addupdate_scatter(hist_v, [d], ones, mask=m_eq)
        return acc + jnp.where(hi22 > hi21, v, np.float32(0.0))
      gt = plsc.parallel_loop(0, nv, unroll=8, carry=zf)(pass_h3)

      b3, dacc = locate3(k3, hi21)
      den = jnp.broadcast_to(jnp.sum(dacc + gt), (_L,))

      thresh = jnp.bitwise_xor(
          jnp.bitwise_or(lax.shift_left(hi21, np.int32(10)), b3), _INT_MIN)

      scale = jnp.abs(jnp.where(den == 0.0, np.float32(0.0), num / den))

      def pass_d(i, buf=buf):
        ub = plsc.bitcast(buf[pl.ds(i * _L, _L)], jnp.int32)
        v = plsc.bitcast(
            jnp.where(ub >= 0, jnp.bitwise_not(ub),
                      jnp.bitwise_xor(ub, _INT_MIN)), jnp.float32)
        sk = jnp.bitwise_xor(ub, _INT_MIN)
        masked = jnp.where(sk >= thresh, v, np.float32(0.0))
        buf[pl.ds(i * _L, _L)] = jnp.where(tmask, scale * masked, v)
      plsc.parallel_loop(0, nv, unroll=8)(pass_d)

      out_descs[r] = pltpu.async_copy(buf, out_hbm.at[wid * rpw + r],
                                      outsems[r % 2])

    if rpw >= 2:
      out_descs[rpw - 2].wait()
    out_descs[rpw - 1].wait()

  return body


def kernel(inputs, training):
  B, N = inputs.shape
  probs = jax.random.uniform(
      jax.random.fold_in(jax.random.key(0), 1), (B,),
      minval=0.0, maxval=1.0)
  k = jnp.maximum(
      jnp.ceil(np.float32(N) * probs).astype(jnp.int32) - 1, 0)
  rpw = B // _NW
  k16 = jnp.broadcast_to(k[:, None], (B, _L)).astype(jnp.int32)
  karr = k16.reshape(_NW, rpw * _L)
  t16 = jnp.full((_L,), training, dtype=jnp.int32)
  return _make_sc_kernel(B, N)(inputs, karr, t16)

# --- scband reference (transcript-rebuilt; emitter-appended) ---
"""Pipeline reference for scband-masking-89326729822839 (READ-ONLY COPY).

The authoritative reference and input builder live on the scoring server;
editing this copy changes nothing except your own understanding.
"""

import jax, jax.numpy as jnp
import numpy as np


def setup_inputs(seed: int = 0) -> dict:
    key = jax.random.key(seed)
    inputs = jax.random.normal(key, (128, 32768), dtype=jnp.float32)
    return {"inputs": inputs, "training": 1}


def reference(inputs, training):
    # Masking layer with masking_type=SMALL_VALUE_MASKING, scaling_type=SUM_BASED
    batch_size = inputs.shape[0]
    # probs drawn inside call (probs=None path); fixed key for determinism
    probs = jax.random.uniform(jax.random.fold_in(jax.random.key(0), 1), (batch_size,), minval=0.0, maxval=1.0)
    # _inverse_empirical_cdf
    n = int(np.prod(inputs.shape[1:]))
    index = jnp.maximum(jnp.ceil(jnp.float32(n) * probs).astype(jnp.int32) - 1, 0)
    reshaped = inputs.reshape(batch_size, -1)
    sorted_inputs = jnp.sort(reshaped, axis=1)
    threshold = sorted_inputs[jnp.arange(batch_size), index]
    # _small_value_masking
    threshold = threshold.reshape((batch_size,) + (1,) * (inputs.ndim - 1))
    mask = 1.0 - (inputs < threshold).astype(inputs.dtype)
    outputs = inputs * mask
    # _scale_output_sum_based
    axes = tuple(range(1, inputs.ndim))
    num = jnp.sum(inputs, axis=axes)
    den = jnp.sum(outputs, axis=axes)
    scale = jnp.abs(jnp.where(den == 0.0, jnp.zeros_like(num), num / den))
    scale = scale.reshape((batch_size,) + (1,) * (inputs.ndim - 1))
    return jnp.where(training != 0, scale * outputs, inputs)

if __name__ == "__main__":
    import jax
    _d = setup_inputs()
    print(jax.jit(kernel)(*tuple(_d.values())))

</pallas_src>

<mosaic_0001>
#map = affine_map<(d0, d1) -> (0, 0)>
#map1 = affine_map<(d0, d1) -> (0)>
module attributes {stable_mosaic.version = 14 : i64} {
  func.func @body(%arg0: i32, %arg1: i32, %arg2: memref<128x32768xf32, #tpu.memory_space<hbm>>, %arg3: memref<32x64xi32, #tpu.memory_space<hbm>>, %arg4: memref<16xi32, #tpu.memory_space<hbm>>, %arg5: memref<128x32768xf32, #tpu.memory_space<hbm>>, %arg6: memref<32768xf32, #tpu.memory_space<vmem>>, %arg7: memref<32768xf32, #tpu.memory_space<vmem>>, %arg8: memref<2048xi32, #tpu.memory_space<vmem>>, %arg9: memref<64xi32, #tpu.memory_space<vmem>>, %arg10: memref<16xi32, #tpu.memory_space<vmem>>, %arg11: memref<!tpu.dma_semaphore, #tpu.memory_space<semaphore_mem>>, %arg12: memref<!tpu.dma_semaphore, #tpu.memory_space<semaphore_mem>>, %arg13: memref<!tpu.dma_semaphore, #tpu.memory_space<semaphore_mem>>, %arg14: memref<!tpu.dma_semaphore, #tpu.memory_space<semaphore_mem>>) attributes {dimension_semantics = [#tpu.dimension_semantics<core_parallel>, #tpu.dimension_semantics<subcore_parallel>], iteration_bounds = array<i64: 2, 16>, scalar_prefetch = 0 : i64, scratch_operands = 9 : i64, tpu.core_type = #tpu.core_type<sc_vector_subcore>, window_params = [{transform_indices = #map}, {transform_indices = #map}, {transform_indices = #map1}, {transform_indices = #map}]} {
    %mul3A = arith.constant 2 : i32
    %mul3A_0 = arith.muli %arg1, %mul3A : i32
    %add3A = arith.addi %mul3A_0, %arg0 : i32
    "tpu.region"() ({
      %run_scoped3A = tpu.sem_alloc : memref<!tpu.dma_semaphore, #tpu.memory_space<semaphore_mem>>
      tpu.enqueue_dma source(%arg4 : memref<16xi32, #tpu.memory_space<hbm>>) target(%arg10 : memref<16xi32, #tpu.memory_space<vmem>>) target_semaphore(%run_scoped3A : memref<!tpu.dma_semaphore, #tpu.memory_space<semaphore_mem>>)
      tpu.wait_dma2 semaphore(%run_scoped3A : memref<!tpu.dma_semaphore, #tpu.memory_space<semaphore_mem>>) src(%arg4 : memref<16xi32, #tpu.memory_space<hbm>>) dst(%arg10 : memref<16xi32, #tpu.memory_space<vmem>>)
      tpu.yield
    }) : () -> ()
    "tpu.region"() ({
      %run_scoped3A = tpu.sem_alloc : memref<!tpu.dma_semaphore, #tpu.memory_space<semaphore_mem>>
      %dma_start3A_439 = arith.constant 0 : i32
      %dma_start3A_440 = tpu.memref_slice %arg3[%add3A, %dma_start3A_439] : memref<32x64xi32, #tpu.memory_space<hbm>> -> memref<1x64xi32, #tpu.memory_space<hbm>>
      %dma_start3A_441 = tpu.memref_squeeze %dma_start3A_440 : memref<1x64xi32, #tpu.memory_space<hbm>> -> memref<64xi32, #tpu.memory_space<hbm>>
      %dma_start3A_442 = arith.constant 0 : i32
      %dma_start3A_443 = tpu.memref_slice %arg3[%add3A, %dma_start3A_442] : memref<32x64xi32, #tpu.memory_space<hbm>> -> memref<1x64xi32, #tpu.memory_space<hbm>>
      %dma_start3A_444 = tpu.memref_squeeze %dma_start3A_443 : memref<1x64xi32, #tpu.memory_space<hbm>> -> memref<64xi32, #tpu.memory_space<hbm>>
      tpu.enqueue_dma source(%dma_start3A_444 : memref<64xi32, #tpu.memory_space<hbm>>) target(%arg9 : memref<64xi32, #tpu.memory_space<vmem>>) target_semaphore(%run_scoped3A : memref<!tpu.dma_semaphore, #tpu.memory_space<semaphore_mem>>)
      %dma_wait3A_445 = arith.constant 0 : i32
      %dma_wait3A_446 = tpu.memref_slice %arg3[%add3A, %dma_wait3A_445] : memref<32x64xi32, #tpu.memory_space<hbm>> -> memref<1x64xi32, #tpu.memory_space<hbm>>
      %dma_wait3A_447 = tpu.memref_squeeze %dma_wait3A_446 : memref<1x64xi32, #tpu.memory_space<hbm>> -> memref<64xi32, #tpu.memory_space<hbm>>
      %dma_wait3A_448 = arith.constant 0 : i32
      %dma_wait3A_449 = tpu.memref_slice %arg3[%add3A, %dma_wait3A_448] : memref<32x64xi32, #tpu.memory_space<hbm>> -> memref<1x64xi32, #tpu.memory_space<hbm>>
      %dma_wait3A_450 = tpu.memref_squeeze %dma_wait3A_449 : memref<1x64xi32, #tpu.memory_space<hbm>> -> memref<64xi32, #tpu.memory_space<hbm>>
      tpu.wait_dma2 semaphore(%run_scoped3A : memref<!tpu.dma_semaphore, #tpu.memory_space<semaphore_mem>>) src(%dma_wait3A_450 : memref<64xi32, #tpu.memory_space<hbm>>) dst(%arg9 : memref<64xi32, #tpu.memory_space<vmem>>)
      tpu.yield
    }) : () -> ()
    %get3A = arith.constant 0 : index
    %get3A_1 = tpu.vector_load %arg10[%get3A] {strides = array<i32>} : memref<16xi32, #tpu.memory_space<vmem>>, vector<16xi32>,
    %ne3A = arith.constant 0 : i32
    %ne3A_2 = vector.broadcast %ne3A : i32 to vector<16xi32>
    %ne3A_3 = arith.cmpi ne, %get3A_1, %ne3A_2 : vector<16xi32>
    %broadcast_in_dim3A = arith.constant 0 : i32
    %broadcast_in_dim3A_4 = vector.broadcast %broadcast_in_dim3A : i32 to vector<16xi32>
    %broadcast_in_dim3A_5 = arith.constant 0.000000e+00 : f32
    %broadcast_in_dim3A_6 = vector.broadcast %broadcast_in_dim3A_5 : f32 to vector<16xf32>
    %broadcast_in_dim3A_7 = arith.constant 1 : i32
    %broadcast_in_dim3A_8 = vector.broadcast %broadcast_in_dim3A_7 : i32 to vector<16xi32>
    %parallel_loop3A = arith.constant 0 : i32
    %parallel_loop3A_9 = arith.constant 128 : i32
    %parallel_loop3A_10 = arith.constant 1 : i32
    scf.for %parallel_loop3A_439 = %parallel_loop3A to %parallel_loop3A_9 step %parallel_loop3A_10  : i32 {
      %parallel_loop3A_440 = arith.constant 16 : i32
      %parallel_loop3A_441 = arith.muli %parallel_loop3A_439, %parallel_loop3A_440 : i32
      %parallel_loop3A_442 = arith.index_cast %parallel_loop3A_441 : i32 to index
      %parallel_loop3A_443 = tpu.vector_load %arg8[%parallel_loop3A_442] {strides = array<i32>} : memref<2048xi32, #tpu.memory_space<vmem>>, vector<16xi32>,
      tpu.vector_store %arg8[%parallel_loop3A_442], %broadcast_in_dim3A_4 {strides = array<i32>} : memref<2048xi32, #tpu.memory_space<vmem>>, vector<16xi32>,
    } {sc.loop_unroll_factor = 1 : i64, sc.parallel_access}
    %mul3A_11 = arith.constant 4 : i32
    %mul3A_12 = arith.muli %add3A, %mul3A_11 : i32
    %dma_start3A = arith.constant 0 : i32
    %dma_start3A_13 = tpu.memref_slice %arg2[%mul3A_12, %dma_start3A] : memref<128x32768xf32, #tpu.memory_space<hbm>> -> memref<1x32768xf32, #tpu.memory_space<hbm>>
    %dma_start3A_14 = tpu.memref_squeeze %dma_start3A_13 : memref<1x32768xf32, #tpu.memory_space<hbm>> -> memref<32768xf32, #tpu.memory_space<hbm>>
    %dma_start3A_15 = arith.constant 0 : i32
    %dma_start3A_16 = tpu.memref_slice %arg2[%mul3A_12, %dma_start3A_15] : memref<128x32768xf32, #tpu.memory_space<hbm>> -> memref<1x32768xf32, #tpu.memory_space<hbm>>
    %dma_start3A_17 = tpu.memref_squeeze %dma_start3A_16 : memref<1x32768xf32, #tpu.memory_space<hbm>> -> memref<32768xf32, #tpu.memory_space<hbm>>
    tpu.enqueue_dma source(%dma_start3A_17 : memref<32768xf32, #tpu.memory_space<hbm>>) target(%arg6 : memref<32768xf32, #tpu.memory_space<vmem>>) target_semaphore(%arg11 : memref<!tpu.dma_semaphore, #tpu.memory_space<semaphore_mem>>)
    %mul3A_18 = arith.constant 4 : i32
    %mul3A_19 = arith.muli %add3A, %mul3A_18 : i32
    %add3A_20 = arith.constant 0 : i32
    %add3A_21 = arith.addi %mul3A_19, %add3A_20 : i32
    %add3A_22 = arith.constant 1 : i32
    %add3A_23 = arith.addi %add3A_21, %add3A_22 : i32
    %dma_start3A_24 = arith.constant 0 : i32
    %dma_start3A_25 = tpu.memref_slice %arg2[%add3A_23, %dma_start3A_24] : memref<128x32768xf32, #tpu.memory_space<hbm>> -> memref<1x32768xf32, #tpu.memory_space<hbm>>
    %dma_start3A_26 = tpu.memref_squeeze %dma_start3A_25 : memref<1x32768xf32, #tpu.memory_space<hbm>> -> memref<32768xf32, #tpu.memory_space<hbm>>
    %dma_start3A_27 = arith.constant 0 : i32
    %dma_start3A_28 = tpu.memref_slice %arg2[%add3A_23, %dma_start3A_27] : memref<128x32768xf32, #tpu.memory_space<hbm>> -> memref<1x32768xf32, #tpu.memory_space<hbm>>
    %dma_start3A_29 = tpu.memref_squeeze %dma_start3A_28 : memref<1x32768xf32, #tpu.memory_space<hbm>> -> memref<32768xf32, #tpu.memory_space<hbm>>
    tpu.enqueue_dma source(%dma_start3A_29 : memref<32768xf32, #tpu.memory_space<hbm>>) target(%arg7 : memref<32768xf32, #tpu.memory_space<vmem>>) target_semaphore(%arg12 : memref<!tpu.dma_semaphore, #tpu.memory_space<semaphore_mem>>)
    %mul3A_30 = arith.constant 4 : i32
    %mul3A_31 = arith.muli %add3A, %mul3A_30 : i32
    %add3A_32 = arith.constant 0 : i32
    %add3A_33 = arith.addi %mul3A_31, %add3A_32 : i32
    %dma_wait3A = arith.constant 0 : i32
    %dma_wait3A_34 = tpu.memref_slice %arg2[%add3A_33, %dma_wait3A] : memref<128x32768xf32, #tpu.memory_space<hbm>> -> memref<1x32768xf32, #tpu.memory_space<hbm>>
    %dma_wait3A_35 = tpu.memref_squeeze %dma_wait3A_34 : memref<1x32768xf32, #tpu.memory_space<hbm>> -> memref<32768xf32, #tpu.memory_space<hbm>>
    %dma_wait3A_36 = arith.constant 0 : i32
    %dma_wait3A_37 = tpu.memref_slice %arg2[%add3A_33, %dma_wait3A_36] : memref<128x32768xf32, #tpu.memory_space<hbm>> -> memref<1x32768xf32, #tpu.memory_space<hbm>>
    %dma_wait3A_38 = tpu.memref_squeeze %dma_wait3A_37 : memref<1x32768xf32, #tpu.memory_space<hbm>> -> memref<32768xf32, #tpu.memory_space<hbm>>
    tpu.wait_dma2 semaphore(%arg11 : memref<!tpu.dma_semaphore, #tpu.memory_space<semaphore_mem>>) src(%dma_wait3A_38 : memref<32768xf32, #tpu.memory_space<hbm>>) dst(%arg6 : memref<32768xf32, #tpu.memory_space<vmem>>)
    %get3A_39 = arith.constant 0 : index
    %get3A_40 = tpu.vector_load %arg9[%get3A_39] {strides = array<i32>} : memref<64xi32, #tpu.memory_space<vmem>>, vector<16xi32>,
    %parallel_loop3A_41 = arith.constant 0 : i32
    %parallel_loop3A_42 = arith.constant 2048 : i32
    %parallel_loop3A_43 = arith.constant 1 : i32
    %parallel_loop3A_44 = scf.for %parallel_loop3A_439 = %parallel_loop3A_41 to %parallel_loop3A_42 step %parallel_loop3A_43 iter_args(%parallel_loop3A_440 = %broadcast_in_dim3A_6) -> (vector<16xf32>)  : i32 {
      %parallel_loop3A_441 = arith.constant 16 : i32
      %parallel_loop3A_442 = arith.muli %parallel_loop3A_439, %parallel_loop3A_441 : i32
      %parallel_loop3A_443 = arith.index_cast %parallel_loop3A_442 : i32 to index
      %parallel_loop3A_444 = tpu.vector_load %arg6[%parallel_loop3A_443] {strides = array<i32>} : memref<32768xf32, #tpu.memory_space<vmem>>, vector<16xf32>,
      %parallel_loop3A_445 = vector.bitcast %parallel_loop3A_444 : vector<16xf32> to vector<16xi32>
      %parallel_loop3A_446 = arith.constant 0 : i32
      %parallel_loop3A_447 = vector.broadcast %parallel_loop3A_446 : i32 to vector<16xi32>
      %parallel_loop3A_448 = arith.cmpi sge, %parallel_loop3A_445, %parallel_loop3A_447 : vector<16xi32>
      %parallel_loop3A_449 = arith.constant -2147483648 : i32
      %parallel_loop3A_450 = vector.broadcast %parallel_loop3A_449 : i32 to vector<16xi32>
      %parallel_loop3A_451 = arith.xori %parallel_loop3A_445, %parallel_loop3A_450 : vector<16xi32>
      %parallel_loop3A_452 = arith.constant dense<-1> : vector<16xi32>
      %parallel_loop3A_453 = arith.xori %parallel_loop3A_445, %parallel_loop3A_452 : vector<16xi32>
      %parallel_loop3A_454 = arith.select %parallel_loop3A_448, %parallel_loop3A_451, %parallel_loop3A_453 : vector<16xi1>, vector<16xi32>
      %parallel_loop3A_455 = vector.bitcast %parallel_loop3A_454 : vector<16xi32> to vector<16xf32>
      %parallel_loop3A_456 = arith.constant 16 : i32
      %parallel_loop3A_457 = arith.muli %parallel_loop3A_439, %parallel_loop3A_456 : i32
      %parallel_loop3A_458 = arith.index_cast %parallel_loop3A_457 : i32 to index
      %parallel_loop3A_459 = tpu.vector_load %arg6[%parallel_loop3A_458] {strides = array<i32>} : memref<32768xf32, #tpu.memory_space<vmem>>, vector<16xf32>,
      tpu.vector_store %arg6[%parallel_loop3A_458], %parallel_loop3A_455 {strides = array<i32>} : memref<32768xf32, #tpu.memory_space<vmem>>, vector<16xf32>,
      %parallel_loop3A_460 = arith.constant 21 : i32
      %parallel_loop3A_461 = vector.broadcast %parallel_loop3A_460 : i32 to vector<16xi32>
      %parallel_loop3A_462 = arith.shrui %parallel_loop3A_454, %parallel_loop3A_461 : vector<16xi32>
      %parallel_loop3A_463 = arith.constant true
      %parallel_loop3A_464 = vector.broadcast %parallel_loop3A_463 : i1 to vector<16xi1>
      %parallel_loop3A_465, %parallel_loop3A_466 = tpu.scan_count mask(%parallel_loop3A_464 : vector<16xi1>) value(%parallel_loop3A_462 : vector<16xi32>) : vector<16xi1>, vector<16xi32>
      tpu.vector_store_idx %arg8[%parallel_loop3A_462], %parallel_loop3A_466 masked %parallel_loop3A_465 {add = true} : memref<2048xi32, #tpu.memory_space<vmem>>[vector<16xi32>], vector<16xi32>, vector<16xi1>
      %parallel_loop3A_467 = arith.addf %parallel_loop3A_440, %parallel_loop3A_444 : vector<16xf32>
      scf.yield %parallel_loop3A_467 : vector<16xf32>
    } {sc.loop_unroll_factor = 8 : i64, sc.parallel_access}
    %reduce_sum3A = arith.constant true
    %reduce_sum3A_45 = vector.broadcast %reduce_sum3A : i1 to vector<16xi1>
    %reduce_sum3A_46 = tpu.scan <sum>, %parallel_loop3A_44 masked %reduce_sum3A_45 : vector<16xf32>, vector<16xi1> -> vector<16xf32>
    %reduce_sum3A_47 = vector.extract %reduce_sum3A_46[15] : f32 from vector<16xf32>
    %broadcast_in_dim3A_48 = vector.broadcast %reduce_sum3A_47 : f32 to vector<16xf32>
    %parallel_loop3A_49 = arith.constant 0 : i32
    %parallel_loop3A_50 = arith.constant 128 : i32
    %parallel_loop3A_51 = arith.constant 1 : i32
    %parallel_loop3A_52:3 = scf.for %parallel_loop3A_439 = %parallel_loop3A_49 to %parallel_loop3A_50 step %parallel_loop3A_51 iter_args(%parallel_loop3A_440 = %broadcast_in_dim3A_4, %parallel_loop3A_441 = %broadcast_in_dim3A_4, %parallel_loop3A_442 = %broadcast_in_dim3A_4) -> (vector<16xi32>, vector<16xi32>, vector<16xi32>)  : i32 {
      %parallel_loop3A_443 = arith.constant 16 : i32
      %parallel_loop3A_444 = arith.muli %parallel_loop3A_439, %parallel_loop3A_443 : i32
      %parallel_loop3A_445 = arith.index_cast %parallel_loop3A_444 : i32 to index
      %parallel_loop3A_446 = tpu.vector_load %arg8[%parallel_loop3A_445] {strides = array<i32>} : memref<2048xi32, #tpu.memory_space<vmem>>, vector<16xi32>,
      %parallel_loop3A_447 = arith.constant 16 : i32
      %parallel_loop3A_448 = arith.muli %parallel_loop3A_439, %parallel_loop3A_447 : i32
      %parallel_loop3A_449 = arith.index_cast %parallel_loop3A_448 : i32 to index
      %parallel_loop3A_450 = tpu.vector_load %arg8[%parallel_loop3A_449] {strides = array<i32>} : memref<2048xi32, #tpu.memory_space<vmem>>, vector<16xi32>,
      tpu.vector_store %arg8[%parallel_loop3A_449], %broadcast_in_dim3A_4 {strides = array<i32>} : memref<2048xi32, #tpu.memory_space<vmem>>, vector<16xi32>,
      %parallel_loop3A_451 = arith.constant true
      %parallel_loop3A_452 = vector.broadcast %parallel_loop3A_451 : i1 to vector<16xi1>
      %parallel_loop3A_453 = tpu.scan <sum>, %parallel_loop3A_446 masked %parallel_loop3A_452 : vector<16xi32>, vector<16xi1> -> vector<16xi32>
      %parallel_loop3A_454 = arith.addi %parallel_loop3A_440, %parallel_loop3A_453 : vector<16xi32>
      %parallel_loop3A_455 = arith.cmpi sle, %parallel_loop3A_454, %get3A_40 : vector<16xi32>
      %parallel_loop3A_456 = tpu.all_reduce %parallel_loop3A_455 {dim = 0 : i64, kind = #tpu.reduction_kind<sum>} : vector<16xi1> -> vector<16xi32>
      %parallel_loop3A_457 = arith.addi %parallel_loop3A_441, %parallel_loop3A_456 : vector<16xi32>
      %parallel_loop3A_458 = arith.constant 0 : i32
      %parallel_loop3A_459 = vector.broadcast %parallel_loop3A_458 : i32 to vector<16xi32>
      %parallel_loop3A_460 = arith.select %parallel_loop3A_455, %parallel_loop3A_446, %parallel_loop3A_459 : vector<16xi1>, vector<16xi32>
      %parallel_loop3A_461 = arith.addi %parallel_loop3A_442, %parallel_loop3A_460 : vector<16xi32>
      %parallel_loop3A_462 = arith.constant true
      %parallel_loop3A_463 = vector.broadcast %parallel_loop3A_462 : i1 to vector<16xi1>
      %parallel_loop3A_464 = tpu.scan <sum>, %parallel_loop3A_446 masked %parallel_loop3A_463 : vector<16xi32>, vector<16xi1> -> vector<16xi32>
      %parallel_loop3A_465 = vector.extract %parallel_loop3A_464[15] : i32 from vector<16xi32>
      %parallel_loop3A_466 = vector.broadcast %parallel_loop3A_465 : i32 to vector<16xi32>
      %parallel_loop3A_467 = arith.addi %parallel_loop3A_440, %parallel_loop3A_466 : vector<16xi32>
      scf.yield %parallel_loop3A_467, %parallel_loop3A_457, %parallel_loop3A_461 : vector<16xi32>, vector<16xi32>, vector<16xi32>
    } {sc.loop_unroll_factor = 1 : i64, sc.parallel_access}
    %reduce_sum3A_53 = arith.constant true
    %reduce_sum3A_54 = vector.broadcast %reduce_sum3A_53 : i1 to vector<16xi1>
    %reduce_sum3A_55 = tpu.scan <sum>, %parallel_loop3A_52#2 masked %reduce_sum3A_54 : vector<16xi32>, vector<16xi1> -> vector<16xi32>
    %reduce_sum3A_56 = vector.extract %reduce_sum3A_55[15] : i32 from vector<16xi32>
    %broadcast_in_dim3A_57 = vector.broadcast %reduce_sum3A_56 : i32 to vector<16xi32>
    %sub3A = arith.subi %get3A_40, %broadcast_in_dim3A_57 : vector<16xi32>
    %parallel_loop3A_58 = arith.constant 0 : i32
    %parallel_loop3A_59 = arith.constant 2048 : i32
    %parallel_loop3A_60 = arith.constant 1 : i32
    scf.for %parallel_loop3A_439 = %parallel_loop3A_58 to %parallel_loop3A_59 step %parallel_loop3A_60  : i32 {
      %parallel_loop3A_440 = arith.constant 16 : i32
      %parallel_loop3A_441 = arith.muli %parallel_loop3A_439, %parallel_loop3A_440 : i32
      %parallel_loop3A_442 = arith.index_cast %parallel_loop3A_441 : i32 to index
      %parallel_loop3A_443 = tpu.vector_load %arg6[%parallel_loop3A_442] {strides = array<i32>} : memref<32768xf32, #tpu.memory_space<vmem>>, vector<16xf32>,
      %parallel_loop3A_444 = vector.bitcast %parallel_loop3A_443 : vector<16xf32> to vector<16xi32>
      %parallel_loop3A_445 = arith.constant 21 : i32
      %parallel_loop3A_446 = vector.broadcast %parallel_loop3A_445 : i32 to vector<16xi32>
      %parallel_loop3A_447 = arith.shrui %parallel_loop3A_444, %parallel_loop3A_446 : vector<16xi32>
      %parallel_loop3A_448 = arith.cmpi eq, %parallel_loop3A_447, %parallel_loop3A_52#1 : vector<16xi32>
      %parallel_loop3A_449 = arith.constant 10 : i32
      %parallel_loop3A_450 = vector.broadcast %parallel_loop3A_449 : i32 to vector<16xi32>
      %parallel_loop3A_451 = arith.shrui %parallel_loop3A_444, %parallel_loop3A_450 : vector<16xi32>
      %parallel_loop3A_452 = arith.constant 2047 : i32
      %parallel_loop3A_453 = vector.broadcast %parallel_loop3A_452 : i32 to vector<16xi32>
      %parallel_loop3A_454 = arith.andi %parallel_loop3A_451, %parallel_loop3A_453 : vector<16xi32>
      tpu.vector_store_idx %arg8[%parallel_loop3A_454], %broadcast_in_dim3A_8 masked %parallel_loop3A_448 {add = true} : memref<2048xi32, #tpu.memory_space<vmem>>[vector<16xi32>], vector<16xi32>, vector<16xi1>
    } {sc.loop_unroll_factor = 8 : i64, sc.parallel_access}
    %parallel_loop3A_61 = arith.constant 0 : i32
    %parallel_loop3A_62 = arith.constant 128 : i32
    %parallel_loop3A_63 = arith.constant 1 : i32
    %parallel_loop3A_64:3 = scf.for %parallel_loop3A_439 = %parallel_loop3A_61 to %parallel_loop3A_62 step %parallel_loop3A_63 iter_args(%parallel_loop3A_440 = %broadcast_in_dim3A_4, %parallel_loop3A_441 = %broadcast_in_dim3A_4, %parallel_loop3A_442 = %broadcast_in_dim3A_4) -> (vector<16xi32>, vector<16xi32>, vector<16xi32>)  : i32 {
      %parallel_loop3A_443 = arith.constant 16 : i32
      %parallel_loop3A_444 = arith.muli %parallel_loop3A_439, %parallel_loop3A_443 : i32
      %parallel_loop3A_445 = arith.index_cast %parallel_loop3A_444 : i32 to index
      %parallel_loop3A_446 = tpu.vector_load %arg8[%parallel_loop3A_445] {strides = array<i32>} : memref<2048xi32, #tpu.memory_space<vmem>>, vector<16xi32>,
      %parallel_loop3A_447 = arith.constant 16 : i32
      %parallel_loop3A_448 = arith.muli %parallel_loop3A_439, %parallel_loop3A_447 : i32
      %parallel_loop3A_449 = arith.index_cast %parallel_loop3A_448 : i32 to index
      %parallel_loop3A_450 = tpu.vector_load %arg8[%parallel_loop3A_449] {strides = array<i32>} : memref<2048xi32, #tpu.memory_space<vmem>>, vector<16xi32>,
      tpu.vector_store %arg8[%parallel_loop3A_449], %broadcast_in_dim3A_4 {strides = array<i32>} : memref<2048xi32, #tpu.memory_space<vmem>>, vector<16xi32>,
      %parallel_loop3A_451 = arith.constant true
      %parallel_loop3A_452 = vector.broadcast %parallel_loop3A_451 : i1 to vector<16xi1>
      %parallel_loop3A_453 = tpu.scan <sum>, %parallel_loop3A_446 masked %parallel_loop3A_452 : vector<16xi32>, vector<16xi1> -> vector<16xi32>
      %parallel_loop3A_454 = arith.addi %parallel_loop3A_440, %parallel_loop3A_453 : vector<16xi32>
      %parallel_loop3A_455 = arith.cmpi sle, %parallel_loop3A_454, %sub3A : vector<16xi32>
      %parallel_loop3A_456 = tpu.all_reduce %parallel_loop3A_455 {dim = 0 : i64, kind = #tpu.reduction_kind<sum>} : vector<16xi1> -> vector<16xi32>
      %parallel_loop3A_457 = arith.addi %parallel_loop3A_441, %parallel_loop3A_456 : vector<16xi32>
      %parallel_loop3A_458 = arith.constant 0 : i32
      %parallel_loop3A_459 = vector.broadcast %parallel_loop3A_458 : i32 to vector<16xi32>
      %parallel_loop3A_460 = arith.select %parallel_loop3A_455, %parallel_loop3A_446, %parallel_loop3A_459 : vector<16xi1>, vector<16xi32>
      %parallel_loop3A_461 = arith.addi %parallel_loop3A_442, %parallel_loop3A_460 : vector<16xi32>
      %parallel_loop3A_462 = arith.constant true
      %parallel_loop3A_463 = vector.broadcast %parallel_loop3A_462 : i1 to vector<16xi1>
      %parallel_loop3A_464 = tpu.scan <sum>, %parallel_loop3A_446 masked %parallel_loop3A_463 : vector<16xi32>, vector<16xi1> -> vector<16xi32>
      %parallel_loop3A_465 = vector.extract %parallel_loop3A_464[15] : i32 from vector<16xi32>
      %parallel_loop3A_466 = vector.broadcast %parallel_loop3A_465 : i32 to vector<16xi32>
      %parallel_loop3A_467 = arith.addi %parallel_loop3A_440, %parallel_loop3A_466 : vector<16xi32>
      scf.yield %parallel_loop3A_467, %parallel_loop3A_457, %parallel_loop3A_461 : vector<16xi32>, vector<16xi32>, vector<16xi32>
    } {sc.loop_unroll_factor = 1 : i64, sc.parallel_access}
    %reduce_sum3A_65 = arith.constant true
    %reduce_sum3A_66 = vector.broadcast %reduce_sum3A_65 : i1 to vector<16xi1>
    %reduce_sum3A_67 = tpu.scan <sum>, %parallel_loop3A_64#2 masked %reduce_sum3A_66 : vector<16xi32>, vector<16xi1> -> vector<16xi32>
    %reduce_sum3A_68 = vector.extract %reduce_sum3A_67[15] : i32 from vector<16xi32>
    %broadcast_in_dim3A_69 = vector.broadcast %reduce_sum3A_68 : i32 to vector<16xi32>
    %sub3A_70 = arith.subi %sub3A, %broadcast_in_dim3A_69 : vector<16xi32>
    %shift_left3A = arith.constant 11 : i32
    %shift_left3A_71 = vector.broadcast %shift_left3A : i32 to vector<16xi32>
    %shift_left3A_72 = arith.shli %parallel_loop3A_52#1, %shift_left3A_71 : vector<16xi32>
    %or3A = arith.ori %shift_left3A_72, %parallel_loop3A_64#1 : vector<16xi32>
    %parallel_loop3A_73 = arith.constant 0 : i32
    %parallel_loop3A_74 = arith.constant 2048 : i32
    %parallel_loop3A_75 = arith.constant 1 : i32
    %parallel_loop3A_76 = scf.for %parallel_loop3A_439 = %parallel_loop3A_73 to %parallel_loop3A_74 step %parallel_loop3A_75 iter_args(%parallel_loop3A_440 = %broadcast_in_dim3A_6) -> (vector<16xf32>)  : i32 {
      %parallel_loop3A_441 = arith.constant 16 : i32
      %parallel_loop3A_442 = arith.muli %parallel_loop3A_439, %parallel_loop3A_441 : i32
      %parallel_loop3A_443 = arith.index_cast %parallel_loop3A_442 : i32 to index
      %parallel_loop3A_444 = tpu.vector_load %arg6[%parallel_loop3A_443] {strides = array<i32>} : memref<32768xf32, #tpu.memory_space<vmem>>, vector<16xf32>,
      %parallel_loop3A_445 = vector.bitcast %parallel_loop3A_444 : vector<16xf32> to vector<16xi32>
      %parallel_loop3A_446 = arith.constant 0 : i32
      %parallel_loop3A_447 = vector.broadcast %parallel_loop3A_446 : i32 to vector<16xi32>
      %parallel_loop3A_448 = arith.cmpi sge, %parallel_loop3A_445, %parallel_loop3A_447 : vector<16xi32>
      %parallel_loop3A_449 = arith.constant dense<-1> : vector<16xi32>
      %parallel_loop3A_450 = arith.xori %parallel_loop3A_445, %parallel_loop3A_449 : vector<16xi32>
      %parallel_loop3A_451 = arith.constant -2147483648 : i32
      %parallel_loop3A_452 = vector.broadcast %parallel_loop3A_451 : i32 to vector<16xi32>
      %parallel_loop3A_453 = arith.xori %parallel_loop3A_445, %parallel_loop3A_452 : vector<16xi32>
      %parallel_loop3A_454 = arith.select %parallel_loop3A_448, %parallel_loop3A_450, %parallel_loop3A_453 : vector<16xi1>, vector<16xi32>
      %parallel_loop3A_455 = vector.bitcast %parallel_loop3A_454 : vector<16xi32> to vector<16xf32>
      %parallel_loop3A_456 = arith.constant 10 : i32
      %parallel_loop3A_457 = vector.broadcast %parallel_loop3A_456 : i32 to vector<16xi32>
      %parallel_loop3A_458 = arith.shrui %parallel_loop3A_445, %parallel_loop3A_457 : vector<16xi32>
      %parallel_loop3A_459 = arith.cmpi eq, %parallel_loop3A_458, %or3A : vector<16xi32>
      %parallel_loop3A_460 = arith.constant 1023 : i32
      %parallel_loop3A_461 = vector.broadcast %parallel_loop3A_460 : i32 to vector<16xi32>
      %parallel_loop3A_462 = arith.andi %parallel_loop3A_445, %parallel_loop3A_461 : vector<16xi32>
      tpu.vector_store_idx %arg8[%parallel_loop3A_462], %broadcast_in_dim3A_8 masked %parallel_loop3A_459 {add = true} : memref<2048xi32, #tpu.memory_space<vmem>>[vector<16xi32>], vector<16xi32>, vector<16xi1>
      %parallel_loop3A_463 = arith.cmpi sgt, %parallel_loop3A_458, %or3A : vector<16xi32>
      %parallel_loop3A_464 = arith.constant 0.000000e+00 : f32
      %parallel_loop3A_465 = vector.broadcast %parallel_loop3A_464 : f32 to vector<16xf32>
      %parallel_loop3A_466 = arith.select %parallel_loop3A_463, %parallel_loop3A_455, %parallel_loop3A_465 : vector<16xi1>, vector<16xf32>
      %parallel_loop3A_467 = arith.addf %parallel_loop3A_440, %parallel_loop3A_466 : vector<16xf32>
      scf.yield %parallel_loop3A_467 : vector<16xf32>
    } {sc.loop_unroll_factor = 8 : i64, sc.parallel_access}
    %shift_left3A_77 = arith.constant 10 : i32
    %shift_left3A_78 = vector.broadcast %shift_left3A_77 : i32 to vector<16xi32>
    %shift_left3A_79 = arith.shli %or3A, %shift_left3A_78 : vector<16xi32>
    %parallel_loop3A_80 = arith.constant 0 : i32
    %parallel_loop3A_81 = arith.constant 64 : i32
    %parallel_loop3A_82 = arith.constant 1 : i32
    %parallel_loop3A_83:3 = scf.for %parallel_loop3A_439 = %parallel_loop3A_80 to %parallel_loop3A_81 step %parallel_loop3A_82 iter_args(%parallel_loop3A_440 = %broadcast_in_dim3A_4, %parallel_loop3A_441 = %broadcast_in_dim3A_4, %parallel_loop3A_442 = %broadcast_in_dim3A_6) -> (vector<16xi32>, vector<16xi32>, vector<16xf32>)  : i32 {
      %parallel_loop3A_443 = arith.constant 16 : i32
      %parallel_loop3A_444 = arith.muli %parallel_loop3A_439, %parallel_loop3A_443 : i32
      %parallel_loop3A_445 = arith.index_cast %parallel_loop3A_444 : i32 to index
      %parallel_loop3A_446 = tpu.vector_load %arg8[%parallel_loop3A_445] {strides = array<i32>} : memref<2048xi32, #tpu.memory_space<vmem>>, vector<16xi32>,
      %parallel_loop3A_447 = arith.constant 16 : i32
      %parallel_loop3A_448 = arith.muli %parallel_loop3A_439, %parallel_loop3A_447 : i32
      %parallel_loop3A_449 = arith.index_cast %parallel_loop3A_448 : i32 to index
      %parallel_loop3A_450 = tpu.vector_load %arg8[%parallel_loop3A_449] {strides = array<i32>} : memref<2048xi32, #tpu.memory_space<vmem>>, vector<16xi32>,
      tpu.vector_store %arg8[%parallel_loop3A_449], %broadcast_in_dim3A_4 {strides = array<i32>} : memref<2048xi32, #tpu.memory_space<vmem>>, vector<16xi32>,
      %parallel_loop3A_451 = arith.constant true
      %parallel_loop3A_452 = vector.broadcast %parallel_loop3A_451 : i1 to vector<16xi1>
      %parallel_loop3A_453 = tpu.scan <sum>, %parallel_loop3A_446 masked %parallel_loop3A_452 : vector<16xi32>, vector<16xi1> -> vector<16xi32>
      %parallel_loop3A_454 = arith.addi %parallel_loop3A_440, %parallel_loop3A_453 : vector<16xi32>
      %parallel_loop3A_455 = arith.cmpi sle, %parallel_loop3A_454, %sub3A_70 : vector<16xi32>
      %parallel_loop3A_456 = tpu.all_reduce %parallel_loop3A_455 {dim = 0 : i64, kind = #tpu.reduction_kind<sum>} : vector<16xi1> -> vector<16xi32>
      %parallel_loop3A_457 = arith.addi %parallel_loop3A_441, %parallel_loop3A_456 : vector<16xi32>
      %parallel_loop3A_458 = tpu.iota {dimensions = array<i32: 0>} : vector<16xi32>
      %parallel_loop3A_459 = arith.constant 16 : i32
      %parallel_loop3A_460 = arith.muli %parallel_loop3A_439, %parallel_loop3A_459 : i32
      %parallel_loop3A_461 = vector.broadcast %parallel_loop3A_460 : i32 to vector<16xi32>
      %parallel_loop3A_462 = arith.addi %parallel_loop3A_458, %parallel_loop3A_461 : vector<16xi32>
      %parallel_loop3A_463 = arith.ori %shift_left3A_79, %parallel_loop3A_462 : vector<16xi32>
      %parallel_loop3A_464 = arith.constant 0 : i32
      %parallel_loop3A_465 = vector.broadcast %parallel_loop3A_464 : i32 to vector<16xi32>
      %parallel_loop3A_466 = arith.cmpi sge, %parallel_loop3A_463, %parallel_loop3A_465 : vector<16xi32>
      %parallel_loop3A_467 = arith.constant dense<-1> : vector<16xi32>
      %parallel_loop3A_468 = arith.xori %parallel_loop3A_463, %parallel_loop3A_467 : vector<16xi32>
      %parallel_loop3A_469 = arith.constant -2147483648 : i32
      %parallel_loop3A_470 = vector.broadcast %parallel_loop3A_469 : i32 to vector<16xi32>
      %parallel_loop3A_471 = arith.xori %parallel_loop3A_463, %parallel_loop3A_470 : vector<16xi32>
      %parallel_loop3A_472 = arith.select %parallel_loop3A_466, %parallel_loop3A_468, %parallel_loop3A_471 : vector<16xi1>, vector<16xi32>
      %parallel_loop3A_473 = vector.bitcast %parallel_loop3A_472 : vector<16xi32> to vector<16xf32>
      %parallel_loop3A_474 = arith.sitofp %parallel_loop3A_446 : vector<16xi32> to vector<16xf32>
      %parallel_loop3A_475 = arith.mulf %parallel_loop3A_474, %parallel_loop3A_473 : vector<16xf32>
      %parallel_loop3A_476 = arith.constant 0.000000e+00 : f32
      %parallel_loop3A_477 = vector.broadcast %parallel_loop3A_476 : f32 to vector<16xf32>
      %parallel_loop3A_478 = arith.select %parallel_loop3A_455, %parallel_loop3A_477, %parallel_loop3A_475 : vector<16xi1>, vector<16xf32>
      %parallel_loop3A_479 = arith.addf %parallel_loop3A_442, %parallel_loop3A_478 : vector<16xf32>
      %parallel_loop3A_480 = arith.constant true
      %parallel_loop3A_481 = vector.broadcast %parallel_loop3A_480 : i1 to vector<16xi1>
      %parallel_loop3A_482 = tpu.scan <sum>, %parallel_loop3A_446 masked %parallel_loop3A_481 : vector<16xi32>, vector<16xi1> -> vector<16xi32>
      %parallel_loop3A_483 = vector.extract %parallel_loop3A_482[15] : i32 from vector<16xi32>
      %parallel_loop3A_484 = vector.broadcast %parallel_loop3A_483 : i32 to vector<16xi32>
      %parallel_loop3A_485 = arith.addi %parallel_loop3A_440, %parallel_loop3A_484 : vector<16xi32>
      scf.yield %parallel_loop3A_485, %parallel_loop3A_457, %parallel_loop3A_479 : vector<16xi32>, vector<16xi32>, vector<16xf32>
    } {sc.loop_unroll_factor = 1 : i64, sc.parallel_access}
    %add3A_84 = arith.addf %parallel_loop3A_83#2, %parallel_loop3A_76 : vector<16xf32>
    %reduce_sum3A_85 = arith.constant true
    %reduce_sum3A_86 = vector.broadcast %reduce_sum3A_85 : i1 to vector<16xi1>
    %reduce_sum3A_87 = tpu.scan <sum>, %add3A_84 masked %reduce_sum3A_86 : vector<16xf32>, vector<16xi1> -> vector<16xf32>
    %reduce_sum3A_88 = vector.extract %reduce_sum3A_87[15] : f32 from vector<16xf32>
    %broadcast_in_dim3A_89 = vector.broadcast %reduce_sum3A_88 : f32 to vector<16xf32>
    %shift_left3A_90 = arith.constant 10 : i32
    %shift_left3A_91 = vector.broadcast %shift_left3A_90 : i32 to vector<16xi32>
    %shift_left3A_92 = arith.shli %or3A, %shift_left3A_91 : vector<16xi32>
    %or3A_93 = arith.ori %shift_left3A_92, %parallel_loop3A_83#1 : vector<16xi32>
    %xor3A = arith.constant -2147483648 : i32
    %xor3A_94 = vector.broadcast %xor3A : i32 to vector<16xi32>
    %xor3A_95 = arith.xori %or3A_93, %xor3A_94 : vector<16xi32>
    %eq3A = arith.constant 0.000000e+00 : f32
    %eq3A_96 = vector.broadcast %eq3A : f32 to vector<16xf32>
    %eq3A_97 = arith.cmpf oeq, %broadcast_in_dim3A_89, %eq3A_96 : vector<16xf32>
    %div3A = arith.divf %broadcast_in_dim3A_48, %broadcast_in_dim3A_89 : vector<16xf32>
    %jit3A = arith.constant 0.000000e+00 : f32
    %broadcast_in_dim3A_98 = vector.broadcast %jit3A : f32 to vector<16xf32>
    %select_n3A = arith.select %eq3A_97, %broadcast_in_dim3A_98, %div3A : vector<16xi1>, vector<16xf32>
    %abs3A = math.absf %select_n3A : vector<16xf32>
    %parallel_loop3A_99 = arith.constant 0 : i32
    %parallel_loop3A_100 = arith.constant 2048 : i32
    %parallel_loop3A_101 = arith.constant 1 : i32
    scf.for %parallel_loop3A_439 = %parallel_loop3A_99 to %parallel_loop3A_100 step %parallel_loop3A_101  : i32 {
      %parallel_loop3A_440 = arith.constant 16 : i32
      %parallel_loop3A_441 = arith.muli %parallel_loop3A_439, %parallel_loop3A_440 : i32
      %parallel_loop3A_442 = arith.index_cast %parallel_loop3A_441 : i32 to index
      %parallel_loop3A_443 = tpu.vector_load %arg6[%parallel_loop3A_442] {strides = array<i32>} : memref<32768xf32, #tpu.memory_space<vmem>>, vector<16xf32>,
      %parallel_loop3A_444 = vector.bitcast %parallel_loop3A_443 : vector<16xf32> to vector<16xi32>
      %parallel_loop3A_445 = arith.constant 0 : i32
      %parallel_loop3A_446 = vector.broadcast %parallel_loop3A_445 : i32 to vector<16xi32>
      %parallel_loop3A_447 = arith.cmpi sge, %parallel_loop3A_444, %parallel_loop3A_446 : vector<16xi32>
      %parallel_loop3A_448 = arith.constant dense<-1> : vector<16xi32>
      %parallel_loop3A_449 = arith.xori %parallel_loop3A_444, %parallel_loop3A_448 : vector<16xi32>
      %parallel_loop3A_450 = arith.constant -2147483648 : i32
      %parallel_loop3A_451 = vector.broadcast %parallel_loop3A_450 : i32 to vector<16xi32>
      %parallel_loop3A_452 = arith.xori %parallel_loop3A_444, %parallel_loop3A_451 : vector<16xi32>
      %parallel_loop3A_453 = arith.select %parallel_loop3A_447, %parallel_loop3A_449, %parallel_loop3A_452 : vector<16xi1>, vector<16xi32>
      %parallel_loop3A_454 = vector.bitcast %parallel_loop3A_453 : vector<16xi32> to vector<16xf32>
      %parallel_loop3A_455 = arith.constant -2147483648 : i32
      %parallel_loop3A_456 = vector.broadcast %parallel_loop3A_455 : i32 to vector<16xi32>
      %parallel_loop3A_457 = arith.xori %parallel_loop3A_444, %parallel_loop3A_456 : vector<16xi32>
      %parallel_loop3A_458 = arith.cmpi sge, %parallel_loop3A_457, %xor3A_95 : vector<16xi32>
      %parallel_loop3A_459 = arith.constant 0.000000e+00 : f32
      %parallel_loop3A_460 = vector.broadcast %parallel_loop3A_459 : f32 to vector<16xf32>
      %parallel_loop3A_461 = arith.select %parallel_loop3A_458, %parallel_loop3A_454, %parallel_loop3A_460 : vector<16xi1>, vector<16xf32>
      %parallel_loop3A_462 = arith.mulf %abs3A, %parallel_loop3A_461 : vector<16xf32>
      %parallel_loop3A_463 = arith.select %ne3A_3, %parallel_loop3A_462, %parallel_loop3A_454 : vector<16xi1>, vector<16xf32>
      %parallel_loop3A_464 = arith.constant 16 : i32
      %parallel_loop3A_465 = arith.muli %parallel_loop3A_439, %parallel_loop3A_464 : i32
      %parallel_loop3A_466 = arith.index_cast %parallel_loop3A_465 : i32 to index
      %parallel_loop3A_467 = tpu.vector_load %arg6[%parallel_loop3A_466] {strides = array<i32>} : memref<32768xf32, #tpu.memory_space<vmem>>, vector<16xf32>,
      tpu.vector_store %arg6[%parallel_loop3A_466], %parallel_loop3A_463 {strides = array<i32>} : memref<32768xf32, #tpu.memory_space<vmem>>, vector<16xf32>,
    } {sc.loop_unroll_factor = 8 : i64, sc.parallel_access}
    %mul3A_102 = arith.constant 4 : i32
    %mul3A_103 = arith.muli %add3A, %mul3A_102 : i32
    %add3A_104 = arith.constant 0 : i32
    %add3A_105 = arith.addi %mul3A_103, %add3A_104 : i32
    %dma_start3A_106 = arith.constant 0 : i32
    %dma_start3A_107 = tpu.memref_slice %arg5[%add3A_105, %dma_start3A_106] : memref<128x32768xf32, #tpu.memory_space<hbm>> -> memref<1x32768xf32, #tpu.memory_space<hbm>>
    %dma_start3A_108 = tpu.memref_squeeze %dma_start3A_107 : memref<1x32768xf32, #tpu.memory_space<hbm>> -> memref<32768xf32, #tpu.memory_space<hbm>>
    %dma_start3A_109 = arith.constant 0 : i32
    %dma_start3A_110 = tpu.memref_slice %arg5[%add3A_105, %dma_start3A_109] : memref<128x32768xf32, #tpu.memory_space<hbm>> -> memref<1x32768xf32, #tpu.memory_space<hbm>>
    %dma_start3A_111 = tpu.memref_squeeze %dma_start3A_110 : memref<1x32768xf32, #tpu.memory_space<hbm>> -> memref<32768xf32, #tpu.memory_space<hbm>>
    tpu.enqueue_dma source(%arg6 : memref<32768xf32, #tpu.memory_space<vmem>>) target(%dma_start3A_111 : memref<32768xf32, #tpu.memory_space<hbm>>) target_semaphore(%arg13 : memref<!tpu.dma_semaphore, #tpu.memory_space<semaphore_mem>>)
    %dma_wait3A_112 = arith.constant 0 : i32
    %dma_wait3A_113 = tpu.memref_slice %arg5[%add3A_105, %dma_wait3A_112] : memref<128x32768xf32, #tpu.memory_space<hbm>> -> memref<1x32768xf32, #tpu.memory_space<hbm>>
    %dma_wait3A_114 = tpu.memref_squeeze %dma_wait3A_113 : memref<1x32768xf32, #tpu.memory_space<hbm>> -> memref<32768xf32, #tpu.memory_space<hbm>>
    %dma_wait3A_115 = arith.constant 0 : i32
    %dma_wait3A_116 = tpu.memref_slice %arg5[%add3A_105, %dma_wait3A_115] : memref<128x32768xf32, #tpu.memory_space<hbm>> -> memref<1x32768xf32, #tpu.memory_space<hbm>>
    %dma_wait3A_117 = tpu.memref_squeeze %dma_wait3A_116 : memref<1x32768xf32, #tpu.memory_space<hbm>> -> memref<32768xf32, #tpu.memory_space<hbm>>
    tpu.wait_dma2 semaphore(%arg13 : memref<!tpu.dma_semaphore, #tpu.memory_space<semaphore_mem>>) src(%arg6 : memref<32768xf32, #tpu.memory_space<vmem>>) dst(%dma_wait3A_117 : memref<32768xf32, #tpu.memory_space<hbm>>)
    %mul3A_118 = arith.constant 4 : i32
    %mul3A_119 = arith.muli %add3A, %mul3A_118 : i32
    %add3A_120 = arith.constant 1 : i32
    %add3A_121 = arith.addi %mul3A_119, %add3A_120 : i32
    %add3A_122 = arith.constant 1 : i32
    %add3A_123 = arith.addi %add3A_121, %add3A_122 : i32
    %dma_start3A_124 = arith.constant 0 : i32
    %dma_start3A_125 = tpu.memref_slice %arg2[%add3A_123, %dma_start3A_124] : memref<128x32768xf32, #tpu.memory_space<hbm>> -> memref<1x32768xf32, #tpu.memory_space<hbm>>
    %dma_start3A_126 = tpu.memref_squeeze %dma_start3A_125 : memref<1x32768xf32, #tpu.memory_space<hbm>> -> memref<32768xf32, #tpu.memory_space<hbm>>
    %dma_start3A_127 = arith.constant 0 : i32
    %dma_start3A_128 = tpu.memref_slice %arg2[%add3A_123, %dma_start3A_127] : memref<128x32768xf32, #tpu.memory_space<hbm>> -> memref<1x32768xf32, #tpu.memory_space<hbm>>
    %dma_start3A_129 = tpu.memref_squeeze %dma_start3A_128 : memref<1x32768xf32, #tpu.memory_space<hbm>> -> memref<32768xf32, #tpu.memory_space<hbm>>
    tpu.enqueue_dma source(%dma_start3A_129 : memref<32768xf32, #tpu.memory_space<hbm>>) target(%arg6 : memref<32768xf32, #tpu.memory_space<vmem>>) target_semaphore(%arg11 : memref<!tpu.dma_semaphore, #tpu.memory_space<semaphore_mem>>)
    %mul3A_130 = arith.constant 4 : i32
    %mul3A_131 = arith.muli %add3A, %mul3A_130 : i32
    %add3A_132 = arith.constant 1 : i32
    %add3A_133 = arith.addi %mul3A_131, %add3A_132 : i32
    %dma_wait3A_134 = arith.constant 0 : i32
    %dma_wait3A_135 = tpu.memref_slice %arg2[%add3A_133, %dma_wait3A_134] : memref<128x32768xf32, #tpu.memory_space<hbm>> -> memref<1x32768xf32, #tpu.memory_space<hbm>>
    %dma_wait3A_136 = tpu.memref_squeeze %dma_wait3A_135 : memref<1x32768xf32, #tpu.memory_space<hbm>> -> memref<32768xf32, #tpu.memory_space<hbm>>
    %dma_wait3A_137 = arith.constant 0 : i32
    %dma_wait3A_138 = tpu.memref_slice %arg2[%add3A_133, %dma_wait3A_137] : memref<128x32768xf32, #tpu.memory_space<hbm>> -> memref<1x32768xf32, #tpu.memory_space<hbm>>
    %dma_wait3A_139 = tpu.memref_squeeze %dma_wait3A_138 : memref<1x32768xf32, #tpu.memory_space<hbm>> -> memref<32768xf32, #tpu.memory_space<hbm>>
    tpu.wait_dma2 semaphore(%arg12 : memref<!tpu.dma_semaphore, #tpu.memory_space<semaphore_mem>>) src(%dma_wait3A_139 : memref<32768xf32, #tpu.memory_space<hbm>>) dst(%arg7 : memref<32768xf32, #tpu.memory_space<vmem>>)
    %get3A_140 = arith.constant 16 : index
    %get3A_141 = tpu.vector_load %arg9[%get3A_140] {strides = array<i32>} : memref<64xi32, #tpu.memory_space<vmem>>, vector<16xi32>,
    %parallel_loop3A_142 = arith.constant 0 : i32
    %parallel_loop3A_143 = arith.constant 2048 : i32
    %parallel_loop3A_144 = arith.constant 1 : i32
    %parallel_loop3A_145 = scf.for %parallel_loop3A_439 = %parallel_loop3A_142 to %parallel_loop3A_143 step %parallel_loop3A_144 iter_args(%parallel_loop3A_440 = %broadcast_in_dim3A_6) -> (vector<16xf32>)  : i32 {
      %parallel_loop3A_441 = arith.constant 16 : i32
      %parallel_loop3A_442 = arith.muli %parallel_loop3A_439, %parallel_loop3A_441 : i32
      %parallel_loop3A_443 = arith.index_cast %parallel_loop3A_442 : i32 to index
      %parallel_loop3A_444 = tpu.vector_load %arg7[%parallel_loop3A_443] {strides = array<i32>} : memref<32768xf32, #tpu.memory_space<vmem>>, vector<16xf32>,
      %parallel_loop3A_445 = vector.bitcast %parallel_loop3A_444 : vector<16xf32> to vector<16xi32>
      %parallel_loop3A_446 = arith.constant 0 : i32
      %parallel_loop3A_447 = vector.broadcast %parallel_loop3A_446 : i32 to vector<16xi32>
      %parallel_loop3A_448 = arith.cmpi sge, %parallel_loop3A_445, %parallel_loop3A_447 : vector<16xi32>
      %parallel_loop3A_449 = arith.constant -2147483648 : i32
      %parallel_loop3A_450 = vector.broadcast %parallel_loop3A_449 : i32 to vector<16xi32>
      %parallel_loop3A_451 = arith.xori %parallel_loop3A_445, %parallel_loop3A_450 : vector<16xi32>
      %parallel_loop3A_452 = arith.constant dense<-1> : vector<16xi32>
      %parallel_loop3A_453 = arith.xori %parallel_loop3A_445, %parallel_loop3A_452 : vector<16xi32>
      %parallel_loop3A_454 = arith.select %parallel_loop3A_448, %parallel_loop3A_451, %parallel_loop3A_453 : vector<16xi1>, vector<16xi32>
      %parallel_loop3A_455 = vector.bitcast %parallel_loop3A_454 : vector<16xi32> to vector<16xf32>
      %parallel_loop3A_456 = arith.constant 16 : i32
      %parallel_loop3A_457 = arith.muli %parallel_loop3A_439, %parallel_loop3A_456 : i32
      %parallel_loop3A_458 = arith.index_cast %parallel_loop3A_457 : i32 to index
      %parallel_loop3A_459 = tpu.vector_load %arg7[%parallel_loop3A_458] {strides = array<i32>} : memref<32768xf32, #tpu.memory_space<vmem>>, vector<16xf32>,
      tpu.vector_store %arg7[%parallel_loop3A_458], %parallel_loop3A_455 {strides = array<i32>} : memref<32768xf32, #tpu.memory_space<vmem>>, vector<16xf32>,
      %parallel_loop3A_460 = arith.constant 21 : i32
      %parallel_loop3A_461 = vector.broadcast %parallel_loop3A_460 : i32 to vector<16xi32>
      %parallel_loop3A_462 = arith.shrui %parallel_loop3A_454, %parallel_loop3A_461 : vector<16xi32>
      %parallel_loop3A_463 = arith.constant true
      %parallel_loop3A_464 = vector.broadcast %parallel_loop3A_463 : i1 to vector<16xi1>
      %parallel_loop3A_465, %parallel_loop3A_466 = tpu.scan_count mask(%parallel_loop3A_464 : vector<16xi1>) value(%parallel_loop3A_462 : vector<16xi32>) : vector<16xi1>, vector<16xi32>
      tpu.vector_store_idx %arg8[%parallel_loop3A_462], %parallel_loop3A_466 masked %parallel_loop3A_465 {add = true} : memref<2048xi32, #tpu.memory_space<vmem>>[vector<16xi32>], vector<16xi32>, vector<16xi1>
      %parallel_loop3A_467 = arith.addf %parallel_loop3A_440, %parallel_loop3A_444 : vector<16xf32>
      scf.yield %parallel_loop3A_467 : vector<16xf32>
    } {sc.loop_unroll_factor = 8 : i64, sc.parallel_access}
    %reduce_sum3A_146 = arith.constant true
    %reduce_sum3A_147 = vector.broadcast %reduce_sum3A_146 : i1 to vector<16xi1>
    %reduce_sum3A_148 = tpu.scan <sum>, %parallel_loop3A_145 masked %reduce_sum3A_147 : vector<16xf32>, vector<16xi1> -> vector<16xf32>
    %reduce_sum3A_149 = vector.extract %reduce_sum3A_148[15] : f32 from vector<16xf32>
    %broadcast_in_dim3A_150 = vector.broadcast %reduce_sum3A_149 : f32 to vector<16xf32>
    %parallel_loop3A_151 = arith.constant 0 : i32
    %parallel_loop3A_152 = arith.constant 128 : i32
    %parallel_loop3A_153 = arith.constant 1 : i32
    %parallel_loop3A_154:3 = scf.for %parallel_loop3A_439 = %parallel_loop3A_151 to %parallel_loop3A_152 step %parallel_loop3A_153 iter_args(%parallel_loop3A_440 = %broadcast_in_dim3A_4, %parallel_loop3A_441 = %broadcast_in_dim3A_4, %parallel_loop3A_442 = %broadcast_in_dim3A_4) -> (vector<16xi32>, vector<16xi32>, vector<16xi32>)  : i32 {
      %parallel_loop3A_443 = arith.constant 16 : i32
      %parallel_loop3A_444 = arith.muli %parallel_loop3A_439, %parallel_loop3A_443 : i32
      %parallel_loop3A_445 = arith.index_cast %parallel_loop3A_444 : i32 to index
      %parallel_loop3A_446 = tpu.vector_load %arg8[%parallel_loop3A_445] {strides = array<i32>} : memref<2048xi32, #tpu.memory_space<vmem>>, vector<16xi32>,
      %parallel_loop3A_447 = arith.constant 16 : i32
      %parallel_loop3A_448 = arith.muli %parallel_loop3A_439, %parallel_loop3A_447 : i32
      %parallel_loop3A_449 = arith.index_cast %parallel_loop3A_448 : i32 to index
      %parallel_loop3A_450 = tpu.vector_load %arg8[%parallel_loop3A_449] {strides = array<i32>} : memref<2048xi32, #tpu.memory_space<vmem>>, vector<16xi32>,
      tpu.vector_store %arg8[%parallel_loop3A_449], %broadcast_in_dim3A_4 {strides = array<i32>} : memref<2048xi32, #tpu.memory_space<vmem>>, vector<16xi32>,
      %parallel_loop3A_451 = arith.constant true
      %parallel_loop3A_452 = vector.broadcast %parallel_loop3A_451 : i1 to vector<16xi1>
      %parallel_loop3A_453 = tpu.scan <sum>, %parallel_loop3A_446 masked %parallel_loop3A_452 : vector<16xi32>, vector<16xi1> -> vector<16xi32>
      %parallel_loop3A_454 = arith.addi %parallel_loop3A_440, %parallel_loop3A_453 : vector<16xi32>
      %parallel_loop3A_455 = arith.cmpi sle, %parallel_loop3A_454, %get3A_141 : vector<16xi32>
      %parallel_loop3A_456 = tpu.all_reduce %parallel_loop3A_455 {dim = 0 : i64, kind = #tpu.reduction_kind<sum>} : vector<16xi1> -> vector<16xi32>
      %parallel_loop3A_457 = arith.addi %parallel_loop3A_441, %parallel_loop3A_456 : vector<16xi32>
      %parallel_loop3A_458 = arith.constant 0 : i32
      %parallel_loop3A_459 = vector.broadcast %parallel_loop3A_458 : i32 to vector<16xi32>
      %parallel_loop3A_460 = arith.select %parallel_loop3A_455, %parallel_loop3A_446, %parallel_loop3A_459 : vector<16xi1>, vector<16xi32>
      %parallel_loop3A_461 = arith.addi %parallel_loop3A_442, %parallel_loop3A_460 : vector<16xi32>
      %parallel_loop3A_462 = arith.constant true
      %parallel_loop3A_463 = vector.broadcast %parallel_loop3A_462 : i1 to vector<16xi1>
      %parallel_loop3A_464 = tpu.scan <sum>, %parallel_loop3A_446 masked %parallel_loop3A_463 : vector<16xi32>, vector<16xi1> -> vector<16xi32>
      %parallel_loop3A_465 = vector.extract %parallel_loop3A_464[15] : i32 from vector<16xi32>
      %parallel_loop3A_466 = vector.broadcast %parallel_loop3A_465 : i32 to vector<16xi32>
      %parallel_loop3A_467 = arith.addi %parallel_loop3A_440, %parallel_loop3A_466 : vector<16xi32>
      scf.yield %parallel_loop3A_467, %parallel_loop3A_457, %parallel_loop3A_461 : vector<16xi32>, vector<16xi32>, vector<16xi32>
    } {sc.loop_unroll_factor = 1 : i64, sc.parallel_access}
    %reduce_sum3A_155 = arith.constant true
    %reduce_sum3A_156 = vector.broadcast %reduce_sum3A_155 : i1 to vector<16xi1>
    %reduce_sum3A_157 = tpu.scan <sum>, %parallel_loop3A_154#2 masked %reduce_sum3A_156 : vector<16xi32>, vector<16xi1> -> vector<16xi32>
    %reduce_sum3A_158 = vector.extract %reduce_sum3A_157[15] : i32 from vector<16xi32>
    %broadcast_in_dim3A_159 = vector.broadcast %reduce_sum3A_158 : i32 to vector<16xi32>
    %sub3A_160 = arith.subi %get3A_141, %broadcast_in_dim3A_159 : vector<16xi32>
    %parallel_loop3A_161 = arith.constant 0 : i32
    %parallel_loop3A_162 = arith.constant 2048 : i32
    %parallel_loop3A_163 = arith.constant 1 : i32
    scf.for %parallel_loop3A_439 = %parallel_loop3A_161 to %parallel_loop3A_162 step %parallel_loop3A_163  : i32 {
      %parallel_loop3A_440 = arith.constant 16 : i32
      %parallel_loop3A_441 = arith.muli %parallel_loop3A_439, %parallel_loop3A_440 : i32
      %parallel_loop3A_442 = arith.index_cast %parallel_loop3A_441 : i32 to index
      %parallel_loop3A_443 = tpu.vector_load %arg7[%parallel_loop3A_442] {strides = array<i32>} : memref<32768xf32, #tpu.memory_space<vmem>>, vector<16xf32>,
      %parallel_loop3A_444 = vector.bitcast %parallel_loop3A_443 : vector<16xf32> to vector<16xi32>
      %parallel_loop3A_445 = arith.constant 21 : i32
      %parallel_loop3A_446 = vector.broadcast %parallel_loop3A_445 : i32 to vector<16xi32>
      %parallel_loop3A_447 = arith.shrui %parallel_loop3A_444, %parallel_loop3A_446 : vector<16xi32>
      %parallel_loop3A_448 = arith.cmpi eq, %parallel_loop3A_447, %parallel_loop3A_154#1 : vector<16xi32>
      %parallel_loop3A_449 = arith.constant 10 : i32
      %parallel_loop3A_450 = vector.broadcast %parallel_loop3A_449 : i32 to vector<16xi32>
      %parallel_loop3A_451 = arith.shrui %parallel_loop3A_444, %parallel_loop3A_450 : vector<16xi32>
      %parallel_loop3A_452 = arith.constant 2047 : i32
      %parallel_loop3A_453 = vector.broadcast %parallel_loop3A_452 : i32 to vector<16xi32>
      %parallel_loop3A_454 = arith.andi %parallel_loop3A_451, %parallel_loop3A_453 : vector<16xi32>
      tpu.vector_store_idx %arg8[%parallel_loop3A_454], %broadcast_in_dim3A_8 masked %parallel_loop3A_448 {add = true} : memref<2048xi32, #tpu.memory_space<vmem>>[vector<16xi32>], vector<16xi32>, vector<16xi1>
    } {sc.loop_unroll_factor = 8 : i64, sc.parallel_access}
    %parallel_loop3A_164 = arith.constant 0 : i32
    %parallel_loop3A_165 = arith.constant 128 : i32
    %parallel_loop3A_166 = arith.constant 1 : i32
    %parallel_loop3A_167:3 = scf.for %parallel_loop3A_439 = %parallel_loop3A_164 to %parallel_loop3A_165 step %parallel_loop3A_166 iter_args(%parallel_loop3A_440 = %broadcast_in_dim3A_4, %parallel_loop3A_441 = %broadcast_in_dim3A_4, %parallel_loop3A_442 = %broadcast_in_dim3A_4) -> (vector<16xi32>, vector<16xi32>, vector<16xi32>)  : i32 {
      %parallel_loop3A_443 = arith.constant 16 : i32
      %parallel_loop3A_444 = arith.muli %parallel_loop3A_439, %parallel_loop3A_443 : i32
      %parallel_loop3A_445 = arith.index_cast %parallel_loop3A_444 : i32 to index
      %parallel_loop3A_446 = tpu.vector_load %arg8[%parallel_loop3A_445] {strides = array<i32>} : memref<2048xi32, #tpu.memory_space<vmem>>, vector<16xi32>,
      %parallel_loop3A_447 = arith.constant 16 : i32
      %parallel_loop3A_448 = arith.muli %parallel_loop3A_439, %parallel_loop3A_447 : i32
      %parallel_loop3A_449 = arith.index_cast %parallel_loop3A_448 : i32 to index
      %parallel_loop3A_450 = tpu.vector_load %arg8[%parallel_loop3A_449] {strides = array<i32>} : memref<2048xi32, #tpu.memory_space<vmem>>, vector<16xi32>,
      tpu.vector_store %arg8[%parallel_loop3A_449], %broadcast_in_dim3A_4 {strides = array<i32>} : memref<2048xi32, #tpu.memory_space<vmem>>, vector<16xi32>,
      %parallel_loop3A_451 = arith.constant true
      %parallel_loop3A_452 = vector.broadcast %parallel_loop3A_451 : i1 to vector<16xi1>
      %parallel_loop3A_453 = tpu.scan <sum>, %parallel_loop3A_446 masked %parallel_loop3A_452 : vector<16xi32>, vector<16xi1> -> vector<16xi32>
      %parallel_loop3A_454 = arith.addi %parallel_loop3A_440, %parallel_loop3A_453 : vector<16xi32>
      %parallel_loop3A_455 = arith.cmpi sle, %parallel_loop3A_454, %sub3A_160 : vector<16xi32>
      %parallel_loop3A_456 = tpu.all_reduce %parallel_loop3A_455 {dim = 0 : i64, kind = #tpu.reduction_kind<sum>} : vector<16xi1> -> vector<16xi32>
      %parallel_loop3A_457 = arith.addi %parallel_loop3A_441, %parallel_loop3A_456 : vector<16xi32>
      %parallel_loop3A_458 = arith.constant 0 : i32
      %parallel_loop3A_459 = vector.broadcast %parallel_loop3A_458 : i32 to vector<16xi32>
      %parallel_loop3A_460 = arith.select %parallel_loop3A_455, %parallel_loop3A_446, %parallel_loop3A_459 : vector<16xi1>, vector<16xi32>
      %parallel_loop3A_461 = arith.addi %parallel_loop3A_442, %parallel_loop3A_460 : vector<16xi32>
      %parallel_loop3A_462 = arith.constant true
      %parallel_loop3A_463 = vector.broadcast %parallel_loop3A_462 : i1 to vector<16xi1>
      %parallel_loop3A_464 = tpu.scan <sum>, %parallel_loop3A_446 masked %parallel_loop3A_463 : vector<16xi32>, vector<16xi1> -> vector<16xi32>
      %parallel_loop3A_465 = vector.extract %parallel_loop3A_464[15] : i32 from vector<16xi32>
      %parallel_loop3A_466 = vector.broadcast %parallel_loop3A_465 : i32 to vector<16xi32>
      %parallel_loop3A_467 = arith.addi %parallel_loop3A_440, %parallel_loop3A_466 : vector<16xi32>
      scf.yield %parallel_loop3A_467, %parallel_loop3A_457, %parallel_loop3A_461 : vector<16xi32>, vector<16xi32>, vector<16xi32>
    } {sc.loop_unroll_factor = 1 : i64, sc.parallel_access}
    %reduce_sum3A_168 = arith.constant true
    %reduce_sum3A_169 = vector.broadcast %reduce_sum3A_168 : i1 to vector<16xi1>
    %reduce_sum3A_170 = tpu.scan <sum>, %parallel_loop3A_167#2 masked %reduce_sum3A_169 : vector<16xi32>, vector<16xi1> -> vector<16xi32>
    %reduce_sum3A_171 = vector.extract %reduce_sum3A_170[15] : i32 from vector<16xi32>
    %broadcast_in_dim3A_172 = vector.broadcast %reduce_sum3A_171 : i32 to vector<16xi32>
    %sub3A_173 = arith.subi %sub3A_160, %broadcast_in_dim3A_172 : vector<16xi32>
    %shift_left3A_174 = arith.constant 11 : i32
    %shift_left3A_175 = vector.broadcast %shift_left3A_174 : i32 to vector<16xi32>
    %shift_left3A_176 = arith.shli %parallel_loop3A_154#1, %shift_left3A_175 : vector<16xi32>
    %or3A_177 = arith.ori %shift_left3A_176, %parallel_loop3A_167#1 : vector<16xi32>
    %parallel_loop3A_178 = arith.constant 0 : i32
    %parallel_loop3A_179 = arith.constant 2048 : i32
    %parallel_loop3A_180 = arith.constant 1 : i32
    %parallel_loop3A_181 = scf.for %parallel_loop3A_439 = %parallel_loop3A_178 to %parallel_loop3A_179 step %parallel_loop3A_180 iter_args(%parallel_loop3A_440 = %broadcast_in_dim3A_6) -> (vector<16xf32>)  : i32 {
      %parallel_loop3A_441 = arith.constant 16 : i32
      %parallel_loop3A_442 = arith.muli %parallel_loop3A_439, %parallel_loop3A_441 : i32
      %parallel_loop3A_443 = arith.index_cast %parallel_loop3A_442 : i32 to index
      %parallel_loop3A_444 = tpu.vector_load %arg7[%parallel_loop3A_443] {strides = array<i32>} : memref<32768xf32, #tpu.memory_space<vmem>>, vector<16xf32>,
      %parallel_loop3A_445 = vector.bitcast %parallel_loop3A_444 : vector<16xf32> to vector<16xi32>
      %parallel_loop3A_446 = arith.constant 0 : i32
      %parallel_loop3A_447 = vector.broadcast %parallel_loop3A_446 : i32 to vector<16xi32>
      %parallel_loop3A_448 = arith.cmpi sge, %parallel_loop3A_445, %parallel_loop3A_447 : vector<16xi32>
      %parallel_loop3A_449 = arith.constant dense<-1> : vector<16xi32>
      %parallel_loop3A_450 = arith.xori %parallel_loop3A_445, %parallel_loop3A_449 : vector<16xi32>
      %parallel_loop3A_451 = arith.constant -2147483648 : i32
      %parallel_loop3A_452 = vector.broadcast %parallel_loop3A_451 : i32 to vector<16xi32>
      %parallel_loop3A_453 = arith.xori %parallel_loop3A_445, %parallel_loop3A_452 : vector<16xi32>
      %parallel_loop3A_454 = arith.select %parallel_loop3A_448, %parallel_loop3A_450, %parallel_loop3A_453 : vector<16xi1>, vector<16xi32>
      %parallel_loop3A_455 = vector.bitcast %parallel_loop3A_454 : vector<16xi32> to vector<16xf32>
      %parallel_loop3A_456 = arith.constant 10 : i32
      %parallel_loop3A_457 = vector.broadcast %parallel_loop3A_456 : i32 to vector<16xi32>
      %parallel_loop3A_458 = arith.shrui %parallel_loop3A_445, %parallel_loop3A_457 : vector<16xi32>
      %parallel_loop3A_459 = arith.cmpi eq, %parallel_loop3A_458, %or3A_177 : vector<16xi32>
      %parallel_loop3A_460 = arith.constant 1023 : i32
      %parallel_loop3A_461 = vector.broadcast %parallel_loop3A_460 : i32 to vector<16xi32>
      %parallel_loop3A_462 = arith.andi %parallel_loop3A_445, %parallel_loop3A_461 : vector<16xi32>
      tpu.vector_store_idx %arg8[%parallel_loop3A_462], %broadcast_in_dim3A_8 masked %parallel_loop3A_459 {add = true} : memref<2048xi32, #tpu.memory_space<vmem>>[vector<16xi32>], vector<16xi32>, vector<16xi1>
      %parallel_loop3A_463 = arith.cmpi sgt, %parallel_loop3A_458, %or3A_177 : vector<16xi32>
      %parallel_loop3A_464 = arith.constant 0.000000e+00 : f32
      %parallel_loop3A_465 = vector.broadcast %parallel_loop3A_464 : f32 to vector<16xf32>
      %parallel_loop3A_466 = arith.select %parallel_loop3A_463, %parallel_loop3A_455, %parallel_loop3A_465 : vector<16xi1>, vector<16xf32>
      %parallel_loop3A_467 = arith.addf %parallel_loop3A_440, %parallel_loop3A_466 : vector<16xf32>
      scf.yield %parallel_loop3A_467 : vector<16xf32>
    } {sc.loop_unroll_factor = 8 : i64, sc.parallel_access}
    %shift_left3A_182 = arith.constant 10 : i32
    %shift_left3A_183 = vector.broadcast %shift_left3A_182 : i32 to vector<16xi32>
    %shift_left3A_184 = arith.shli %or3A_177, %shift_left3A_183 : vector<16xi32>
    %parallel_loop3A_185 = arith.constant 0 : i32
    %parallel_loop3A_186 = arith.constant 64 : i32
    %parallel_loop3A_187 = arith.constant 1 : i32
    %parallel_loop3A_188:3 = scf.for %parallel_loop3A_439 = %parallel_loop3A_185 to %parallel_loop3A_186 step %parallel_loop3A_187 iter_args(%parallel_loop3A_440 = %broadcast_in_dim3A_4, %parallel_loop3A_441 = %broadcast_in_dim3A_4, %parallel_loop3A_442 = %broadcast_in_dim3A_6) -> (vector<16xi32>, vector<16xi32>, vector<16xf32>)  : i32 {
      %parallel_loop3A_443 = arith.constant 16 : i32
      %parallel_loop3A_444 = arith.muli %parallel_loop3A_439, %parallel_loop3A_443 : i32
      %parallel_loop3A_445 = arith.index_cast %parallel_loop3A_444 : i32 to index
      %parallel_loop3A_446 = tpu.vector_load %arg8[%parallel_loop3A_445] {strides = array<i32>} : memref<2048xi32, #tpu.memory_space<vmem>>, vector<16xi32>,
      %parallel_loop3A_447 = arith.constant 16 : i32
      %parallel_loop3A_448 = arith.muli %parallel_loop3A_439, %parallel_loop3A_447 : i32
      %parallel_loop3A_449 = arith.index_cast %parallel_loop3A_448 : i32 to index
      %parallel_loop3A_450 = tpu.vector_load %arg8[%parallel_loop3A_449] {strides = array<i32>} : memref<2048xi32, #tpu.memory_space<vmem>>, vector<16xi32>,
      tpu.vector_store %arg8[%parallel_loop3A_449], %broadcast_in_dim3A_4 {strides = array<i32>} : memref<2048xi32, #tpu.memory_space<vmem>>, vector<16xi32>,
      %parallel_loop3A_451 = arith.constant true
      %parallel_loop3A_452 = vector.broadcast %parallel_loop3A_451 : i1 to vector<16xi1>
      %parallel_loop3A_453 = tpu.scan <sum>, %parallel_loop3A_446 masked %parallel_loop3A_452 : vector<16xi32>, vector<16xi1> -> vector<16xi32>
      %parallel_loop3A_454 = arith.addi %parallel_loop3A_440, %parallel_loop3A_453 : vector<16xi32>
      %parallel_loop3A_455 = arith.cmpi sle, %parallel_loop3A_454, %sub3A_173 : vector<16xi32>
      %parallel_loop3A_456 = tpu.all_reduce %parallel_loop3A_455 {dim = 0 : i64, kind = #tpu.reduction_kind<sum>} : vector<16xi1> -> vector<16xi32>
      %parallel_loop3A_457 = arith.addi %parallel_loop3A_441, %parallel_loop3A_456 : vector<16xi32>
      %parallel_loop3A_458 = tpu.iota {dimensions = array<i32: 0>} : vector<16xi32>
      %parallel_loop3A_459 = arith.constant 16 : i32
      %parallel_loop3A_460 = arith.muli %parallel_loop3A_439, %parallel_loop3A_459 : i32
      %parallel_loop3A_461 = vector.broadcast %parallel_loop3A_460 : i32 to vector<16xi32>
      %parallel_loop3A_462 = arith.addi %parallel_loop3A_458, %parallel_loop3A_461 : vector<16xi32>
      %parallel_loop3A_463 = arith.ori %shift_left3A_184, %parallel_loop3A_462 : vector<16xi32>
      %parallel_loop3A_464 = arith.constant 0 : i32
      %parallel_loop3A_465 = vector.broadcast %parallel_loop3A_464 : i32 to vector<16xi32>
      %parallel_loop3A_466 = arith.cmpi sge, %parallel_loop3A_463, %parallel_loop3A_465 : vector<16xi32>
      %parallel_loop3A_467 = arith.constant dense<-1> : vector<16xi32>
      %parallel_loop3A_468 = arith.xori %parallel_loop3A_463, %parallel_loop3A_467 : vector<16xi32>
      %parallel_loop3A_469 = arith.constant -2147483648 : i32
      %parallel_loop3A_470 = vector.broadcast %parallel_loop3A_469 : i32 to vector<16xi32>
      %parallel_loop3A_471 = arith.xori %parallel_loop3A_463, %parallel_loop3A_470 : vector<16xi32>
      %parallel_loop3A_472 = arith.select %parallel_loop3A_466, %parallel_loop3A_468, %parallel_loop3A_471 : vector<16xi1>, vector<16xi32>
      %parallel_loop3A_473 = vector.bitcast %parallel_loop3A_472 : vector<16xi32> to vector<16xf32>
      %parallel_loop3A_474 = arith.sitofp %parallel_loop3A_446 : vector<16xi32> to vector<16xf32>
      %parallel_loop3A_475 = arith.mulf %parallel_loop3A_474, %parallel_loop3A_473 : vector<16xf32>
      %parallel_loop3A_476 = arith.constant 0.000000e+00 : f32
      %parallel_loop3A_477 = vector.broadcast %parallel_loop3A_476 : f32 to vector<16xf32>
      %parallel_loop3A_478 = arith.select %parallel_loop3A_455, %parallel_loop3A_477, %parallel_loop3A_475 : vector<16xi1>, vector<16xf32>
      %parallel_loop3A_479 = arith.addf %parallel_loop3A_442, %parallel_loop3A_478 : vector<16xf32>
      %parallel_loop3A_480 = arith.constant true
      %parallel_loop3A_481 = vector.broadcast %parallel_loop3A_480 : i1 to vector<16xi1>
      %parallel_loop3A_482 = tpu.scan <sum>, %parallel_loop3A_446 masked %parallel_loop3A_481 : vector<16xi32>, vector<16xi1> -> vector<16xi32>
      %parallel_loop3A_483 = vector.extract %parallel_loop3A_482[15] : i32 from vector<16xi32>
      %parallel_loop3A_484 = vector.broadcast %parallel_loop3A_483 : i32 to vector<16xi32>
      %parallel_loop3A_485 = arith.addi %parallel_loop3A_440, %parallel_loop3A_484 : vector<16xi32>
      scf.yield %parallel_loop3A_485, %parallel_loop3A_457, %parallel_loop3A_479 : vector<16xi32>, vector<16xi32>, vector<16xf32>
    } {sc.loop_unroll_factor = 1 : i64, sc.parallel_access}
    %add3A_189 = arith.addf %parallel_loop3A_188#2, %parallel_loop3A_181 : vector<16xf32>
    %reduce_sum3A_190 = arith.constant true
    %reduce_sum3A_191 = vector.broadcast %reduce_sum3A_190 : i1 to vector<16xi1>
    %reduce_sum3A_192 = tpu.scan <sum>, %add3A_189 masked %reduce_sum3A_191 : vector<16xf32>, vector<16xi1> -> vector<16xf32>
    %reduce_sum3A_193 = vector.extract %reduce_sum3A_192[15] : f32 from vector<16xf32>
    %broadcast_in_dim3A_194 = vector.broadcast %reduce_sum3A_193 : f32 to vector<16xf32>
    %shift_left3A_195 = arith.constant 10 : i32
    %shift_left3A_196 = vector.broadcast %shift_left3A_195 : i32 to vector<16xi32>
    %shift_left3A_197 = arith.shli %or3A_177, %shift_left3A_196 : vector<16xi32>
    %or3A_198 = arith.ori %shift_left3A_197, %parallel_loop3A_188#1 : vector<16xi32>
    %xor3A_199 = arith.constant -2147483648 : i32
    %xor3A_200 = vector.broadcast %xor3A_199 : i32 to vector<16xi32>
    %xor3A_201 = arith.xori %or3A_198, %xor3A_200 : vector<16xi32>
    %eq3A_202 = arith.constant 0.000000e+00 : f32
    %eq3A_203 = vector.broadcast %eq3A_202 : f32 to vector<16xf32>
    %eq3A_204 = arith.cmpf oeq, %broadcast_in_dim3A_194, %eq3A_203 : vector<16xf32>
    %div3A_205 = arith.divf %broadcast_in_dim3A_150, %broadcast_in_dim3A_194 : vector<16xf32>
    %jit3A_206 = arith.constant 0.000000e+00 : f32
    %broadcast_in_dim3A_207 = vector.broadcast %jit3A_206 : f32 to vector<16xf32>
    %select_n3A_208 = arith.select %eq3A_204, %broadcast_in_dim3A_207, %div3A_205 : vector<16xi1>, vector<16xf32>
    %abs3A_209 = math.absf %select_n3A_208 : vector<16xf32>
    %parallel_loop3A_210 = arith.constant 0 : i32
    %parallel_loop3A_211 = arith.constant 2048 : i32
    %parallel_loop3A_212 = arith.constant 1 : i32
    scf.for %parallel_loop3A_439 = %parallel_loop3A_210 to %parallel_loop3A_211 step %parallel_loop3A_212  : i32 {
      %parallel_loop3A_440 = arith.constant 16 : i32
      %parallel_loop3A_441 = arith.muli %parallel_loop3A_439, %parallel_loop3A_440 : i32
      %parallel_loop3A_442 = arith.index_cast %parallel_loop3A_441 : i32 to index
      %parallel_loop3A_443 = tpu.vector_load %arg7[%parallel_loop3A_442] {strides = array<i32>} : memref<32768xf32, #tpu.memory_space<vmem>>, vector<16xf32>,
      %parallel_loop3A_444 = vector.bitcast %parallel_loop3A_443 : vector<16xf32> to vector<16xi32>
      %parallel_loop3A_445 = arith.constant 0 : i32
      %parallel_loop3A_446 = vector.broadcast %parallel_loop3A_445 : i32 to vector<16xi32>
      %parallel_loop3A_447 = arith.cmpi sge, %parallel_loop3A_444, %parallel_loop3A_446 : vector<16xi32>
      %parallel_loop3A_448 = arith.constant dense<-1> : vector<16xi32>
      %parallel_loop3A_449 = arith.xori %parallel_loop3A_444, %parallel_loop3A_448 : vector<16xi32>
      %parallel_loop3A_450 = arith.constant -2147483648 : i32
      %parallel_loop3A_451 = vector.broadcast %parallel_loop3A_450 : i32 to vector<16xi32>
      %parallel_loop3A_452 = arith.xori %parallel_loop3A_444, %parallel_loop3A_451 : vector<16xi32>
      %parallel_loop3A_453 = arith.select %parallel_loop3A_447, %parallel_loop3A_449, %parallel_loop3A_452 : vector<16xi1>, vector<16xi32>
      %parallel_loop3A_454 = vector.bitcast %parallel_loop3A_453 : vector<16xi32> to vector<16xf32>
      %parallel_loop3A_455 = arith.constant -2147483648 : i32
      %parallel_loop3A_456 = vector.broadcast %parallel_loop3A_455 : i32 to vector<16xi32>
      %parallel_loop3A_457 = arith.xori %parallel_loop3A_444, %parallel_loop3A_456 : vector<16xi32>
      %parallel_loop3A_458 = arith.cmpi sge, %parallel_loop3A_457, %xor3A_201 : vector<16xi32>
      %parallel_loop3A_459 = arith.constant 0.000000e+00 : f32
      %parallel_loop3A_460 = vector.broadcast %parallel_loop3A_459 : f32 to vector<16xf32>
      %parallel_loop3A_461 = arith.select %parallel_loop3A_458, %parallel_loop3A_454, %parallel_loop3A_460 : vector<16xi1>, vector<16xf32>
      %parallel_loop3A_462 = arith.mulf %abs3A_209, %parallel_loop3A_461 : vector<16xf32>
      %parallel_loop3A_463 = arith.select %ne3A_3, %parallel_loop3A_462, %parallel_loop3A_454 : vector<16xi1>, vector<16xf32>
      %parallel_loop3A_464 = arith.constant 16 : i32
      %parallel_loop3A_465 = arith.muli %parallel_loop3A_439, %parallel_loop3A_464 : i32
      %parallel_loop3A_466 = arith.index_cast %parallel_loop3A_465 : i32 to index
      %parallel_loop3A_467 = tpu.vector_load %arg7[%parallel_loop3A_466] {strides = array<i32>} : memref<32768xf32, #tpu.memory_space<vmem>>, vector<16xf32>,
      tpu.vector_store %arg7[%parallel_loop3A_466], %parallel_loop3A_463 {strides = array<i32>} : memref<32768xf32, #tpu.memory_space<vmem>>, vector<16xf32>,
    } {sc.loop_unroll_factor = 8 : i64, sc.parallel_access}
    %mul3A_213 = arith.constant 4 : i32
    %mul3A_214 = arith.muli %add3A, %mul3A_213 : i32
    %add3A_215 = arith.constant 1 : i32
    %add3A_216 = arith.addi %mul3A_214, %add3A_215 : i32
    %dma_start3A_217 = arith.constant 0 : i32
    %dma_start3A_218 = tpu.memref_slice %arg5[%add3A_216, %dma_start3A_217] : memref<128x32768xf32, #tpu.memory_space<hbm>> -> memref<1x32768xf32, #tpu.memory_space<hbm>>
    %dma_start3A_219 = tpu.memref_squeeze %dma_start3A_218 : memref<1x32768xf32, #tpu.memory_space<hbm>> -> memref<32768xf32, #tpu.memory_space<hbm>>
    %dma_start3A_220 = arith.constant 0 : i32
    %dma_start3A_221 = tpu.memref_slice %arg5[%add3A_216, %dma_start3A_220] : memref<128x32768xf32, #tpu.memory_space<hbm>> -> memref<1x32768xf32, #tpu.memory_space<hbm>>
    %dma_start3A_222 = tpu.memref_squeeze %dma_start3A_221 : memref<1x32768xf32, #tpu.memory_space<hbm>> -> memref<32768xf32, #tpu.memory_space<hbm>>
    tpu.enqueue_dma source(%arg7 : memref<32768xf32, #tpu.memory_space<vmem>>) target(%dma_start3A_222 : memref<32768xf32, #tpu.memory_space<hbm>>) target_semaphore(%arg14 : memref<!tpu.dma_semaphore, #tpu.memory_space<semaphore_mem>>)
    %dma_wait3A_223 = arith.constant 0 : i32
    %dma_wait3A_224 = tpu.memref_slice %arg5[%add3A_216, %dma_wait3A_223] : memref<128x32768xf32, #tpu.memory_space<hbm>> -> memref<1x32768xf32, #tpu.memory_space<hbm>>
    %dma_wait3A_225 = tpu.memref_squeeze %dma_wait3A_224 : memref<1x32768xf32, #tpu.memory_space<hbm>> -> memref<32768xf32, #tpu.memory_space<hbm>>
    %dma_wait3A_226 = arith.constant 0 : i32
    %dma_wait3A_227 = tpu.memref_slice %arg5[%add3A_216, %dma_wait3A_226] : memref<128x32768xf32, #tpu.memory_space<hbm>> -> memref<1x32768xf32, #tpu.memory_space<hbm>>
    %dma_wait3A_228 = tpu.memref_squeeze %dma_wait3A_227 : memref<1x32768xf32, #tpu.memory_space<hbm>> -> memref<32768xf32, #tpu.memory_space<hbm>>
    tpu.wait_dma2 semaphore(%arg14 : memref<!tpu.dma_semaphore, #tpu.memory_space<semaphore_mem>>) src(%arg7 : memref<32768xf32, #tpu.memory_space<vmem>>) dst(%dma_wait3A_228 : memref<32768xf32, #tpu.memory_space<hbm>>)
    %mul3A_229 = arith.constant 4 : i32
    %mul3A_230 = arith.muli %add3A, %mul3A_229 : i32
    %add3A_231 = arith.constant 2 : i32
    %add3A_232 = arith.addi %mul3A_230, %add3A_231 : i32
    %add3A_233 = arith.constant 1 : i32
    %add3A_234 = arith.addi %add3A_232, %add3A_233 : i32
    %dma_start3A_235 = arith.constant 0 : i32
    %dma_start3A_236 = tpu.memref_slice %arg2[%add3A_234, %dma_start3A_235] : memref<128x32768xf32, #tpu.memory_space<hbm>> -> memref<1x32768xf32, #tpu.memory_space<hbm>>
    %dma_start3A_237 = tpu.memref_squeeze %dma_start3A_236 : memref<1x32768xf32, #tpu.memory_space<hbm>> -> memref<32768xf32, #tpu.memory_space<hbm>>
    %dma_start3A_238 = arith.constant 0 : i32
    %dma_start3A_239 = tpu.memref_slice %arg2[%add3A_234, %dma_start3A_238] : memref<128x32768xf32, #tpu.memory_space<hbm>> -> memref<1x32768xf32, #tpu.memory_space<hbm>>
    %dma_start3A_240 = tpu.memref_squeeze %dma_start3A_239 : memref<1x32768xf32, #tpu.memory_space<hbm>> -> memref<32768xf32, #tpu.memory_space<hbm>>
    tpu.enqueue_dma source(%dma_start3A_240 : memref<32768xf32, #tpu.memory_space<hbm>>) target(%arg7 : memref<32768xf32, #tpu.memory_space<vmem>>) target_semaphore(%arg12 : memref<!tpu.dma_semaphore, #tpu.memory_space<semaphore_mem>>)
    %mul3A_241 = arith.constant 4 : i32
    %mul3A_242 = arith.muli %add3A, %mul3A_241 : i32
    %add3A_243 = arith.constant 2 : i32
    %add3A_244 = arith.addi %mul3A_242, %add3A_243 : i32
    %dma_wait3A_245 = arith.constant 0 : i32
    %dma_wait3A_246 = tpu.memref_slice %arg2[%add3A_244, %dma_wait3A_245] : memref<128x32768xf32, #tpu.memory_space<hbm>> -> memref<1x32768xf32, #tpu.memory_space<hbm>>
    %dma_wait3A_247 = tpu.memref_squeeze %dma_wait3A_246 : memref<1x32768xf32, #tpu.memory_space<hbm>> -> memref<32768xf32, #tpu.memory_space<hbm>>
    %dma_wait3A_248 = arith.constant 0 : i32
    %dma_wait3A_249 = tpu.memref_slice %arg2[%add3A_244, %dma_wait3A_248] : memref<128x32768xf32, #tpu.memory_space<hbm>> -> memref<1x32768xf32, #tpu.memory_space<hbm>>
    %dma_wait3A_250 = tpu.memref_squeeze %dma_wait3A_249 : memref<1x32768xf32, #tpu.memory_space<hbm>> -> memref<32768xf32, #tpu.memory_space<hbm>>
    tpu.wait_dma2 semaphore(%arg11 : memref<!tpu.dma_semaphore, #tpu.memory_space<semaphore_mem>>) src(%dma_wait3A_250 : memref<32768xf32, #tpu.memory_space<hbm>>) dst(%arg6 : memref<32768xf32, #tpu.memory_space<vmem>>)
    %get3A_251 = arith.constant 32 : index
    %get3A_252 = tpu.vector_load %arg9[%get3A_251] {strides = array<i32>} : memref<64xi32, #tpu.memory_space<vmem>>, vector<16xi32>,
    %parallel_loop3A_253 = arith.constant 0 : i32
    %parallel_loop3A_254 = arith.constant 2048 : i32
    %parallel_loop3A_255 = arith.constant 1 : i32
    %parallel_loop3A_256 = scf.for %parallel_loop3A_439 = %parallel_loop3A_253 to %parallel_loop3A_254 step %parallel_loop3A_255 iter_args(%parallel_loop3A_440 = %broadcast_in_dim3A_6) -> (vector<16xf32>)  : i32 {
      %parallel_loop3A_441 = arith.constant 16 : i32
      %parallel_loop3A_442 = arith.muli %parallel_loop3A_439, %parallel_loop3A_441 : i32
      %parallel_loop3A_443 = arith.index_cast %parallel_loop3A_442 : i32 to index
      %parallel_loop3A_444 = tpu.vector_load %arg6[%parallel_loop3A_443] {strides = array<i32>} : memref<32768xf32, #tpu.memory_space<vmem>>, vector<16xf32>,
      %parallel_loop3A_445 = vector.bitcast %parallel_loop3A_444 : vector<16xf32> to vector<16xi32>
      %parallel_loop3A_446 = arith.constant 0 : i32
      %parallel_loop3A_447 = vector.broadcast %parallel_loop3A_446 : i32 to vector<16xi32>
      %parallel_loop3A_448 = arith.cmpi sge, %parallel_loop3A_445, %parallel_loop3A_447 : vector<16xi32>
      %parallel_loop3A_449 = arith.constant -2147483648 : i32
      %parallel_loop3A_450 = vector.broadcast %parallel_loop3A_449 : i32 to vector<16xi32>
      %parallel_loop3A_451 = arith.xori %parallel_loop3A_445, %parallel_loop3A_450 : vector<16xi32>
      %parallel_loop3A_452 = arith.constant dense<-1> : vector<16xi32>
      %parallel_loop3A_453 = arith.xori %parallel_loop3A_445, %parallel_loop3A_452 : vector<16xi32>
      %parallel_loop3A_454 = arith.select %parallel_loop3A_448, %parallel_loop3A_451, %parallel_loop3A_453 : vector<16xi1>, vector<16xi32>
      %parallel_loop3A_455 = vector.bitcast %parallel_loop3A_454 : vector<16xi32> to vector<16xf32>
      %parallel_loop3A_456 = arith.constant 16 : i32
      %parallel_loop3A_457 = arith.muli %parallel_loop3A_439, %parallel_loop3A_456 : i32
      %parallel_loop3A_458 = arith.index_cast %parallel_loop3A_457 : i32 to index
      %parallel_loop3A_459 = tpu.vector_load %arg6[%parallel_loop3A_458] {strides = array<i32>} : memref<32768xf32, #tpu.memory_space<vmem>>, vector<16xf32>,
      tpu.vector_store %arg6[%parallel_loop3A_458], %parallel_loop3A_455 {strides = array<i32>} : memref<32768xf32, #tpu.memory_space<vmem>>, vector<16xf32>,
      %parallel_loop3A_460 = arith.constant 21 : i32
      %parallel_loop3A_461 = vector.broadcast %parallel_loop3A_460 : i32 to vector<16xi32>
      %parallel_loop3A_462 = arith.shrui %parallel_loop3A_454, %parallel_loop3A_461 : vector<16xi32>
      %parallel_loop3A_463 = arith.constant true
      %parallel_loop3A_464 = vector.broadcast %parallel_loop3A_463 : i1 to vector<16xi1>
      %parallel_loop3A_465, %parallel_loop3A_466 = tpu.scan_count mask(%parallel_loop3A_464 : vector<16xi1>) value(%parallel_loop3A_462 : vector<16xi32>) : vector<16xi1>, vector<16xi32>
      tpu.vector_store_idx %arg8[%parallel_loop3A_462], %parallel_loop3A_466 masked %parallel_loop3A_465 {add = true} : memref<2048xi32, #tpu.memory_space<vmem>>[vector<16xi32>], vector<16xi32>, vector<16xi1>
      %parallel_loop3A_467 = arith.addf %parallel_loop3A_440, %parallel_loop3A_444 : vector<16xf32>
      scf.yield %parallel_loop3A_467 : vector<16xf32>
    } {sc.loop_unroll_factor = 8 : i64, sc.parallel_access}
    %reduce_sum3A_257 = arith.constant true
    %reduce_sum3A_258 = vector.broadcast %reduce_sum3A_257 : i1 to vector<16xi1>
    %reduce_sum3A_259 = tpu.scan <sum>, %parallel_loop3A_256 masked %reduce_sum3A_258 : vector<16xf32>, vector<16xi1> -> vector<16xf32>
    %reduce_sum3A_260 = vector.extract %reduce_sum3A_259[15] : f32 from vector<16xf32>
    %broadcast_in_dim3A_261 = vector.broadcast %reduce_sum3A_260 : f32 to vector<16xf32>
    %parallel_loop3A_262 = arith.constant 0 : i32
    %parallel_loop3A_263 = arith.constant 128 : i32
    %parallel_loop3A_264 = arith.constant 1 : i32
    %parallel_loop3A_265:3 = scf.for %parallel_loop3A_439 = %parallel_loop3A_262 to %parallel_loop3A_263 step %parallel_loop3A_264 iter_args(%parallel_loop3A_440 = %broadcast_in_dim3A_4, %parallel_loop3A_441 = %broadcast_in_dim3A_4, %parallel_loop3A_442 = %broadcast_in_dim3A_4) -> (vector<16xi32>, vector<16xi32>, vector<16xi32>)  : i32 {
      %parallel_loop3A_443 = arith.constant 16 : i32
      %parallel_loop3A_444 = arith.muli %parallel_loop3A_439, %parallel_loop3A_443 : i32
      %parallel_loop3A_445 = arith.index_cast %parallel_loop3A_444 : i32 to index
      %parallel_loop3A_446 = tpu.vector_load %arg8[%parallel_loop3A_445] {strides = array<i32>} : memref<2048xi32, #tpu.memory_space<vmem>>, vector<16xi32>,
      %parallel_loop3A_447 = arith.constant 16 : i32
      %parallel_loop3A_448 = arith.muli %parallel_loop3A_439, %parallel_loop3A_447 : i32
      %parallel_loop3A_449 = arith.index_cast %parallel_loop3A_448 : i32 to index
      %parallel_loop3A_450 = tpu.vector_load %arg8[%parallel_loop3A_449] {strides = array<i32>} : memref<2048xi32, #tpu.memory_space<vmem>>, vector<16xi32>,
      tpu.vector_store %arg8[%parallel_loop3A_449], %broadcast_in_dim3A_4 {strides = array<i32>} : memref<2048xi32, #tpu.memory_space<vmem>>, vector<16xi32>,
      %parallel_loop3A_451 = arith.constant true
      %parallel_loop3A_452 = vector.broadcast %parallel_loop3A_451 : i1 to vector<16xi1>
      %parallel_loop3A_453 = tpu.scan <sum>, %parallel_loop3A_446 masked %parallel_loop3A_452 : vector<16xi32>, vector<16xi1> -> vector<16xi32>
      %parallel_loop3A_454 = arith.addi %parallel_loop3A_440, %parallel_loop3A_453 : vector<16xi32>
      %parallel_loop3A_455 = arith.cmpi sle, %parallel_loop3A_454, %get3A_252 : vector<16xi32>
      %parallel_loop3A_456 = tpu.all_reduce %parallel_loop3A_455 {dim = 0 : i64, kind = #tpu.reduction_kind<sum>} : vector<16xi1> -> vector<16xi32>
      %parallel_loop3A_457 = arith.addi %parallel_loop3A_441, %parallel_loop3A_456 : vector<16xi32>
      %parallel_loop3A_458 = arith.constant 0 : i32
      %parallel_loop3A_459 = vector.broadcast %parallel_loop3A_458 : i32 to vector<16xi32>
      %parallel_loop3A_460 = arith.select %parallel_loop3A_455, %parallel_loop3A_446, %parallel_loop3A_459 : vector<16xi1>, vector<16xi32>
      %parallel_loop3A_461 = arith.addi %parallel_loop3A_442, %parallel_loop3A_460 : vector<16xi32>
      %parallel_loop3A_462 = arith.constant true
      %parallel_loop3A_463 = vector.broadcast %parallel_loop3A_462 : i1 to vector<16xi1>
      %parallel_loop3A_464 = tpu.scan <sum>, %parallel_loop3A_446 masked %parallel_loop3A_463 : vector<16xi32>, vector<16xi1> -> vector<16xi32>
      %parallel_loop3A_465 = vector.extract %parallel_loop3A_464[15] : i32 from vector<16xi32>
      %parallel_loop3A_466 = vector.broadcast %parallel_loop3A_465 : i32 to vector<16xi32>
      %parallel_loop3A_467 = arith.addi %parallel_loop3A_440, %parallel_loop3A_466 : vector<16xi32>
      scf.yield %parallel_loop3A_467, %parallel_loop3A_457, %parallel_loop3A_461 : vector<16xi32>, vector<16xi32>, vector<16xi32>
    } {sc.loop_unroll_factor = 1 : i64, sc.parallel_access}
    %reduce_sum3A_266 = arith.constant true
    %reduce_sum3A_267 = vector.broadcast %reduce_sum3A_266 : i1 to vector<16xi1>
    %reduce_sum3A_268 = tpu.scan <sum>, %parallel_loop3A_265#2 masked %reduce_sum3A_267 : vector<16xi32>, vector<16xi1> -> vector<16xi32>
    %reduce_sum3A_269 = vector.extract %reduce_sum3A_268[15] : i32 from vector<16xi32>
    %broadcast_in_dim3A_270 = vector.broadcast %reduce_sum3A_269 : i32 to vector<16xi32>
    %sub3A_271 = arith.subi %get3A_252, %broadcast_in_dim3A_270 : vector<16xi32>
    %parallel_loop3A_272 = arith.constant 0 : i32
    %parallel_loop3A_273 = arith.constant 2048 : i32
    %parallel_loop3A_274 = arith.constant 1 : i32
    scf.for %parallel_loop3A_439 = %parallel_loop3A_272 to %parallel_loop3A_273 step %parallel_loop3A_274  : i32 {
      %parallel_loop3A_440 = arith.constant 16 : i32
      %parallel_loop3A_441 = arith.muli %parallel_loop3A_439, %parallel_loop3A_440 : i32
      %parallel_loop3A_442 = arith.index_cast %parallel_loop3A_441 : i32 to index
      %parallel_loop3A_443 = tpu.vector_load %arg6[%parallel_loop3A_442] {strides = array<i32>} : memref<32768xf32, #tpu.memory_space<vmem>>, vector<16xf32>,
      %parallel_loop3A_444 = vector.bitcast %parallel_loop3A_443 : vector<16xf32> to vector<16xi32>
      %parallel_loop3A_445 = arith.constant 21 : i32
      %parallel_loop3A_446 = vector.broadcast %parallel_loop3A_445 : i32 to vector<16xi32>
      %parallel_loop3A_447 = arith.shrui %parallel_loop3A_444, %parallel_loop3A_446 : vector<16xi32>
      %parallel_loop3A_448 = arith.cmpi eq, %parallel_loop3A_447, %parallel_loop3A_265#1 : vector<16xi32>
      %parallel_loop3A_449 = arith.constant 10 : i32
      %parallel_loop3A_450 = vector.broadcast %parallel_loop3A_449 : i32 to vector<16xi32>
      %parallel_loop3A_451 = arith.shrui %parallel_loop3A_444, %parallel_loop3A_450 : vector<16xi32>
      %parallel_loop3A_452 = arith.constant 2047 : i32
      %parallel_loop3A_453 = vector.broadcast %parallel_loop3A_452 : i32 to vector<16xi32>
      %parallel_loop3A_454 = arith.andi %parallel_loop3A_451, %parallel_loop3A_453 : vector<16xi32>
      tpu.vector_store_idx %arg8[%parallel_loop3A_454], %broadcast_in_dim3A_8 masked %parallel_loop3A_448 {add = true} : memref<2048xi32, #tpu.memory_space<vmem>>[vector<16xi32>], vector<16xi32>, vector<16xi1>
    } {sc.loop_unroll_factor = 8 : i64, sc.parallel_access}
    %parallel_loop3A_275 = arith.constant 0 : i32
    %parallel_loop3A_276 = arith.constant 128 : i32
    %parallel_loop3A_277 = arith.constant 1 : i32
    %parallel_loop3A_278:3 = scf.for %parallel_loop3A_439 = %parallel_loop3A_275 to %parallel_loop3A_276 step %parallel_loop3A_277 iter_args(%parallel_loop3A_440 = %broadcast_in_dim3A_4, %parallel_loop3A_441 = %broadcast_in_dim3A_4, %parallel_loop3A_442 = %broadcast_in_dim3A_4) -> (vector<16xi32>, vector<16xi32>, vector<16xi32>)  : i32 {
      %parallel_loop3A_443 = arith.constant 16 : i32
      %parallel_loop3A_444 = arith.muli %parallel_loop3A_439, %parallel_loop3A_443 : i32
      %parallel_loop3A_445 = arith.index_cast %parallel_loop3A_444 : i32 to index
      %parallel_loop3A_446 = tpu.vector_load %arg8[%parallel_loop3A_445] {strides = array<i32>} : memref<2048xi32, #tpu.memory_space<vmem>>, vector<16xi32>,
      %parallel_loop3A_447 = arith.constant 16 : i32
      %parallel_loop3A_448 = arith.muli %parallel_loop3A_439, %parallel_loop3A_447 : i32
      %parallel_loop3A_449 = arith.index_cast %parallel_loop3A_448 : i32 to index
      %parallel_loop3A_450 = tpu.vector_load %arg8[%parallel_loop3A_449] {strides = array<i32>} : memref<2048xi32, #tpu.memory_space<vmem>>, vector<16xi32>,
      tpu.vector_store %arg8[%parallel_loop3A_449], %broadcast_in_dim3A_4 {strides = array<i32>} : memref<2048xi32, #tpu.memory_space<vmem>>, vector<16xi32>,
      %parallel_loop3A_451 = arith.constant true
      %parallel_loop3A_452 = vector.broadcast %parallel_loop3A_451 : i1 to vector<16xi1>
      %parallel_loop3A_453 = tpu.scan <sum>, %parallel_loop3A_446 masked %parallel_loop3A_452 : vector<16xi32>, vector<16xi1> -> vector<16xi32>
      %parallel_loop3A_454 = arith.addi %parallel_loop3A_440, %parallel_loop3A_453 : vector<16xi32>
      %parallel_loop3A_455 = arith.cmpi sle, %parallel_loop3A_454, %sub3A_271 : vector<16xi32>
      %parallel_loop3A_456 = tpu.all_reduce %parallel_loop3A_455 {dim = 0 : i64, kind = #tpu.reduction_kind<sum>} : vector<16xi1> -> vector<16xi32>
      %parallel_loop3A_457 = arith.addi %parallel_loop3A_441, %parallel_loop3A_456 : vector<16xi32>
      %parallel_loop3A_458 = arith.constant 0 : i32
      %parallel_loop3A_459 = vector.broadcast %parallel_loop3A_458 : i32 to vector<16xi32>
      %parallel_loop3A_460 = arith.select %parallel_loop3A_455, %parallel_loop3A_446, %parallel_loop3A_459 : vector<16xi1>, vector<16xi32>
      %parallel_loop3A_461 = arith.addi %parallel_loop3A_442, %parallel_loop3A_460 : vector<16xi32>
      %parallel_loop3A_462 = arith.constant true
      %parallel_loop3A_463 = vector.broadcast %parallel_loop3A_462 : i1 to vector<16xi1>
      %parallel_loop3A_464 = tpu.scan <sum>, %parallel_loop3A_446 masked %parallel_loop3A_463 : vector<16xi32>, vector<16xi1> -> vector<16xi32>
      %parallel_loop3A_465 = vector.extract %parallel_loop3A_464[15] : i32 from vector<16xi32>
      %parallel_loop3A_466 = vector.broadcast %parallel_loop3A_465 : i32 to vector<16xi32>
      %parallel_loop3A_467 = arith.addi %parallel_loop3A_440, %parallel_loop3A_466 : vector<16xi32>
      scf.yield %parallel_loop3A_467, %parallel_loop3A_457, %parallel_loop3A_461 : vector<16xi32>, vector<16xi32>, vector<16xi32>
    } {sc.loop_unroll_factor = 1 : i64, sc.parallel_access}
    %reduce_sum3A_279 = arith.constant true
    %reduce_sum3A_280 = vector.broadcast %reduce_sum3A_279 : i1 to vector<16xi1>
    %reduce_sum3A_281 = tpu.scan <sum>, %parallel_loop3A_278#2 masked %reduce_sum3A_280 : vector<16xi32>, vector<16xi1> -> vector<16xi32>
    %reduce_sum3A_282 = vector.extract %reduce_sum3A_281[15] : i32 from vector<16xi32>
    %broadcast_in_dim3A_283 = vector.broadcast %reduce_sum3A_282 : i32 to vector<16xi32>
    %sub3A_284 = arith.subi %sub3A_271, %broadcast_in_dim3A_283 : vector<16xi32>
    %shift_left3A_285 = arith.constant 11 : i32
    %shift_left3A_286 = vector.broadcast %shift_left3A_285 : i32 to vector<16xi32>
    %shift_left3A_287 = arith.shli %parallel_loop3A_265#1, %shift_left3A_286 : vector<16xi32>
    %or3A_288 = arith.ori %shift_left3A_287, %parallel_loop3A_278#1 : vector<16xi32>
    %parallel_loop3A_289 = arith.constant 0 : i32
    %parallel_loop3A_290 = arith.constant 2048 : i32
    %parallel_loop3A_291 = arith.constant 1 : i32
    %parallel_loop3A_292 = scf.for %parallel_loop3A_439 = %parallel_loop3A_289 to %parallel_loop3A_290 step %parallel_loop3A_291 iter_args(%parallel_loop3A_440 = %broadcast_in_dim3A_6) -> (vector<16xf32>)  : i32 {
      %parallel_loop3A_441 = arith.constant 16 : i32
      %parallel_loop3A_442 = arith.muli %parallel_loop3A_439, %parallel_loop3A_441 : i32
      %parallel_loop3A_443 = arith.index_cast %parallel_loop3A_442 : i32 to index
      %parallel_loop3A_444 = tpu.vector_load %arg6[%parallel_loop3A_443] {strides = array<i32>} : memref<32768xf32, #tpu.memory_space<vmem>>, vector<16xf32>,
      %parallel_loop3A_445 = vector.bitcast %parallel_loop3A_444 : vector<16xf32> to vector<16xi32>
      %parallel_loop3A_446 = arith.constant 0 : i32
      %parallel_loop3A_447 = vector.broadcast %parallel_loop3A_446 : i32 to vector<16xi32>
      %parallel_loop3A_448 = arith.cmpi sge, %parallel_loop3A_445, %parallel_loop3A_447 : vector<16xi32>
      %parallel_loop3A_449 = arith.constant dense<-1> : vector<16xi32>
      %parallel_loop3A_450 = arith.xori %parallel_loop3A_445, %parallel_loop3A_449 : vector<16xi32>
      %parallel_loop3A_451 = arith.constant -2147483648 : i32
      %parallel_loop3A_452 = vector.broadcast %parallel_loop3A_451 : i32 to vector<16xi32>
      %parallel_loop3A_453 = arith.xori %parallel_loop3A_445, %parallel_loop3A_452 : vector<16xi32>
      %parallel_loop3A_454 = arith.select %parallel_loop3A_448, %parallel_loop3A_450, %parallel_loop3A_453 : vector<16xi1>, vector<16xi32>
      %parallel_loop3A_455 = vector.bitcast %parallel_loop3A_454 : vector<16xi32> to vector<16xf32>
      %parallel_loop3A_456 = arith.constant 10 : i32
      %parallel_loop3A_457 = vector.broadcast %parallel_loop3A_456 : i32 to vector<16xi32>
      %parallel_loop3A_458 = arith.shrui %parallel_loop3A_445, %parallel_loop3A_457 : vector<16xi32>
      %parallel_loop3A_459 = arith.cmpi eq, %parallel_loop3A_458, %or3A_288 : vector<16xi32>
      %parallel_loop3A_460 = arith.constant 1023 : i32
      %parallel_loop3A_461 = vector.broadcast %parallel_loop3A_460 : i32 to vector<16xi32>
      %parallel_loop3A_462 = arith.andi %parallel_loop3A_445, %parallel_loop3A_461 : vector<16xi32>
      tpu.vector_store_idx %arg8[%parallel_loop3A_462], %broadcast_in_dim3A_8 masked %parallel_loop3A_459 {add = true} : memref<2048xi32, #tpu.memory_space<vmem>>[vector<16xi32>], vector<16xi32>, vector<16xi1>
      %parallel_loop3A_463 = arith.cmpi sgt, %parallel_loop3A_458, %or3A_288 : vector<16xi32>
      %parallel_loop3A_464 = arith.constant 0.000000e+00 : f32
      %parallel_loop3A_465 = vector.broadcast %parallel_loop3A_464 : f32 to vector<16xf32>
      %parallel_loop3A_466 = arith.select %parallel_loop3A_463, %parallel_loop3A_455, %parallel_loop3A_465 : vector<16xi1>, vector<16xf32>
      %parallel_loop3A_467 = arith.addf %parallel_loop3A_440, %parallel_loop3A_466 : vector<16xf32>
      scf.yield %parallel_loop3A_467 : vector<16xf32>
    } {sc.loop_unroll_factor = 8 : i64, sc.parallel_access}
    %shift_left3A_293 = arith.constant 10 : i32
    %shift_left3A_294 = vector.broadcast %shift_left3A_293 : i32 to vector<16xi32>
    %shift_left3A_295 = arith.shli %or3A_288, %shift_left3A_294 : vector<16xi32>
    %parallel_loop3A_296 = arith.constant 0 : i32
    %parallel_loop3A_297 = arith.constant 64 : i32
    %parallel_loop3A_298 = arith.constant 1 : i32
    %parallel_loop3A_299:3 = scf.for %parallel_loop3A_439 = %parallel_loop3A_296 to %parallel_loop3A_297 step %parallel_loop3A_298 iter_args(%parallel_loop3A_440 = %broadcast_in_dim3A_4, %parallel_loop3A_441 = %broadcast_in_dim3A_4, %parallel_loop3A_442 = %broadcast_in_dim3A_6) -> (vector<16xi32>, vector<16xi32>, vector<16xf32>)  : i32 {
      %parallel_loop3A_443 = arith.constant 16 : i32
      %parallel_loop3A_444 = arith.muli %parallel_loop3A_439, %parallel_loop3A_443 : i32
      %parallel_loop3A_445 = arith.index_cast %parallel_loop3A_444 : i32 to index
      %parallel_loop3A_446 = tpu.vector_load %arg8[%parallel_loop3A_445] {strides = array<i32>} : memref<2048xi32, #tpu.memory_space<vmem>>, vector<16xi32>,
      %parallel_loop3A_447 = arith.constant 16 : i32
      %parallel_loop3A_448 = arith.muli %parallel_loop3A_439, %parallel_loop3A_447 : i32
      %parallel_loop3A_449 = arith.index_cast %parallel_loop3A_448 : i32 to index
      %parallel_loop3A_450 = tpu.vector_load %arg8[%parallel_loop3A_449] {strides = array<i32>} : memref<2048xi32, #tpu.memory_space<vmem>>, vector<16xi32>,
      tpu.vector_store %arg8[%parallel_loop3A_449], %broadcast_in_dim3A_4 {strides = array<i32>} : memref<2048xi32, #tpu.memory_space<vmem>>, vector<16xi32>,
      %parallel_loop3A_451 = arith.constant true
      %parallel_loop3A_452 = vector.broadcast %parallel_loop3A_451 : i1 to vector<16xi1>
      %parallel_loop3A_453 = tpu.scan <sum>, %parallel_loop3A_446 masked %parallel_loop3A_452 : vector<16xi32>, vector<16xi1> -> vector<16xi32>
      %parallel_loop3A_454 = arith.addi %parallel_loop3A_440, %parallel_loop3A_453 : vector<16xi32>
      %parallel_loop3A_455 = arith.cmpi sle, %parallel_loop3A_454, %sub3A_284 : vector<16xi32>
      %parallel_loop3A_456 = tpu.all_reduce %parallel_loop3A_455 {dim = 0 : i64, kind = #tpu.reduction_kind<sum>} : vector<16xi1> -> vector<16xi32>
      %parallel_loop3A_457 = arith.addi %parallel_loop3A_441, %parallel_loop3A_456 : vector<16xi32>
      %parallel_loop3A_458 = tpu.iota {dimensions = array<i32: 0>} : vector<16xi32>
      %parallel_loop3A_459 = arith.constant 16 : i32
      %parallel_loop3A_460 = arith.muli %parallel_loop3A_439, %parallel_loop3A_459 : i32
      %parallel_loop3A_461 = vector.broadcast %parallel_loop3A_460 : i32 to vector<16xi32>
      %parallel_loop3A_462 = arith.addi %parallel_loop3A_458, %parallel_loop3A_461 : vector<16xi32>
      %parallel_loop3A_463 = arith.ori %shift_left3A_295, %parallel_loop3A_462 : vector<16xi32>
      %parallel_loop3A_464 = arith.constant 0 : i32
      %parallel_loop3A_465 = vector.broadcast %parallel_loop3A_464 : i32 to vector<16xi32>
      %parallel_loop3A_466 = arith.cmpi sge, %parallel_loop3A_463, %parallel_loop3A_465 : vector<16xi32>
      %parallel_loop3A_467 = arith.constant dense<-1> : vector<16xi32>
      %parallel_loop3A_468 = arith.xori %parallel_loop3A_463, %parallel_loop3A_467 : vector<16xi32>
      %parallel_loop3A_469 = arith.constant -2147483648 : i32
      %parallel_loop3A_470 = vector.broadcast %parallel_loop3A_469 : i32 to vector<16xi32>
      %parallel_loop3A_471 = arith.xori %parallel_loop3A_463, %parallel_loop3A_470 : vector<16xi32>
      %parallel_loop3A_472 = arith.select %parallel_loop3A_466, %parallel_loop3A_468, %parallel_loop3A_471 : vector<16xi1>, vector<16xi32>
      %parallel_loop3A_473 = vector.bitcast %parallel_loop3A_472 : vector<16xi32> to vector<16xf32>
      %parallel_loop3A_474 = arith.sitofp %parallel_loop3A_446 : vector<16xi32> to vector<16xf32>
      %parallel_loop3A_475 = arith.mulf %parallel_loop3A_474, %parallel_loop3A_473 : vector<16xf32>
      %parallel_loop3A_476 = arith.constant 0.000000e+00 : f32
      %parallel_loop3A_477 = vector.broadcast %parallel_loop3A_476 : f32 to vector<16xf32>
      %parallel_loop3A_478 = arith.select %parallel_loop3A_455, %parallel_loop3A_477, %parallel_loop3A_475 : vector<16xi1>, vector<16xf32>
      %parallel_loop3A_479 = arith.addf %parallel_loop3A_442, %parallel_loop3A_478 : vector<16xf32>
      %parallel_loop3A_480 = arith.constant true
      %parallel_loop3A_481 = vector.broadcast %parallel_loop3A_480 : i1 to vector<16xi1>
      %parallel_loop3A_482 = tpu.scan <sum>, %parallel_loop3A_446 masked %parallel_loop3A_481 : vector<16xi32>, vector<16xi1> -> vector<16xi32>
      %parallel_loop3A_483 = vector.extract %parallel_loop3A_482[15] : i32 from vector<16xi32>
      %parallel_loop3A_484 = vector.broadcast %parallel_loop3A_483 : i32 to vector<16xi32>
      %parallel_loop3A_485 = arith.addi %parallel_loop3A_440, %parallel_loop3A_484 : vector<16xi32>
      scf.yield %parallel_loop3A_485, %parallel_loop3A_457, %parallel_loop3A_479 : vector<16xi32>, vector<16xi32>, vector<16xf32>
    } {sc.loop_unroll_factor = 1 : i64, sc.parallel_access}
    %add3A_300 = arith.addf %parallel_loop3A_299#2, %parallel_loop3A_292 : vector<16xf32>
    %reduce_sum3A_301 = arith.constant true
    %reduce_sum3A_302 = vector.broadcast %reduce_sum3A_301 : i1 to vector<16xi1>
    %reduce_sum3A_303 = tpu.scan <sum>, %add3A_300 masked %reduce_sum3A_302 : vector<16xf32>, vector<16xi1> -> vector<16xf32>
    %reduce_sum3A_304 = vector.extract %reduce_sum3A_303[15] : f32 from vector<16xf32>
    %broadcast_in_dim3A_305 = vector.broadcast %reduce_sum3A_304 : f32 to vector<16xf32>
    %shift_left3A_306 = arith.constant 10 : i32
    %shift_left3A_307 = vector.broadcast %shift_left3A_306 : i32 to vector<16xi32>
    %shift_left3A_308 = arith.shli %or3A_288, %shift_left3A_307 : vector<16xi32>
    %or3A_309 = arith.ori %shift_left3A_308, %parallel_loop3A_299#1 : vector<16xi32>
    %xor3A_310 = arith.constant -2147483648 : i32
    %xor3A_311 = vector.broadcast %xor3A_310 : i32 to vector<16xi32>
    %xor3A_312 = arith.xori %or3A_309, %xor3A_311 : vector<16xi32>
    %eq3A_313 = arith.constant 0.000000e+00 : f32
    %eq3A_314 = vector.broadcast %eq3A_313 : f32 to vector<16xf32>
    %eq3A_315 = arith.cmpf oeq, %broadcast_in_dim3A_305, %eq3A_314 : vector<16xf32>
    %div3A_316 = arith.divf %broadcast_in_dim3A_261, %broadcast_in_dim3A_305 : vector<16xf32>
    %jit3A_317 = arith.constant 0.000000e+00 : f32
    %broadcast_in_dim3A_318 = vector.broadcast %jit3A_317 : f32 to vector<16xf32>
    %select_n3A_319 = arith.select %eq3A_315, %broadcast_in_dim3A_318, %div3A_316 : vector<16xi1>, vector<16xf32>
    %abs3A_320 = math.absf %select_n3A_319 : vector<16xf32>
    %parallel_loop3A_321 = arith.constant 0 : i32
    %parallel_loop3A_322 = arith.constant 2048 : i32
    %parallel_loop3A_323 = arith.constant 1 : i32
    scf.for %parallel_loop3A_439 = %parallel_loop3A_321 to %parallel_loop3A_322 step %parallel_loop3A_323  : i32 {
      %parallel_loop3A_440 = arith.constant 16 : i32
      %parallel_loop3A_441 = arith.muli %parallel_loop3A_439, %parallel_loop3A_440 : i32
      %parallel_loop3A_442 = arith.index_cast %parallel_loop3A_441 : i32 to index
      %parallel_loop3A_443 = tpu.vector_load %arg6[%parallel_loop3A_442] {strides = array<i32>} : memref<32768xf32, #tpu.memory_space<vmem>>, vector<16xf32>,
      %parallel_loop3A_444 = vector.bitcast %parallel_loop3A_443 : vector<16xf32> to vector<16xi32>
      %parallel_loop3A_445 = arith.constant 0 : i32
      %parallel_loop3A_446 = vector.broadcast %parallel_loop3A_445 : i32 to vector<16xi32>
      %parallel_loop3A_447 = arith.cmpi sge, %parallel_loop3A_444, %parallel_loop3A_446 : vector<16xi32>
      %parallel_loop3A_448 = arith.constant dense<-1> : vector<16xi32>
      %parallel_loop3A_449 = arith.xori %parallel_loop3A_444, %parallel_loop3A_448 : vector<16xi32>
      %parallel_loop3A_450 = arith.constant -2147483648 : i32
      %parallel_loop3A_451 = vector.broadcast %parallel_loop3A_450 : i32 to vector<16xi32>
      %parallel_loop3A_452 = arith.xori %parallel_loop3A_444, %parallel_loop3A_451 : vector<16xi32>
      %parallel_loop3A_453 = arith.select %parallel_loop3A_447, %parallel_loop3A_449, %parallel_loop3A_452 : vector<16xi1>, vector<16xi32>
      %parallel_loop3A_454 = vector.bitcast %parallel_loop3A_453 : vector<16xi32> to vector<16xf32>
      %parallel_loop3A_455 = arith.constant -2147483648 : i32
      %parallel_loop3A_456 = vector.broadcast %parallel_loop3A_455 : i32 to vector<16xi32>
      %parallel_loop3A_457 = arith.xori %parallel_loop3A_444, %parallel_loop3A_456 : vector<16xi32>
      %parallel_loop3A_458 = arith.cmpi sge, %parallel_loop3A_457, %xor3A_312 : vector<16xi32>
      %parallel_loop3A_459 = arith.constant 0.000000e+00 : f32
      %parallel_loop3A_460 = vector.broadcast %parallel_loop3A_459 : f32 to vector<16xf32>
      %parallel_loop3A_461 = arith.select %parallel_loop3A_458, %parallel_loop3A_454, %parallel_loop3A_460 : vector<16xi1>, vector<16xf32>
      %parallel_loop3A_462 = arith.mulf %abs3A_320, %parallel_loop3A_461 : vector<16xf32>
      %parallel_loop3A_463 = arith.select %ne3A_3, %parallel_loop3A_462, %parallel_loop3A_454 : vector<16xi1>, vector<16xf32>
      %parallel_loop3A_464 = arith.constant 16 : i32
      %parallel_loop3A_465 = arith.muli %parallel_loop3A_439, %parallel_loop3A_464 : i32
      %parallel_loop3A_466 = arith.index_cast %parallel_loop3A_465 : i32 to index
      %parallel_loop3A_467 = tpu.vector_load %arg6[%parallel_loop3A_466] {strides = array<i32>} : memref<32768xf32, #tpu.memory_space<vmem>>, vector<16xf32>,
      tpu.vector_store %arg6[%parallel_loop3A_466], %parallel_loop3A_463 {strides = array<i32>} : memref<32768xf32, #tpu.memory_space<vmem>>, vector<16xf32>,
    } {sc.loop_unroll_factor = 8 : i64, sc.parallel_access}
    %mul3A_324 = arith.constant 4 : i32
    %mul3A_325 = arith.muli %add3A, %mul3A_324 : i32
    %add3A_326 = arith.constant 2 : i32
    %add3A_327 = arith.addi %mul3A_325, %add3A_326 : i32
    %dma_start3A_328 = arith.constant 0 : i32
    %dma_start3A_329 = tpu.memref_slice %arg5[%add3A_327, %dma_start3A_328] : memref<128x32768xf32, #tpu.memory_space<hbm>> -> memref<1x32768xf32, #tpu.memory_space<hbm>>
    %dma_start3A_330 = tpu.memref_squeeze %dma_start3A_329 : memref<1x32768xf32, #tpu.memory_space<hbm>> -> memref<32768xf32, #tpu.memory_space<hbm>>
    %dma_start3A_331 = arith.constant 0 : i32
    %dma_start3A_332 = tpu.memref_slice %arg5[%add3A_327, %dma_start3A_331] : memref<128x32768xf32, #tpu.memory_space<hbm>> -> memref<1x32768xf32, #tpu.memory_space<hbm>>
    %dma_start3A_333 = tpu.memref_squeeze %dma_start3A_332 : memref<1x32768xf32, #tpu.memory_space<hbm>> -> memref<32768xf32, #tpu.memory_space<hbm>>
    tpu.enqueue_dma source(%arg6 : memref<32768xf32, #tpu.memory_space<vmem>>) target(%dma_start3A_333 : memref<32768xf32, #tpu.memory_space<hbm>>) target_semaphore(%arg13 : memref<!tpu.dma_semaphore, #tpu.memory_space<semaphore_mem>>)
    %mul3A_334 = arith.constant 4 : i32
    %mul3A_335 = arith.muli %add3A, %mul3A_334 : i32
    %add3A_336 = arith.constant 3 : i32
    %add3A_337 = arith.addi %mul3A_335, %add3A_336 : i32
    %dma_wait3A_338 = arith.constant 0 : i32
    %dma_wait3A_339 = tpu.memref_slice %arg2[%add3A_337, %dma_wait3A_338] : memref<128x32768xf32, #tpu.memory_space<hbm>> -> memref<1x32768xf32, #tpu.memory_space<hbm>>
    %dma_wait3A_340 = tpu.memref_squeeze %dma_wait3A_339 : memref<1x32768xf32, #tpu.memory_space<hbm>> -> memref<32768xf32, #tpu.memory_space<hbm>>
    %dma_wait3A_341 = arith.constant 0 : i32
    %dma_wait3A_342 = tpu.memref_slice %arg2[%add3A_337, %dma_wait3A_341] : memref<128x32768xf32, #tpu.memory_space<hbm>> -> memref<1x32768xf32, #tpu.memory_space<hbm>>
    %dma_wait3A_343 = tpu.memref_squeeze %dma_wait3A_342 : memref<1x32768xf32, #tpu.memory_space<hbm>> -> memref<32768xf32, #tpu.memory_space<hbm>>
    tpu.wait_dma2 semaphore(%arg12 : memref<!tpu.dma_semaphore, #tpu.memory_space<semaphore_mem>>) src(%dma_wait3A_343 : memref<32768xf32, #tpu.memory_space<hbm>>) dst(%arg7 : memref<32768xf32, #tpu.memory_space<vmem>>)
    %get3A_344 = arith.constant 48 : index
    %get3A_345 = tpu.vector_load %arg9[%get3A_344] {strides = array<i32>} : memref<64xi32, #tpu.memory_space<vmem>>, vector<16xi32>,
    %parallel_loop3A_346 = arith.constant 0 : i32
    %parallel_loop3A_347 = arith.constant 2048 : i32
    %parallel_loop3A_348 = arith.constant 1 : i32
    %parallel_loop3A_349 = scf.for %parallel_loop3A_439 = %parallel_loop3A_346 to %parallel_loop3A_347 step %parallel_loop3A_348 iter_args(%parallel_loop3A_440 = %broadcast_in_dim3A_6) -> (vector<16xf32>)  : i32 {
      %parallel_loop3A_441 = arith.constant 16 : i32
      %parallel_loop3A_442 = arith.muli %parallel_loop3A_439, %parallel_loop3A_441 : i32
      %parallel_loop3A_443 = arith.index_cast %parallel_loop3A_442 : i32 to index
      %parallel_loop3A_444 = tpu.vector_load %arg7[%parallel_loop3A_443] {strides = array<i32>} : memref<32768xf32, #tpu.memory_space<vmem>>, vector<16xf32>,
      %parallel_loop3A_445 = vector.bitcast %parallel_loop3A_444 : vector<16xf32> to vector<16xi32>
      %parallel_loop3A_446 = arith.constant 0 : i32
      %parallel_loop3A_447 = vector.broadcast %parallel_loop3A_446 : i32 to vector<16xi32>
      %parallel_loop3A_448 = arith.cmpi sge, %parallel_loop3A_445, %parallel_loop3A_447 : vector<16xi32>
      %parallel_loop3A_449 = arith.constant -2147483648 : i32
      %parallel_loop3A_450 = vector.broadcast %parallel_loop3A_449 : i32 to vector<16xi32>
      %parallel_loop3A_451 = arith.xori %parallel_loop3A_445, %parallel_loop3A_450 : vector<16xi32>
      %parallel_loop3A_452 = arith.constant dense<-1> : vector<16xi32>
      %parallel_loop3A_453 = arith.xori %parallel_loop3A_445, %parallel_loop3A_452 : vector<16xi32>
      %parallel_loop3A_454 = arith.select %parallel_loop3A_448, %parallel_loop3A_451, %parallel_loop3A_453 : vector<16xi1>, vector<16xi32>
      %parallel_loop3A_455 = vector.bitcast %parallel_loop3A_454 : vector<16xi32> to vector<16xf32>
      %parallel_loop3A_456 = arith.constant 16 : i32
      %parallel_loop3A_457 = arith.muli %parallel_loop3A_439, %parallel_loop3A_456 : i32
      %parallel_loop3A_458 = arith.index_cast %parallel_loop3A_457 : i32 to index
      %parallel_loop3A_459 = tpu.vector_load %arg7[%parallel_loop3A_458] {strides = array<i32>} : memref<32768xf32, #tpu.memory_space<vmem>>, vector<16xf32>,
      tpu.vector_store %arg7[%parallel_loop3A_458], %parallel_loop3A_455 {strides = array<i32>} : memref<32768xf32, #tpu.memory_space<vmem>>, vector<16xf32>,
      %parallel_loop3A_460 = arith.constant 21 : i32
      %parallel_loop3A_461 = vector.broadcast %parallel_loop3A_460 : i32 to vector<16xi32>
      %parallel_loop3A_462 = arith.shrui %parallel_loop3A_454, %parallel_loop3A_461 : vector<16xi32>
      %parallel_loop3A_463 = arith.constant true
      %parallel_loop3A_464 = vector.broadcast %parallel_loop3A_463 : i1 to vector<16xi1>
      %parallel_loop3A_465, %parallel_loop3A_466 = tpu.scan_count mask(%parallel_loop3A_464 : vector<16xi1>) value(%parallel_loop3A_462 : vector<16xi32>) : vector<16xi1>, vector<16xi32>
      tpu.vector_store_idx %arg8[%parallel_loop3A_462], %parallel_loop3A_466 masked %parallel_loop3A_465 {add = true} : memref<2048xi32, #tpu.memory_space<vmem>>[vector<16xi32>], vector<16xi32>, vector<16xi1>
      %parallel_loop3A_467 = arith.addf %parallel_loop3A_440, %parallel_loop3A_444 : vector<16xf32>
      scf.yield %parallel_loop3A_467 : vector<16xf32>
    } {sc.loop_unroll_factor = 8 : i64, sc.parallel_access}
    %reduce_sum3A_350 = arith.constant true
    %reduce_sum3A_351 = vector.broadcast %reduce_sum3A_350 : i1 to vector<16xi1>
    %reduce_sum3A_352 = tpu.scan <sum>, %parallel_loop3A_349 masked %reduce_sum3A_351 : vector<16xf32>, vector<16xi1> -> vector<16xf32>
    %reduce_sum3A_353 = vector.extract %reduce_sum3A_352[15] : f32 from vector<16xf32>
    %broadcast_in_dim3A_354 = vector.broadcast %reduce_sum3A_353 : f32 to vector<16xf32>
    %parallel_loop3A_355 = arith.constant 0 : i32
    %parallel_loop3A_356 = arith.constant 128 : i32
    %parallel_loop3A_357 = arith.constant 1 : i32
    %parallel_loop3A_358:3 = scf.for %parallel_loop3A_439 = %parallel_loop3A_355 to %parallel_loop3A_356 step %parallel_loop3A_357 iter_args(%parallel_loop3A_440 = %broadcast_in_dim3A_4, %parallel_loop3A_441 = %broadcast_in_dim3A_4, %parallel_loop3A_442 = %broadcast_in_dim3A_4) -> (vector<16xi32>, vector<16xi32>, vector<16xi32>)  : i32 {
      %parallel_loop3A_443 = arith.constant 16 : i32
      %parallel_loop3A_444 = arith.muli %parallel_loop3A_439, %parallel_loop3A_443 : i32
      %parallel_loop3A_445 = arith.index_cast %parallel_loop3A_444 : i32 to index
      %parallel_loop3A_446 = tpu.vector_load %arg8[%parallel_loop3A_445] {strides = array<i32>} : memref<2048xi32, #tpu.memory_space<vmem>>, vector<16xi32>,
      %parallel_loop3A_447 = arith.constant 16 : i32
      %parallel_loop3A_448 = arith.muli %parallel_loop3A_439, %parallel_loop3A_447 : i32
      %parallel_loop3A_449 = arith.index_cast %parallel_loop3A_448 : i32 to index
      %parallel_loop3A_450 = tpu.vector_load %arg8[%parallel_loop3A_449] {strides = array<i32>} : memref<2048xi32, #tpu.memory_space<vmem>>, vector<16xi32>,
      tpu.vector_store %arg8[%parallel_loop3A_449], %broadcast_in_dim3A_4 {strides = array<i32>} : memref<2048xi32, #tpu.memory_space<vmem>>, vector<16xi32>,
      %parallel_loop3A_451 = arith.constant true
      %parallel_loop3A_452 = vector.broadcast %parallel_loop3A_451 : i1 to vector<16xi1>
      %parallel_loop3A_453 = tpu.scan <sum>, %parallel_loop3A_446 masked %parallel_loop3A_452 : vector<16xi32>, vector<16xi1> -> vector<16xi32>
      %parallel_loop3A_454 = arith.addi %parallel_loop3A_440, %parallel_loop3A_453 : vector<16xi32>
      %parallel_loop3A_455 = arith.cmpi sle, %parallel_loop3A_454, %get3A_345 : vector<16xi32>
      %parallel_loop3A_456 = tpu.all_reduce %parallel_loop3A_455 {dim = 0 : i64, kind = #tpu.reduction_kind<sum>} : vector<16xi1> -> vector<16xi32>
      %parallel_loop3A_457 = arith.addi %parallel_loop3A_441, %parallel_loop3A_456 : vector<16xi32>
      %parallel_loop3A_458 = arith.constant 0 : i32
      %parallel_loop3A_459 = vector.broadcast %parallel_loop3A_458 : i32 to vector<16xi32>
      %parallel_loop3A_460 = arith.select %parallel_loop3A_455, %parallel_loop3A_446, %parallel_loop3A_459 : vector<16xi1>, vector<16xi32>
      %parallel_loop3A_461 = arith.addi %parallel_loop3A_442, %parallel_loop3A_460 : vector<16xi32>
      %parallel_loop3A_462 = arith.constant true
      %parallel_loop3A_463 = vector.broadcast %parallel_loop3A_462 : i1 to vector<16xi1>
      %parallel_loop3A_464 = tpu.scan <sum>, %parallel_loop3A_446 masked %parallel_loop3A_463 : vector<16xi32>, vector<16xi1> -> vector<16xi32>
      %parallel_loop3A_465 = vector.extract %parallel_loop3A_464[15] : i32 from vector<16xi32>
      %parallel_loop3A_466 = vector.broadcast %parallel_loop3A_465 : i32 to vector<16xi32>
      %parallel_loop3A_467 = arith.addi %parallel_loop3A_440, %parallel_loop3A_466 : vector<16xi32>
      scf.yield %parallel_loop3A_467, %parallel_loop3A_457, %parallel_loop3A_461 : vector<16xi32>, vector<16xi32>, vector<16xi32>
    } {sc.loop_unroll_factor = 1 : i64, sc.parallel_access}
    %reduce_sum3A_359 = arith.constant true
    %reduce_sum3A_360 = vector.broadcast %reduce_sum3A_359 : i1 to vector<16xi1>
    %reduce_sum3A_361 = tpu.scan <sum>, %parallel_loop3A_358#2 masked %reduce_sum3A_360 : vector<16xi32>, vector<16xi1> -> vector<16xi32>
    %reduce_sum3A_362 = vector.extract %reduce_sum3A_361[15] : i32 from vector<16xi32>
    %broadcast_in_dim3A_363 = vector.broadcast %reduce_sum3A_362 : i32 to vector<16xi32>
    %sub3A_364 = arith.subi %get3A_345, %broadcast_in_dim3A_363 : vector<16xi32>
    %parallel_loop3A_365 = arith.constant 0 : i32
    %parallel_loop3A_366 = arith.constant 2048 : i32
    %parallel_loop3A_367 = arith.constant 1 : i32
    scf.for %parallel_loop3A_439 = %parallel_loop3A_365 to %parallel_loop3A_366 step %parallel_loop3A_367  : i32 {
      %parallel_loop3A_440 = arith.constant 16 : i32
      %parallel_loop3A_441 = arith.muli %parallel_loop3A_439, %parallel_loop3A_440 : i32
      %parallel_loop3A_442 = arith.index_cast %parallel_loop3A_441 : i32 to index
      %parallel_loop3A_443 = tpu.vector_load %arg7[%parallel_loop3A_442] {strides = array<i32>} : memref<32768xf32, #tpu.memory_space<vmem>>, vector<16xf32>,
      %parallel_loop3A_444 = vector.bitcast %parallel_loop3A_443 : vector<16xf32> to vector<16xi32>
      %parallel_loop3A_445 = arith.constant 21 : i32
      %parallel_loop3A_446 = vector.broadcast %parallel_loop3A_445 : i32 to vector<16xi32>
      %parallel_loop3A_447 = arith.shrui %parallel_loop3A_444, %parallel_loop3A_446 : vector<16xi32>
      %parallel_loop3A_448 = arith.cmpi eq, %parallel_loop3A_447, %parallel_loop3A_358#1 : vector<16xi32>
      %parallel_loop3A_449 = arith.constant 10 : i32
      %parallel_loop3A_450 = vector.broadcast %parallel_loop3A_449 : i32 to vector<16xi32>
      %parallel_loop3A_451 = arith.shrui %parallel_loop3A_444, %parallel_loop3A_450 : vector<16xi32>
      %parallel_loop3A_452 = arith.constant 2047 : i32
      %parallel_loop3A_453 = vector.broadcast %parallel_loop3A_452 : i32 to vector<16xi32>
      %parallel_loop3A_454 = arith.andi %parallel_loop3A_451, %parallel_loop3A_453 : vector<16xi32>
      tpu.vector_store_idx %arg8[%parallel_loop3A_454], %broadcast_in_dim3A_8 masked %parallel_loop3A_448 {add = true} : memref<2048xi32, #tpu.memory_space<vmem>>[vector<16xi32>], vector<16xi32>, vector<16xi1>
    } {sc.loop_unroll_factor = 8 : i64, sc.parallel_access}
    %parallel_loop3A_368 = arith.constant 0 : i32
    %parallel_loop3A_369 = arith.constant 128 : i32
    %parallel_loop3A_370 = arith.constant 1 : i32
    %parallel_loop3A_371:3 = scf.for %parallel_loop3A_439 = %parallel_loop3A_368 to %parallel_loop3A_369 step %parallel_loop3A_370 iter_args(%parallel_loop3A_440 = %broadcast_in_dim3A_4, %parallel_loop3A_441 = %broadcast_in_dim3A_4, %parallel_loop3A_442 = %broadcast_in_dim3A_4) -> (vector<16xi32>, vector<16xi32>, vector<16xi32>)  : i32 {
      %parallel_loop3A_443 = arith.constant 16 : i32
      %parallel_loop3A_444 = arith.muli %parallel_loop3A_439, %parallel_loop3A_443 : i32
      %parallel_loop3A_445 = arith.index_cast %parallel_loop3A_444 : i32 to index
      %parallel_loop3A_446 = tpu.vector_load %arg8[%parallel_loop3A_445] {strides = array<i32>} : memref<2048xi32, #tpu.memory_space<vmem>>, vector<16xi32>,
      %parallel_loop3A_447 = arith.constant 16 : i32
      %parallel_loop3A_448 = arith.muli %parallel_loop3A_439, %parallel_loop3A_447 : i32
      %parallel_loop3A_449 = arith.index_cast %parallel_loop3A_448 : i32 to index
      %parallel_loop3A_450 = tpu.vector_load %arg8[%parallel_loop3A_449] {strides = array<i32>} : memref<2048xi32, #tpu.memory_space<vmem>>, vector<16xi32>,
      tpu.vector_store %arg8[%parallel_loop3A_449], %broadcast_in_dim3A_4 {strides = array<i32>} : memref<2048xi32, #tpu.memory_space<vmem>>, vector<16xi32>,
      %parallel_loop3A_451 = arith.constant true
      %parallel_loop3A_452 = vector.broadcast %parallel_loop3A_451 : i1 to vector<16xi1>
      %parallel_loop3A_453 = tpu.scan <sum>, %parallel_loop3A_446 masked %parallel_loop3A_452 : vector<16xi32>, vector<16xi1> -> vector<16xi32>
      %parallel_loop3A_454 = arith.addi %parallel_loop3A_440, %parallel_loop3A_453 : vector<16xi32>
      %parallel_loop3A_455 = arith.cmpi sle, %parallel_loop3A_454, %sub3A_364 : vector<16xi32>
      %parallel_loop3A_456 = tpu.all_reduce %parallel_loop3A_455 {dim = 0 : i64, kind = #tpu.reduction_kind<sum>} : vector<16xi1> -> vector<16xi32>
      %parallel_loop3A_457 = arith.addi %parallel_loop3A_441, %parallel_loop3A_456 : vector<16xi32>
      %parallel_loop3A_458 = arith.constant 0 : i32
      %parallel_loop3A_459 = vector.broadcast %parallel_loop3A_458 : i32 to vector<16xi32>
      %parallel_loop3A_460 = arith.select %parallel_loop3A_455, %parallel_loop3A_446, %parallel_loop3A_459 : vector<16xi1>, vector<16xi32>
      %parallel_loop3A_461 = arith.addi %parallel_loop3A_442, %parallel_loop3A_460 : vector<16xi32>
      %parallel_loop3A_462 = arith.constant true
      %parallel_loop3A_463 = vector.broadcast %parallel_loop3A_462 : i1 to vector<16xi1>
      %parallel_loop3A_464 = tpu.scan <sum>, %parallel_loop3A_446 masked %parallel_loop3A_463 : vector<16xi32>, vector<16xi1> -> vector<16xi32>
      %parallel_loop3A_465 = vector.extract %parallel_loop3A_464[15] : i32 from vector<16xi32>
      %parallel_loop3A_466 = vector.broadcast %parallel_loop3A_465 : i32 to vector<16xi32>
      %parallel_loop3A_467 = arith.addi %parallel_loop3A_440, %parallel_loop3A_466 : vector<16xi32>
      scf.yield %parallel_loop3A_467, %parallel_loop3A_457, %parallel_loop3A_461 : vector<16xi32>, vector<16xi32>, vector<16xi32>
    } {sc.loop_unroll_factor = 1 : i64, sc.parallel_access}
    %reduce_sum3A_372 = arith.constant true
    %reduce_sum3A_373 = vector.broadcast %reduce_sum3A_372 : i1 to vector<16xi1>
    %reduce_sum3A_374 = tpu.scan <sum>, %parallel_loop3A_371#2 masked %reduce_sum3A_373 : vector<16xi32>, vector<16xi1> -> vector<16xi32>
    %reduce_sum3A_375 = vector.extract %reduce_sum3A_374[15] : i32 from vector<16xi32>
    %broadcast_in_dim3A_376 = vector.broadcast %reduce_sum3A_375 : i32 to vector<16xi32>
    %sub3A_377 = arith.subi %sub3A_364, %broadcast_in_dim3A_376 : vector<16xi32>
    %shift_left3A_378 = arith.constant 11 : i32
    %shift_left3A_379 = vector.broadcast %shift_left3A_378 : i32 to vector<16xi32>
    %shift_left3A_380 = arith.shli %parallel_loop3A_358#1, %shift_left3A_379 : vector<16xi32>
    %or3A_381 = arith.ori %shift_left3A_380, %parallel_loop3A_371#1 : vector<16xi32>
    %parallel_loop3A_382 = arith.constant 0 : i32
    %parallel_loop3A_383 = arith.constant 2048 : i32
    %parallel_loop3A_384 = arith.constant 1 : i32
    %parallel_loop3A_385 = scf.for %parallel_loop3A_439 = %parallel_loop3A_382 to %parallel_loop3A_383 step %parallel_loop3A_384 iter_args(%parallel_loop3A_440 = %broadcast_in_dim3A_6) -> (vector<16xf32>)  : i32 {
      %parallel_loop3A_441 = arith.constant 16 : i32
      %parallel_loop3A_442 = arith.muli %parallel_loop3A_439, %parallel_loop3A_441 : i32
      %parallel_loop3A_443 = arith.index_cast %parallel_loop3A_442 : i32 to index
      %parallel_loop3A_444 = tpu.vector_load %arg7[%parallel_loop3A_443] {strides = array<i32>} : memref<32768xf32, #tpu.memory_space<vmem>>, vector<16xf32>,
      %parallel_loop3A_445 = vector.bitcast %parallel_loop3A_444 : vector<16xf32> to vector<16xi32>
      %parallel_loop3A_446 = arith.constant 0 : i32
      %parallel_loop3A_447 = vector.broadcast %parallel_loop3A_446 : i32 to vector<16xi32>
      %parallel_loop3A_448 = arith.cmpi sge, %parallel_loop3A_445, %parallel_loop3A_447 : vector<16xi32>
      %parallel_loop3A_449 = arith.constant dense<-1> : vector<16xi32>
      %parallel_loop3A_450 = arith.xori %parallel_loop3A_445, %parallel_loop3A_449 : vector<16xi32>
      %parallel_loop3A_451 = arith.constant -2147483648 : i32
      %parallel_loop3A_452 = vector.broadcast %parallel_loop3A_451 : i32 to vector<16xi32>
      %parallel_loop3A_453 = arith.xori %parallel_loop3A_445, %parallel_loop3A_452 : vector<16xi32>
      %parallel_loop3A_454 = arith.select %parallel_loop3A_448, %parallel_loop3A_450, %parallel_loop3A_453 : vector<16xi1>, vector<16xi32>
      %parallel_loop3A_455 = vector.bitcast %parallel_loop3A_454 : vector<16xi32> to vector<16xf32>
      %parallel_loop3A_456 = arith.constant 10 : i32
      %parallel_loop3A_457 = vector.broadcast %parallel_loop3A_456 : i32 to vector<16xi32>
      %parallel_loop3A_458 = arith.shrui %parallel_loop3A_445, %parallel_loop3A_457 : vector<16xi32>
      %parallel_loop3A_459 = arith.cmpi eq, %parallel_loop3A_458, %or3A_381 : vector<16xi32>
      %parallel_loop3A_460 = arith.constant 1023 : i32
      %parallel_loop3A_461 = vector.broadcast %parallel_loop3A_460 : i32 to vector<16xi32>
      %parallel_loop3A_462 = arith.andi %parallel_loop3A_445, %parallel_loop3A_461 : vector<16xi32>
      tpu.vector_store_idx %arg8[%parallel_loop3A_462], %broadcast_in_dim3A_8 masked %parallel_loop3A_459 {add = true} : memref<2048xi32, #tpu.memory_space<vmem>>[vector<16xi32>], vector<16xi32>, vector<16xi1>
      %parallel_loop3A_463 = arith.cmpi sgt, %parallel_loop3A_458, %or3A_381 : vector<16xi32>
      %parallel_loop3A_464 = arith.constant 0.000000e+00 : f32
      %parallel_loop3A_465 = vector.broadcast %parallel_loop3A_464 : f32 to vector<16xf32>
      %parallel_loop3A_466 = arith.select %parallel_loop3A_463, %parallel_loop3A_455, %parallel_loop3A_465 : vector<16xi1>, vector<16xf32>
      %parallel_loop3A_467 = arith.addf %parallel_loop3A_440, %parallel_loop3A_466 : vector<16xf32>
      scf.yield %parallel_loop3A_467 : vector<16xf32>
    } {sc.loop_unroll_factor = 8 : i64, sc.parallel_access}
    %shift_left3A_386 = arith.constant 10 : i32
    %shift_left3A_387 = vector.broadcast %shift_left3A_386 : i32 to vector<16xi32>
    %shift_left3A_388 = arith.shli %or3A_381, %shift_left3A_387 : vector<16xi32>
    %parallel_loop3A_389 = arith.constant 0 : i32
    %parallel_loop3A_390 = arith.constant 64 : i32
    %parallel_loop3A_391 = arith.constant 1 : i32
    %parallel_loop3A_392:3 = scf.for %parallel_loop3A_439 = %parallel_loop3A_389 to %parallel_loop3A_390 step %parallel_loop3A_391 iter_args(%parallel_loop3A_440 = %broadcast_in_dim3A_4, %parallel_loop3A_441 = %broadcast_in_dim3A_4, %parallel_loop3A_442 = %broadcast_in_dim3A_6) -> (vector<16xi32>, vector<16xi32>, vector<16xf32>)  : i32 {
      %parallel_loop3A_443 = arith.constant 16 : i32
      %parallel_loop3A_444 = arith.muli %parallel_loop3A_439, %parallel_loop3A_443 : i32
      %parallel_loop3A_445 = arith.index_cast %parallel_loop3A_444 : i32 to index
      %parallel_loop3A_446 = tpu.vector_load %arg8[%parallel_loop3A_445] {strides = array<i32>} : memref<2048xi32, #tpu.memory_space<vmem>>, vector<16xi32>,
      %parallel_loop3A_447 = arith.constant 16 : i32
      %parallel_loop3A_448 = arith.muli %parallel_loop3A_439, %parallel_loop3A_447 : i32
      %parallel_loop3A_449 = arith.index_cast %parallel_loop3A_448 : i32 to index
      %parallel_loop3A_450 = tpu.vector_load %arg8[%parallel_loop3A_449] {strides = array<i32>} : memref<2048xi32, #tpu.memory_space<vmem>>, vector<16xi32>,
      tpu.vector_store %arg8[%parallel_loop3A_449], %broadcast_in_dim3A_4 {strides = array<i32>} : memref<2048xi32, #tpu.memory_space<vmem>>, vector<16xi32>,
      %parallel_loop3A_451 = arith.constant true
      %parallel_loop3A_452 = vector.broadcast %parallel_loop3A_451 : i1 to vector<16xi1>
      %parallel_loop3A_453 = tpu.scan <sum>, %parallel_loop3A_446 masked %parallel_loop3A_452 : vector<16xi32>, vector<16xi1> -> vector<16xi32>
      %parallel_loop3A_454 = arith.addi %parallel_loop3A_440, %parallel_loop3A_453 : vector<16xi32>
      %parallel_loop3A_455 = arith.cmpi sle, %parallel_loop3A_454, %sub3A_377 : vector<16xi32>
      %parallel_loop3A_456 = tpu.all_reduce %parallel_loop3A_455 {dim = 0 : i64, kind = #tpu.reduction_kind<sum>} : vector<16xi1> -> vector<16xi32>
      %parallel_loop3A_457 = arith.addi %parallel_loop3A_441, %parallel_loop3A_456 : vector<16xi32>
      %parallel_loop3A_458 = tpu.iota {dimensions = array<i32: 0>} : vector<16xi32>
      %parallel_loop3A_459 = arith.constant 16 : i32
      %parallel_loop3A_460 = arith.muli %parallel_loop3A_439, %parallel_loop3A_459 : i32
      %parallel_loop3A_461 = vector.broadcast %parallel_loop3A_460 : i32 to vector<16xi32>
      %parallel_loop3A_462 = arith.addi %parallel_loop3A_458, %parallel_loop3A_461 : vector<16xi32>
      %parallel_loop3A_463 = arith.ori %shift_left3A_388, %parallel_loop3A_462 : vector<16xi32>
      %parallel_loop3A_464 = arith.constant 0 : i32
      %parallel_loop3A_465 = vector.broadcast %parallel_loop3A_464 : i32 to vector<16xi32>
      %parallel_loop3A_466 = arith.cmpi sge, %parallel_loop3A_463, %parallel_loop3A_465 : vector<16xi32>
      %parallel_loop3A_467 = arith.constant dense<-1> : vector<16xi32>
      %parallel_loop3A_468 = arith.xori %parallel_loop3A_463, %parallel_loop3A_467 : vector<16xi32>
      %parallel_loop3A_469 = arith.constant -2147483648 : i32
      %parallel_loop3A_470 = vector.broadcast %parallel_loop3A_469 : i32 to vector<16xi32>
      %parallel_loop3A_471 = arith.xori %parallel_loop3A_463, %parallel_loop3A_470 : vector<16xi32>
      %parallel_loop3A_472 = arith.select %parallel_loop3A_466, %parallel_loop3A_468, %parallel_loop3A_471 : vector<16xi1>, vector<16xi32>
      %parallel_loop3A_473 = vector.bitcast %parallel_loop3A_472 : vector<16xi32> to vector<16xf32>
      %parallel_loop3A_474 = arith.sitofp %parallel_loop3A_446 : vector<16xi32> to vector<16xf32>
      %parallel_loop3A_475 = arith.mulf %parallel_loop3A_474, %parallel_loop3A_473 : vector<16xf32>
      %parallel_loop3A_476 = arith.constant 0.000000e+00 : f32
      %parallel_loop3A_477 = vector.broadcast %parallel_loop3A_476 : f32 to vector<16xf32>
      %parallel_loop3A_478 = arith.select %parallel_loop3A_455, %parallel_loop3A_477, %parallel_loop3A_475 : vector<16xi1>, vector<16xf32>
      %parallel_loop3A_479 = arith.addf %parallel_loop3A_442, %parallel_loop3A_478 : vector<16xf32>
      %parallel_loop3A_480 = arith.constant true
      %parallel_loop3A_481 = vector.broadcast %parallel_loop3A_480 : i1 to vector<16xi1>
      %parallel_loop3A_482 = tpu.scan <sum>, %parallel_loop3A_446 masked %parallel_loop3A_481 : vector<16xi32>, vector<16xi1> -> vector<16xi32>
      %parallel_loop3A_483 = vector.extract %parallel_loop3A_482[15] : i32 from vector<16xi32>
      %parallel_loop3A_484 = vector.broadcast %parallel_loop3A_483 : i32 to vector<16xi32>
      %parallel_loop3A_485 = arith.addi %parallel_loop3A_440, %parallel_loop3A_484 : vector<16xi32>
      scf.yield %parallel_loop3A_485, %parallel_loop3A_457, %parallel_loop3A_479 : vector<16xi32>, vector<16xi32>, vector<16xf32>
    } {sc.loop_unroll_factor = 1 : i64, sc.parallel_access}
    %add3A_393 = arith.addf %parallel_loop3A_392#2, %parallel_loop3A_385 : vector<16xf32>
    %reduce_sum3A_394 = arith.constant true
    %reduce_sum3A_395 = vector.broadcast %reduce_sum3A_394 : i1 to vector<16xi1>
    %reduce_sum3A_396 = tpu.scan <sum>, %add3A_393 masked %reduce_sum3A_395 : vector<16xf32>, vector<16xi1> -> vector<16xf32>
    %reduce_sum3A_397 = vector.extract %reduce_sum3A_396[15] : f32 from vector<16xf32>
    %broadcast_in_dim3A_398 = vector.broadcast %reduce_sum3A_397 : f32 to vector<16xf32>
    %shift_left3A_399 = arith.constant 10 : i32
    %shift_left3A_400 = vector.broadcast %shift_left3A_399 : i32 to vector<16xi32>
    %shift_left3A_401 = arith.shli %or3A_381, %shift_left3A_400 : vector<16xi32>
    %or3A_402 = arith.ori %shift_left3A_401, %parallel_loop3A_392#1 : vector<16xi32>
    %xor3A_403 = arith.constant -2147483648 : i32
    %xor3A_404 = vector.broadcast %xor3A_403 : i32 to vector<16xi32>
    %xor3A_405 = arith.xori %or3A_402, %xor3A_404 : vector<16xi32>
    %eq3A_406 = arith.constant 0.000000e+00 : f32
    %eq3A_407 = vector.broadcast %eq3A_406 : f32 to vector<16xf32>
    %eq3A_408 = arith.cmpf oeq, %broadcast_in_dim3A_398, %eq3A_407 : vector<16xf32>
    %div3A_409 = arith.divf %broadcast_in_dim3A_354, %broadcast_in_dim3A_398 : vector<16xf32>
    %jit3A_410 = arith.constant 0.000000e+00 : f32
    %broadcast_in_dim3A_411 = vector.broadcast %jit3A_410 : f32 to vector<16xf32>
    %select_n3A_412 = arith.select %eq3A_408, %broadcast_in_dim3A_411, %div3A_409 : vector<16xi1>, vector<16xf32>
    %abs3A_413 = math.absf %select_n3A_412 : vector<16xf32>
    %parallel_loop3A_414 = arith.constant 0 : i32
    %parallel_loop3A_415 = arith.constant 2048 : i32
    %parallel_loop3A_416 = arith.constant 1 : i32
    scf.for %parallel_loop3A_439 = %parallel_loop3A_414 to %parallel_loop3A_415 step %parallel_loop3A_416  : i32 {
      %parallel_loop3A_440 = arith.constant 16 : i32
      %parallel_loop3A_441 = arith.muli %parallel_loop3A_439, %parallel_loop3A_440 : i32
      %parallel_loop3A_442 = arith.index_cast %parallel_loop3A_441 : i32 to index
      %parallel_loop3A_443 = tpu.vector_load %arg7[%parallel_loop3A_442] {strides = array<i32>} : memref<32768xf32, #tpu.memory_space<vmem>>, vector<16xf32>,
      %parallel_loop3A_444 = vector.bitcast %parallel_loop3A_443 : vector<16xf32> to vector<16xi32>
      %parallel_loop3A_445 = arith.constant 0 : i32
      %parallel_loop3A_446 = vector.broadcast %parallel_loop3A_445 : i32 to vector<16xi32>
      %parallel_loop3A_447 = arith.cmpi sge, %parallel_loop3A_444, %parallel_loop3A_446 : vector<16xi32>
      %parallel_loop3A_448 = arith.constant dense<-1> : vector<16xi32>
      %parallel_loop3A_449 = arith.xori %parallel_loop3A_444, %parallel_loop3A_448 : vector<16xi32>
      %parallel_loop3A_450 = arith.constant -2147483648 : i32
      %parallel_loop3A_451 = vector.broadcast %parallel_loop3A_450 : i32 to vector<16xi32>
      %parallel_loop3A_452 = arith.xori %parallel_loop3A_444, %parallel_loop3A_451 : vector<16xi32>
      %parallel_loop3A_453 = arith.select %parallel_loop3A_447, %parallel_loop3A_449, %parallel_loop3A_452 : vector<16xi1>, vector<16xi32>
      %parallel_loop3A_454 = vector.bitcast %parallel_loop3A_453 : vector<16xi32> to vector<16xf32>
      %parallel_loop3A_455 = arith.constant -2147483648 : i32
      %parallel_loop3A_456 = vector.broadcast %parallel_loop3A_455 : i32 to vector<16xi32>
      %parallel_loop3A_457 = arith.xori %parallel_loop3A_444, %parallel_loop3A_456 : vector<16xi32>
      %parallel_loop3A_458 = arith.cmpi sge, %parallel_loop3A_457, %xor3A_405 : vector<16xi32>
      %parallel_loop3A_459 = arith.constant 0.000000e+00 : f32
      %parallel_loop3A_460 = vector.broadcast %parallel_loop3A_459 : f32 to vector<16xf32>
      %parallel_loop3A_461 = arith.select %parallel_loop3A_458, %parallel_loop3A_454, %parallel_loop3A_460 : vector<16xi1>, vector<16xf32>
      %parallel_loop3A_462 = arith.mulf %abs3A_413, %parallel_loop3A_461 : vector<16xf32>
      %parallel_loop3A_463 = arith.select %ne3A_3, %parallel_loop3A_462, %parallel_loop3A_454 : vector<16xi1>, vector<16xf32>
      %parallel_loop3A_464 = arith.constant 16 : i32
      %parallel_loop3A_465 = arith.muli %parallel_loop3A_439, %parallel_loop3A_464 : i32
      %parallel_loop3A_466 = arith.index_cast %parallel_loop3A_465 : i32 to index
      %parallel_loop3A_467 = tpu.vector_load %arg7[%parallel_loop3A_466] {strides = array<i32>} : memref<32768xf32, #tpu.memory_space<vmem>>, vector<16xf32>,
      tpu.vector_store %arg7[%parallel_loop3A_466], %parallel_loop3A_463 {strides = array<i32>} : memref<32768xf32, #tpu.memory_space<vmem>>, vector<16xf32>,
    } {sc.loop_unroll_factor = 8 : i64, sc.parallel_access}
    %mul3A_417 = arith.constant 4 : i32
    %mul3A_418 = arith.muli %add3A, %mul3A_417 : i32
    %add3A_419 = arith.constant 3 : i32
    %add3A_420 = arith.addi %mul3A_418, %add3A_419 : i32
    %dma_start3A_421 = arith.constant 0 : i32
    %dma_start3A_422 = tpu.memref_slice %arg5[%add3A_420, %dma_start3A_421] : memref<128x32768xf32, #tpu.memory_space<hbm>> -> memref<1x32768xf32, #tpu.memory_space<hbm>>
    %dma_start3A_423 = tpu.memref_squeeze %dma_start3A_422 : memref<1x32768xf32, #tpu.memory_space<hbm>> -> memref<32768xf32, #tpu.memory_space<hbm>>
    %dma_start3A_424 = arith.constant 0 : i32
    %dma_start3A_425 = tpu.memref_slice %arg5[%add3A_420, %dma_start3A_424] : memref<128x32768xf32, #tpu.memory_space<hbm>> -> memref<1x32768xf32, #tpu.memory_space<hbm>>
    %dma_start3A_426 = tpu.memref_squeeze %dma_start3A_425 : memref<1x32768xf32, #tpu.memory_space<hbm>> -> memref<32768xf32, #tpu.memory_space<hbm>>
    tpu.enqueue_dma source(%arg7 : memref<32768xf32, #tpu.memory_space<vmem>>) target(%dma_start3A_426 : memref<32768xf32, #tpu.memory_space<hbm>>) target_semaphore(%arg14 : memref<!tpu.dma_semaphore, #tpu.memory_space<semaphore_mem>>)
    %dma_wait3A_427 = arith.constant 0 : i32
    %dma_wait3A_428 = tpu.memref_slice %arg5[%add3A_327, %dma_wait3A_427] : memref<128x32768xf32, #tpu.memory_space<hbm>> -> memref<1x32768xf32, #tpu.memory_space<hbm>>
    %dma_wait3A_429 = tpu.memref_squeeze %dma_wait3A_428 : memref<1x32768xf32, #tpu.memory_space<hbm>> -> memref<32768xf32, #tpu.memory_space<hbm>>
    %dma_wait3A_430 = arith.constant 0 : i32
    %dma_wait3A_431 = tpu.memref_slice %arg5[%add3A_327, %dma_wait3A_430] : memref<128x32768xf32, #tpu.memory_space<hbm>> -> memref<1x32768xf32, #tpu.memory_space<hbm>>
    %dma_wait3A_432 = tpu.memref_squeeze %dma_wait3A_431 : memref<1x32768xf32, #tpu.memory_space<hbm>> -> memref<32768xf32, #tpu.memory_space<hbm>>
    tpu.wait_dma2 semaphore(%arg13 : memref<!tpu.dma_semaphore, #tpu.memory_space<semaphore_mem>>) src(%arg6 : memref<32768xf32, #tpu.memory_space<vmem>>) dst(%dma_wait3A_432 : memref<32768xf32, #tpu.memory_space<hbm>>)
    %dma_wait3A_433 = arith.constant 0 : i32
    %dma_wait3A_434 = tpu.memref_slice %arg5[%add3A_420, %dma_wait3A_433] : memref<128x32768xf32, #tpu.memory_space<hbm>> -> memref<1x32768xf32, #tpu.memory_space<hbm>>
    %dma_wait3A_435 = tpu.memref_squeeze %dma_wait3A_434 : memref<1x32768xf32, #tpu.memory_space<hbm>> -> memref<32768xf32, #tpu.memory_space<hbm>>
    %dma_wait3A_436 = arith.constant 0 : i32
    %dma_wait3A_437 = tpu.memref_slice %arg5[%add3A_420, %dma_wait3A_436] : memref<128x32768xf32, #tpu.memory_space<hbm>> -> memref<1x32768xf32, #tpu.memory_space<hbm>>
    %dma_wait3A_438 = tpu.memref_squeeze %dma_wait3A_437 : memref<1x32768xf32, #tpu.memory_space<hbm>> -> memref<32768xf32, #tpu.memory_space<hbm>>
    tpu.wait_dma2 semaphore(%arg14 : memref<!tpu.dma_semaphore, #tpu.memory_space<semaphore_mem>>) src(%arg7 : memref<32768xf32, #tpu.memory_space<vmem>>) dst(%dma_wait3A_438 : memref<32768xf32, #tpu.memory_space<hbm>>)
    return
  }
}

</mosaic_0001>

<sc_bundles>
// kernel: kernel.5.cloned.1.call-start
scs
__scs_entry_jumppad:
0x0: {  	(pc) =	sbr.rel $0x88, $3  }
0x1: {  	(tag) =	ssettag $0x0;
	lr =	simm.s32 $0x1  }
0x2: {  	[smem:$0x3F9F] =	sst lr;
	_ =	strace $0xD0000000  }
0x3: {  	_ = 	snop  }
0x4: {  	_ = 	snop  }
0x5: {  	_ = 	snop  }
0x6: {  	_ = 	snop  }
0x7: {  	_ = 	snop  }
__scs_overlays_trampoline_lowered:
0x8: {  	[smem:$0x3FAE] =	sst s0  }
0x9: {  	[smem:$0x3FAF] =	sst s1  }
0xa: {  	[smem:$0x3FB0] =	sst s2  }
0xb: {  	[smem:$0x3FB1] =	sst s3  }
0xc: {  	[smem:$0x3FB2] =	sst s4  }
0xd: {  	[smem:$0x3FB3] =	sst s5  }
0xe: {  	[smem:$0x3FB4] =	sst s6  }
0xf: {  	[smem:$0x3FB5] =	sst s7  }
0x10: {  	[smem:$0x3FB6] =	sst s8  }
0x11: {  	[smem:$0x3FB7] =	sst s9;
	s0 =	simm.s32 @!p0 $0x0  }
0x12: {  	s1 =	sld [smem:$0x3F9D];
	s0 =	simm.s32 @p0 $0x1  }
0x13: {  	[smem:$0x3FB8] =	sst s0;
	s0 =	simm.s32 @!p1 $0x0  }
0x14: {  	s2 =	sld [smem:$0x3F9C];
	s0 =	simm.s32 @p1 $0x1  }
0x15: {  	[smem:$0x3FB9] =	sst s0;
	s0 =	simm.s32 @!p2 $0x0  }
0x16: {  	s3 =	sld [smem:$0x3FDB];
	s0 =	simm.s32 @p2 $0x1  }
0x17: {  	s4 =	simm.s32 $0x1BF5;
	[smem:$0x3FBB] =	sst s0  }
0x18: {  	s0 =	sld [smem:$0x3F9E];
	_ =	swait.ge [sflag:s4], $0x0  }
0x19: {  	s7 =	sld [smem:$0x3F9F]  }
0x1a: {  	s8 =	sadd.s32 $0xFFFFE003, lr  }
0x1b: {  	s9 =	sadd.s32 $0xFFFFFEF7, lr;
	s5 =	simm.s32 $0xFFFFFFFF;
	p2 =	slt.u32 s8, $0xFFFFF086  }
0x1c: {  	p1 =	slt.u32 s9, $0xF7A;
	s5 =	simm.s32 @!p2 $0x0  }
0x1d: {  	s5 =	simm.s32 @p1 $0x1;
	p0 =	seq.s32 s7, s2  }
0x1e: {  	s7 =	smul.u32 @!p0 $0xF7A, s2;
	p2 =	seq.s32 @!p0 s5, $0x0  }
0x1f: {  	s9 =	smul.u32 $0xF7A, s1;
	s8 =	simm.s32 @!p0 $0x1BF5;
	p2 =	por !p2, p0  }
0x20: {  	[sflag:s8] =	ssyncset.s32 @!p0 $0xFFFFF086;
	s6 =	sadd.s32 @!p0 s3, s7;
	s7 =	simm.s32 @!p0 $0x108  }
0x21: {  	s3 =	sadd.s32 s3, s9;
	s6 =	sadd.s32 @!p0 $0x88, s6;
	s7 =	simm.s32 @p2 $0x1082  }
0x22: {  	[simem:s7], [sflag:s8] =	dma.local @!p0 [hbm:s6], $0xF7A  }
0x23: {  	s9 =	sor.u32 $0xD0000000, s2;
	s6 =	simm.s32 $0x108;
	_ =	swait.ge @!p0 [sflag:s8], $0x0  }
0x24: {  	s3 =	sadd.s32 $0x88, s3;
	s6 =	simm.s32 @!p1 $0x1082;
	[sflag:s4] =	ssyncset.s32 $0xFFFFF086  }
0x25: {  	[simem:s6], [sflag:s4] =	dma.local [hbm:s3], $0xF7A  }
0x26: {  	[smem:$0x3F9F] =	sst s1;
	(tag) =	ssettag s2;
	_ =	strace s9  }
0x27: {  	s1 =	sld [smem:$0x3FAF]  }
0x28: {  	s2 =	sld [smem:$0x3FB0]  }
0x29: {  	s4 =	sld [smem:$0x3FB2]  }
0x2a: {  	p0 =	seq.s32 s5, $0x0;
	s5 =	sld [smem:$0x3FB3]  }
0x2b: {  	s6 =	sld [smem:$0x3FB4]  }
0x2c: {  	s7 =	sld [smem:$0x3FB5]  }
0x2d: {  	s3 =	simm.s32 $0x108;
	s8 =	sld [smem:$0x3FB6]  }
0x2e: {  	s3 =	simm.s32 @!p0 $0x1082;
	s9 =	sld [smem:$0x3FB7]  }
0x2f: {  	lr =	sadd.s32 s0, s3;
	s0 =	sld [smem:$0x3FAE]  }
0x30: {  	s3 =	sld [smem:$0x3FB1]  }
0x31: {  	[smem:$0x3FBA] =	sst s10  }
0x32: {  	s10 =	sld [smem:$0x3FB8];
	_ =	sdelay $0x3  }
0x33: {  	p0 =	seq.s32 s10, $0x1;
	s10 =	sld [smem:$0x3FBA];
	_ =	sdelay $0x3  }
0x34: {  	[smem:$0x3FBA] =	sst s10  }
0x35: {  	s10 =	sld [smem:$0x3FB9];
	_ =	sdelay $0x3  }
0x36: {  	p1 =	seq.s32 s10, $0x1;
	s10 =	sld [smem:$0x3FBA];
	_ =	sdelay $0x3  }
0x37: {  	[smem:$0x3FBA] =	sst s10  }
0x38: {  	s10 =	sld [smem:$0x3FBB]  }
0x39: {  	_ = 	snop;
	(pc) =	sbr.ind lr, $3  }
0x3a: {  	_ = 	snop  }
0x3b: {  	_ = 	snop  }
0x3c: {  	p2 =	seq.s32 s10, $0x1;
	s10 =	sld [smem:$0x3FBA]  }
0x3d: {  	_ =	shalt  }
0x3e: {  	_ =	shalt  }
0x3f: {  	_ =	shalt  }
0x40: {  	_ =	shalt  }
0x41: {  	_ =	shalt  }
0x42: {  	_ =	shalt  }
0x43: {  	_ =	shalt  }
0x44: {  	_ =	shalt  }
0x45: {  	_ =	shalt  }
0x46: {  	_ =	shalt  }
0x47: {  	_ =	shalt  }
0x48: {  	_ =	shalt  }
0x49: {  	_ =	shalt  }
0x4a: {  	_ =	shalt  }
0x4b: {  	_ =	shalt  }
0x4c: {  	_ =	shalt  }
0x4d: {  	_ =	shalt  }
0x4e: {  	_ =	shalt  }
0x4f: {  	_ =	shalt  }
0x50: {  	_ =	shalt  }
0x51: {  	_ =	shalt  }
0x52: {  	_ =	shalt  }
0x53: {  	_ =	shalt  }
0x54: {  	_ =	shalt  }
0x55: {  	_ =	shalt  }
0x56: {  	_ =	shalt  }
0x57: {  	_ =	shalt  }
0x58: {  	_ =	shalt  }
0x59: {  	_ =	shalt  }
0x5a: {  	_ =	shalt  }
0x5b: {  	_ =	shalt  }
0x5c: {  	_ =	shalt  }
0x5d: {  	_ =	shalt  }
0x5e: {  	_ =	shalt  }
0x5f: {  	_ =	shalt  }
0x60: {  	_ =	shalt  }
0x61: {  	_ =	shalt  }
0x62: {  	_ =	shalt  }
0x63: {  	_ =	shalt  }
0x64: {  	_ =	shalt  }
0x65: {  	_ =	shalt  }
0x66: {  	_ =	shalt  }
0x67: {  	_ =	shalt  }
0x68: {  	_ =	shalt  }
0x69: {  	_ =	shalt  }
0x6a: {  	_ =	shalt  }
0x6b: {  	_ =	shalt  }
0x6c: {  	_ =	shalt  }
0x6d: {  	_ =	shalt  }
0x6e: {  	_ =	shalt  }
0x6f: {  	_ =	shalt  }
0x70: {  	_ =	shalt  }
0x71: {  	_ =	shalt  }
0x72: {  	_ =	shalt  }
0x73: {  	_ =	shalt  }
0x74: {  	_ =	shalt  }
0x75: {  	_ =	shalt  }
0x76: {  	_ =	shalt  }
0x77: {  	_ =	shalt  }
0x78: {  	_ =	shalt  }
0x79: {  	_ =	shalt  }
0x7a: {  	_ =	shalt  }
0x7b: {  	_ =	shalt  }
0x7c: {  	_ =	shalt  }
0x7d: {  	_ =	shalt  }
0x7e: {  	_ =	shalt  }
0x7f: {  	_ =	shalt  }
0x80: {  	_ =	shalt  }
0x81: {  	_ =	shalt  }
0x82: {  	_ =	shalt  }
0x83: {  	_ =	shalt  }
0x84: {  	_ =	shalt  }
0x85: {  	_ =	shalt  }
0x86: {  	_ =	shalt  }
0x87: {  	_ =	shalt  }
.Lfunc_end0:
.L_simem_size_0:
called_computation_lowered:
.L_overlay_start_0:
0x88: {  	s2 =	sld [smem:$0x3FD9]  }
0x89: {  	s3 =	sld [smem:$0x3FFE];
	_ =	sdelay $0x1  }
0x8a: {  	s1 =	srdreg.scid  }
0x8b: {  	s0 =	sand.u32 $0x1, s1  }
0x8c: {  	s17 =	sshll.u32 s0, $0xA;
	s2 =	sadd.s32 s3, s2  }
0x8d: {  	s2 =	sadd.s32 s2, s17  }
0x8e: {  	[smem:$0x3FC6] =	sst s2  }
0x8f: {  	_ = 	snop  }
0x90: {  	s2 =	sld [smem:$0x3FC9]  }
0x91: {  	s18 =	sld [smem:$0x3FD0];
	(tm) =	ssettm $0x1  }
0x92: {  	s4 =	sld [smem:$0x3FFB];
	_ =	sdelay $0x3  }
0x93: {  	_ =	strace s4  }
0x94: {  	s4 =	sld [smem:$0x3FFC];
	_ =	sdelay $0x3  }
0x95: {  	_ =	strace s4  }
0x96: {  	s4 =	sld [smem:$0x3FFD];
	_ =	sdelay $0x3  }
0x97: {  	_ =	strace s4  }
0x98: {  	_ =	strace $0x8FFFFFFF  }
0x99: {  	s19 =	sld [smem:$0x3FDB];
	_ =	sdelay $0x1  }
0x9a: {  	s5 =	simm.s32 $_scs_section_size  }
0x9b: {  	s6 =	simm.s32 $_size__tile_overlayer_lowered;
	s7 =	simm.s32 $_tile_overlayer_lowered  }
0x9c: {  	s22 =	simm.s32 $0x1BFF;
	s21 =	sshll.u32 s7, $0x1;
	s4 =	sadd.s32 s5, s19  }
0x9d: {  	s8 =	simm.s32 $0x0;
	s20 =	sshll.u32 s6, $0x1;
	s6 =	sadd.s32 s21, s4  }
0x9e: {  	[timem:s8], [sflag:s22] =	dma.local [hbm:s6], s20  }
0x9f: {  	_ =	swait.ge [sflag:s22], s20  }
0xa0: {  	s5 =	ssub.s32 $0x0, s20;
	[sflag:s22] =	ssyncset.done $0x0  }
0xa1: {  	[sflag:s22] =	ssyncadd.s32 s5;
	_ =	sdelay $0x1  }
0xa2: {  	s23 =	simm.s32 $0x1B8B  }
0xa3: {  	_ =	swait.ge [sflag:s23], $0x1  }
0xa4: {  	[sflag:s23] =	ssyncset.done $0x0  }
0xa5: {  	s25 =	simm.s32 $0x1B8E;
	s24 =	sld [smem:$0x3FFE];
	[sflag:s23] =	ssyncadd.s32 $0xFFFFFFFF  }
0xa6: {  	s26 =	simm.s32 $execute0_lowered;
	[smem:$0x3FD2] =	sst s25  }
0xa7: {  	s6 =	sshll.u32 s26, $0x1;
	_ =	strace $0x80000046;
	[dreg:$0x1] =	wrdreg $0xFFFFFFFF  }
0xa8: {  	s28 =	simm.s32 $_size_execute0_lowered;
	s4 =	sadd.s32 s4, s6;
	[dreg:$0x0] =	wrdreg $0x0  }
0xa9: {  	s6 =	sshll.u32 s28, $0x1;
	[dreg:$0x2] =	wrdreg s4  }
0xaa: {  	[dreg:$0x3] =	wrdreg s6  }
0xab: {  	[dreg:$0x4] =	wrdreg $0xC0  }
0xac: {  	_ =	task [dreg:s8], $0x5FFFF  }
0xad: {  	[dreg:$0x1] =	wrdreg $0xFFFFFFFF  }
0xae: {  	[dreg:$0x0] =	wrdreg $0x60  }
0xaf: {  	[dreg:$0x2] =	wrdreg s2  }
0xb0: {  	[dreg:$0x3] =	wrdreg s24  }
0xb1: {  	[dreg:$0x4] =	wrdreg s18  }
0xb2: {  	[dreg:$0x5] =	wrdreg $0x9  }
0xb3: {  	_ =	task.clear_ibuf [dreg:s8], $0x6FFFF;
	_ =	strace $0x90000046  }
0xb4: {  	s29 =	simm.s32 $0x9;
	_ =	strace $0x80000048  }
0xb5: {  	_ =	swait.ge [sflag:s29], $0x1  }
0xb6: {  	[sflag:s29] =	ssyncadd.s32 $0xFFFFFFFF  }
0xb7: {  	_ =	strace $0x90000048  }
0xb8: {  	_ =	sfence  }
0xb9: {  	s30 =	sld [smem:$0x0];
	_ =	sdelay $0x2  }
0xba: {  	s31 =	sshll.u32 s1, $0xD;
	s1 =	sshrl.u32 s1, $0x2  }
0xbb: {  	s3 =	sand.u32 $0x4000, s31;
	s1 =	sadd.s32 s1, s30  }
0xbc: {  	s0 =	sor.u32 s3, s0;
	s1 =	sshll.u32 s1, $0x11  }
0xbd: {  	s0 =	sor.u32 s1, s0  }
0xbe: {  	s0 =	sadd.s32 $0x8F2B, s0  }
0xbf: {  	[sflag:s0] =	ssyncadd.remote.s32 $0x1  }
0xc0: {  	_ =	sfence.sel $0xFFFF  }
0xc1: {  	[dreg:$0x0] =	wrdreg $0xFFFFFFFF;
	(pc) =	sbr.abs _section_cstart, $3  }
0xc2: {  	[dreg:$0x1] =	wrdreg $0xFFFFFFFF  }
0xc3: {  	_ =	task.clear_ibuf [dreg:s8], $0x2FFFF;
	_ =	strace $0x9FFFFFFF  }
0xc4: {  	(tm) =	ssettm $0x7FFFFFFF  }
0xc5: {  	_ =	shalt  }
tec
execute0_lowered:
.L_overlay_start_1:
0x0: {  	(tag) =	ssettag $0x1  }
0x1: {  	s10 =	rddreg [dreg:$0x0]  }
0x2: {  	s3 =	rddreg [dreg:$0x1]  }
0x3: {  	s12 =	rddreg [dreg:$0x2]  }
0x4: {  	s0 =	rddreg [dreg:$0x3]  }
0x5: {  	s4 =	srdreg.scid;
	s2 =	simm.s32 $0x0;
	s1 =	stileid.u32  }
0x6: {  	s16 =	simm.s32 $0x10800;
	s17 =	simm.s32 $0x80;
	s18 =	simm.s32 $0x400  }
0x7: {  	s19 =	simm.s32 $0x8000;
	s20 =	simm.s32 $0x1;
	s21 =	simm.s32 $0x10000  }
0x8: {  	s22 =	simm.s32 $0x3;
	s23 =	simm.s32 $0x2;
	s24 =	simm.s32 $0x4  }
0x9: {  	s25 =	simm.s32 $0x0;
	s4 =	sand.u32 $0x1, s4;
	[smem:$0x7FF] =	sst s2  }
0xa: {  	s5 =	sshll.u32 s1, $0x5;
	s7 =	sshll.u32 s1, $0xF;
	s6 =	sshll.u32 s4, $0x4  }
0xb: {  	_ =	strace $0x80000047;
	s31 =	ssub.s32 $0x2, s4;
	s4 =	sshll.u32 s4, $0x6  }
0xc: {  	s5 =	sor.u32 s6, s5;
	s8 =	sshrl.u32 s31, $0x1;
	s9 =	sor.u32 s4, s7  }
0xd: {  	s5 =	sadd.s32 s5, s3;
	s3 =	sadd.s32 $0x600, s3;
	s13 =	ssub.s32 s31, s8  }
0xe: {  	s11 =	sor.u32 $0x10, s9;
	s7 =	sadd.s32 s12, s9;
	s14 =	sor.u32 $0x20, s9  }
0xf: {  	s15 =	sor.u32 $0x30, s9;
	s4 =	sadd.s32 $0x400, s5;
	s5 =	sadd.s32 s10, s9  }
0x10: {  	s6 =	sadd.s32 s10, s11;
	s8 =	sadd.s32 s10, s14;
	s9 =	sadd.s32 s12, s11  }
0x11: {  	v0 =	vimm.s32 $0x0;
	s10 =	sadd.s32 s10, s15;
	s11 =	sadd.s32 s12, s14;
	s12 =	sadd.s32 s12, s15  }
0x12: {  	v1 =	vimm.s32 $0x1;
	v2 =	vimm.s32 $0x80000000;
	v3 =	vlaneseq.u32;
	s13 =	smax.u32 s13, $0x1;
	s14 =	simm.s32 $0x10880;
	s15 =	simm.s32 $0x5  }
.LBB2_1:
0x13: {  	[tilespmem:s14], [sflag:$0x5] =	stream.linear.gather [hbm4b:s3+s2], $0x80, $0x38;
	[tilespmem:$0x10900] =	vst v63  }
0x14: {  	_ =	swait.ge [sflag:s15], $0x80  }
0x15: {  	[sflag:s15] =	ssyncset.done $0x0  }
0x16: {  	[sflag:s15] =	ssyncadd.s32 $0xFFFFFF80  }
0x17: {  	[tilespmem:s16], [sflag:$0x5] =	stream.linear.gather [hbm4b:s4+s2], $0x80, $0x38;
	[tilespmem:$0x10900] =	vst v63  }
0x18: {  	_ =	swait.ge [sflag:s15], $0x80  }
0x19: {  	[sflag:s15] =	ssyncset.done $0x0  }
0x1a: {  	[sflag:s15] =	ssyncadd.s32 $0xFFFFFF80  }
0x1b: {  	s26 =	simm.s32 $0x40;
	s28 =	simm.s32 $0x0;
	v4 =	vld [tilespmem:$0x10880]  }
.LBB2_2:
0x1c: {  	p0 =	sne.s32 s26, $0x1FC0;
	[tilespmem:s28+$0x10000] =	vst v0;
	s28 =	smov.u32 s26;
	s26 =	sadd.s32 $0x40, s26  }
.Ltmp0:
0x1d: {  	(pc) =	sbr.rel @p0 .LBB2_2-.Ltmp0, $2  }
0x1e: {  	_ =	sdelay $0x2  }
0x1f: {  	s28 =	sshra.s32 s28, $0x2  }
0x20: {  	[tilespmem:s28+$0x10000] =	vst v0  }
0x21: {  	[tilespmem:s2], [sflag:$0x1] =	stream.strided.gather [hbm4b:s5+s17], $0x8000, s18, s17, $0x38;
	[tilespmem:$0x10900] =	vst v63  }
0x22: {  	_ = 	snop  }
0x23: {  	[tilespmem:s19], [sflag:$0x2] =	stream.strided.gather [hbm4b:s6+s17], $0x8000, s18, s17, $0x38;
	[tilespmem:$0x10900] =	vst v63  }
0x24: {  	_ =	swait.ge [sflag:s20], $0x8000  }
0x25: {  	[sflag:s20] =	ssyncset.done $0x0  }
0x26: {  	s28 =	simm.s32 $0x40;
	[sflag:s20] =	ssyncadd.s32 $0xFFFF8000  }
0x27: {  	v5 =	vld [tilespmem:s28+$0xFFFFFFF0]  }
0x28: {  	v6 =	vld [tilespmem:s28+$0xFFFFFFD0]  }
0x29: {  	v17 =	vld [tilespmem:s28+$0x30]  }
0x2a: {  	v9 =	vld [tilespmem:s28+$0xFFFFFFC0]  }
0x2b: {  	v18 =	vld [tilespmem:s28+$0x20]  }
0x2c: {  	v12 =	vld [tilespmem:s28+$0xFFFFFFE0]  }
0x2d: {  	v10 =	vld [tilespmem:s28+$0x10]  }
0x2e: {  	v7 =	vimm.f32 $0.0e+00;
	v8 =	vxor.u32 $0x80000000, v5;
	v11 =	vxor.u32 $0xFFFFFFFF, v5  }
0x2f: {  	vm0 =	vlt.s32 v6, $0x0;
	vm1 =	vlt.s32 v5, $0x0;
	v13 =	vxor.u32 $0x80000000, v17  }
0x30: {  	v19 =	vld [tilespmem:s28+$0x0];
	v15 =	vxor.u32 $0xFFFFFFFF, v17;
	v7 =	vadd.f32 v9, v7;
	v24 =	vsel vm1, v11, v8  }
0x31: {  	vm2 =	vlt.s32 v18, $0x0;
	v14 =	vxor.u32 $0xFFFFFFFF, v12;
	v26 =	vshrl.u32 v24, $0x15  }
0x32: {  	v8 =	vxor.u32 $0x80000000, v10;
	v11 =	vxor.u32 $0xFFFFFFFF, v10;
	vm1 =	vlt.s32 v10, $0x0;
	(xrf1) =	vunique.msk.u32 $0xffff, v26  }
0x33: {  	v22 =	vxor.u32 $0xFFFFFFFF, v18;
	v27 =	vxor.u32 $0x80000000, v9;
	v16 =	vsel vm1, v11, v8  }
0x34: {  	v8 =	vxor.u32 $0x80000000, v6;
	v11 =	vxor.u32 $0xFFFFFFFF, v6;
	v6 =	vadd.f32 v6, v7  }
0x35: {  	v28 =	vxor.u32 $0xFFFFFFFF, v19;
	v29 =	vxor.u32 $0xFFFFFFFF, v9;
	v37 =	vshrl.u32 v16, $0x15  }
0x36: {  	vm1 =	vlt.s32 v17, $0x0;
	v7 =	vxor.u32 $0x80000000, v12;
	(xrf1) =	vunique.msk.u32 $0xffff, v37;
	v21 =	vadd.f32 v12, v6  }
0x37: {  	v20 =	vsel vm0, v11, v8;
	v8 =	vxor.u32 $0x80000000, v18;
	vm0 =	vlt.s32 v12, $0x0  }
0x38: {  	s26 =	simm.s32 $0xC0;
	v15 =	vsel vm1, v15, v13;
	v22 =	vsel vm2, v22, v8;
	v8 =	vadd.f32 v5, v21  }
0x39: {  	v25 =	vld [tilespmem:s26+$0xFFFFFFD0];
	vm1 =	vlt.s32 v19, $0x0;
	v11 =	vshrl.u32 v20, $0x15;
	v23 =	vsel vm0, v14, v7  }
0x3a: {  	v6 =	vld [tilespmem:$0x10800];
	vm0 =	vlt.s32 v9, $0x0;
	(xrf1) =	vunique.msk.u32 $0xffff, v11;
	v12 =	vshrl.u32 v23, $0x15;
	v13 =	vadd.f32 v19, v8  }
0x3b: {  	v7 =	vld [tilespmem:s26+$0xFFFFFFF0];
	v14 =	vshrl.u32 v22, $0x15;
	v27 =	vsel vm0, v29, v27;
	v21 =	vxor.u32 $0x80000000, v19;
	(xrf1) =	vunique.msk.u32 $0xffff, v12  }
0x3c: {  	v9 =	vld [tilespmem:s26+$0x0];
	(xrf1) =	vunique.msk.u32 $0xffff, v14;
	v21 =	vsel vm1, v28, v21;
	v28 =	vadd.f32 v10, v13;
	v13 =	vshrl.u32 v27, $0x15  }
0x3d: {  	[tilespmem:s28+$0x30] =	vst v15;
	v5 =	vld [tilespmem:s26+$0x30];
	(xrf1) =	vunique.msk.u32 $0xffff, v13  }
0x3e: {  	[tilespmem:s28+$0x10] =	vst v16;
	v16 =	vshrl.u32 v15, $0x15;
	v8 =	vld [tilespmem:s26+$0x10]  }
0x3f: {  	[tilespmem:s28+$0xFFFFFFE0] =	vst v23;
	v15 =	vshrl.u32 v21, $0x15;
	(xrf1) =	vunique.msk.u32 $0xffff, v16  }
0x40: {  	vm0 =	vlt.s32 v25, $0x0;
	v23 =	vxor.u32 $0x80000000, v7;
	v29 =	vxor.u32 $0xFFFFFFFF, v7;
	v10 =	vld [tilespmem:s26+$0x20];
	_, v31, vm5 =	vpop (xrf1);
	(xrf1) =	vunique.msk.u32 $0xffff, v15  }
0x41: {  	[tilespmem:s28+$0xFFFFFFD0] =	vst v20;
	v19 =	vld [tilespmem:s26+$0xFFFFFFC0];
	vm2 =	vlt.s32 v7, $0x0;
	v20 =	vxor.u32 $0x80000000, v9;
	v28 =	vadd.f32 v18, v28  }
0x42: {  	v30 =	vxor.u32 $0x80000000, v5;
	v38 =	vxor.u32 $0xFFFFFFFF, v5;
	vm1 =	vlt.s32 v5, $0x0  }
0x43: {  	[tilespmem:s28+$0x0] =	vst v21;
	v18 =	vld [tilespmem:s26+$0xFFFFFFE0];
	v30 =	vsel vm1, v38, v30;
	v32 =	vxor.u32 $0x80000000, v8;
	v21 =	vadd.f32 v17, v28  }
0x44: {  	v28 =	vxor.u32 $0x80000000, v25;
	v17 =	vsel vm2, v29, v23;
	v29 =	vxor.u32 $0xFFFFFFFF, v25;
	_, v39, vm6 =	vpop (xrf1)  }
0x45: {  	[tilespmem:s28+$0x20] =	vst v22;
	v33 =	vxor.u32 $0xFFFFFFFF, v8;
	vm3 =	vlt.s32 v10, $0x0;
	v22 =	vsel vm0, v29, v28  }
0x46: {  	[tilespmem:s28+$0xFFFFFFF0] =	vst v24;
	vm0 =	vlt.s32 v8, $0x0;
	v35 =	vxor.u32 $0xFFFFFFFF, v10;
	v23 =	vadd.f32 v19, v21  }
0x47: {  	[tilespmem:s28+$0xFFFFFFC0] =	vst v27;
	v21 =	vshrl.u32 v17, $0x15;
	v29 =	vsel vm0, v33, v32;
	v32 =	vxor.u32 $0x80000000, v10  }
0x48: {  	v33 =	vxor.u32 $0x80000000, v19;
	v34 =	vxor.u32 $0x80000000, v18;
	v27 =	vshrl.u32 v29, $0x15;
	(xrf1) =	vunique.msk.u32 $0xffff, v21;
	_, v24, vm0 =	vpop (xrf1)  }
0x49: {  	vm4 =	vlt.s32 v18, $0x0;
	v23 =	vadd.f32 v25, v23;
	(xrf1) =	vunique.msk.u32 $0xffff, v27;
	_, v28, vm2 =	vpop (xrf1);
	[tilespmem:v26+s21+$0x0] =	vst.idx.add.s32.msk vm5, v31  }
0x4a: {  	s29 =	simm.s32 $0x140;
	s28 =	simm.s32 $0x8;
	v36 =	vxor.u32 $0xFFFFFFFF, v18;
	v25 =	vshrl.u32 v22, $0x15;
	v31 =	vxor.u32 $0xFFFFFFFF, v9;
	_, v26, vm1 =	vpop (xrf1);
	[tilespmem:v37+s21+$0x0] =	vst.idx.add.s32.msk vm6, v39  }
.LBB2_4:
0x4b: {  	v37 =	vld [tilespmem:s29+$0xFFFFFFD0];
	s28 =	sadd.s32 $0x8, s28;
	v34 =	vsel vm4, v36, v34;
	v18 =	vadd.f32 v18, v23;
	[tilespmem:s26+$0x30] =	vst v30;
	(xrf1) =	vunique.msk.u32 $0xffff, v25;
	_, v23, vm4 =	vpop (xrf1)  }
0x4c: {  	v39 =	vmovc v21;
	v40 =	vmov v27;
	v36 =	vld [tilespmem:s29+$0x10];
	p0 =	slt.u32 s28, $0x7F8;
	v38 =	vshrl.u32 v34, $0x15;
	[tilespmem:s26+$0x10] =	vst v29;
	v29 =	vsel vm3, v35, v32  }
0x4d: {  	v21 =	vxor.u32 $0xFFFFFFFF, v19;
	vm3 =	vlt.s32 v19, $0x0;
	v18 =	vadd.f32 v7, v18;
	v7 =	vld [tilespmem:s29+$0xFFFFFFF0];
	(xrf1) =	vunique.msk.u32 $0xffff, v38;
	_, v27, vm5 =	vpop (xrf1)  }
0x4e: {  	v33 =	vsel vm3, v21, v33;
	v32 =	vld [tilespmem:s29+$0x30];
	[tilespmem:s26+$0xFFFFFFE0] =	vst v34;
	v34 =	vshrl.u32 v29, $0x15;
	_, v35, vm3 =	vpop (xrf1)  }
0x4f: {  	v41 =	vshrl.u32 v33, $0x15;
	v18 =	vadd.f32 v9, v18;
	(xrf1) =	vunique.msk.u32 $0xffff, v34;
	[tilespmem:v11+s21+$0x0] =	vst.idx.add.s32.msk vm0, v24;
	v11 =	vmovc v25  }
0x50: {  	vm0 =	vlt.s32 v9, $0x0;
	(xrf1) =	vunique.msk.u32 $0xffff, v41;
	[tilespmem:v12+s21+$0x0] =	vst.idx.add.s32.msk vm2, v28;
	v12 =	vmov v38  }
0x51: {  	v25 =	vshrl.u32 v30, $0x15;
	v20 =	vsel vm0, v31, v20;
	v9 =	vld [tilespmem:s29+$0x0];
	[tilespmem:s26+$0xFFFFFFD0] =	vst v22;
	v18 =	vadd.f32 v8, v18;
	v8 =	vmovc v36  }
0x52: {  	v28 =	vshrl.u32 v20, $0x15;
	v19 =	vld [tilespmem:s29+$0xFFFFFFC0];
	[tilespmem:s26+$0x0] =	vst v20;
	(xrf1) =	vunique.msk.u32 $0xffff, v25  }
0x53: {  	v20 =	vxor.u32 $0x80000000, v7;
	v21 =	vxor.u32 $0xFFFFFFFF, v7;
	v22 =	vadd.f32 v10, v18;
	v10 =	vld [tilespmem:s29+$0x20];
	(xrf1) =	vunique.msk.u32 $0xffff, v28  }
0x54: {  	vm0 =	vlt.s32 v37, $0x0;
	v30 =	vxor.u32 $0x80000000, v32;
	v38 =	vxor.u32 $0xFFFFFFFF, v32;
	v18 =	vld [tilespmem:s29+$0xFFFFFFE0];
	[tilespmem:s26+$0x20] =	vst v29  }
0x55: {  	vm2 =	vlt.s32 v7, $0x0;
	vm6 =	vlt.s32 v32, $0x0;
	v22 =	vadd.f32 v5, v22;
	[tilespmem:v14+s21+$0x0] =	vst.idx.add.s32.msk vm1, v26;
	v5 =	vmovc v32  }
0x56: {  	v29 =	vxor.u32 $0x80000000, v37;
	v26 =	vsel vm2, v21, v20;
	v20 =	vxor.u32 $0x80000000, v9;
	_, v31, vm7 =	vpop (xrf1);
	[tilespmem:v16+s21+$0x0] =	vst.idx.add.s32.msk vm5, v27  }
0x57: {  	v21 =	vshrl.u32 v26, $0x15;
	v36 =	vadd.f32 v19, v22;
	v22 =	vxor.u32 $0xFFFFFFFF, v37;
	_, v42, vm1 =	vpop (xrf1);
	[tilespmem:v15+s21+$0x0] =	vst.idx.add.s32.msk vm3, v35  }
0x58: {  	v14 =	vmovc v34;
	v27 =	vxor.u32 $0xFFFFFFFF, v8;
	v35 =	vxor.u32 $0x80000000, v8;
	vm3 =	vlt.s32 v10, $0x0;
	[tilespmem:v13+s21+$0x0] =	vst.idx.add.s32.msk vm4, v23;
	v13 =	vmovc v41  }
.Ltmp1:
0x59: {  	vm2 =	vlt.s32 v8, $0x0;
	v22 =	vsel vm0, v22, v29;
	v23 =	vadd.f32 v37, v36;
	[tilespmem:s26+$0xFFFFFFC0] =	vst v33;
	_, v24, vm0 =	vpop (xrf1);
	(pc) =	sbr.rel @p0 .LBB2_4-.Ltmp1, $4  }
0x5a: {  	v16 =	vmovc v25;
	v15 =	vmovc v28;
	v29 =	vsel vm2, v27, v35;
	v32 =	vxor.u32 $0x80000000, v10;
	v34 =	vxor.u32 $0x80000000, v18;
	[tilespmem:s26+$0xFFFFFFF0] =	vst v17;
	s26 =	smov.u32 s29  }
0x5b: {  	v35 =	vxor.u32 $0xFFFFFFFF, v10;
	vm4 =	vlt.s32 v18, $0x0;
	v27 =	vshrl.u32 v29, $0x15;
	(xrf1) =	vunique.msk.u32 $0xffff, v21;
	_, v28, vm2 =	vpop (xrf1)  }
0x5c: {  	v33 =	vxor.u32 $0x80000000, v19;
	v25 =	vshrl.u32 v22, $0x15;
	v17 =	vmovc v26;
	(xrf1) =	vunique.msk.u32 $0xffff, v27;
	[tilespmem:v39+s21+$0x0] =	vst.idx.add.s32.msk vm7, v31  }
0x5d: {  	v30 =	vsel vm6, v38, v30;
	v36 =	vxor.u32 $0xFFFFFFFF, v18;
	s29 =	sadd.s32 $0x80, s29;
	v31 =	vxor.u32 $0xFFFFFFFF, v9;
	[tilespmem:v40+s21+$0x0] =	vst.idx.add.s32.msk vm1, v42;
	_, v26, vm1 =	vpop (xrf1)  }
0x5e: {  	v34 =	vsel vm4, v36, v34;
	v32 =	vsel vm3, v35, v32  }
0x5f: {  	(xrf1) =	vunique.msk.u32 $0xffff, v25;
	v59 =	vxor.u32 $0xFFFFFFFF, v19;
	vm11 =	vlt.s32 v19, $0x0;
	v36 =	vshrl.u32 v34, $0x15  }
0x60: {  	v19 =	vsel vm11, v59, v33;
	v60 =	vshrl.u32 v32, $0x15;
	(xrf1) =	vunique.msk.u32 $0xffff, v36  }
0x61: {  	vm12 =	vlt.s32 v9, $0x0;
	v35 =	vshrl.u32 v19, $0x15;
	(xrf1) =	vunique.msk.u32 $0xffff, v60  }
0x62: {  	v61 =	vshrl.u32 v30, $0x15;
	v20 =	vsel vm12, v31, v20;
	(xrf1) =	vunique.msk.u32 $0xffff, v35  }
0x63: {  	[tilespmem:s26+$0x30] =	vst v30;
	v37 =	vshrl.u32 v20, $0x15;
	(xrf1) =	vunique.msk.u32 $0xffff, v61  }
0x64: {  	[tilespmem:s26+$0x10] =	vst v29;
	(xrf1) =	vunique.msk.u32 $0xffff, v37  }
0x65: {  	[tilespmem:v11+s21+$0x0] =	vst.idx.add.s32.msk vm0, v24  }
0x66: {  	_, v62, vm13 =	vpop (xrf1);
	[tilespmem:v12+s21+$0x0] =	vst.idx.add.s32.msk vm2, v28  }
0x67: {  	[tilespmem:s26+$0xFFFFFFD0] =	vst v22;
	_, v63, vm14 =	vpop (xrf1)  }
0x68: {  	[tilespmem:v14+s21+$0x0] =	vst.idx.add.s32.msk vm1, v26;
	_, v11, vm0 =	vpop (xrf1)  }
0x69: {  	[tilespmem:s26+$0xFFFFFFF0] =	vst v17  }
0x6a: {  	[tilespmem:s26+$0xFFFFFFE0] =	vst v34  }
0x6b: {  	[tilespmem:s26+$0x20] =	vst v32;
	_, v12, vm2 =	vpop (xrf1)  }
0x6c: {  	[tilespmem:s26+$0x0] =	vst v20;
	_, v14, vm1 =	vpop (xrf1)  }
0x6d: {  	[tilespmem:v16+s21+$0x0] =	vst.idx.add.s32.msk vm14, v63;
	_, v16, vm4 =	vpop (xrf1)  }
0x6e: {  	[tilespmem:v15+s21+$0x0] =	vst.idx.add.s32.msk vm0, v11;
	_, v11, vm0 =	vpop (xrf1)  }
0x6f: {  	[tilespmem:v13+s21+$0x0] =	vst.idx.add.s32.msk vm13, v62;
	_, v13, vm3 =	vpop (xrf1)  }
0x70: {  	[tilespmem:s26+$0xFFFFFFC0] =	vst v19;
	_, v15, vm5 =	vpop (xrf1)  }
0x71: {  	[tilespmem:v21+s21+$0x0] =	vst.idx.add.s32.msk vm2, v12;
	_, v12, vm2 =	vpop (xrf1)  }
0x72: {  	[tilespmem:v27+s21+$0x0] =	vst.idx.add.s32.msk vm1, v14;
	_, v14, vm1 =	vpop (xrf1)  }
0x73: {  	[tilespmem:v25+s21+$0x0] =	vst.idx.add.s32.msk vm4, v16  }
0x74: {  	[tilespmem:v36+s21+$0x0] =	vst.idx.add.s32.msk vm0, v11  }
0x75: {  	[tilespmem:v60+s21+$0x0] =	vst.idx.add.s32.msk vm3, v13  }
0x76: {  	[tilespmem:v35+s21+$0x0] =	vst.idx.add.s32.msk vm5, v15  }
0x77: {  	[tilespmem:v61+s21+$0x0] =	vst.idx.add.s32.msk vm2, v12  }
0x78: {  	s31 =	simm.s32 $0x0;
	[tilespmem:v37+s21+$0x0] =	vst.idx.add.s32.msk vm1, v14  }
0x79: {  	v11 =	vld [tilespmem:s31+$0x10000];
	_ =	sdelay $0x1  }
0x7a: {  	v12 =	vadd.f32 v18, v23;
	_ =	sdelay $0x1  }
0x7b: {  	v7 =	vadd.f32 v7, v12  }
0x7c: {  	s28 =	simm.s32 $0x10;
	(xrf0) =	vadd.scan.msk.s32 $0xffff, v11  }
0x7d: {  	v9 =	vadd.f32 v9, v7;
	v7 =	vld [tilespmem:s28+$0x10000];
	_ =	sdelay $0x1  }
0x7e: {  	v9 =	vadd.f32 v8, v9;
	_ =	sdelay $0x1  }
0x7f: {  	v9 =	vadd.f32 v10, v9  }
0x80: {  	s29 =	simm.s32 $0x20;
	v8 =	vimm.s32 $0x0;
	v12, _, _ =	vpop (xrf0);
	(xrf0) =	vadd.scan.msk.s32 $0xffff, v7  }
0x81: {  	v5 =	vadd.f32 v5, v9;
	v9 =	vld [tilespmem:s29+$0x10000];
	v13 =	vadd.s32 v8, v12  }
0x82: {  	vm15 =	vle.s32 v13, v6  }
0x83: {  	[tilespmem:s31+$0x10000] =	vst v0;
	v13 =	vmpcnt.ones.xlane vm15  }
0x84: {  	[tilespmem:s28+$0x10000] =	vst v0;
	v12 =	vbroadcast v12, $0xF;
	v10 =	vnsel vm15, $0x0, v11  }
0x85: {  	s26 =	simm.s32 $0xC0;
	[tilespmem:s29+$0x10000] =	vst v0;
	v10 =	vadd.s32 v8, v10;
	v11 =	vadd.s32 v8, v13  }
.LBB2_6:
0x86: {  	s28 =	sshra.s32 s26, $0x2;
	p0 =	sne.s32 s26, $0x1FC0;
	s26 =	sadd.s32 $0x40, s26;
	(xrf0) =	vadd.scan.msk.s32 $0xffff, v9;
	v13, _, _ =	vpop (xrf0);
	v8 =	vadd.s32 v8, v12;
	v12 =	vmov v9  }
.Ltmp2:
0x87: {  	v9 =	vld [tilespmem:s28+$0x10000];
	[tilespmem:s28+$0x10000] =	vst v0;
	v14 =	vadd.s32 v8, v13;
	(pc) =	sbr.rel @p0 .LBB2_6-.Ltmp2, $4  }
0x88: {  	vm0 =	vle.s32 v14, v6  }
0x89: {  	v14 =	vmpcnt.ones.xlane vm0;
	v15 =	vnsel vm0, $0x0, v7;
	v7 =	vmov v12  }
0x8a: {  	v12 =	vbroadcast v13, $0xF;
	v10 =	vadd.s32 v10, v15  }
0x8b: {  	v11 =	vadd.s32 v11, v14  }
0x8c: {  	(xrf0) =	vadd.scan.msk.s32 $0xffff, v9;
	_ =	sdelay $0x2  }
0x8d: {  	v13, _, _ =	vpop (xrf0)  }
0x8e: {  	v14 =	vbroadcast v13, $0xF  }
0x8f: {  	v8 =	vadd.s32 v8, v12;
	s26 =	simm.s32 $0x40  }
0x90: {  	v12 =	vadd.s32 v8, v13;
	v8 =	vadd.s32 v8, v14;
	v14 =	vld [tilespmem:s26+$0xFFFFFFC0];
	v13, _, _ =	vpop (xrf0)  }
0x91: {  	vm0 =	vle.s32 v12, v6;
	v8 =	vadd.s32 v8, v13  }
0x92: {  	v12 =	vmpcnt.ones.xlane vm0;
	v13 =	vld [tilespmem:s26+$0xFFFFFFE0];
	vm1 =	vle.s32 v8, v6  }
0x93: {  	v8 =	vmpcnt.ones.xlane vm1  }
0x94: {  	v11 =	vadd.s32 v11, v12  }
0x95: {  	v15 =	vld [tilespmem:s26+$0xFFFFFFF0];
	v12 =	vshrl.u32 v14, $0x15;
	v8 =	vadd.s32 v11, v8  }
0x96: {  	v7 =	vnsel vm0, $0x0, v7;
	v11 =	vld [tilespmem:s26+$0x20];
	vm3 =	veq.s32 v12, v8;
	v12 =	vshrl.u32 v14, $0xA  }
0x97: {  	v7 =	vadd.s32 v10, v7;
	v16 =	vand.u32 $0x7FF, v12;
	v12 =	vshrl.u32 v13, $0x15  }
0x98: {  	v17 =	vld [tilespmem:s26+$0x30];
	v9 =	vnsel vm1, $0x0, v9;
	v13 =	vshrl.u32 v13, $0xA;
	vm2 =	veq.s32 v12, v8  }
0x99: {  	v7 =	vadd.s32 v7, v9;
	v9 =	vld [tilespmem:s26+$0xFFFFFFD0];
	v12 =	vand.u32 $0x7FF, v13;
	_ =	sdelay $0x1  }
0x9a: {  	v10 =	vshrl.u32 v15, $0xA;
	v14 =	vshrl.u32 v15, $0x15;
	v13 =	vld [tilespmem:s26+$0x10];
	v15 =	vshrl.u32 v11, $0x15  }
0x9b: {  	vm0 =	veq.s32 v14, v8;
	v14 =	vld [tilespmem:s26+$0x0];
	v11 =	vshrl.u32 v11, $0xA;
	vm1 =	veq.s32 v15, v8  }
0x9c: {  	s28 =	simm.s32 $0xC0;
	s26 =	simm.s32 $0x0;
	v11 =	vand.u32 $0x7FF, v11;
	v15 =	vshrl.u32 v17, $0xA;
	[tilespmem:v16+s21+$0x0] =	vst.idx.add.s32.msk vm3, v1;
	v16 =	vshrl.u32 v17, $0x15  }
.LBB2_8:
0x9d: {  	s26 =	sadd.s32 $0x8, s26;
	v17 =	vshrl.u32 v9, $0x15;
	[tilespmem:v12+s21+$0x0] =	vst.idx.add.s32.msk vm2, v1;
	vm3 =	veq.s32 v16, v8  }
0x9e: {  	v9 =	vshrl.u32 v9, $0xA;
	v12 =	vand.u32 $0x7FF, v10;
	v16 =	vld [tilespmem:s28+$0xFFFFFFF0];
	p0 =	slt.u32 s26, $0x7F8;
	vm4 =	veq.s32 v17, v8  }
0x9f: {  	v15 =	vand.u32 $0x7FF, v15;
	v18 =	vand.u32 $0x7FF, v9;
	v17 =	vld [tilespmem:s28+$0xFFFFFFE0];
	v9 =	vshrl.u32 v13, $0x15  }
0xa0: {  	v19 =	vld [tilespmem:s28+$0xFFFFFFC0];
	v10 =	vshrl.u32 v14, $0x15;
	vm5 =	veq.s32 v9, v8;
	v9 =	vshrl.u32 v13, $0xA  }
0xa1: {  	v20 =	vld [tilespmem:s28+$0x30];
	vm6 =	veq.s32 v10, v8;
	v10 =	vshrl.u32 v14, $0xA;
	v13 =	vand.u32 $0x7FF, v9  }
0xa2: {  	v21 =	vld [tilespmem:s28+$0x20];
	v14 =	vand.u32 $0x7FF, v10  }
0xa3: {  	v9 =	vld [tilespmem:s28+$0xFFFFFFD0];
	v10 =	vshrl.u32 v16, $0xA  }
0xa4: {  	[tilespmem:v12+s21+$0x0] =	vst.idx.add.s32.msk vm0, v1  }
0xa5: {  	v22 =	vshrl.u32 v17, $0x15;
	v17 =	vshrl.u32 v17, $0xA;
	v12 =	vshrl.u32 v19, $0x15;
	[tilespmem:v11+s21+$0x0] =	vst.idx.add.s32.msk vm1, v1  }
0xa6: {  	v11 =	vshrl.u32 v19, $0xA;
	vm2 =	veq.s32 v22, v8;
	vm7 =	veq.s32 v12, v8;
	[tilespmem:v13+s21+$0x0] =	vst.idx.add.s32.msk vm5, v1  }
0xa7: {  	v11 =	vand.u32 $0x7FF, v11;
	v12 =	vand.u32 $0x7FF, v17;
	[tilespmem:v14+s21+$0x0] =	vst.idx.add.s32.msk vm6, v1  }
.Ltmp3:
0xa8: {  	v13 =	vshrl.u32 v16, $0x15;
	[tilespmem:v15+s21+$0x0] =	vst.idx.add.s32.msk vm3, v1;
	(pc) =	sbr.rel @p0 .LBB2_8-.Ltmp3, $4  }
0xa9: {  	vm0 =	veq.s32 v13, v8;
	[tilespmem:v18+s21+$0x0] =	vst.idx.add.s32.msk vm4, v1  }
0xaa: {  	v15 =	vshrl.u32 v21, $0x15;
	v13 =	vld [tilespmem:s28+$0x10]  }
0xab: {  	vm1 =	veq.s32 v15, v8;
	v15 =	vshrl.u32 v21, $0xA;
	v14 =	vld [tilespmem:s28+$0x0]  }
0xac: {  	v16 =	vshrl.u32 v20, $0x15;
	s28 =	sadd.s32 $0x80, s28;
	[tilespmem:v11+s21+$0x0] =	vst.idx.add.s32.msk vm7, v1;
	v11 =	vand.u32 $0x7FF, v15;
	v15 =	vshrl.u32 v20, $0xA  }
0xad: {  	_ =	sdelay $0x3  }
0xae: {  	v10 =	vand.u32 $0x7FF, v10;
	v63 =	vshrl.u32 v9, $0x15  }
0xaf: {  	vm5 =	veq.s32 v16, v8;
	[tilespmem:v12+s21+$0x0] =	vst.idx.add.s32.msk vm2, v1;
	v9 =	vshrl.u32 v9, $0xA;
	v12 =	vand.u32 $0x7FF, v15  }
0xb0: {  	vm14 =	veq.s32 v63, v8;
	v9 =	vand.u32 $0x7FF, v9;
	v17 =	vshrl.u32 v13, $0x15  }
0xb1: {  	v13 =	vshrl.u32 v13, $0xA;
	vm3 =	veq.s32 v17, v8;
	v62 =	vshrl.u32 v14, $0x15  }
0xb2: {  	v14 =	vshrl.u32 v14, $0xA;
	v13 =	vand.u32 $0x7FF, v13;
	vm4 =	veq.s32 v62, v8  }
0xb3: {  	[tilespmem:v11+s21+$0x0] =	vst.idx.add.s32.msk vm1, v1;
	v14 =	vand.u32 $0x7FF, v14  }
0xb4: {  	[tilespmem:v10+s21+$0x0] =	vst.idx.add.s32.msk vm0, v1  }
0xb5: {  	[tilespmem:v12+s21+$0x0] =	vst.idx.add.s32.msk vm5, v1  }
0xb6: {  	[tilespmem:v9+s21+$0x0] =	vst.idx.add.s32.msk vm14, v1  }
0xb7: {  	[tilespmem:v13+s21+$0x0] =	vst.idx.add.s32.msk vm3, v1  }
0xb8: {  	s26 =	simm.s32 $0x0;
	[tilespmem:v14+s21+$0x0] =	vst.idx.add.s32.msk vm4, v1  }
0xb9: {  	v9 =	vld [tilespmem:s26+$0x10000];
	_ =	sdelay $0x2  }
0xba: {  	(xrf0) =	vadd.scan.msk.s32 $0xffff, v7;
	_ =	sdelay $0x1  }
0xbb: {  	(xrf0) =	vadd.scan.msk.s32 $0xffff, v9  }
0xbc: {  	s28 =	simm.s32 $0x10  }
0xbd: {  	v10 =	vld [tilespmem:s28+$0x10000];
	_ =	sdelay $0x1  }
0xbe: {  	v7, _, _ =	vpop (xrf0)  }
0xbf: {  	v11 =	vbroadcast v7, $0xF  }
0xc0: {  	v7 =	vimm.s32 $0x0;
	v13, _, _ =	vpop (xrf0)  }
0xc1: {  	s29 =	simm.s32 $0x20;
	v6 =	vsub.s32 v6, v11;
	(xrf0) =	vadd.scan.msk.s32 $0xffff, v10;
	v11 =	vadd.s32 v7, v13  }
0xc2: {  	vm15 =	vle.s32 v11, v6;
	v11 =	vld [tilespmem:s29+$0x10000];
	_ =	sdelay $0x1  }
0xc3: {  	[tilespmem:s26+$0x10000] =	vst v0;
	v14 =	vmpcnt.ones.xlane vm15;
	v9 =	vnsel vm15, $0x0, v9  }
0xc4: {  	[tilespmem:s28+$0x10000] =	vst v0;
	v12 =	vadd.s32 v7, v9;
	v9 =	vbroadcast v13, $0xF  }
0xc5: {  	s26 =	simm.s32 $0xC0;
	[tilespmem:s29+$0x10000] =	vst v0;
	v13 =	vadd.s32 v7, v14  }
.LBB2_10:
0xc6: {  	s28 =	sshra.s32 s26, $0x2;
	p0 =	sne.s32 s26, $0x1FC0;
	s26 =	sadd.s32 $0x40, s26;
	(xrf0) =	vadd.scan.msk.s32 $0xffff, v11;
	v14, _, _ =	vpop (xrf0);
	v7 =	vadd.s32 v7, v9;
	v9 =	vmov v11  }
.Ltmp4:
0xc7: {  	v11 =	vld [tilespmem:s28+$0x10000];
	[tilespmem:s28+$0x10000] =	vst v0;
	v15 =	vadd.s32 v7, v14;
	(pc) =	sbr.rel @p0 .LBB2_10-.Ltmp4, $4  }
0xc8: {  	vm0 =	vle.s32 v15, v6  }
0xc9: {  	v15 =	vmpcnt.ones.xlane vm0;
	v16 =	vnsel vm0, $0x0, v10;
	v10 =	vmov v9  }
0xca: {  	v9 =	vbroadcast v14, $0xF;
	v12 =	vadd.s32 v12, v16  }
0xcb: {  	v13 =	vadd.s32 v13, v15  }
0xcc: {  	(xrf0) =	vadd.scan.msk.s32 $0xffff, v11;
	s26 =	simm.s32 $0x40  }
0xcd: {  	v24 =	vld [tilespmem:s26+$0x10]  }
0xce: {  	v14, _, _ =	vpop (xrf0);
	v9 =	vadd.s32 v7, v9;
	v18 =	vld [tilespmem:s26+$0xFFFFFFC0]  }
0xcf: {  	v15 =	vbroadcast v14, $0xF;
	v14 =	vadd.s32 v9, v14;
	v25 =	vld [tilespmem:s26+$0x0]  }
0xd0: {  	v17 =	vld [tilespmem:s26+$0xFFFFFFE0];
	vm0 =	vle.s32 v14, v6  }
0xd1: {  	v8 =	vshll.u32 v8, $0xB;
	v15 =	vadd.s32 v9, v15;
	v9 =	vld [tilespmem:s26+$0x30];
	v10 =	vnsel vm0, $0x0, v10  }
0xd2: {  	v21 =	vimm.f32 $0.0e+00;
	v10 =	vadd.s32 v12, v10;
	v16, _, _ =	vpop (xrf0);
	vm2 =	vgt.s32 v24, $0xFFFFFFFF  }
0xd3: {  	vm3 =	vgt.s32 v18, $0xFFFFFFFF;
	v14 =	vadd.s32 v15, v16;
	v16 =	vmpcnt.ones.xlane vm0  }
0xd4: {  	v7 =	vld [tilespmem:s26+$0x20];
	vm5 =	vgt.s32 v25, $0xFFFFFFFF;
	v19 =	vshrl.u32 v18, $0xA;
	v20 =	vsel vm3, $0xFFFFFFFF, v2  }
0xd5: {  	vm3 =	vgt.s32 v17, $0xFFFFFFFF;
	vm1 =	vle.s32 v14, v6;
	v12 =	vadd.s32 v13, v16;
	v16 =	vld [tilespmem:s26+$0xFFFFFFD0]  }
0xd6: {  	v28 =	vsel vm5, $0xFFFFFFFF, v2;
	vm0 =	vgt.s32 v9, $0xFFFFFFFF;
	v14 =	vmpcnt.ones.xlane vm1  }
0xd7: {  	v20 =	vxor.u32 v18, v20;
	v26 =	vsel vm3, $0xFFFFFFFF, v2;
	v11 =	vnsel vm1, $0x0, v11  }
0xd8: {  	v15 =	vld [tilespmem:s26+$0xFFFFFFF0];
	v13 =	vand.u32 $0x3FF, v9;
	v10 =	vadd.s32 v10, v11;
	v11 =	vadd.s32 v12, v14  }
0xd9: {  	vm1 =	vgt.s32 v7, $0xFFFFFFFF;
	v14 =	vand.u32 $0x3FF, v25;
	v8 =	vor.u32 v8, v11  }
0xda: {  	v12 =	vand.u32 $0x3FF, v7;
	vm6 =	vgt.s32 v19, v8;
	vm7 =	vgt.s32 v16, $0xFFFFFFFF  }
0xdb: {  	v22 =	vnsel vm6, $0x0, v20;
	v20 =	vshrl.u32 v16, $0xA;
	v23 =	vsel vm7, $0xFFFFFFFF, v2  }
0xdc: {  	v22 =	vadd.f32 v22, v21;
	vm15 =	vgt.s32 v20, v8;
	v21 =	vxor.u32 v16, v23  }
0xdd: {  	vm4 =	vgt.s32 v15, $0xFFFFFFFF;
	v23 =	vnsel vm15, $0x0, v21;
	v21 =	vshrl.u32 v17, $0xA  }
0xde: {  	v23 =	vadd.f32 v23, v22;
	v22 =	vxor.u32 v17, v26;
	vm3 =	vgt.s32 v21, v8  }
0xdf: {  	v27 =	vsel vm4, $0xFFFFFFFF, v2;
	v26 =	vnsel vm3, $0x0, v22;
	v22 =	vshrl.u32 v15, $0xA  }
0xe0: {  	v26 =	vadd.f32 v26, v23;
	v23 =	vxor.u32 v15, v27;
	vm3 =	vgt.s32 v22, v8  }
0xe1: {  	v11 =	vand.u32 $0x3FF, v24;
	v27 =	vnsel vm3, $0x0, v23;
	v23 =	vshrl.u32 v25, $0xA  }
0xe2: {  	v25 =	vxor.u32 v25, v28;
	v26 =	vadd.f32 v27, v26;
	vm3 =	vgt.s32 v23, v8  }
0xe3: {  	v28 =	vsel vm2, $0xFFFFFFFF, v2;
	v27 =	vnsel vm3, $0x0, v25;
	v25 =	vshrl.u32 v24, $0xA  }
0xe4: {  	v24 =	vxor.u32 v24, v28;
	v26 =	vadd.f32 v27, v26;
	vm2 =	vgt.s32 v25, v8  }
0xe5: {  	s28 =	simm.s32 $0xC0;
	s26 =	simm.s32 $0x0;
	v28 =	vsel vm1, $0xFFFFFFFF, v2;
	v27 =	vnsel vm2, $0x0, v24;
	v24 =	vshrl.u32 v7, $0xA  }
.LBB2_12:
0xe6: {  	v26 =	vadd.f32 v27, v26;
	v27 =	vxor.u32 v7, v28;
	v7 =	vld [tilespmem:s28+$0x20];
	vm1 =	vgt.s32 v24, v8  }
0xe7: {  	v29 =	vsel vm0, $0xFFFFFFFF, v2;
	v30 =	vshrl.u32 v9, $0xA;
	v28 =	vld [tilespmem:s28+$0x30];
	v27 =	vnsel vm1, $0x0, v27  }
0xe8: {  	v9 =	vxor.u32 v9, v29;
	vm0 =	vgt.s32 v30, v8;
	v31 =	vld [tilespmem:s28+$0x10];
	v26 =	vadd.f32 v27, v26  }
0xe9: {  	vm10 =	veq.s32 v19, v8;
	vm9 =	veq.s32 v20, v8;
	v9 =	vnsel vm0, $0x0, v9;
	v27 =	vld [tilespmem:s28+$0x0]  }
0xea: {  	vm8 =	veq.s32 v21, v8;
	vm7 =	veq.s32 v22, v8;
	v19 =	vld [tilespmem:s28+$0xFFFFFFF0];
	v21 =	vadd.f32 v9, v26  }
0xeb: {  	s26 =	sadd.s32 $0x8, s26;
	vm5 =	veq.s32 v23, v8;
	vm3 =	veq.s32 v25, v8;
	vm2 =	veq.s32 v24, v8;
	v20 =	vld [tilespmem:s28+$0xFFFFFFC0]  }
0xec: {  	v23 =	vand.u32 $0x3FF, v18;
	v24 =	vand.u32 $0x3FF, v16;
	p0 =	slt.u32 s26, $0x7F8;
	vm1 =	veq.s32 v30, v8;
	v22 =	vld [tilespmem:s28+$0xFFFFFFE0];
	v9 =	vmovc v28  }
0xed: {  	v26 =	vand.u32 $0x3FF, v17;
	v28 =	vand.u32 $0x3FF, v15;
	v16 =	vld [tilespmem:s28+$0xFFFFFFD0];
	v25 =	vand.u32 $0x3FF, v31  }
0xee: {  	v30 =	vand.u32 $0x3FF, v7;
	v32 =	vand.u32 $0x3FF, v9;
	v29 =	vand.u32 $0x3FF, v27  }
0xef: {  	vm4 =	vgt.s32 v7, $0xFFFFFFFF;
	vm6 =	vgt.s32 v31, $0xFFFFFFFF;
	vm0 =	vgt.s32 v9, $0xFFFFFFFF;
	v15 =	vmovc v19  }
0xf0: {  	vm11 =	vgt.s32 v27, $0xFFFFFFFF;
	vm13 =	vgt.s32 v20, $0xFFFFFFFF;
	vm12 =	vgt.s32 v15, $0xFFFFFFFF;
	v18 =	vmovc v20  }
0xf1: {  	v20 =	vsel vm13, $0xFFFFFFFF, v2;
	v19 =	vshrl.u32 v18, $0xA;
	vm13 =	vgt.s32 v22, $0xFFFFFFFF;
	[tilespmem:v23+s21+$0x0] =	vst.idx.add.s32.msk vm10, v1;
	v17 =	vmovc v22  }
0xf2: {  	v20 =	vxor.u32 v18, v20;
	vm10 =	vgt.s32 v19, v8;
	vm14 =	vgt.s32 v16, $0xFFFFFFFF;
	[tilespmem:v24+s21+$0x0] =	vst.idx.add.s32.msk vm9, v1  }
0xf3: {  	v22 =	vnsel vm10, $0x0, v20;
	v23 =	vsel vm14, $0xFFFFFFFF, v2;
	v20 =	vshrl.u32 v16, $0xA;
	[tilespmem:v26+s21+$0x0] =	vst.idx.add.s32.msk vm8, v1  }
0xf4: {  	v22 =	vadd.f32 v22, v21;
	v21 =	vxor.u32 v16, v23;
	vm8 =	vgt.s32 v20, v8  }
0xf5: {  	v24 =	vsel vm13, $0xFFFFFFFF, v2;
	v23 =	vnsel vm8, $0x0, v21;
	v21 =	vshrl.u32 v17, $0xA;
	[tilespmem:v28+s21+$0x0] =	vst.idx.add.s32.msk vm7, v1  }
0xf6: {  	v23 =	vadd.f32 v23, v22;
	v22 =	vxor.u32 v17, v24;
	vm7 =	vgt.s32 v21, v8  }
0xf7: {  	v26 =	vsel vm12, $0xFFFFFFFF, v2;
	v24 =	vnsel vm7, $0x0, v22;
	v22 =	vshrl.u32 v15, $0xA;
	[tilespmem:v14+s21+$0x0] =	vst.idx.add.s32.msk vm5, v1;
	v14 =	vmovc v29  }
0xf8: {  	v24 =	vadd.f32 v24, v23;
	v23 =	vxor.u32 v15, v26;
	vm5 =	vgt.s32 v22, v8  }
.Ltmp5:
0xf9: {  	v28 =	vsel vm11, $0xFFFFFFFF, v2;
	v26 =	vnsel vm5, $0x0, v23;
	v23 =	vshrl.u32 v27, $0xA;
	[tilespmem:v11+s21+$0x0] =	vst.idx.add.s32.msk vm3, v1;
	v11 =	vmovc v25;
	(pc) =	sbr.rel @p0 .LBB2_12-.Ltmp5, $4  }
0xfa: {  	v25 =	vxor.u32 v27, v28;
	v24 =	vadd.f32 v26, v24;
	vm3 =	vgt.s32 v23, v8  }
0xfb: {  	v27 =	vsel vm6, $0xFFFFFFFF, v2;
	v26 =	vnsel vm3, $0x0, v25;
	v25 =	vshrl.u32 v31, $0xA;
	[tilespmem:v12+s21+$0x0] =	vst.idx.add.s32.msk vm2, v1;
	v12 =	vmovc v30  }
0xfc: {  	v26 =	vadd.f32 v26, v24;
	v24 =	vxor.u32 v31, v27;
	vm2 =	vgt.s32 v25, v8  }
0xfd: {  	s28 =	sadd.s32 $0x80, s28;
	v28 =	vsel vm4, $0xFFFFFFFF, v2;
	v27 =	vnsel vm2, $0x0, v24;
	v24 =	vshrl.u32 v7, $0xA;
	[tilespmem:v13+s21+$0x0] =	vst.idx.add.s32.msk vm1, v1;
	v13 =	vmovc v32  }
0xfe: {  	vm1 =	veq.s32 v19, v8  }
0xff: {  	vm2 =	veq.s32 v20, v8;
	v18 =	vand.u32 $0x3FF, v18  }
0x100: {  	vm3 =	veq.s32 v21, v8;
	v16 =	vand.u32 $0x3FF, v16  }
0x101: {  	vm4 =	veq.s32 v22, v8;
	v17 =	vand.u32 $0x3FF, v17  }
0x102: {  	vm5 =	veq.s32 v23, v8;
	v15 =	vand.u32 $0x3FF, v15  }
0x103: {  	vm6 =	veq.s32 v25, v8  }
0x104: {  	vm11 =	veq.s32 v24, v8;
	[tilespmem:v18+s21+$0x0] =	vst.idx.add.s32.msk vm1, v1;
	v18 =	vshrl.u32 v9, $0xA  }
0x105: {  	[tilespmem:v16+s21+$0x0] =	vst.idx.add.s32.msk vm2, v1;
	vm12 =	veq.s32 v18, v8  }
0x106: {  	[tilespmem:v17+s21+$0x0] =	vst.idx.add.s32.msk vm3, v1  }
0x107: {  	[tilespmem:v15+s21+$0x0] =	vst.idx.add.s32.msk vm4, v1  }
0x108: {  	[tilespmem:v14+s21+$0x0] =	vst.idx.add.s32.msk vm5, v1  }
0x109: {  	[tilespmem:v11+s21+$0x0] =	vst.idx.add.s32.msk vm6, v1  }
0x10a: {  	[tilespmem:v12+s21+$0x0] =	vst.idx.add.s32.msk vm11, v1  }
0x10b: {  	s26 =	simm.s32 $0x10000;
	[tilespmem:v13+s21+$0x0] =	vst.idx.add.s32.msk vm12, v1  }
0x10c: {  	(xrf0) =	vadd.scan.msk.s32 $0xffff, v10;
	v12 =	vld [tilespmem:s26+$0x0];
	_ =	sdelay $0x1  }
0x10d: {  	v11 =	vadd.f32 v27, v26;
	_ =	sdelay $0x1  }
0x10e: {  	v10 =	vxor.u32 v7, v28;
	vm13 =	vgt.s32 v24, v8;
	v7 =	vshll.u32 v8, $0xA;
	s29 =	simm.s32 $0x10010  }
0x10f: {  	vm15 =	vgt.s32 v7, $0xFFFFFFFF;
	v14 =	vsel vm0, $0xFFFFFFFF, v2;
	v13 =	vnsel vm13, $0x0, v10;
	v16 =	vld [tilespmem:s29+$0x0];
	(xrf0) =	vadd.scan.msk.s32 $0xffff, v12  }
0x110: {  	v9 =	vxor.u32 v9, v14;
	vm14 =	vgt.s32 v18, v8;
	v13 =	vadd.f32 v13, v11;
	v11, _, _ =	vpop (xrf0)  }
0x111: {  	s28 =	simm.s32 $0x0;
	v8 =	vnsel vm14, $0x0, v9;
	v10 =	vor.u32 v3, v7;
	v14 =	vbroadcast v11, $0xF  }
0x112: {  	v15 =	vor.u32 s28, v10;
	v11 =	vsel vm15, $0xFFFFFFFF, v2;
	v8 =	vadd.f32 v8, v13  }
0x113: {  	[tilespmem:s26+$0x0] =	vst v0;
	v13 =	vimm.s32 $0x0;
	v9 =	vsub.s32 v6, v14;
	v17 =	vcvt.s32.f32 v12  }
0x114: {  	s28 =	simm.s32 $0x10;
	[tilespmem:s29+$0x0] =	vst v0;
	v6 =	vxor.u32 v11, v15;
	v12 =	vimm.f32 $0.0e+00;
	v15 =	vcvt.s32.f32 v16  }
0x115: {  	s26 =	simm.s32 $0x20;
	(xrf0) =	vadd.scan.msk.s32 $0xffff, v16;
	v14 =	vmul.f32 v17, v6;
	v17 =	vor.u32 s28, v10;
	s28 =	simm.s32 $0x10020;
	v6 =	vimm.s32 $0x0;
	v16, _, _ =	vpop (xrf0)  }
.LBB2_14:
0x116: {  	v18 =	vld [tilespmem:s28+$0x0];
	[tilespmem:s28+$0x0] =	vst v0;
	p0 =	sne.s32 s26, $0x3F0;
	v17 =	vxor.u32 v11, v17;
	v19 =	vadd.s32 v13, v16;
	s29 =	smov.u32 s26;
	s26 =	sadd.s32 $0x10, s26  }
.Ltmp6:
0x117: {  	v15 =	vmul.f32 v15, v17;
	vm0 =	vle.s32 v19, v9;
	(pc) =	sbr.rel @p0 .LBB2_14-.Ltmp6, $4  }
0x118: {  	v17 =	vmpcnt.ones.xlane vm0;
	v20 =	vsel vm0, $0x0, v14  }
0x119: {  	v19 =	vbroadcast v16, $0xF;
	v12 =	vadd.f32 v20, v12;
	v14 =	vmov v15  }
0x11a: {  	v6 =	vadd.s32 v6, v17  }
0x11b: {  	s28 =	sadd.s32 $0x10, s28;
	v13 =	vadd.s32 v13, v19;
	v17 =	vor.u32 s29, v10;
	v15 =	vcvt.s32.f32 v18;
	(xrf0) =	vadd.scan.msk.s32 $0xffff, v18;
	v16, _, _ =	vpop (xrf0)  }
0x11c: {  	_ =	sdelay $0x1  }
0x11d: {  	v10 =	vbroadcast v16, $0xF;
	v16 =	vadd.s32 v13, v16;
	_ =	sdelay $0x2  }
0x11e: {  	v11 =	vxor.u32 v11, v17;
	vm0 =	vle.s32 v16, v9;
	v10 =	vadd.s32 v13, v10;
	v16, _, _ =	vpop (xrf0)  }
0x11f: {  	v11 =	vmul.f32 v15, v11;
	v13 =	vsel vm0, $0x0, v14;
	v10 =	vadd.s32 v10, v16  }
0x120: {  	v12 =	vadd.f32 v13, v12;
	vm1 =	vle.s32 v10, v9  }
0x121: {  	v9 =	vsel vm1, $0x0, v11  }
0x122: {  	v9 =	vadd.f32 v9, v12;
	_ =	sdelay $0x1  }
0x123: {  	v8 =	vadd.f32 v9, v8  }
0x124: {  	(xrf2) =	vadd.scan.msk.f32 $0xffff, v5  }
0x125: {  	(xrf2) =	vadd.scan.msk.f32 $0xffff, v8;
	_ =	sdelay $0x8  }
0x126: {  	v5, _, _ =	vpop (xrf2)  }
0x127: {  	v8, _, _ =	vpop (xrf2)  }
0x128: {  	s26 =	simm.s32 $0x40;
	v8 =	vbroadcast v8, $0xF  }
0x129: {  	v15 =	vld [tilespmem:s26+$0x10]  }
0x12a: {  	s28 =	simm.s32 $0xC0;
	v17 =	vld [tilespmem:s26+$0x20];
	(erf) = vrcp.f32 v8  }
0x12b: {  	v23 =	vld [tilespmem:s28+$0x0]  }
0x12c: {  	v14 =	vld [tilespmem:s26+$0x0];
	v9 =	vmpcnt.ones.xlane vm0  }
0x12d: {  	v13 =	vld [tilespmem:s26+$0xFFFFFFC0];
	v11 =	vmpcnt.ones.xlane vm1  }
0x12e: {  	v6 =	vadd.s32 v6, v9;
	v9 =	vld [tilespmem:s26+$0xFFFFFFD0]  }
0x12f: {  	v20 =	vxor.u32 $0x80000000, v15;
	vm6 =	vlt.s32 v15, $0x0;
	v6 =	vadd.s32 v6, v11;
	v11 =	vld [tilespmem:s26+$0xFFFFFFF0]  }
0x130: {  	v21 =	vxor.u32 $0x80000000, v17;
	vm7 =	vlt.s32 v17, $0x0;
	v6 =	vor.u32 v7, v6;
	v7 =	vld [tilespmem:s26+$0xFFFFFFE0]  }
0x131: {  	vm15 =	vlt.s32 v23, $0x0;
	v10 =	vld [tilespmem:s26+$0x30];
	v19 =	vxor.u32 $0x80000000, v14;
	vm5 =	vlt.s32 v14, $0x0  }
0x132: {  	vm1 =	vlt.s32 v13, $0x0;
	v5 =	vbroadcast v5, $0xF;
	v6 =	vxor.u32 $0x80000000, v6  }
0x133: {  	vm10 =	vlt.s32 v19, v6;
	vm11 =	vlt.s32 v20, v6;
	v16 =	vxor.u32 $0xFFFFFFFF, v9;
	v12 =	vpop (erf)  }
0x134: {  	v18 =	vxor.u32 $0x80000000, v9;
	vm2 =	vlt.s32 v9, $0x0;
	v5 =	vmul.f32 v12, v5  }
0x135: {  	vm4 =	vlt.s32 v11, $0x0;
	v9 =	vxor.u32 $0x80000000, v7;
	vm3 =	vlt.s32 v7, $0x0  }
0x136: {  	vm0 =	veq.f32 v8, $0.0e+00;
	v8 =	vxor.u32 $0xFFFFFFFF, v10;
	v5 =	vand.u32 $0x7FFFFFFF, v5  }
0x137: {  	v12 =	vxor.u32 $0x80000000, v10;
	v5 =	vsel vm0, $0x0, v5;
	vm0 =	vlt.s32 v10, $0x0  }
0x138: {  	v10 =	vxor.u32 $0xFFFFFFFF, v13;
	v8 =	vsel vm0, v12, v8;
	vm0 =	vlt.s32 v12, v6  }
0x139: {  	v12 =	vxor.u32 $0x80000000, v13;
	v13 =	vsel vm0, $0x0, v8;
	vm0 =	veq.s32 v4, $0x0  }
0x13a: {  	v4 =	vxor.u32 $0xFFFFFFFF, v7;
	v7 =	vxor.u32 $0xFFFFFFFF, v11;
	v10 =	vsel vm1, v12, v10  }
0x13b: {  	vm1 =	vlt.s32 v12, v6;
	v12 =	vsel vm2, v18, v16;
	v13 =	vmul.f32 v13, v5  }
0x13c: {  	vm2 =	vlt.s32 v18, v6;
	v16 =	vsel vm3, v9, v4;
	vm3 =	vlt.s32 v9, v6  }
0x13d: {  	v13 =	vsel vm0, v8, v13;
	v8 =	vxor.u32 $0x80000000, v11;
	v11 =	vxor.u32 $0xFFFFFFFF, v14  }
0x13e: {  	v14 =	vxor.u32 $0xFFFFFFFF, v15;
	v15 =	vxor.u32 $0xFFFFFFFF, v17;
	v7 =	vsel vm4, v8, v7  }
0x13f: {  	vm9 =	vlt.s32 v8, v6;
	v8 =	vsel vm5, v19, v11;
	v9 =	vsel vm6, v20, v14  }
0x140: {  	v11 =	vsel vm1, $0x0, v10;
	v4 =	vsel vm7, v21, v15;
	vm1 =	vlt.s32 v21, v6  }
0x141: {  	v14 =	vsel vm2, $0x0, v12;
	v15 =	vsel vm3, $0x0, v16;
	[tilespmem:s26+$0x30] =	vst v13;
	v13 =	vxor.u32 $0xFFFFFFFF, v23  }
0x142: {  	v19 =	vld [tilespmem:s28+$0x30];
	v17 =	vsel vm9, $0x0, v7;
	v18 =	vsel vm10, $0x0, v8;
	v20 =	vsel vm11, $0x0, v9  }
0x143: {  	v21 =	vsel vm1, $0x0, v4;
	v11 =	vmul.f32 v11, v5;
	v14 =	vmul.f32 v14, v5  }
0x144: {  	v22 =	vld [tilespmem:s28+$0xFFFFFFC0];
	v15 =	vmul.f32 v15, v5;
	vm1 =	vmmov vm0;
	v17 =	vmul.f32 v17, v5  }
0x145: {  	v20 =	vmul.f32 v20, v5;
	v11 =	vsel vm1, v10, v11;
	v10 =	vmul.f32 v18, v5  }
0x146: {  	v18 =	vld [tilespmem:s28+$0xFFFFFFD0];
	v12 =	vsel vm1, v12, v14;
	v14 =	vsel vm1, v16, v15;
	v17 =	vsel vm1, v7, v17  }
0x147: {  	v15 =	vxor.u32 $0xFFFFFFFF, v19;
	v16 =	vxor.u32 $0x80000000, v19;
	vm2 =	vlt.s32 v19, $0x0  }
0x148: {  	v25 =	vld [tilespmem:s28+$0x10];
	v19 =	vsel vm1, v9, v20;
	v7 =	vsel vm2, v16, v15;
	vm2 =	vlt.s32 v16, v6  }
0x149: {  	v9 =	vxor.u32 $0xFFFFFFFF, v22;
	v20 =	vld [tilespmem:s28+$0xFFFFFFF0];
	v16 =	vsel vm1, v8, v10;
	v8 =	vsel vm2, $0x0, v7  }
0x14a: {  	v15 =	vld [tilespmem:s28+$0xFFFFFFE0];
	v10 =	vxor.u32 $0x80000000, v22;
	vm2 =	vlt.s32 v22, $0x0;
	v8 =	vmul.f32 v8, v5  }
0x14b: {  	v22 =	vxor.u32 $0xFFFFFFFF, v18;
	vm12 =	vlt.s32 v18, $0x0;
	v18 =	vxor.u32 $0x80000000, v18  }
0x14c: {  	vm3 =	vlt.s32 v10, v6;
	v9 =	vsel vm2, v10, v9;
	vm2 =	vlt.s32 v18, v6  }
0x14d: {  	v24 =	vsel vm0, v7, v8;
	v8 =	vsel vm12, v18, v22;
	v7 =	vmul.f32 v21, v5  }
0x14e: {  	vm14 =	vlt.s32 v20, $0x0;
	v21 =	vxor.u32 $0x80000000, v23;
	v22 =	vxor.u32 $0xFFFFFFFF, v25  }
0x14f: {  	vm12 =	vlt.s32 v25, $0x0;
	v23 =	vxor.u32 $0x80000000, v25;
	v10 =	vxor.u32 $0xFFFFFFFF, v15  }
0x150: {  	[tilespmem:s26+$0xFFFFFFD0] =	vst v12;
	v18 =	vld [tilespmem:s28+$0x20];
	vm13 =	vlt.s32 v15, $0x0;
	v15 =	vxor.u32 $0x80000000, v15;
	v12 =	vsel vm15, v21, v13  }
0x151: {  	v13 =	vsel vm12, v23, v22;
	vm15 =	vlt.s32 v23, v6;
	v10 =	vsel vm13, v15, v10  }
0x152: {  	[tilespmem:s26+$0xFFFFFFC0] =	vst v11;
	vm4 =	vlt.s32 v15, v6;
	v15 =	vxor.u32 $0xFFFFFFFF, v20;
	v20 =	vxor.u32 $0x80000000, v20  }
0x153: {  	[tilespmem:s26+$0x0] =	vst v16;
	v16 =	vsel vm15, $0x0, v13;
	v11 =	vsel vm14, v20, v15;
	vm8 =	vlt.s32 v20, v6  }
0x154: {  	[tilespmem:s26+$0xFFFFFFE0] =	vst v14;
	vm14 =	vlt.s32 v21, v6;
	v20 =	vsel vm3, $0x0, v9;
	v21 =	vsel vm2, $0x0, v8  }
0x155: {  	[tilespmem:s26+$0xFFFFFFF0] =	vst v17;
	v63 =	vxor.u32 $0xFFFFFFFF, v18;
	vm13 =	vlt.s32 v18, $0x0;
	v15 =	vxor.u32 $0x80000000, v18  }
0x156: {  	[tilespmem:s26+$0x10] =	vst v19;
	v19 =	vsel vm4, $0x0, v10;
	v14 =	vsel vm13, v15, v63;
	vm3 =	vlt.s32 v15, v6  }
0x157: {  	s29 =	simm.s32 $0x8;
	s30 =	simm.s32 $0x140;
	[tilespmem:s28+$0x30] =	vst v24;
	v17 =	vsel vm14, $0x0, v12;
	v18 =	vsel vm8, $0x0, v11;
	v15 =	vsel vm3, $0x0, v14  }
.LBB2_16:
0x158: {  	v22 =	vld [tilespmem:s30+$0x30];
	s29 =	sadd.s32 $0x8, s29;
	v20 =	vmul.f32 v20, v5;
	v21 =	vmul.f32 v21, v5;
	v7 =	vsel vm1, v4, v7;
	v4 =	vmovc v14  }
0x159: {  	v19 =	vmul.f32 v19, v5;
	v18 =	vmul.f32 v18, v5;
	vm1 =	vmmov vm0;
	v14 =	vld [tilespmem:s30+$0xFFFFFFC0];
	p0 =	slt.u32 s29, $0x7F8;
	[tilespmem:s26+$0x20] =	vst v7;
	s26 =	smov.u32 s28;
	s28 =	smov.u32 s30  }
0x15a: {  	v16 =	vmul.f32 v16, v5;
	v23 =	vld [tilespmem:s30+$0xFFFFFFD0];
	v7 =	vsel vm1, v9, v20;
	v9 =	vmul.f32 v17, v5  }
0x15b: {  	v8 =	vsel vm1, v8, v21;
	v10 =	vsel vm1, v10, v19;
	v17 =	vld [tilespmem:s30+$0xFFFFFFE0];
	[tilespmem:s26+$0xFFFFFFC0] =	vst v7;
	v7 =	vmul.f32 v15, v5  }
0x15c: {  	v15 =	vld [tilespmem:s30+$0xFFFFFFF0];
	[tilespmem:s26+$0xFFFFFFD0] =	vst v8;
	v8 =	vsel vm1, v11, v18;
	v9 =	vsel vm1, v12, v9;
	v11 =	vsel vm1, v13, v16  }
0x15d: {  	v12 =	vld [tilespmem:s30+$0x0];
	v13 =	vxor.u32 $0xFFFFFFFF, v22;
	v16 =	vxor.u32 $0x80000000, v22;
	vm2 =	vlt.s32 v22, $0x0;
	[tilespmem:s26+$0xFFFFFFE0] =	vst v10  }
0x15e: {  	v10 =	vxor.u32 $0xFFFFFFFF, v14;
	v18 =	vld [tilespmem:s30+$0x10];
	v13 =	vsel vm2, v16, v13;
	vm3 =	vlt.s32 v16, v6;
	[tilespmem:s26+$0xFFFFFFF0] =	vst v8  }
0x15f: {  	v8 =	vxor.u32 $0x80000000, v14;
	vm2 =	vlt.s32 v14, $0x0;
	v14 =	vld [tilespmem:s30+$0x20];
	v16 =	vsel vm3, $0x0, v13;
	[tilespmem:s26+$0x0] =	vst v9  }
0x160: {  	v19 =	vxor.u32 $0xFFFFFFFF, v23;
	v20 =	vxor.u32 $0x80000000, v23;
	v9 =	vmul.f32 v16, v5;
	[tilespmem:s26+$0x10] =	vst v11  }
0x161: {  	vm3 =	vlt.s32 v23, $0x0;
	v11 =	vxor.u32 $0xFFFFFFFF, v17  }
0x162: {  	v16 =	vxor.u32 $0x80000000, v17;
	vm4 =	vlt.s32 v17, $0x0;
	v9 =	vsel vm0, v13, v9  }
0x163: {  	v17 =	vxor.u32 $0x80000000, v15;
	vm5 =	vlt.s32 v15, $0x0;
	v13 =	vxor.u32 $0xFFFFFFFF, v15;
	[tilespmem:s30+$0x30] =	vst v9  }
0x164: {  	v15 =	vxor.u32 $0xFFFFFFFF, v12;
	v21 =	vxor.u32 $0x80000000, v12;
	vm6 =	vlt.s32 v12, $0x0  }
0x165: {  	v22 =	vxor.u32 $0xFFFFFFFF, v18;
	v23 =	vxor.u32 $0x80000000, v18;
	vm7 =	vlt.s32 v18, $0x0  }
0x166: {  	v18 =	vxor.u32 $0xFFFFFFFF, v14;
	v24 =	vxor.u32 $0x80000000, v14;
	vm8 =	vlt.s32 v14, $0x0  }
0x167: {  	v9 =	vsel vm2, v8, v10;
	vm2 =	vlt.s32 v8, v6;
	v8 =	vsel vm3, v20, v19  }
0x168: {  	vm3 =	vlt.s32 v20, v6;
	v10 =	vsel vm4, v16, v11;
	vm4 =	vlt.s32 v16, v6  }
.Ltmp7:
0x169: {  	v11 =	vsel vm5, v17, v13;
	vm5 =	vlt.s32 v17, v6;
	v12 =	vsel vm6, v21, v15;
	(pc) =	sbr.rel @p0 .LBB2_16-.Ltmp7, $4  }
0x16a: {  	vm6 =	vlt.s32 v21, v6;
	v13 =	vsel vm7, v23, v22;
	vm7 =	vlt.s32 v23, v6  }
0x16b: {  	v20 =	vsel vm2, $0x0, v9;
	v14 =	vsel vm8, v24, v18;
	vm2 =	vlt.s32 v24, v6  }
0x16c: {  	v21 =	vsel vm3, $0x0, v8;
	v19 =	vsel vm4, $0x0, v10;
	v18 =	vsel vm5, $0x0, v11  }
0x16d: {  	s30 =	sadd.s32 $0x80, s30;
	v17 =	vsel vm6, $0x0, v12;
	v16 =	vsel vm7, $0x0, v13;
	v15 =	vsel vm2, $0x0, v14  }
0x16e: {  	v6 =	vmul.f32 v20, v5  }
0x16f: {  	v4 =	vsel vm1, v4, v7;
	vm1 =	vmmov vm0;
	v7 =	vmul.f32 v19, v5  }
0x170: {  	v20 =	vmul.f32 v21, v5;
	[tilespmem:s26+$0x20] =	vst v4;
	v4 =	vsel vm1, v9, v6  }
0x171: {  	v6 =	vmul.f32 v18, v5;
	v7 =	vsel vm1, v10, v7;
	[tilespmem:s28+$0xFFFFFFC0] =	vst v4  }
0x172: {  	v4 =	vsel vm1, v8, v20;
	v8 =	vmul.f32 v17, v5;
	[tilespmem:s28+$0xFFFFFFE0] =	vst v7  }
0x173: {  	[tilespmem:s28+$0xFFFFFFD0] =	vst v4;
	v4 =	vmul.f32 v16, v5;
	v6 =	vsel vm1, v11, v6  }
0x174: {  	v5 =	vmul.f32 v15, v5;
	v7 =	vsel vm1, v12, v8;
	[tilespmem:s28+$0xFFFFFFF0] =	vst v6  }
0x175: {  	v4 =	vsel vm1, v13, v4;
	[tilespmem:s28+$0x0] =	vst v7  }
0x176: {  	[tilespmem:s28+$0x10] =	vst v4;
	v4 =	vsel vm1, v14, v5  }
0x177: {  	[tilespmem:s28+$0x20] =	vst v4  }
0x178: {  	[hbm4b:s7+s17] =	stream.strided.scatter [tilespmem:s2], [sflag:$0x3], $0x8000, s18, s17, $0x38;
	[tilespmem:$0x10900] =	vst v63  }
0x179: {  	_ =	swait.ge [sflag:s22], $0x8000  }
0x17a: {  	[sflag:s22] =	ssyncset.done $0x0  }
0x17b: {  	[sflag:s22] =	ssyncadd.s32 $0xFFFF8000  }
0x17c: {  	[tilespmem:s2], [sflag:$0x1] =	stream.strided.gather [hbm4b:s8+s17], $0x8000, s18, s17, $0x38;
	[tilespmem:$0x10900] =	vst v63  }
0x17d: {  	_ =	swait.ge [sflag:s23], $0x8000  }
0x17e: {  	[sflag:s23] =	ssyncset.done $0x0  }
0x17f: {  	s28 =	simm.s32 $0x8040;
	[sflag:s23] =	ssyncadd.s32 $0xFFFF8000  }
0x180: {  	v4 =	vld [tilespmem:s28+$0xFFFFFFF0]  }
0x181: {  	v5 =	vld [tilespmem:s28+$0xFFFFFFD0]  }
0x182: {  	v16 =	vld [tilespmem:s28+$0x30]  }
0x183: {  	v8 =	vld [tilespmem:s28+$0xFFFFFFC0]  }
0x184: {  	v17 =	vld [tilespmem:s28+$0x20]  }
0x185: {  	v11 =	vld [tilespmem:s28+$0xFFFFFFE0]  }
0x186: {  	v9 =	vld [tilespmem:s28+$0x10]  }
0x187: {  	v6 =	vimm.f32 $0.0e+00;
	v7 =	vxor.u32 $0x80000000, v4;
	v10 =	vxor.u32 $0xFFFFFFFF, v4  }
0x188: {  	vm1 =	vlt.s32 v5, $0x0;
	vm2 =	vlt.s32 v4, $0x0;
	v12 =	vxor.u32 $0x80000000, v16  }
0x189: {  	v18 =	vld [tilespmem:s28+$0x0];
	v14 =	vxor.u32 $0xFFFFFFFF, v16;
	v6 =	vadd.f32 v8, v6;
	v23 =	vsel vm2, v10, v7  }
0x18a: {  	vm3 =	vlt.s32 v17, $0x0;
	v13 =	vxor.u32 $0xFFFFFFFF, v11;
	v25 =	vshrl.u32 v23, $0x15  }
0x18b: {  	v7 =	vxor.u32 $0x80000000, v9;
	v10 =	vxor.u32 $0xFFFFFFFF, v9;
	vm2 =	vlt.s32 v9, $0x0;
	(xrf1) =	vunique.msk.u32 $0xffff, v25  }
0x18c: {  	v21 =	vxor.u32 $0xFFFFFFFF, v17;
	v26 =	vxor.u32 $0x80000000, v8;
	v15 =	vsel vm2, v10, v7  }
0x18d: {  	v7 =	vxor.u32 $0x80000000, v5;
	v10 =	vxor.u32 $0xFFFFFFFF, v5;
	v5 =	vadd.f32 v5, v6  }
0x18e: {  	v27 =	vxor.u32 $0xFFFFFFFF, v18;
	v28 =	vxor.u32 $0xFFFFFFFF, v8;
	v36 =	vshrl.u32 v15, $0x15  }
0x18f: {  	vm2 =	vlt.s32 v16, $0x0;
	v6 =	vxor.u32 $0x80000000, v11;
	(xrf1) =	vunique.msk.u32 $0xffff, v36;
	v20 =	vadd.f32 v11, v5  }
0x190: {  	v19 =	vsel vm1, v10, v7;
	v7 =	vxor.u32 $0x80000000, v17;
	vm1 =	vlt.s32 v11, $0x0  }
0x191: {  	s26 =	simm.s32 $0x80C0;
	v14 =	vsel vm2, v14, v12;
	v21 =	vsel vm3, v21, v7;
	v7 =	vadd.f32 v4, v20  }
0x192: {  	v24 =	vld [tilespmem:s26+$0xFFFFFFD0];
	vm2 =	vlt.s32 v18, $0x0;
	v10 =	vshrl.u32 v19, $0x15;
	v22 =	vsel vm1, v13, v6  }
0x193: {  	v5 =	vld [tilespmem:$0x10810];
	vm1 =	vlt.s32 v8, $0x0;
	(xrf1) =	vunique.msk.u32 $0xffff, v10;
	v11 =	vshrl.u32 v22, $0x15;
	v12 =	vadd.f32 v18, v7  }
0x194: {  	v6 =	vld [tilespmem:s26+$0xFFFFFFF0];
	v13 =	vshrl.u32 v21, $0x15;
	v26 =	vsel vm1, v28, v26;
	v20 =	vxor.u32 $0x80000000, v18;
	(xrf1) =	vunique.msk.u32 $0xffff, v11  }
0x195: {  	v8 =	vld [tilespmem:s26+$0x0];
	(xrf1) =	vunique.msk.u32 $0xffff, v13;
	v20 =	vsel vm2, v27, v20;
	v27 =	vadd.f32 v9, v12;
	v12 =	vshrl.u32 v26, $0x15  }
0x196: {  	[tilespmem:s28+$0x30] =	vst v14;
	v4 =	vld [tilespmem:s26+$0x30];
	(xrf1) =	vunique.msk.u32 $0xffff, v12  }
0x197: {  	[tilespmem:s28+$0x10] =	vst v15;
	v15 =	vshrl.u32 v14, $0x15;
	v7 =	vld [tilespmem:s26+$0x10]  }
0x198: {  	[tilespmem:s28+$0xFFFFFFE0] =	vst v22;
	v14 =	vshrl.u32 v20, $0x15;
	(xrf1) =	vunique.msk.u32 $0xffff, v15  }
0x199: {  	vm1 =	vlt.s32 v24, $0x0;
	v22 =	vxor.u32 $0x80000000, v6;
	v28 =	vxor.u32 $0xFFFFFFFF, v6;
	v9 =	vld [tilespmem:s26+$0x20];
	_, v30, vm6 =	vpop (xrf1);
	(xrf1) =	vunique.msk.u32 $0xffff, v14  }
0x19a: {  	[tilespmem:s28+$0xFFFFFFD0] =	vst v19;
	v18 =	vld [tilespmem:s26+$0xFFFFFFC0];
	vm3 =	vlt.s32 v6, $0x0;
	v19 =	vxor.u32 $0x80000000, v8;
	v27 =	vadd.f32 v17, v27  }
0x19b: {  	v29 =	vxor.u32 $0x80000000, v4;
	v37 =	vxor.u32 $0xFFFFFFFF, v4;
	vm2 =	vlt.s32 v4, $0x0  }
0x19c: {  	[tilespmem:s28+$0x0] =	vst v20;
	v17 =	vld [tilespmem:s26+$0xFFFFFFE0];
	v29 =	vsel vm2, v37, v29;
	v31 =	vxor.u32 $0x80000000, v7;
	v20 =	vadd.f32 v16, v27  }
0x19d: {  	v27 =	vxor.u32 $0x80000000, v24;
	v16 =	vsel vm3, v28, v22;
	v28 =	vxor.u32 $0xFFFFFFFF, v24;
	_, v38, vm7 =	vpop (xrf1)  }
0x19e: {  	[tilespmem:s28+$0x20] =	vst v21;
	v32 =	vxor.u32 $0xFFFFFFFF, v7;
	vm4 =	vlt.s32 v9, $0x0;
	v21 =	vsel vm1, v28, v27  }
0x19f: {  	[tilespmem:s28+$0xFFFFFFF0] =	vst v23;
	vm1 =	vlt.s32 v7, $0x0;
	v34 =	vxor.u32 $0xFFFFFFFF, v9;
	v22 =	vadd.f32 v18, v20  }
0x1a0: {  	[tilespmem:s28+$0xFFFFFFC0] =	vst v26;
	v20 =	vshrl.u32 v16, $0x15;
	v28 =	vsel vm1, v32, v31;
	v31 =	vxor.u32 $0x80000000, v9  }
0x1a1: {  	v32 =	vxor.u32 $0x80000000, v18;
	v33 =	vxor.u32 $0x80000000, v17;
	v26 =	vshrl.u32 v28, $0x15;
	(xrf1) =	vunique.msk.u32 $0xffff, v20;
	_, v23, vm1 =	vpop (xrf1)  }
0x1a2: {  	vm5 =	vlt.s32 v17, $0x0;
	v22 =	vadd.f32 v24, v22;
	(xrf1) =	vunique.msk.u32 $0xffff, v26;
	_, v27, vm3 =	vpop (xrf1);
	[tilespmem:v25+s21+$0x0] =	vst.idx.add.s32.msk vm6, v30  }
0x1a3: {  	s29 =	simm.s32 $0x8140;
	s28 =	simm.s32 $0x8;
	v35 =	vxor.u32 $0xFFFFFFFF, v17;
	v24 =	vshrl.u32 v21, $0x15;
	v30 =	vxor.u32 $0xFFFFFFFF, v8;
	_, v25, vm2 =	vpop (xrf1);
	[tilespmem:v36+s21+$0x0] =	vst.idx.add.s32.msk vm7, v38  }
.LBB2_18:
0x1a4: {  	v36 =	vld [tilespmem:s29+$0xFFFFFFD0];
	s28 =	sadd.s32 $0x8, s28;
	v33 =	vsel vm5, v35, v33;
	v17 =	vadd.f32 v17, v22;
	[tilespmem:s26+$0x30] =	vst v29;
	(xrf1) =	vunique.msk.u32 $0xffff, v24;
	_, v22, vm5 =	vpop (xrf1)  }
0x1a5: {  	v38 =	vmovc v20;
	v39 =	vmov v26;
	v35 =	vld [tilespmem:s29+$0x10];
	p0 =	slt.u32 s28, $0x7F8;
	v37 =	vshrl.u32 v33, $0x15;
	[tilespmem:s26+$0x10] =	vst v28;
	v28 =	vsel vm4, v34, v31  }
0x1a6: {  	v20 =	vxor.u32 $0xFFFFFFFF, v18;
	vm4 =	vlt.s32 v18, $0x0;
	v17 =	vadd.f32 v6, v17;
	v6 =	vld [tilespmem:s29+$0xFFFFFFF0];
	(xrf1) =	vunique.msk.u32 $0xffff, v37;
	_, v26, vm6 =	vpop (xrf1)  }
0x1a7: {  	v32 =	vsel vm4, v20, v32;
	v31 =	vld [tilespmem:s29+$0x30];
	[tilespmem:s26+$0xFFFFFFE0] =	vst v33;
	v33 =	vshrl.u32 v28, $0x15;
	_, v34, vm4 =	vpop (xrf1)  }
0x1a8: {  	v40 =	vshrl.u32 v32, $0x15;
	v17 =	vadd.f32 v8, v17;
	(xrf1) =	vunique.msk.u32 $0xffff, v33;
	[tilespmem:v10+s21+$0x0] =	vst.idx.add.s32.msk vm1, v23;
	v10 =	vmovc v24  }
0x1a9: {  	vm1 =	vlt.s32 v8, $0x0;
	(xrf1) =	vunique.msk.u32 $0xffff, v40;
	[tilespmem:v11+s21+$0x0] =	vst.idx.add.s32.msk vm3, v27;
	v11 =	vmov v37  }
0x1aa: {  	v24 =	vshrl.u32 v29, $0x15;
	v19 =	vsel vm1, v30, v19;
	v8 =	vld [tilespmem:s29+$0x0];
	[tilespmem:s26+$0xFFFFFFD0] =	vst v21;
	v17 =	vadd.f32 v7, v17;
	v7 =	vmovc v35  }
0x1ab: {  	v27 =	vshrl.u32 v19, $0x15;
	v18 =	vld [tilespmem:s29+$0xFFFFFFC0];
	[tilespmem:s26+$0x0] =	vst v19;
	(xrf1) =	vunique.msk.u32 $0xffff, v24  }
0x1ac: {  	v19 =	vxor.u32 $0x80000000, v6;
	v20 =	vxor.u32 $0xFFFFFFFF, v6;
	v21 =	vadd.f32 v9, v17;
	v9 =	vld [tilespmem:s29+$0x20];
	(xrf1) =	vunique.msk.u32 $0xffff, v27  }
0x1ad: {  	vm1 =	vlt.s32 v36, $0x0;
	v29 =	vxor.u32 $0x80000000, v31;
	v37 =	vxor.u32 $0xFFFFFFFF, v31;
	v17 =	vld [tilespmem:s29+$0xFFFFFFE0];
	[tilespmem:s26+$0x20] =	vst v28  }
0x1ae: {  	vm3 =	vlt.s32 v6, $0x0;
	vm7 =	vlt.s32 v31, $0x0;
	v21 =	vadd.f32 v4, v21;
	[tilespmem:v13+s21+$0x0] =	vst.idx.add.s32.msk vm2, v25;
	v4 =	vmovc v31  }
0x1af: {  	v28 =	vxor.u32 $0x80000000, v36;
	v25 =	vsel vm3, v20, v19;
	v19 =	vxor.u32 $0x80000000, v8;
	_, v30, vm8 =	vpop (xrf1);
	[tilespmem:v15+s21+$0x0] =	vst.idx.add.s32.msk vm6, v26  }
0x1b0: {  	v20 =	vshrl.u32 v25, $0x15;
	v35 =	vadd.f32 v18, v21;
	v21 =	vxor.u32 $0xFFFFFFFF, v36;
	_, v41, vm2 =	vpop (xrf1);
	[tilespmem:v14+s21+$0x0] =	vst.idx.add.s32.msk vm4, v34  }
0x1b1: {  	v13 =	vmovc v33;
	v26 =	vxor.u32 $0xFFFFFFFF, v7;
	v34 =	vxor.u32 $0x80000000, v7;
	vm4 =	vlt.s32 v9, $0x0;
	[tilespmem:v12+s21+$0x0] =	vst.idx.add.s32.msk vm5, v22;
	v12 =	vmovc v40  }
.Ltmp8:
0x1b2: {  	vm3 =	vlt.s32 v7, $0x0;
	v21 =	vsel vm1, v21, v28;
	v22 =	vadd.f32 v36, v35;
	[tilespmem:s26+$0xFFFFFFC0] =	vst v32;
	_, v23, vm1 =	vpop (xrf1);
	(pc) =	sbr.rel @p0 .LBB2_18-.Ltmp8, $4  }
0x1b3: {  	v15 =	vmovc v24;
	v14 =	vmovc v27;
	v28 =	vsel vm3, v26, v34;
	v31 =	vxor.u32 $0x80000000, v9;
	v33 =	vxor.u32 $0x80000000, v17;
	[tilespmem:s26+$0xFFFFFFF0] =	vst v16;
	s26 =	smov.u32 s29  }
0x1b4: {  	v34 =	vxor.u32 $0xFFFFFFFF, v9;
	vm5 =	vlt.s32 v17, $0x0;
	v26 =	vshrl.u32 v28, $0x15;
	(xrf1) =	vunique.msk.u32 $0xffff, v20;
	_, v27, vm3 =	vpop (xrf1)  }
0x1b5: {  	v32 =	vxor.u32 $0x80000000, v18;
	v24 =	vshrl.u32 v21, $0x15;
	v16 =	vmovc v25;
	(xrf1) =	vunique.msk.u32 $0xffff, v26;
	[tilespmem:v38+s21+$0x0] =	vst.idx.add.s32.msk vm8, v30  }
0x1b6: {  	v29 =	vsel vm7, v37, v29;
	v35 =	vxor.u32 $0xFFFFFFFF, v17;
	s29 =	sadd.s32 $0x80, s29;
	v30 =	vxor.u32 $0xFFFFFFFF, v8;
	[tilespmem:v39+s21+$0x0] =	vst.idx.add.s32.msk vm2, v41;
	_, v25, vm2 =	vpop (xrf1)  }
0x1b7: {  	v33 =	vsel vm5, v35, v33;
	v31 =	vsel vm4, v34, v31  }
0x1b8: {  	(xrf1) =	vunique.msk.u32 $0xffff, v24;
	v57 =	vxor.u32 $0xFFFFFFFF, v18;
	vm12 =	vlt.s32 v18, $0x0;
	v35 =	vshrl.u32 v33, $0x15  }
0x1b9: {  	v18 =	vsel vm12, v57, v32;
	v58 =	vshrl.u32 v31, $0x15;
	(xrf1) =	vunique.msk.u32 $0xffff, v35  }
0x1ba: {  	vm13 =	vlt.s32 v8, $0x0;
	v34 =	vshrl.u32 v18, $0x15;
	(xrf1) =	vunique.msk.u32 $0xffff, v58  }
0x1bb: {  	v59 =	vshrl.u32 v29, $0x15;
	v19 =	vsel vm13, v30, v19;
	(xrf1) =	vunique.msk.u32 $0xffff, v34  }
0x1bc: {  	[tilespmem:s26+$0x30] =	vst v29;
	v36 =	vshrl.u32 v19, $0x15;
	(xrf1) =	vunique.msk.u32 $0xffff, v59  }
0x1bd: {  	[tilespmem:s26+$0x10] =	vst v28;
	(xrf1) =	vunique.msk.u32 $0xffff, v36  }
0x1be: {  	[tilespmem:v10+s21+$0x0] =	vst.idx.add.s32.msk vm1, v23  }
0x1bf: {  	_, v60, vm14 =	vpop (xrf1);
	[tilespmem:v11+s21+$0x0] =	vst.idx.add.s32.msk vm3, v27  }
0x1c0: {  	[tilespmem:s26+$0xFFFFFFD0] =	vst v21;
	_, v61, vm15 =	vpop (xrf1)  }
0x1c1: {  	[tilespmem:v13+s21+$0x0] =	vst.idx.add.s32.msk vm2, v25;
	_, v10, vm1 =	vpop (xrf1)  }
0x1c2: {  	[tilespmem:s26+$0xFFFFFFF0] =	vst v16  }
0x1c3: {  	[tilespmem:s26+$0xFFFFFFE0] =	vst v33  }
0x1c4: {  	[tilespmem:s26+$0x20] =	vst v31;
	_, v11, vm3 =	vpop (xrf1)  }
0x1c5: {  	[tilespmem:s26+$0x0] =	vst v19;
	_, v13, vm2 =	vpop (xrf1)  }
0x1c6: {  	[tilespmem:v15+s21+$0x0] =	vst.idx.add.s32.msk vm15, v61;
	_, v15, vm5 =	vpop (xrf1)  }
0x1c7: {  	[tilespmem:v14+s21+$0x0] =	vst.idx.add.s32.msk vm1, v10;
	_, v10, vm1 =	vpop (xrf1)  }
0x1c8: {  	[tilespmem:v12+s21+$0x0] =	vst.idx.add.s32.msk vm14, v60;
	_, v12, vm4 =	vpop (xrf1)  }
0x1c9: {  	[tilespmem:s26+$0xFFFFFFC0] =	vst v18;
	_, v62, vm6 =	vpop (xrf1)  }
0x1ca: {  	[tilespmem:v20+s21+$0x0] =	vst.idx.add.s32.msk vm3, v11;
	_, v11, vm3 =	vpop (xrf1)  }
0x1cb: {  	[tilespmem:v26+s21+$0x0] =	vst.idx.add.s32.msk vm2, v13;
	_, v13, vm2 =	vpop (xrf1)  }
0x1cc: {  	[tilespmem:v24+s21+$0x0] =	vst.idx.add.s32.msk vm5, v15  }
0x1cd: {  	[tilespmem:v35+s21+$0x0] =	vst.idx.add.s32.msk vm1, v10  }
0x1ce: {  	[tilespmem:v58+s21+$0x0] =	vst.idx.add.s32.msk vm4, v12  }
0x1cf: {  	[tilespmem:v34+s21+$0x0] =	vst.idx.add.s32.msk vm6, v62  }
0x1d0: {  	[tilespmem:v59+s21+$0x0] =	vst.idx.add.s32.msk vm3, v11  }
0x1d1: {  	s31 =	simm.s32 $0x0;
	[tilespmem:v36+s21+$0x0] =	vst.idx.add.s32.msk vm2, v13  }
0x1d2: {  	v10 =	vld [tilespmem:s31+$0x10000];
	_ =	sdelay $0x1  }
0x1d3: {  	v11 =	vadd.f32 v17, v22;
	_ =	sdelay $0x1  }
0x1d4: {  	v6 =	vadd.f32 v6, v11  }
0x1d5: {  	s28 =	simm.s32 $0x10;
	(xrf0) =	vadd.scan.msk.s32 $0xffff, v10  }
0x1d6: {  	v8 =	vadd.f32 v8, v6;
	v6 =	vld [tilespmem:s28+$0x10000];
	_ =	sdelay $0x1  }
0x1d7: {  	v8 =	vadd.f32 v7, v8;
	_ =	sdelay $0x1  }
0x1d8: {  	v8 =	vadd.f32 v9, v8  }
0x1d9: {  	s29 =	simm.s32 $0x20;
	v7 =	vimm.s32 $0x0;
	v11, _, _ =	vpop (xrf0);
	(xrf0) =	vadd.scan.msk.s32 $0xffff, v6  }
0x1da: {  	v4 =	vadd.f32 v4, v8;
	v8 =	vld [tilespmem:s29+$0x10000];
	v63 =	vadd.s32 v7, v11  }
0x1db: {  	vm1 =	vle.s32 v63, v5  }
0x1dc: {  	[tilespmem:s31+$0x10000] =	vst v0;
	v12 =	vmpcnt.ones.xlane vm1  }
0x1dd: {  	[tilespmem:s28+$0x10000] =	vst v0;
	v11 =	vbroadcast v11, $0xF;
	v9 =	vnsel vm1, $0x0, v10  }
0x1de: {  	s26 =	simm.s32 $0xC0;
	[tilespmem:s29+$0x10000] =	vst v0;
	v9 =	vadd.s32 v7, v9;
	v10 =	vadd.s32 v7, v12  }
.LBB2_20:
0x1df: {  	s28 =	sshra.s32 s26, $0x2;
	p0 =	sne.s32 s26, $0x1FC0;
	s26 =	sadd.s32 $0x40, s26;
	(xrf0) =	vadd.scan.msk.s32 $0xffff, v8;
	v12, _, _ =	vpop (xrf0);
	v7 =	vadd.s32 v7, v11;
	v11 =	vmov v8  }
.Ltmp9:
0x1e0: {  	v8 =	vld [tilespmem:s28+$0x10000];
	[tilespmem:s28+$0x10000] =	vst v0;
	v13 =	vadd.s32 v7, v12;
	(pc) =	sbr.rel @p0 .LBB2_20-.Ltmp9, $4  }
0x1e1: {  	vm1 =	vle.s32 v13, v5  }
0x1e2: {  	v13 =	vmpcnt.ones.xlane vm1;
	v14 =	vnsel vm1, $0x0, v6;
	v6 =	vmov v11  }
0x1e3: {  	v11 =	vbroadcast v12, $0xF;
	v9 =	vadd.s32 v9, v14  }
0x1e4: {  	v10 =	vadd.s32 v10, v13  }
0x1e5: {  	(xrf0) =	vadd.scan.msk.s32 $0xffff, v8;
	_ =	sdelay $0x2  }
0x1e6: {  	v12, _, _ =	vpop (xrf0)  }
0x1e7: {  	v13 =	vbroadcast v12, $0xF  }
0x1e8: {  	v7 =	vadd.s32 v7, v11;
	s26 =	simm.s32 $0x8040  }
0x1e9: {  	v11 =	vadd.s32 v7, v12;
	v7 =	vadd.s32 v7, v13;
	v13 =	vld [tilespmem:s26+$0xFFFFFFC0];
	v12, _, _ =	vpop (xrf0)  }
0x1ea: {  	vm1 =	vle.s32 v11, v5;
	v7 =	vadd.s32 v7, v12  }
0x1eb: {  	v11 =	vmpcnt.ones.xlane vm1;
	v12 =	vld [tilespmem:s26+$0xFFFFFFE0];
	vm2 =	vle.s32 v7, v5  }
0x1ec: {  	v7 =	vmpcnt.ones.xlane vm2  }
0x1ed: {  	v10 =	vadd.s32 v10, v11  }
0x1ee: {  	v14 =	vld [tilespmem:s26+$0xFFFFFFF0];
	v11 =	vshrl.u32 v13, $0x15;
	v7 =	vadd.s32 v10, v7  }
0x1ef: {  	v6 =	vnsel vm1, $0x0, v6;
	v10 =	vld [tilespmem:s26+$0x20];
	vm4 =	veq.s32 v11, v7;
	v11 =	vshrl.u32 v13, $0xA  }
0x1f0: {  	v6 =	vadd.s32 v9, v6;
	v15 =	vand.u32 $0x7FF, v11;
	v11 =	vshrl.u32 v12, $0x15  }
0x1f1: {  	v16 =	vld [tilespmem:s26+$0x30];
	v8 =	vnsel vm2, $0x0, v8;
	v12 =	vshrl.u32 v12, $0xA;
	vm3 =	veq.s32 v11, v7  }
0x1f2: {  	v6 =	vadd.s32 v6, v8;
	v8 =	vld [tilespmem:s26+$0xFFFFFFD0];
	v11 =	vand.u32 $0x7FF, v12;
	_ =	sdelay $0x1  }
0x1f3: {  	v9 =	vshrl.u32 v14, $0xA;
	v13 =	vshrl.u32 v14, $0x15;
	v12 =	vld [tilespmem:s26+$0x10];
	v14 =	vshrl.u32 v10, $0x15  }
0x1f4: {  	vm1 =	veq.s32 v13, v7;
	v13 =	vld [tilespmem:s26+$0x0];
	v10 =	vshrl.u32 v10, $0xA;
	vm2 =	veq.s32 v14, v7  }
0x1f5: {  	s28 =	simm.s32 $0x80C0;
	s26 =	simm.s32 $0x0;
	v10 =	vand.u32 $0x7FF, v10;
	v14 =	vshrl.u32 v16, $0xA;
	[tilespmem:v15+s21+$0x0] =	vst.idx.add.s32.msk vm4, v1;
	v15 =	vshrl.u32 v16, $0x15  }
.LBB2_22:
0x1f6: {  	s26 =	sadd.s32 $0x8, s26;
	v16 =	vshrl.u32 v8, $0x15;
	[tilespmem:v11+s21+$0x0] =	vst.idx.add.s32.msk vm3, v1;
	vm4 =	veq.s32 v15, v7  }
0x1f7: {  	v8 =	vshrl.u32 v8, $0xA;
	v11 =	vand.u32 $0x7FF, v9;
	v15 =	vld [tilespmem:s28+$0xFFFFFFF0];
	p0 =	slt.u32 s26, $0x7F8;
	vm5 =	veq.s32 v16, v7  }
0x1f8: {  	v14 =	vand.u32 $0x7FF, v14;
	v17 =	vand.u32 $0x7FF, v8;
	v16 =	vld [tilespmem:s28+$0xFFFFFFE0];
	v8 =	vshrl.u32 v12, $0x15  }
0x1f9: {  	v18 =	vld [tilespmem:s28+$0xFFFFFFC0];
	v9 =	vshrl.u32 v13, $0x15;
	vm6 =	veq.s32 v8, v7;
	v8 =	vshrl.u32 v12, $0xA  }
0x1fa: {  	v19 =	vld [tilespmem:s28+$0x30];
	vm7 =	veq.s32 v9, v7;
	v9 =	vshrl.u32 v13, $0xA;
	v12 =	vand.u32 $0x7FF, v8  }
0x1fb: {  	v20 =	vld [tilespmem:s28+$0x20];
	v13 =	vand.u32 $0x7FF, v9  }
0x1fc: {  	v8 =	vld [tilespmem:s28+$0xFFFFFFD0];
	v9 =	vshrl.u32 v15, $0xA  }
0x1fd: {  	[tilespmem:v11+s21+$0x0] =	vst.idx.add.s32.msk vm1, v1  }
0x1fe: {  	v21 =	vshrl.u32 v16, $0x15;
	v16 =	vshrl.u32 v16, $0xA;
	v11 =	vshrl.u32 v18, $0x15;
	[tilespmem:v10+s21+$0x0] =	vst.idx.add.s32.msk vm2, v1  }
0x1ff: {  	v10 =	vshrl.u32 v18, $0xA;
	vm3 =	veq.s32 v21, v7;
	vm8 =	veq.s32 v11, v7;
	[tilespmem:v12+s21+$0x0] =	vst.idx.add.s32.msk vm6, v1  }
0x200: {  	v10 =	vand.u32 $0x7FF, v10;
	v11 =	vand.u32 $0x7FF, v16;
	[tilespmem:v13+s21+$0x0] =	vst.idx.add.s32.msk vm7, v1  }
.Ltmp10:
0x201: {  	v12 =	vshrl.u32 v15, $0x15;
	[tilespmem:v14+s21+$0x0] =	vst.idx.add.s32.msk vm4, v1;
	(pc) =	sbr.rel @p0 .LBB2_22-.Ltmp10, $4  }
0x202: {  	vm1 =	veq.s32 v12, v7;
	[tilespmem:v17+s21+$0x0] =	vst.idx.add.s32.msk vm5, v1  }
0x203: {  	v14 =	vshrl.u32 v20, $0x15;
	v12 =	vld [tilespmem:s28+$0x10]  }
0x204: {  	vm2 =	veq.s32 v14, v7;
	v14 =	vshrl.u32 v20, $0xA;
	v13 =	vld [tilespmem:s28+$0x0]  }
0x205: {  	v15 =	vshrl.u32 v19, $0x15;
	s28 =	sadd.s32 $0x80, s28;
	[tilespmem:v10+s21+$0x0] =	vst.idx.add.s32.msk vm8, v1;
	v10 =	vand.u32 $0x7FF, v14;
	v14 =	vshrl.u32 v19, $0xA  }
0x206: {  	_ =	sdelay $0x3  }
0x207: {  	v9 =	vand.u32 $0x7FF, v9;
	v63 =	vshrl.u32 v8, $0x15  }
0x208: {  	vm6 =	veq.s32 v15, v7;
	[tilespmem:v11+s21+$0x0] =	vst.idx.add.s32.msk vm3, v1;
	v8 =	vshrl.u32 v8, $0xA;
	v11 =	vand.u32 $0x7FF, v14  }
0x209: {  	vm3 =	veq.s32 v63, v7;
	v8 =	vand.u32 $0x7FF, v8;
	v16 =	vshrl.u32 v12, $0x15  }
0x20a: {  	v12 =	vshrl.u32 v12, $0xA;
	vm4 =	veq.s32 v16, v7;
	v62 =	vshrl.u32 v13, $0x15  }
0x20b: {  	v13 =	vshrl.u32 v13, $0xA;
	v12 =	vand.u32 $0x7FF, v12;
	vm5 =	veq.s32 v62, v7  }
0x20c: {  	[tilespmem:v10+s21+$0x0] =	vst.idx.add.s32.msk vm2, v1;
	v13 =	vand.u32 $0x7FF, v13  }
0x20d: {  	[tilespmem:v9+s21+$0x0] =	vst.idx.add.s32.msk vm1, v1  }
0x20e: {  	[tilespmem:v11+s21+$0x0] =	vst.idx.add.s32.msk vm6, v1  }
0x20f: {  	[tilespmem:v8+s21+$0x0] =	vst.idx.add.s32.msk vm3, v1  }
0x210: {  	[tilespmem:v12+s21+$0x0] =	vst.idx.add.s32.msk vm4, v1  }
0x211: {  	s26 =	simm.s32 $0x0;
	[tilespmem:v13+s21+$0x0] =	vst.idx.add.s32.msk vm5, v1  }
0x212: {  	v8 =	vld [tilespmem:s26+$0x10000];
	_ =	sdelay $0x2  }
0x213: {  	(xrf0) =	vadd.scan.msk.s32 $0xffff, v6;
	_ =	sdelay $0x1  }
0x214: {  	(xrf0) =	vadd.scan.msk.s32 $0xffff, v8  }
0x215: {  	s28 =	simm.s32 $0x10  }
0x216: {  	v9 =	vld [tilespmem:s28+$0x10000];
	_ =	sdelay $0x1  }
0x217: {  	v6, _, _ =	vpop (xrf0)  }
0x218: {  	v10 =	vbroadcast v6, $0xF  }
0x219: {  	v6 =	vimm.s32 $0x0;
	v12, _, _ =	vpop (xrf0)  }
0x21a: {  	s29 =	simm.s32 $0x20;
	v5 =	vsub.s32 v5, v10;
	(xrf0) =	vadd.scan.msk.s32 $0xffff, v9;
	v10 =	vadd.s32 v6, v12  }
0x21b: {  	vm1 =	vle.s32 v10, v5;
	v10 =	vld [tilespmem:s29+$0x10000];
	_ =	sdelay $0x1  }
0x21c: {  	[tilespmem:s26+$0x10000] =	vst v0;
	v13 =	vmpcnt.ones.xlane vm1;
	v8 =	vnsel vm1, $0x0, v8  }
0x21d: {  	[tilespmem:s28+$0x10000] =	vst v0;
	v11 =	vadd.s32 v6, v8;
	v8 =	vbroadcast v12, $0xF  }
0x21e: {  	s26 =	simm.s32 $0xC0;
	[tilespmem:s29+$0x10000] =	vst v0;
	v12 =	vadd.s32 v6, v13  }
.LBB2_24:
0x21f: {  	s28 =	sshra.s32 s26, $0x2;
	p0 =	sne.s32 s26, $0x1FC0;
	s26 =	sadd.s32 $0x40, s26;
	(xrf0) =	vadd.scan.msk.s32 $0xffff, v10;
	v13, _, _ =	vpop (xrf0);
	v6 =	vadd.s32 v6, v8;
	v8 =	vmov v10  }
.Ltmp11:
0x220: {  	v10 =	vld [tilespmem:s28+$0x10000];
	[tilespmem:s28+$0x10000] =	vst v0;
	v14 =	vadd.s32 v6, v13;
	(pc) =	sbr.rel @p0 .LBB2_24-.Ltmp11, $4  }
0x221: {  	vm1 =	vle.s32 v14, v5  }
0x222: {  	v14 =	vmpcnt.ones.xlane vm1;
	v15 =	vnsel vm1, $0x0, v9;
	v9 =	vmov v8  }
0x223: {  	v8 =	vbroadcast v13, $0xF;
	v11 =	vadd.s32 v11, v15  }
0x224: {  	v12 =	vadd.s32 v12, v14  }
0x225: {  	s26 =	simm.s32 $0x8040  }
0x226: {  	(xrf0) =	vadd.scan.msk.s32 $0xffff, v10;
	v23 =	vld [tilespmem:s26+$0x10]  }
0x227: {  	v24 =	vld [tilespmem:s26+$0x0]  }
0x228: {  	v13, _, _ =	vpop (xrf0);
	v8 =	vadd.s32 v6, v8;
	v17 =	vld [tilespmem:s26+$0xFFFFFFC0]  }
0x229: {  	v14 =	vbroadcast v13, $0xF;
	v13 =	vadd.s32 v8, v13;
	v16 =	vld [tilespmem:s26+$0xFFFFFFE0]  }
0x22a: {  	vm1 =	vle.s32 v13, v5  }
0x22b: {  	v7 =	vshll.u32 v7, $0xB;
	v20 =	vimm.f32 $0.0e+00;
	v9 =	vnsel vm1, $0x0, v9  }
0x22c: {  	v14 =	vadd.s32 v8, v14;
	v8 =	vld [tilespmem:s26+$0x30];
	v9 =	vadd.s32 v11, v9;
	v15, _, _ =	vpop (xrf0);
	vm3 =	vgt.s32 v23, $0xFFFFFFFF  }
0x22d: {  	vm4 =	vgt.s32 v17, $0xFFFFFFFF;
	v13 =	vadd.s32 v14, v15;
	v15 =	vmpcnt.ones.xlane vm1  }
0x22e: {  	v6 =	vld [tilespmem:s26+$0x20];
	vm6 =	vgt.s32 v24, $0xFFFFFFFF;
	v18 =	vshrl.u32 v17, $0xA;
	vm15 =	vgt.s32 v16, $0xFFFFFFFF  }
0x22f: {  	v19 =	vsel vm4, $0xFFFFFFFF, v2;
	vm2 =	vle.s32 v13, v5;
	v11 =	vadd.s32 v12, v15;
	v15 =	vld [tilespmem:s26+$0xFFFFFFD0]  }
0x230: {  	v25 =	vsel vm15, $0xFFFFFFFF, v2;
	v27 =	vsel vm6, $0xFFFFFFFF, v2;
	v13 =	vmpcnt.ones.xlane vm2  }
0x231: {  	vm1 =	vgt.s32 v8, $0xFFFFFFFF;
	v19 =	vxor.u32 v17, v19;
	v10 =	vnsel vm2, $0x0, v10  }
0x232: {  	v14 =	vld [tilespmem:s26+$0xFFFFFFF0];
	v12 =	vand.u32 $0x3FF, v8;
	v9 =	vadd.s32 v9, v10;
	v10 =	vadd.s32 v11, v13  }
0x233: {  	vm2 =	vgt.s32 v6, $0xFFFFFFFF;
	v13 =	vand.u32 $0x3FF, v24;
	v7 =	vor.u32 v7, v10  }
0x234: {  	v11 =	vand.u32 $0x3FF, v6;
	vm7 =	vgt.s32 v18, v7;
	vm8 =	vgt.s32 v15, $0xFFFFFFFF  }
0x235: {  	v21 =	vnsel vm7, $0x0, v19;
	v19 =	vshrl.u32 v15, $0xA;
	v22 =	vsel vm8, $0xFFFFFFFF, v2  }
0x236: {  	v21 =	vadd.f32 v21, v20;
	vm12 =	vgt.s32 v19, v7;
	v20 =	vxor.u32 v15, v22  }
0x237: {  	vm5 =	vgt.s32 v14, $0xFFFFFFFF;
	v22 =	vnsel vm12, $0x0, v20;
	v20 =	vshrl.u32 v16, $0xA  }
0x238: {  	v22 =	vadd.f32 v22, v21;
	v21 =	vxor.u32 v16, v25;
	vm13 =	vgt.s32 v20, v7  }
0x239: {  	v26 =	vsel vm5, $0xFFFFFFFF, v2;
	v25 =	vnsel vm13, $0x0, v21;
	v21 =	vshrl.u32 v14, $0xA  }
0x23a: {  	v25 =	vadd.f32 v25, v22;
	v22 =	vxor.u32 v14, v26;
	vm14 =	vgt.s32 v21, v7  }
0x23b: {  	v10 =	vand.u32 $0x3FF, v23;
	v26 =	vnsel vm14, $0x0, v22;
	v22 =	vshrl.u32 v24, $0xA  }
0x23c: {  	v24 =	vxor.u32 v24, v27;
	v25 =	vadd.f32 v26, v25;
	vm15 =	vgt.s32 v22, v7  }
0x23d: {  	v27 =	vsel vm3, $0xFFFFFFFF, v2;
	v26 =	vnsel vm15, $0x0, v24;
	v24 =	vshrl.u32 v23, $0xA  }
0x23e: {  	v23 =	vxor.u32 v23, v27;
	v25 =	vadd.f32 v26, v25;
	vm3 =	vgt.s32 v24, v7  }
0x23f: {  	s28 =	simm.s32 $0x80C0;
	s26 =	simm.s32 $0x0;
	v27 =	vsel vm2, $0xFFFFFFFF, v2;
	v26 =	vnsel vm3, $0x0, v23;
	v23 =	vshrl.u32 v6, $0xA  }
.LBB2_26:
0x240: {  	v25 =	vadd.f32 v26, v25;
	v26 =	vxor.u32 v6, v27;
	v6 =	vld [tilespmem:s28+$0x20];
	vm2 =	vgt.s32 v23, v7  }
0x241: {  	v28 =	vsel vm1, $0xFFFFFFFF, v2;
	v29 =	vshrl.u32 v8, $0xA;
	v27 =	vld [tilespmem:s28+$0x30];
	v26 =	vnsel vm2, $0x0, v26  }
0x242: {  	v8 =	vxor.u32 v8, v28;
	vm1 =	vgt.s32 v29, v7;
	v30 =	vld [tilespmem:s28+$0x10];
	v25 =	vadd.f32 v26, v25  }
0x243: {  	vm11 =	veq.s32 v18, v7;
	vm10 =	veq.s32 v19, v7;
	v8 =	vnsel vm1, $0x0, v8;
	v26 =	vld [tilespmem:s28+$0x0]  }
0x244: {  	vm9 =	veq.s32 v20, v7;
	vm8 =	veq.s32 v21, v7;
	v18 =	vld [tilespmem:s28+$0xFFFFFFF0];
	v20 =	vadd.f32 v8, v25  }
0x245: {  	s26 =	sadd.s32 $0x8, s26;
	vm6 =	veq.s32 v22, v7;
	vm4 =	veq.s32 v24, v7;
	vm3 =	veq.s32 v23, v7;
	v19 =	vld [tilespmem:s28+$0xFFFFFFC0]  }
0x246: {  	v22 =	vand.u32 $0x3FF, v17;
	v23 =	vand.u32 $0x3FF, v15;
	p0 =	slt.u32 s26, $0x7F8;
	vm2 =	veq.s32 v29, v7;
	v21 =	vld [tilespmem:s28+$0xFFFFFFE0];
	v8 =	vmovc v27  }
0x247: {  	v25 =	vand.u32 $0x3FF, v16;
	v27 =	vand.u32 $0x3FF, v14;
	v15 =	vld [tilespmem:s28+$0xFFFFFFD0];
	v24 =	vand.u32 $0x3FF, v30  }
0x248: {  	v29 =	vand.u32 $0x3FF, v6;
	v31 =	vand.u32 $0x3FF, v8;
	v28 =	vand.u32 $0x3FF, v26  }
0x249: {  	vm5 =	vgt.s32 v6, $0xFFFFFFFF;
	vm7 =	vgt.s32 v30, $0xFFFFFFFF;
	vm1 =	vgt.s32 v8, $0xFFFFFFFF;
	v14 =	vmovc v18  }
0x24a: {  	vm12 =	vgt.s32 v26, $0xFFFFFFFF;
	vm14 =	vgt.s32 v19, $0xFFFFFFFF;
	vm13 =	vgt.s32 v14, $0xFFFFFFFF;
	v17 =	vmovc v19  }
0x24b: {  	v19 =	vsel vm14, $0xFFFFFFFF, v2;
	v18 =	vshrl.u32 v17, $0xA;
	vm14 =	vgt.s32 v21, $0xFFFFFFFF;
	[tilespmem:v22+s21+$0x0] =	vst.idx.add.s32.msk vm11, v1;
	v16 =	vmovc v21  }
0x24c: {  	v19 =	vxor.u32 v17, v19;
	vm11 =	vgt.s32 v18, v7;
	vm15 =	vgt.s32 v15, $0xFFFFFFFF;
	[tilespmem:v23+s21+$0x0] =	vst.idx.add.s32.msk vm10, v1  }
0x24d: {  	v21 =	vnsel vm11, $0x0, v19;
	v22 =	vsel vm15, $0xFFFFFFFF, v2;
	v19 =	vshrl.u32 v15, $0xA;
	[tilespmem:v25+s21+$0x0] =	vst.idx.add.s32.msk vm9, v1  }
0x24e: {  	v21 =	vadd.f32 v21, v20;
	v20 =	vxor.u32 v15, v22;
	vm9 =	vgt.s32 v19, v7  }
0x24f: {  	v23 =	vsel vm14, $0xFFFFFFFF, v2;
	v22 =	vnsel vm9, $0x0, v20;
	v20 =	vshrl.u32 v16, $0xA;
	[tilespmem:v27+s21+$0x0] =	vst.idx.add.s32.msk vm8, v1  }
0x250: {  	v22 =	vadd.f32 v22, v21;
	v21 =	vxor.u32 v16, v23;
	vm8 =	vgt.s32 v20, v7  }
0x251: {  	v25 =	vsel vm13, $0xFFFFFFFF, v2;
	v23 =	vnsel vm8, $0x0, v21;
	v21 =	vshrl.u32 v14, $0xA;
	[tilespmem:v13+s21+$0x0] =	vst.idx.add.s32.msk vm6, v1;
	v13 =	vmovc v28  }
0x252: {  	v23 =	vadd.f32 v23, v22;
	v22 =	vxor.u32 v14, v25;
	vm6 =	vgt.s32 v21, v7  }
.Ltmp12:
0x253: {  	v27 =	vsel vm12, $0xFFFFFFFF, v2;
	v25 =	vnsel vm6, $0x0, v22;
	v22 =	vshrl.u32 v26, $0xA;
	[tilespmem:v10+s21+$0x0] =	vst.idx.add.s32.msk vm4, v1;
	v10 =	vmovc v24;
	(pc) =	sbr.rel @p0 .LBB2_26-.Ltmp12, $4  }
0x254: {  	v24 =	vxor.u32 v26, v27;
	v23 =	vadd.f32 v25, v23;
	vm4 =	vgt.s32 v22, v7  }
0x255: {  	v26 =	vsel vm7, $0xFFFFFFFF, v2;
	v25 =	vnsel vm4, $0x0, v24;
	v24 =	vshrl.u32 v30, $0xA;
	[tilespmem:v11+s21+$0x0] =	vst.idx.add.s32.msk vm3, v1;
	v11 =	vmovc v29  }
0x256: {  	v25 =	vadd.f32 v25, v23;
	v23 =	vxor.u32 v30, v26;
	vm3 =	vgt.s32 v24, v7  }
0x257: {  	s28 =	sadd.s32 $0x80, s28;
	v27 =	vsel vm5, $0xFFFFFFFF, v2;
	v26 =	vnsel vm3, $0x0, v23;
	v23 =	vshrl.u32 v6, $0xA;
	[tilespmem:v12+s21+$0x0] =	vst.idx.add.s32.msk vm2, v1;
	v12 =	vmovc v31  }
0x258: {  	vm2 =	veq.s32 v18, v7  }
0x259: {  	vm3 =	veq.s32 v19, v7;
	v17 =	vand.u32 $0x3FF, v17  }
0x25a: {  	vm4 =	veq.s32 v20, v7;
	v15 =	vand.u32 $0x3FF, v15  }
0x25b: {  	vm5 =	veq.s32 v21, v7;
	v16 =	vand.u32 $0x3FF, v16  }
0x25c: {  	vm6 =	veq.s32 v22, v7;
	v14 =	vand.u32 $0x3FF, v14  }
0x25d: {  	vm7 =	veq.s32 v24, v7  }
0x25e: {  	[tilespmem:v17+s21+$0x0] =	vst.idx.add.s32.msk vm2, v1;
	v17 =	vshrl.u32 v8, $0xA;
	vm2 =	veq.s32 v23, v7  }
0x25f: {  	[tilespmem:v15+s21+$0x0] =	vst.idx.add.s32.msk vm3, v1;
	vm3 =	veq.s32 v17, v7  }
0x260: {  	[tilespmem:v16+s21+$0x0] =	vst.idx.add.s32.msk vm4, v1  }
0x261: {  	[tilespmem:v14+s21+$0x0] =	vst.idx.add.s32.msk vm5, v1  }
0x262: {  	[tilespmem:v13+s21+$0x0] =	vst.idx.add.s32.msk vm6, v1  }
0x263: {  	[tilespmem:v10+s21+$0x0] =	vst.idx.add.s32.msk vm7, v1  }
0x264: {  	[tilespmem:v11+s21+$0x0] =	vst.idx.add.s32.msk vm2, v1  }
0x265: {  	s26 =	simm.s32 $0x10000;
	[tilespmem:v12+s21+$0x0] =	vst.idx.add.s32.msk vm3, v1  }
0x266: {  	(xrf0) =	vadd.scan.msk.s32 $0xffff, v9;
	v11 =	vld [tilespmem:s26+$0x0];
	_ =	sdelay $0x1  }
0x267: {  	v10 =	vadd.f32 v26, v25;
	_ =	sdelay $0x1  }
0x268: {  	v9 =	vxor.u32 v6, v27;
	s29 =	simm.s32 $0x10010;
	v13 =	vsel vm1, $0xFFFFFFFF, v2;
	vm2 =	vgt.s32 v23, v7  }
0x269: {  	v8 =	vxor.u32 v8, v13;
	vm1 =	vgt.s32 v17, v7;
	v12 =	vnsel vm2, $0x0, v9;
	v15 =	vld [tilespmem:s29+$0x0];
	(xrf0) =	vadd.scan.msk.s32 $0xffff, v11  }
0x26a: {  	v6 =	vshll.u32 v7, $0xA;
	v7 =	vnsel vm1, $0x0, v8;
	v12 =	vadd.f32 v12, v10;
	v10, _, _ =	vpop (xrf0)  }
0x26b: {  	s28 =	simm.s32 $0x0;
	v9 =	vor.u32 v3, v6;
	vm2 =	vgt.s32 v6, $0xFFFFFFFF;
	v13 =	vbroadcast v10, $0xF  }
0x26c: {  	v14 =	vor.u32 s28, v9;
	v10 =	vsel vm2, $0xFFFFFFFF, v2;
	v7 =	vadd.f32 v7, v12  }
0x26d: {  	[tilespmem:s26+$0x0] =	vst v0;
	v12 =	vimm.s32 $0x0;
	v8 =	vsub.s32 v5, v13;
	v16 =	vcvt.s32.f32 v11  }
0x26e: {  	s28 =	simm.s32 $0x10;
	[tilespmem:s29+$0x0] =	vst v0;
	v5 =	vxor.u32 v10, v14;
	v11 =	vimm.f32 $0.0e+00;
	v14 =	vcvt.s32.f32 v15  }
0x26f: {  	s26 =	simm.s32 $0x20;
	(xrf0) =	vadd.scan.msk.s32 $0xffff, v15;
	v13 =	vmul.f32 v16, v5;
	v16 =	vor.u32 s28, v9;
	s28 =	simm.s32 $0x10020;
	v5 =	vimm.s32 $0x0;
	v15, _, _ =	vpop (xrf0)  }
.LBB2_28:
0x270: {  	v17 =	vld [tilespmem:s28+$0x0];
	[tilespmem:s28+$0x0] =	vst v0;
	p0 =	sne.s32 s26, $0x3F0;
	v16 =	vxor.u32 v10, v16;
	v18 =	vadd.s32 v12, v15;
	s29 =	smov.u32 s26;
	s26 =	sadd.s32 $0x10, s26  }
.Ltmp13:
0x271: {  	v14 =	vmul.f32 v14, v16;
	vm1 =	vle.s32 v18, v8;
	(pc) =	sbr.rel @p0 .LBB2_28-.Ltmp13, $4  }
0x272: {  	v16 =	vmpcnt.ones.xlane vm1;
	v19 =	vsel vm1, $0x0, v13  }
0x273: {  	v18 =	vbroadcast v15, $0xF;
	v11 =	vadd.f32 v19, v11;
	v13 =	vmov v14  }
0x274: {  	v5 =	vadd.s32 v5, v16  }
0x275: {  	s28 =	sadd.s32 $0x10, s28;
	v12 =	vadd.s32 v12, v18;
	v16 =	vor.u32 s29, v9;
	v14 =	vcvt.s32.f32 v17;
	(xrf0) =	vadd.scan.msk.s32 $0xffff, v17;
	v15, _, _ =	vpop (xrf0)  }
0x276: {  	_ =	sdelay $0x1  }
0x277: {  	v9 =	vbroadcast v15, $0xF;
	v15 =	vadd.s32 v12, v15;
	_ =	sdelay $0x2  }
0x278: {  	v10 =	vxor.u32 v10, v16;
	vm1 =	vle.s32 v15, v8;
	v9 =	vadd.s32 v12, v9;
	v15, _, _ =	vpop (xrf0)  }
0x279: {  	v10 =	vmul.f32 v14, v10;
	v12 =	vsel vm1, $0x0, v13;
	v9 =	vadd.s32 v9, v15  }
0x27a: {  	v11 =	vadd.f32 v12, v11;
	vm2 =	vle.s32 v9, v8  }
0x27b: {  	v8 =	vsel vm2, $0x0, v10  }
0x27c: {  	v8 =	vadd.f32 v8, v11;
	_ =	sdelay $0x1  }
0x27d: {  	v7 =	vadd.f32 v8, v7  }
0x27e: {  	(xrf2) =	vadd.scan.msk.f32 $0xffff, v4  }
0x27f: {  	(xrf2) =	vadd.scan.msk.f32 $0xffff, v7;
	_ =	sdelay $0x8  }
0x280: {  	v4, _, _ =	vpop (xrf2)  }
0x281: {  	v7, _, _ =	vpop (xrf2)  }
0x282: {  	v7 =	vbroadcast v7, $0xF;
	_ =	sdelay $0x1  }
0x283: {  	(erf) = vrcp.f32 v7;
	_ =	sdelay $0x1  }
0x284: {  	s26 =	simm.s32 $0x8040;
	v8 =	vmpcnt.ones.xlane vm1  }
0x285: {  	v9 =	vmpcnt.ones.xlane vm2;
	v11 =	vld [tilespmem:s26+$0x30]  }
0x286: {  	v5 =	vadd.s32 v5, v8;
	v8 =	vld [tilespmem:s26+$0xFFFFFFD0]  }
0x287: {  	v5 =	vadd.s32 v5, v9;
	v9 =	vld [tilespmem:s26+$0x0];
	_ =	sdelay $0x1  }
0x288: {  	v5 =	vor.u32 v6, v5;
	v6 =	vld [tilespmem:s26+$0xFFFFFFE0]  }
0x289: {  	v4 =	vbroadcast v4, $0xF;
	v12 =	vxor.u32 $0x80000000, v11;
	v5 =	vxor.u32 $0x80000000, v5  }
0x28a: {  	v13 =	vxor.u32 $0xFFFFFFFF, v8;
	v14 =	vxor.u32 $0x80000000, v8;
	vm2 =	vlt.s32 v8, $0x0;
	v10 =	vpop (erf)  }
0x28b: {  	v20 =	vxor.u32 $0xFFFFFFFF, v9;
	vm1 =	veq.f32 v7, $0.0e+00;
	v7 =	vld [tilespmem:s26+$0xFFFFFFF0];
	v4 =	vmul.f32 v10, v4  }
0x28c: {  	v22 =	vxor.u32 $0x80000000, v9;
	vm4 =	vlt.s32 v9, $0x0;
	vm7 =	vlt.s32 v14, v5  }
0x28d: {  	v17 =	vld [tilespmem:s26+$0x20];
	v15 =	vxor.u32 $0xFFFFFFFF, v6;
	v16 =	vxor.u32 $0x80000000, v6;
	v4 =	vand.u32 $0x7FFFFFFF, v4  }
0x28e: {  	v10 =	vxor.u32 $0xFFFFFFFF, v11;
	v4 =	vsel vm1, $0x0, v4;
	vm1 =	vlt.s32 v11, $0x0;
	v11 =	vld [tilespmem:s26+$0x10]  }
0x28f: {  	vm14 =	vlt.s32 v22, v5;
	v10 =	vsel vm1, v12, v10;
	vm1 =	vlt.s32 v12, v5  }
0x290: {  	v18 =	vxor.u32 $0xFFFFFFFF, v7;
	v19 =	vxor.u32 $0x80000000, v7;
	v12 =	vld [tilespmem:s26+$0xFFFFFFC0];
	v8 =	vsel vm1, $0x0, v10  }
0x291: {  	vm3 =	vlt.s32 v7, $0x0;
	v7 =	vsel vm2, v14, v13;
	v8 =	vmul.f32 v8, v4  }
0x292: {  	vm2 =	vlt.s32 v17, $0x0;
	v13 =	vxor.u32 $0x80000000, v17;
	vm1 =	vlt.s32 v6, $0x0  }
0x293: {  	v21 =	vsel vm0, v10, v8;
	v9 =	vxor.u32 $0xFFFFFFFF, v11;
	v23 =	vxor.u32 $0x80000000, v11  }
0x294: {  	vm6 =	vlt.s32 v11, $0x0;
	v11 =	vxor.u32 $0xFFFFFFFF, v17;
	v10 =	vsel vm4, v22, v20  }
0x295: {  	v17 =	vsel vm7, $0x0, v7;
	v6 =	vxor.u32 $0xFFFFFFFF, v12;
	v8 =	vxor.u32 $0x80000000, v12  }
0x296: {  	vm5 =	vlt.s32 v12, $0x0;
	v9 =	vsel vm6, v23, v9;
	vm15 =	vlt.s32 v23, v5  }
0x297: {  	v11 =	vsel vm2, v13, v11;
	vm2 =	vlt.s32 v13, v5;
	v12 =	vsel vm5, v8, v6  }
0x298: {  	vm13 =	vlt.s32 v8, v5;
	v6 =	vsel vm1, v16, v15;
	vm1 =	vlt.s32 v16, v5  }
0x299: {  	v8 =	vsel vm3, v19, v18;
	vm3 =	vlt.s32 v19, v5;
	v15 =	vsel vm14, $0x0, v10  }
0x29a: {  	v13 =	vsel vm2, $0x0, v11;
	v14 =	vsel vm13, $0x0, v12;
	v18 =	vsel vm1, $0x0, v6  }
0x29b: {  	s28 =	simm.s32 $0x0;
	s29 =	simm.s32 $0x80C0;
	[tilespmem:s26+$0x30] =	vst v21;
	v16 =	vsel vm3, $0x0, v8;
	v19 =	vmul.f32 v14, v4;
	v14 =	vsel vm15, $0x0, v9  }
.LBB2_30:
0x29c: {  	v20 =	vld [tilespmem:s29+$0x30];
	s28 =	sadd.s32 $0x8, s28;
	v17 =	vmul.f32 v17, v4;
	v18 =	vmul.f32 v18, v4  }
0x29d: {  	v16 =	vmul.f32 v16, v4;
	v15 =	vmul.f32 v15, v4;
	v21 =	vld [tilespmem:s29+$0xFFFFFFD0];
	p0 =	slt.u32 s28, $0x7F8;
	v12 =	vsel vm0, v12, v19  }
0x29e: {  	v13 =	vmul.f32 v13, v4;
	v19 =	vld [tilespmem:s29+$0xFFFFFFE0];
	[tilespmem:s26+$0xFFFFFFC0] =	vst v12;
	v7 =	vsel vm0, v7, v17;
	v12 =	vmul.f32 v14, v4  }
0x29f: {  	v6 =	vsel vm0, v6, v18;
	v14 =	vld [tilespmem:s29+$0xFFFFFFF0];
	[tilespmem:s26+$0xFFFFFFD0] =	vst v7;
	v7 =	vsel vm0, v8, v16;
	v8 =	vsel vm0, v10, v15  }
0x2a0: {  	v10 =	vld [tilespmem:s29+$0x0];
	[tilespmem:s26+$0xFFFFFFE0] =	vst v6;
	v6 =	vsel vm0, v9, v12;
	v9 =	vsel vm0, v11, v13  }
0x2a1: {  	v11 =	vld [tilespmem:s29+$0x10];
	v12 =	vxor.u32 $0xFFFFFFFF, v20;
	v13 =	vxor.u32 $0x80000000, v20;
	vm1 =	vlt.s32 v20, $0x0;
	[tilespmem:s26+$0xFFFFFFF0] =	vst v7  }
0x2a2: {  	v7 =	vxor.u32 $0xFFFFFFFF, v21;
	v15 =	vld [tilespmem:s29+$0x20];
	v12 =	vsel vm1, v13, v12;
	vm2 =	vlt.s32 v13, v5;
	[tilespmem:s26+$0x0] =	vst v8  }
0x2a3: {  	v13 =	vxor.u32 $0x80000000, v21;
	vm1 =	vlt.s32 v21, $0x0;
	v8 =	vld [tilespmem:s29+$0xFFFFFFC0];
	v16 =	vsel vm2, $0x0, v12;
	[tilespmem:s26+$0x10] =	vst v6  }
0x2a4: {  	v6 =	vxor.u32 $0xFFFFFFFF, v19;
	v17 =	vxor.u32 $0x80000000, v19;
	v16 =	vmul.f32 v16, v4;
	[tilespmem:s26+$0x20] =	vst v9;
	s26 =	smov.u32 s29  }
0x2a5: {  	vm2 =	vlt.s32 v19, $0x0;
	v9 =	vxor.u32 $0xFFFFFFFF, v14;
	v18 =	vxor.u32 $0x80000000, v14  }
0x2a6: {  	vm3 =	vlt.s32 v14, $0x0;
	v14 =	vxor.u32 $0xFFFFFFFF, v10;
	v12 =	vsel vm0, v12, v16  }
0x2a7: {  	vm4 =	vlt.s32 v10, $0x0;
	v16 =	vxor.u32 $0x80000000, v10;
	v19 =	vxor.u32 $0xFFFFFFFF, v11;
	[tilespmem:s29+$0x30] =	vst v12  }
0x2a8: {  	v10 =	vxor.u32 $0xFFFFFFFF, v8;
	v20 =	vxor.u32 $0x80000000, v8;
	vm5 =	vlt.s32 v8, $0x0  }
0x2a9: {  	v21 =	vxor.u32 $0x80000000, v11;
	vm6 =	vlt.s32 v11, $0x0;
	v11 =	vxor.u32 $0xFFFFFFFF, v15  }
0x2aa: {  	v22 =	vxor.u32 $0x80000000, v15;
	v12 =	vsel vm5, v20, v10;
	vm5 =	vlt.s32 v15, $0x0  }
0x2ab: {  	v7 =	vsel vm1, v13, v7;
	vm1 =	vlt.s32 v13, v5;
	vm7 =	vlt.s32 v20, v5  }
0x2ac: {  	v6 =	vsel vm2, v17, v6;
	vm2 =	vlt.s32 v17, v5;
	v8 =	vsel vm3, v18, v9  }
.Ltmp14:
0x2ad: {  	vm3 =	vlt.s32 v18, v5;
	v10 =	vsel vm4, v16, v14;
	vm4 =	vlt.s32 v16, v5;
	(pc) =	sbr.rel @p0 .LBB2_30-.Ltmp14, $4  }
0x2ae: {  	v9 =	vsel vm6, v21, v19;
	vm6 =	vlt.s32 v21, v5;
	v11 =	vsel vm5, v22, v11  }
0x2af: {  	v17 =	vsel vm1, $0x0, v7;
	vm1 =	vlt.s32 v22, v5;
	v13 =	vsel vm7, $0x0, v12  }
0x2b0: {  	v18 =	vsel vm2, $0x0, v6;
	v16 =	vsel vm3, $0x0, v8;
	v15 =	vsel vm4, $0x0, v10  }
0x2b1: {  	s29 =	sadd.s32 $0x80, s29;
	v14 =	vsel vm6, $0x0, v9;
	v19 =	vmul.f32 v13, v4;
	v13 =	vsel vm1, $0x0, v11  }
0x2b2: {  	v5 =	vmul.f32 v17, v4  }
0x2b3: {  	v16 =	vmul.f32 v16, v4;
	v12 =	vsel vm0, v12, v19  }
0x2b4: {  	v17 =	vmul.f32 v18, v4;
	[tilespmem:s26+$0xFFFFFFC0] =	vst v12;
	v5 =	vsel vm0, v7, v5  }
0x2b5: {  	v7 =	vmul.f32 v15, v4;
	v8 =	vsel vm0, v8, v16;
	[tilespmem:s26+$0xFFFFFFD0] =	vst v5  }
0x2b6: {  	v5 =	vsel vm0, v6, v17;
	v6 =	vmul.f32 v14, v4;
	[tilespmem:s26+$0xFFFFFFF0] =	vst v8  }
0x2b7: {  	v4 =	vmul.f32 v13, v4;
	[tilespmem:s26+$0xFFFFFFE0] =	vst v5;
	v5 =	vsel vm0, v10, v7  }
0x2b8: {  	v6 =	vsel vm0, v9, v6;
	[tilespmem:s26+$0x0] =	vst v5  }
0x2b9: {  	v4 =	vsel vm0, v11, v4;
	[tilespmem:s26+$0x10] =	vst v6  }
0x2ba: {  	[tilespmem:s26+$0x20] =	vst v4  }
0x2bb: {  	[hbm4b:s9+s17] =	stream.strided.scatter [tilespmem:s19], [sflag:$0x4], $0x8000, s18, s17, $0x38;
	[tilespmem:$0x10900] =	vst v63  }
0x2bc: {  	_ =	swait.ge [sflag:s24], $0x8000  }
0x2bd: {  	[sflag:s24] =	ssyncset.done $0x0  }
0x2be: {  	[sflag:s24] =	ssyncadd.s32 $0xFFFF8000  }
0x2bf: {  	[tilespmem:s19], [sflag:$0x2] =	stream.strided.gather [hbm4b:s10+s17], $0x8000, s18, s17, $0x38;
	[tilespmem:$0x10900] =	vst v63  }
0x2c0: {  	_ =	swait.ge [sflag:s20], $0x8000  }
0x2c1: {  	[sflag:s20] =	ssyncset.done $0x0  }
0x2c2: {  	s28 =	simm.s32 $0x40;
	[sflag:s20] =	ssyncadd.s32 $0xFFFF8000  }
0x2c3: {  	v4 =	vld [tilespmem:s28+$0xFFFFFFF0]  }
0x2c4: {  	v5 =	vld [tilespmem:s28+$0xFFFFFFD0]  }
0x2c5: {  	v16 =	vld [tilespmem:s28+$0x30]  }
0x2c6: {  	v8 =	vld [tilespmem:s28+$0xFFFFFFC0]  }
0x2c7: {  	v17 =	vld [tilespmem:s28+$0x20]  }
0x2c8: {  	v11 =	vld [tilespmem:s28+$0xFFFFFFE0]  }
0x2c9: {  	v9 =	vld [tilespmem:s28+$0x10]  }
0x2ca: {  	v6 =	vimm.f32 $0.0e+00;
	v7 =	vxor.u32 $0x80000000, v4;
	v10 =	vxor.u32 $0xFFFFFFFF, v4  }
0x2cb: {  	vm1 =	vlt.s32 v5, $0x0;
	vm2 =	vlt.s32 v4, $0x0;
	v12 =	vxor.u32 $0x80000000, v16  }
0x2cc: {  	v18 =	vld [tilespmem:s28+$0x0];
	v14 =	vxor.u32 $0xFFFFFFFF, v16;
	v6 =	vadd.f32 v8, v6;
	v23 =	vsel vm2, v10, v7  }
0x2cd: {  	vm3 =	vlt.s32 v17, $0x0;
	v13 =	vxor.u32 $0xFFFFFFFF, v11;
	v25 =	vshrl.u32 v23, $0x15  }
0x2ce: {  	v7 =	vxor.u32 $0x80000000, v9;
	v10 =	vxor.u32 $0xFFFFFFFF, v9;
	vm2 =	vlt.s32 v9, $0x0;
	(xrf1) =	vunique.msk.u32 $0xffff, v25  }
0x2cf: {  	v21 =	vxor.u32 $0xFFFFFFFF, v17;
	v26 =	vxor.u32 $0x80000000, v8;
	v15 =	vsel vm2, v10, v7  }
0x2d0: {  	v7 =	vxor.u32 $0x80000000, v5;
	v10 =	vxor.u32 $0xFFFFFFFF, v5;
	v5 =	vadd.f32 v5, v6  }
0x2d1: {  	v27 =	vxor.u32 $0xFFFFFFFF, v18;
	v28 =	vxor.u32 $0xFFFFFFFF, v8;
	v36 =	vshrl.u32 v15, $0x15  }
0x2d2: {  	vm2 =	vlt.s32 v16, $0x0;
	v6 =	vxor.u32 $0x80000000, v11;
	(xrf1) =	vunique.msk.u32 $0xffff, v36;
	v20 =	vadd.f32 v11, v5  }
0x2d3: {  	v19 =	vsel vm1, v10, v7;
	v7 =	vxor.u32 $0x80000000, v17;
	vm1 =	vlt.s32 v11, $0x0  }
0x2d4: {  	s26 =	simm.s32 $0xC0;
	v14 =	vsel vm2, v14, v12;
	v21 =	vsel vm3, v21, v7;
	v7 =	vadd.f32 v4, v20  }
0x2d5: {  	v24 =	vld [tilespmem:s26+$0xFFFFFFD0];
	vm2 =	vlt.s32 v18, $0x0;
	v10 =	vshrl.u32 v19, $0x15;
	v22 =	vsel vm1, v13, v6  }
0x2d6: {  	v5 =	vld [tilespmem:$0x10820];
	vm1 =	vlt.s32 v8, $0x0;
	(xrf1) =	vunique.msk.u32 $0xffff, v10;
	v11 =	vshrl.u32 v22, $0x15;
	v12 =	vadd.f32 v18, v7  }
0x2d7: {  	v6 =	vld [tilespmem:s26+$0xFFFFFFF0];
	v13 =	vshrl.u32 v21, $0x15;
	v26 =	vsel vm1, v28, v26;
	v20 =	vxor.u32 $0x80000000, v18;
	(xrf1) =	vunique.msk.u32 $0xffff, v11  }
0x2d8: {  	v8 =	vld [tilespmem:s26+$0x0];
	(xrf1) =	vunique.msk.u32 $0xffff, v13;
	v20 =	vsel vm2, v27, v20;
	v27 =	vadd.f32 v9, v12;
	v12 =	vshrl.u32 v26, $0x15  }
0x2d9: {  	[tilespmem:s28+$0x30] =	vst v14;
	v4 =	vld [tilespmem:s26+$0x30];
	(xrf1) =	vunique.msk.u32 $0xffff, v12  }
0x2da: {  	[tilespmem:s28+$0x10] =	vst v15;
	v15 =	vshrl.u32 v14, $0x15;
	v7 =	vld [tilespmem:s26+$0x10]  }
0x2db: {  	[tilespmem:s28+$0xFFFFFFE0] =	vst v22;
	v14 =	vshrl.u32 v20, $0x15;
	(xrf1) =	vunique.msk.u32 $0xffff, v15  }
0x2dc: {  	vm1 =	vlt.s32 v24, $0x0;
	v22 =	vxor.u32 $0x80000000, v6;
	v28 =	vxor.u32 $0xFFFFFFFF, v6;
	v9 =	vld [tilespmem:s26+$0x20];
	_, v30, vm6 =	vpop (xrf1);
	(xrf1) =	vunique.msk.u32 $0xffff, v14  }
0x2dd: {  	[tilespmem:s28+$0xFFFFFFD0] =	vst v19;
	v18 =	vld [tilespmem:s26+$0xFFFFFFC0];
	vm3 =	vlt.s32 v6, $0x0;
	v19 =	vxor.u32 $0x80000000, v8;
	v27 =	vadd.f32 v17, v27  }
0x2de: {  	v29 =	vxor.u32 $0x80000000, v4;
	v37 =	vxor.u32 $0xFFFFFFFF, v4;
	vm2 =	vlt.s32 v4, $0x0  }
0x2df: {  	[tilespmem:s28+$0x0] =	vst v20;
	v17 =	vld [tilespmem:s26+$0xFFFFFFE0];
	v29 =	vsel vm2, v37, v29;
	v31 =	vxor.u32 $0x80000000, v7;
	v20 =	vadd.f32 v16, v27  }
0x2e0: {  	v27 =	vxor.u32 $0x80000000, v24;
	v16 =	vsel vm3, v28, v22;
	v28 =	vxor.u32 $0xFFFFFFFF, v24;
	_, v38, vm7 =	vpop (xrf1)  }
0x2e1: {  	[tilespmem:s28+$0x20] =	vst v21;
	v32 =	vxor.u32 $0xFFFFFFFF, v7;
	vm4 =	vlt.s32 v9, $0x0;
	v21 =	vsel vm1, v28, v27  }
0x2e2: {  	[tilespmem:s28+$0xFFFFFFF0] =	vst v23;
	vm1 =	vlt.s32 v7, $0x0;
	v34 =	vxor.u32 $0xFFFFFFFF, v9;
	v22 =	vadd.f32 v18, v20  }
0x2e3: {  	[tilespmem:s28+$0xFFFFFFC0] =	vst v26;
	v20 =	vshrl.u32 v16, $0x15;
	v28 =	vsel vm1, v32, v31;
	v31 =	vxor.u32 $0x80000000, v9  }
0x2e4: {  	v32 =	vxor.u32 $0x80000000, v18;
	v33 =	vxor.u32 $0x80000000, v17;
	v26 =	vshrl.u32 v28, $0x15;
	(xrf1) =	vunique.msk.u32 $0xffff, v20;
	_, v23, vm1 =	vpop (xrf1)  }
0x2e5: {  	vm5 =	vlt.s32 v17, $0x0;
	v22 =	vadd.f32 v24, v22;
	(xrf1) =	vunique.msk.u32 $0xffff, v26;
	_, v27, vm3 =	vpop (xrf1);
	[tilespmem:v25+s21+$0x0] =	vst.idx.add.s32.msk vm6, v30  }
0x2e6: {  	s29 =	simm.s32 $0x140;
	s28 =	simm.s32 $0x8;
	v35 =	vxor.u32 $0xFFFFFFFF, v17;
	v24 =	vshrl.u32 v21, $0x15;
	v30 =	vxor.u32 $0xFFFFFFFF, v8;
	_, v25, vm2 =	vpop (xrf1);
	[tilespmem:v36+s21+$0x0] =	vst.idx.add.s32.msk vm7, v38  }
.LBB2_32:
0x2e7: {  	v36 =	vld [tilespmem:s29+$0xFFFFFFD0];
	s28 =	sadd.s32 $0x8, s28;
	v33 =	vsel vm5, v35, v33;
	v17 =	vadd.f32 v17, v22;
	[tilespmem:s26+$0x30] =	vst v29;
	(xrf1) =	vunique.msk.u32 $0xffff, v24;
	_, v22, vm5 =	vpop (xrf1)  }
0x2e8: {  	v38 =	vmovc v20;
	v39 =	vmov v26;
	v35 =	vld [tilespmem:s29+$0x10];
	p0 =	slt.u32 s28, $0x7F8;
	v37 =	vshrl.u32 v33, $0x15;
	[tilespmem:s26+$0x10] =	vst v28;
	v28 =	vsel vm4, v34, v31  }
0x2e9: {  	v20 =	vxor.u32 $0xFFFFFFFF, v18;
	vm4 =	vlt.s32 v18, $0x0;
	v17 =	vadd.f32 v6, v17;
	v6 =	vld [tilespmem:s29+$0xFFFFFFF0];
	(xrf1) =	vunique.msk.u32 $0xffff, v37;
	_, v26, vm6 =	vpop (xrf1)  }
0x2ea: {  	v32 =	vsel vm4, v20, v32;
	v31 =	vld [tilespmem:s29+$0x30];
	[tilespmem:s26+$0xFFFFFFE0] =	vst v33;
	v33 =	vshrl.u32 v28, $0x15;
	_, v34, vm4 =	vpop (xrf1)  }
0x2eb: {  	v40 =	vshrl.u32 v32, $0x15;
	v17 =	vadd.f32 v8, v17;
	(xrf1) =	vunique.msk.u32 $0xffff, v33;
	[tilespmem:v10+s21+$0x0] =	vst.idx.add.s32.msk vm1, v23;
	v10 =	vmovc v24  }
0x2ec: {  	vm1 =	vlt.s32 v8, $0x0;
	(xrf1) =	vunique.msk.u32 $0xffff, v40;
	[tilespmem:v11+s21+$0x0] =	vst.idx.add.s32.msk vm3, v27;
	v11 =	vmov v37  }
0x2ed: {  	v24 =	vshrl.u32 v29, $0x15;
	v19 =	vsel vm1, v30, v19;
	v8 =	vld [tilespmem:s29+$0x0];
	[tilespmem:s26+$0xFFFFFFD0] =	vst v21;
	v17 =	vadd.f32 v7, v17;
	v7 =	vmovc v35  }
0x2ee: {  	v27 =	vshrl.u32 v19, $0x15;
	v18 =	vld [tilespmem:s29+$0xFFFFFFC0];
	[tilespmem:s26+$0x0] =	vst v19;
	(xrf1) =	vunique.msk.u32 $0xffff, v24  }
0x2ef: {  	v19 =	vxor.u32 $0x80000000, v6;
	v20 =	vxor.u32 $0xFFFFFFFF, v6;
	v21 =	vadd.f32 v9, v17;
	v9 =	vld [tilespmem:s29+$0x20];
	(xrf1) =	vunique.msk.u32 $0xffff, v27  }
0x2f0: {  	vm1 =	vlt.s32 v36, $0x0;
	v29 =	vxor.u32 $0x80000000, v31;
	v37 =	vxor.u32 $0xFFFFFFFF, v31;
	v17 =	vld [tilespmem:s29+$0xFFFFFFE0];
	[tilespmem:s26+$0x20] =	vst v28  }
0x2f1: {  	vm3 =	vlt.s32 v6, $0x0;
	vm7 =	vlt.s32 v31, $0x0;
	v21 =	vadd.f32 v4, v21;
	[tilespmem:v13+s21+$0x0] =	vst.idx.add.s32.msk vm2, v25;
	v4 =	vmovc v31  }
0x2f2: {  	v28 =	vxor.u32 $0x80000000, v36;
	v25 =	vsel vm3, v20, v19;
	v19 =	vxor.u32 $0x80000000, v8;
	_, v30, vm8 =	vpop (xrf1);
	[tilespmem:v15+s21+$0x0] =	vst.idx.add.s32.msk vm6, v26  }
0x2f3: {  	v20 =	vshrl.u32 v25, $0x15;
	v35 =	vadd.f32 v18, v21;
	v21 =	vxor.u32 $0xFFFFFFFF, v36;
	_, v41, vm2 =	vpop (xrf1);
	[tilespmem:v14+s21+$0x0] =	vst.idx.add.s32.msk vm4, v34  }
0x2f4: {  	v13 =	vmovc v33;
	v26 =	vxor.u32 $0xFFFFFFFF, v7;
	v34 =	vxor.u32 $0x80000000, v7;
	vm4 =	vlt.s32 v9, $0x0;
	[tilespmem:v12+s21+$0x0] =	vst.idx.add.s32.msk vm5, v22;
	v12 =	vmovc v40  }
.Ltmp15:
0x2f5: {  	vm3 =	vlt.s32 v7, $0x0;
	v21 =	vsel vm1, v21, v28;
	v22 =	vadd.f32 v36, v35;
	[tilespmem:s26+$0xFFFFFFC0] =	vst v32;
	_, v23, vm1 =	vpop (xrf1);
	(pc) =	sbr.rel @p0 .LBB2_32-.Ltmp15, $4  }
0x2f6: {  	v15 =	vmovc v24;
	v14 =	vmovc v27;
	v28 =	vsel vm3, v26, v34;
	v31 =	vxor.u32 $0x80000000, v9;
	v33 =	vxor.u32 $0x80000000, v17;
	[tilespmem:s26+$0xFFFFFFF0] =	vst v16;
	s26 =	smov.u32 s29  }
0x2f7: {  	v34 =	vxor.u32 $0xFFFFFFFF, v9;
	vm5 =	vlt.s32 v17, $0x0;
	v26 =	vshrl.u32 v28, $0x15;
	(xrf1) =	vunique.msk.u32 $0xffff, v20;
	_, v27, vm3 =	vpop (xrf1)  }
0x2f8: {  	v32 =	vxor.u32 $0x80000000, v18;
	v24 =	vshrl.u32 v21, $0x15;
	v16 =	vmovc v25;
	(xrf1) =	vunique.msk.u32 $0xffff, v26;
	[tilespmem:v38+s21+$0x0] =	vst.idx.add.s32.msk vm8, v30  }
0x2f9: {  	v29 =	vsel vm7, v37, v29;
	v35 =	vxor.u32 $0xFFFFFFFF, v17;
	s29 =	sadd.s32 $0x80, s29;
	v30 =	vxor.u32 $0xFFFFFFFF, v8;
	[tilespmem:v39+s21+$0x0] =	vst.idx.add.s32.msk vm2, v41;
	_, v25, vm2 =	vpop (xrf1)  }
0x2fa: {  	v33 =	vsel vm5, v35, v33;
	v31 =	vsel vm4, v34, v31  }
0x2fb: {  	(xrf1) =	vunique.msk.u32 $0xffff, v24;
	v57 =	vxor.u32 $0xFFFFFFFF, v18;
	vm12 =	vlt.s32 v18, $0x0;
	v35 =	vshrl.u32 v33, $0x15  }
0x2fc: {  	v18 =	vsel vm12, v57, v32;
	v58 =	vshrl.u32 v31, $0x15;
	(xrf1) =	vunique.msk.u32 $0xffff, v35  }
0x2fd: {  	vm13 =	vlt.s32 v8, $0x0;
	v34 =	vshrl.u32 v18, $0x15;
	(xrf1) =	vunique.msk.u32 $0xffff, v58  }
0x2fe: {  	v59 =	vshrl.u32 v29, $0x15;
	v19 =	vsel vm13, v30, v19;
	(xrf1) =	vunique.msk.u32 $0xffff, v34  }
0x2ff: {  	[tilespmem:s26+$0x30] =	vst v29;
	v36 =	vshrl.u32 v19, $0x15;
	(xrf1) =	vunique.msk.u32 $0xffff, v59  }
0x300: {  	[tilespmem:s26+$0x10] =	vst v28;
	(xrf1) =	vunique.msk.u32 $0xffff, v36  }
0x301: {  	[tilespmem:v10+s21+$0x0] =	vst.idx.add.s32.msk vm1, v23  }
0x302: {  	_, v60, vm14 =	vpop (xrf1);
	[tilespmem:v11+s21+$0x0] =	vst.idx.add.s32.msk vm3, v27  }
0x303: {  	[tilespmem:s26+$0xFFFFFFD0] =	vst v21;
	_, v61, vm15 =	vpop (xrf1)  }
0x304: {  	[tilespmem:v13+s21+$0x0] =	vst.idx.add.s32.msk vm2, v25;
	_, v10, vm1 =	vpop (xrf1)  }
0x305: {  	[tilespmem:s26+$0xFFFFFFF0] =	vst v16  }
0x306: {  	[tilespmem:s26+$0xFFFFFFE0] =	vst v33  }
0x307: {  	[tilespmem:s26+$0x20] =	vst v31;
	_, v11, vm3 =	vpop (xrf1)  }
0x308: {  	[tilespmem:s26+$0x0] =	vst v19;
	_, v13, vm2 =	vpop (xrf1)  }
0x309: {  	[tilespmem:v15+s21+$0x0] =	vst.idx.add.s32.msk vm15, v61;
	_, v15, vm5 =	vpop (xrf1)  }
0x30a: {  	[tilespmem:v14+s21+$0x0] =	vst.idx.add.s32.msk vm1, v10;
	_, v10, vm1 =	vpop (xrf1)  }
0x30b: {  	[tilespmem:v12+s21+$0x0] =	vst.idx.add.s32.msk vm14, v60;
	_, v12, vm4 =	vpop (xrf1)  }
0x30c: {  	[tilespmem:s26+$0xFFFFFFC0] =	vst v18;
	_, v62, vm6 =	vpop (xrf1)  }
0x30d: {  	[tilespmem:v20+s21+$0x0] =	vst.idx.add.s32.msk vm3, v11;
	_, v11, vm3 =	vpop (xrf1)  }
0x30e: {  	[tilespmem:v26+s21+$0x0] =	vst.idx.add.s32.msk vm2, v13;
	_, v13, vm2 =	vpop (xrf1)  }
0x30f: {  	[tilespmem:v24+s21+$0x0] =	vst.idx.add.s32.msk vm5, v15  }
0x310: {  	[tilespmem:v35+s21+$0x0] =	vst.idx.add.s32.msk vm1, v10  }
0x311: {  	[tilespmem:v58+s21+$0x0] =	vst.idx.add.s32.msk vm4, v12  }
0x312: {  	[tilespmem:v34+s21+$0x0] =	vst.idx.add.s32.msk vm6, v62  }
0x313: {  	[tilespmem:v59+s21+$0x0] =	vst.idx.add.s32.msk vm3, v11  }
0x314: {  	s31 =	simm.s32 $0x0;
	[tilespmem:v36+s21+$0x0] =	vst.idx.add.s32.msk vm2, v13  }
0x315: {  	v10 =	vld [tilespmem:s31+$0x10000];
	_ =	sdelay $0x1  }
0x316: {  	v11 =	vadd.f32 v17, v22;
	_ =	sdelay $0x1  }
0x317: {  	v6 =	vadd.f32 v6, v11  }
0x318: {  	s28 =	simm.s32 $0x10;
	(xrf0) =	vadd.scan.msk.s32 $0xffff, v10  }
0x319: {  	v8 =	vadd.f32 v8, v6;
	v6 =	vld [tilespmem:s28+$0x10000];
	_ =	sdelay $0x1  }
0x31a: {  	v8 =	vadd.f32 v7, v8;
	_ =	sdelay $0x1  }
0x31b: {  	v8 =	vadd.f32 v9, v8  }
0x31c: {  	s29 =	simm.s32 $0x20;
	v7 =	vimm.s32 $0x0;
	v11, _, _ =	vpop (xrf0);
	(xrf0) =	vadd.scan.msk.s32 $0xffff, v6  }
0x31d: {  	v4 =	vadd.f32 v4, v8;
	v8 =	vld [tilespmem:s29+$0x10000];
	v63 =	vadd.s32 v7, v11  }
0x31e: {  	vm1 =	vle.s32 v63, v5  }
0x31f: {  	[tilespmem:s31+$0x10000] =	vst v0;
	v12 =	vmpcnt.ones.xlane vm1  }
0x320: {  	[tilespmem:s28+$0x10000] =	vst v0;
	v11 =	vbroadcast v11, $0xF;
	v9 =	vnsel vm1, $0x0, v10  }
0x321: {  	s26 =	simm.s32 $0xC0;
	[tilespmem:s29+$0x10000] =	vst v0;
	v9 =	vadd.s32 v7, v9;
	v10 =	vadd.s32 v7, v12  }
.LBB2_34:
0x322: {  	s28 =	sshra.s32 s26, $0x2;
	p0 =	sne.s32 s26, $0x1FC0;
	s26 =	sadd.s32 $0x40, s26;
	(xrf0) =	vadd.scan.msk.s32 $0xffff, v8;
	v12, _, _ =	vpop (xrf0);
	v7 =	vadd.s32 v7, v11;
	v11 =	vmov v8  }
.Ltmp16:
0x323: {  	v8 =	vld [tilespmem:s28+$0x10000];
	[tilespmem:s28+$0x10000] =	vst v0;
	v13 =	vadd.s32 v7, v12;
	(pc) =	sbr.rel @p0 .LBB2_34-.Ltmp16, $4  }
0x324: {  	vm1 =	vle.s32 v13, v5  }
0x325: {  	v13 =	vmpcnt.ones.xlane vm1;
	v14 =	vnsel vm1, $0x0, v6;
	v6 =	vmov v11  }
0x326: {  	v11 =	vbroadcast v12, $0xF;
	v9 =	vadd.s32 v9, v14  }
0x327: {  	v10 =	vadd.s32 v10, v13  }
0x328: {  	(xrf0) =	vadd.scan.msk.s32 $0xffff, v8;
	_ =	sdelay $0x2  }
0x329: {  	v12, _, _ =	vpop (xrf0)  }
0x32a: {  	v13 =	vbroadcast v12, $0xF  }
0x32b: {  	v7 =	vadd.s32 v7, v11;
	s26 =	simm.s32 $0x40  }
0x32c: {  	v11 =	vadd.s32 v7, v12;
	v7 =	vadd.s32 v7, v13;
	v13 =	vld [tilespmem:s26+$0xFFFFFFC0];
	v12, _, _ =	vpop (xrf0)  }
0x32d: {  	vm1 =	vle.s32 v11, v5;
	v7 =	vadd.s32 v7, v12  }
0x32e: {  	v11 =	vmpcnt.ones.xlane vm1;
	v12 =	vld [tilespmem:s26+$0xFFFFFFE0];
	vm2 =	vle.s32 v7, v5  }
0x32f: {  	v7 =	vmpcnt.ones.xlane vm2  }
0x330: {  	v10 =	vadd.s32 v10, v11  }
0x331: {  	v14 =	vld [tilespmem:s26+$0xFFFFFFF0];
	v11 =	vshrl.u32 v13, $0x15;
	v7 =	vadd.s32 v10, v7  }
0x332: {  	v6 =	vnsel vm1, $0x0, v6;
	v10 =	vld [tilespmem:s26+$0x20];
	vm4 =	veq.s32 v11, v7;
	v11 =	vshrl.u32 v13, $0xA  }
0x333: {  	v6 =	vadd.s32 v9, v6;
	v15 =	vand.u32 $0x7FF, v11;
	v11 =	vshrl.u32 v12, $0x15  }
0x334: {  	v16 =	vld [tilespmem:s26+$0x30];
	v8 =	vnsel vm2, $0x0, v8;
	v12 =	vshrl.u32 v12, $0xA;
	vm3 =	veq.s32 v11, v7  }
0x335: {  	v6 =	vadd.s32 v6, v8;
	v8 =	vld [tilespmem:s26+$0xFFFFFFD0];
	v11 =	vand.u32 $0x7FF, v12;
	_ =	sdelay $0x1  }
0x336: {  	v9 =	vshrl.u32 v14, $0xA;
	v13 =	vshrl.u32 v14, $0x15;
	v12 =	vld [tilespmem:s26+$0x10];
	v14 =	vshrl.u32 v10, $0x15  }
0x337: {  	vm1 =	veq.s32 v13, v7;
	v13 =	vld [tilespmem:s26+$0x0];
	v10 =	vshrl.u32 v10, $0xA;
	vm2 =	veq.s32 v14, v7  }
0x338: {  	s28 =	simm.s32 $0xC0;
	s26 =	simm.s32 $0x0;
	v10 =	vand.u32 $0x7FF, v10;
	v14 =	vshrl.u32 v16, $0xA;
	[tilespmem:v15+s21+$0x0] =	vst.idx.add.s32.msk vm4, v1;
	v15 =	vshrl.u32 v16, $0x15  }
.LBB2_36:
0x339: {  	s26 =	sadd.s32 $0x8, s26;
	v16 =	vshrl.u32 v8, $0x15;
	[tilespmem:v11+s21+$0x0] =	vst.idx.add.s32.msk vm3, v1;
	vm4 =	veq.s32 v15, v7  }
0x33a: {  	v8 =	vshrl.u32 v8, $0xA;
	v11 =	vand.u32 $0x7FF, v9;
	v15 =	vld [tilespmem:s28+$0xFFFFFFF0];
	p0 =	slt.u32 s26, $0x7F8;
	vm5 =	veq.s32 v16, v7  }
0x33b: {  	v14 =	vand.u32 $0x7FF, v14;
	v17 =	vand.u32 $0x7FF, v8;
	v16 =	vld [tilespmem:s28+$0xFFFFFFE0];
	v8 =	vshrl.u32 v12, $0x15  }
0x33c: {  	v18 =	vld [tilespmem:s28+$0xFFFFFFC0];
	v9 =	vshrl.u32 v13, $0x15;
	vm6 =	veq.s32 v8, v7;
	v8 =	vshrl.u32 v12, $0xA  }
0x33d: {  	v19 =	vld [tilespmem:s28+$0x30];
	vm7 =	veq.s32 v9, v7;
	v9 =	vshrl.u32 v13, $0xA;
	v12 =	vand.u32 $0x7FF, v8  }
0x33e: {  	v20 =	vld [tilespmem:s28+$0x20];
	v13 =	vand.u32 $0x7FF, v9  }
0x33f: {  	v8 =	vld [tilespmem:s28+$0xFFFFFFD0];
	v9 =	vshrl.u32 v15, $0xA  }
0x340: {  	[tilespmem:v11+s21+$0x0] =	vst.idx.add.s32.msk vm1, v1  }
0x341: {  	v21 =	vshrl.u32 v16, $0x15;
	v16 =	vshrl.u32 v16, $0xA;
	v11 =	vshrl.u32 v18, $0x15;
	[tilespmem:v10+s21+$0x0] =	vst.idx.add.s32.msk vm2, v1  }
0x342: {  	v10 =	vshrl.u32 v18, $0xA;
	vm3 =	veq.s32 v21, v7;
	vm8 =	veq.s32 v11, v7;
	[tilespmem:v12+s21+$0x0] =	vst.idx.add.s32.msk vm6, v1  }
0x343: {  	v10 =	vand.u32 $0x7FF, v10;
	v11 =	vand.u32 $0x7FF, v16;
	[tilespmem:v13+s21+$0x0] =	vst.idx.add.s32.msk vm7, v1  }
.Ltmp17:
0x344: {  	v12 =	vshrl.u32 v15, $0x15;
	[tilespmem:v14+s21+$0x0] =	vst.idx.add.s32.msk vm4, v1;
	(pc) =	sbr.rel @p0 .LBB2_36-.Ltmp17, $4  }
0x345: {  	vm1 =	veq.s32 v12, v7;
	[tilespmem:v17+s21+$0x0] =	vst.idx.add.s32.msk vm5, v1  }
0x346: {  	v14 =	vshrl.u32 v20, $0x15;
	v12 =	vld [tilespmem:s28+$0x10]  }
0x347: {  	vm2 =	veq.s32 v14, v7;
	v14 =	vshrl.u32 v20, $0xA;
	v13 =	vld [tilespmem:s28+$0x0]  }
0x348: {  	v15 =	vshrl.u32 v19, $0x15;
	s28 =	sadd.s32 $0x80, s28;
	[tilespmem:v10+s21+$0x0] =	vst.idx.add.s32.msk vm8, v1;
	v10 =	vand.u32 $0x7FF, v14;
	v14 =	vshrl.u32 v19, $0xA  }
0x349: {  	_ =	sdelay $0x3  }
0x34a: {  	v9 =	vand.u32 $0x7FF, v9;
	v63 =	vshrl.u32 v8, $0x15  }
0x34b: {  	vm6 =	veq.s32 v15, v7;
	[tilespmem:v11+s21+$0x0] =	vst.idx.add.s32.msk vm3, v1;
	v8 =	vshrl.u32 v8, $0xA;
	v11 =	vand.u32 $0x7FF, v14  }
0x34c: {  	vm3 =	veq.s32 v63, v7;
	v8 =	vand.u32 $0x7FF, v8;
	v16 =	vshrl.u32 v12, $0x15  }
0x34d: {  	v12 =	vshrl.u32 v12, $0xA;
	vm4 =	veq.s32 v16, v7;
	v62 =	vshrl.u32 v13, $0x15  }
0x34e: {  	v13 =	vshrl.u32 v13, $0xA;
	v12 =	vand.u32 $0x7FF, v12;
	vm5 =	veq.s32 v62, v7  }
0x34f: {  	[tilespmem:v10+s21+$0x0] =	vst.idx.add.s32.msk vm2, v1;
	v13 =	vand.u32 $0x7FF, v13  }
0x350: {  	[tilespmem:v9+s21+$0x0] =	vst.idx.add.s32.msk vm1, v1  }
0x351: {  	[tilespmem:v11+s21+$0x0] =	vst.idx.add.s32.msk vm6, v1  }
0x352: {  	[tilespmem:v8+s21+$0x0] =	vst.idx.add.s32.msk vm3, v1  }
0x353: {  	[tilespmem:v12+s21+$0x0] =	vst.idx.add.s32.msk vm4, v1  }
0x354: {  	s26 =	simm.s32 $0x0;
	[tilespmem:v13+s21+$0x0] =	vst.idx.add.s32.msk vm5, v1  }
0x355: {  	v8 =	vld [tilespmem:s26+$0x10000];
	_ =	sdelay $0x2  }
0x356: {  	(xrf0) =	vadd.scan.msk.s32 $0xffff, v6;
	_ =	sdelay $0x1  }
0x357: {  	(xrf0) =	vadd.scan.msk.s32 $0xffff, v8  }
0x358: {  	s28 =	simm.s32 $0x10  }
0x359: {  	v9 =	vld [tilespmem:s28+$0x10000];
	_ =	sdelay $0x1  }
0x35a: {  	v6, _, _ =	vpop (xrf0)  }
0x35b: {  	v10 =	vbroadcast v6, $0xF  }
0x35c: {  	v6 =	vimm.s32 $0x0;
	v12, _, _ =	vpop (xrf0)  }
0x35d: {  	s29 =	simm.s32 $0x20;
	v5 =	vsub.s32 v5, v10;
	(xrf0) =	vadd.scan.msk.s32 $0xffff, v9;
	v10 =	vadd.s32 v6, v12  }
0x35e: {  	vm1 =	vle.s32 v10, v5;
	v10 =	vld [tilespmem:s29+$0x10000];
	_ =	sdelay $0x1  }
0x35f: {  	[tilespmem:s26+$0x10000] =	vst v0;
	v13 =	vmpcnt.ones.xlane vm1;
	v8 =	vnsel vm1, $0x0, v8  }
0x360: {  	[tilespmem:s28+$0x10000] =	vst v0;
	v11 =	vadd.s32 v6, v8;
	v8 =	vbroadcast v12, $0xF  }
0x361: {  	s26 =	simm.s32 $0xC0;
	[tilespmem:s29+$0x10000] =	vst v0;
	v12 =	vadd.s32 v6, v13  }
.LBB2_38:
0x362: {  	s28 =	sshra.s32 s26, $0x2;
	p0 =	sne.s32 s26, $0x1FC0;
	s26 =	sadd.s32 $0x40, s26;
	(xrf0) =	vadd.scan.msk.s32 $0xffff, v10;
	v13, _, _ =	vpop (xrf0);
	v6 =	vadd.s32 v6, v8;
	v8 =	vmov v10  }
.Ltmp18:
0x363: {  	v10 =	vld [tilespmem:s28+$0x10000];
	[tilespmem:s28+$0x10000] =	vst v0;
	v14 =	vadd.s32 v6, v13;
	(pc) =	sbr.rel @p0 .LBB2_38-.Ltmp18, $4  }
0x364: {  	vm1 =	vle.s32 v14, v5  }
0x365: {  	v14 =	vmpcnt.ones.xlane vm1;
	v15 =	vnsel vm1, $0x0, v9;
	v9 =	vmov v8  }
0x366: {  	v8 =	vbroadcast v13, $0xF;
	v11 =	vadd.s32 v11, v15  }
0x367: {  	v12 =	vadd.s32 v12, v14  }
0x368: {  	s26 =	simm.s32 $0x40  }
0x369: {  	(xrf0) =	vadd.scan.msk.s32 $0xffff, v10;
	v23 =	vld [tilespmem:s26+$0x10]  }
0x36a: {  	v24 =	vld [tilespmem:s26+$0x0]  }
0x36b: {  	v13, _, _ =	vpop (xrf0);
	v8 =	vadd.s32 v6, v8;
	v17 =	vld [tilespmem:s26+$0xFFFFFFC0]  }
0x36c: {  	v14 =	vbroadcast v13, $0xF;
	v13 =	vadd.s32 v8, v13;
	v16 =	vld [tilespmem:s26+$0xFFFFFFE0]  }
0x36d: {  	vm1 =	vle.s32 v13, v5  }
0x36e: {  	v7 =	vshll.u32 v7, $0xB;
	v20 =	vimm.f32 $0.0e+00;
	v9 =	vnsel vm1, $0x0, v9  }
0x36f: {  	v14 =	vadd.s32 v8, v14;
	v8 =	vld [tilespmem:s26+$0x30];
	v9 =	vadd.s32 v11, v9;
	v15, _, _ =	vpop (xrf0);
	vm3 =	vgt.s32 v23, $0xFFFFFFFF  }
0x370: {  	vm4 =	vgt.s32 v17, $0xFFFFFFFF;
	v13 =	vadd.s32 v14, v15;
	v15 =	vmpcnt.ones.xlane vm1  }
0x371: {  	v6 =	vld [tilespmem:s26+$0x20];
	vm6 =	vgt.s32 v24, $0xFFFFFFFF;
	v18 =	vshrl.u32 v17, $0xA;
	vm15 =	vgt.s32 v16, $0xFFFFFFFF  }
0x372: {  	v19 =	vsel vm4, $0xFFFFFFFF, v2;
	vm2 =	vle.s32 v13, v5;
	v11 =	vadd.s32 v12, v15;
	v15 =	vld [tilespmem:s26+$0xFFFFFFD0]  }
0x373: {  	v25 =	vsel vm15, $0xFFFFFFFF, v2;
	v27 =	vsel vm6, $0xFFFFFFFF, v2;
	v13 =	vmpcnt.ones.xlane vm2  }
0x374: {  	vm1 =	vgt.s32 v8, $0xFFFFFFFF;
	v19 =	vxor.u32 v17, v19;
	v10 =	vnsel vm2, $0x0, v10  }
0x375: {  	v14 =	vld [tilespmem:s26+$0xFFFFFFF0];
	v12 =	vand.u32 $0x3FF, v8;
	v9 =	vadd.s32 v9, v10;
	v10 =	vadd.s32 v11, v13  }
0x376: {  	vm2 =	vgt.s32 v6, $0xFFFFFFFF;
	v13 =	vand.u32 $0x3FF, v24;
	v7 =	vor.u32 v7, v10  }
0x377: {  	v11 =	vand.u32 $0x3FF, v6;
	vm7 =	vgt.s32 v18, v7;
	vm8 =	vgt.s32 v15, $0xFFFFFFFF  }
0x378: {  	v21 =	vnsel vm7, $0x0, v19;
	v19 =	vshrl.u32 v15, $0xA;
	v22 =	vsel vm8, $0xFFFFFFFF, v2  }
0x379: {  	v21 =	vadd.f32 v21, v20;
	vm12 =	vgt.s32 v19, v7;
	v20 =	vxor.u32 v15, v22  }
0x37a: {  	vm5 =	vgt.s32 v14, $0xFFFFFFFF;
	v22 =	vnsel vm12, $0x0, v20;
	v20 =	vshrl.u32 v16, $0xA  }
0x37b: {  	v22 =	vadd.f32 v22, v21;
	v21 =	vxor.u32 v16, v25;
	vm13 =	vgt.s32 v20, v7  }
0x37c: {  	v26 =	vsel vm5, $0xFFFFFFFF, v2;
	v25 =	vnsel vm13, $0x0, v21;
	v21 =	vshrl.u32 v14, $0xA  }
0x37d: {  	v25 =	vadd.f32 v25, v22;
	v22 =	vxor.u32 v14, v26;
	vm14 =	vgt.s32 v21, v7  }
0x37e: {  	v10 =	vand.u32 $0x3FF, v23;
	v26 =	vnsel vm14, $0x0, v22;
	v22 =	vshrl.u32 v24, $0xA  }
0x37f: {  	v24 =	vxor.u32 v24, v27;
	v25 =	vadd.f32 v26, v25;
	vm15 =	vgt.s32 v22, v7  }
0x380: {  	v27 =	vsel vm3, $0xFFFFFFFF, v2;
	v26 =	vnsel vm15, $0x0, v24;
	v24 =	vshrl.u32 v23, $0xA  }
0x381: {  	v23 =	vxor.u32 v23, v27;
	v25 =	vadd.f32 v26, v25;
	vm3 =	vgt.s32 v24, v7  }
0x382: {  	s28 =	simm.s32 $0xC0;
	s26 =	simm.s32 $0x0;
	v27 =	vsel vm2, $0xFFFFFFFF, v2;
	v26 =	vnsel vm3, $0x0, v23;
	v23 =	vshrl.u32 v6, $0xA  }
.LBB2_40:
0x383: {  	v25 =	vadd.f32 v26, v25;
	v26 =	vxor.u32 v6, v27;
	v6 =	vld [tilespmem:s28+$0x20];
	vm2 =	vgt.s32 v23, v7  }
0x384: {  	v28 =	vsel vm1, $0xFFFFFFFF, v2;
	v29 =	vshrl.u32 v8, $0xA;
	v27 =	vld [tilespmem:s28+$0x30];
	v26 =	vnsel vm2, $0x0, v26  }
0x385: {  	v8 =	vxor.u32 v8, v28;
	vm1 =	vgt.s32 v29, v7;
	v30 =	vld [tilespmem:s28+$0x10];
	v25 =	vadd.f32 v26, v25  }
0x386: {  	vm11 =	veq.s32 v18, v7;
	vm10 =	veq.s32 v19, v7;
	v8 =	vnsel vm1, $0x0, v8;
	v26 =	vld [tilespmem:s28+$0x0]  }
0x387: {  	vm9 =	veq.s32 v20, v7;
	vm8 =	veq.s32 v21, v7;
	v18 =	vld [tilespmem:s28+$0xFFFFFFF0];
	v20 =	vadd.f32 v8, v25  }
0x388: {  	s26 =	sadd.s32 $0x8, s26;
	vm6 =	veq.s32 v22, v7;
	vm4 =	veq.s32 v24, v7;
	vm3 =	veq.s32 v23, v7;
	v19 =	vld [tilespmem:s28+$0xFFFFFFC0]  }
0x389: {  	v22 =	vand.u32 $0x3FF, v17;
	v23 =	vand.u32 $0x3FF, v15;
	p0 =	slt.u32 s26, $0x7F8;
	vm2 =	veq.s32 v29, v7;
	v21 =	vld [tilespmem:s28+$0xFFFFFFE0];
	v8 =	vmovc v27  }
0x38a: {  	v25 =	vand.u32 $0x3FF, v16;
	v27 =	vand.u32 $0x3FF, v14;
	v15 =	vld [tilespmem:s28+$0xFFFFFFD0];
	v24 =	vand.u32 $0x3FF, v30  }
0x38b: {  	v29 =	vand.u32 $0x3FF, v6;
	v31 =	vand.u32 $0x3FF, v8;
	v28 =	vand.u32 $0x3FF, v26  }
0x38c: {  	vm5 =	vgt.s32 v6, $0xFFFFFFFF;
	vm7 =	vgt.s32 v30, $0xFFFFFFFF;
	vm1 =	vgt.s32 v8, $0xFFFFFFFF;
	v14 =	vmovc v18  }
0x38d: {  	vm12 =	vgt.s32 v26, $0xFFFFFFFF;
	vm14 =	vgt.s32 v19, $0xFFFFFFFF;
	vm13 =	vgt.s32 v14, $0xFFFFFFFF;
	v17 =	vmovc v19  }
0x38e: {  	v19 =	vsel vm14, $0xFFFFFFFF, v2;
	v18 =	vshrl.u32 v17, $0xA;
	vm14 =	vgt.s32 v21, $0xFFFFFFFF;
	[tilespmem:v22+s21+$0x0] =	vst.idx.add.s32.msk vm11, v1;
	v16 =	vmovc v21  }
0x38f: {  	v19 =	vxor.u32 v17, v19;
	vm11 =	vgt.s32 v18, v7;
	vm15 =	vgt.s32 v15, $0xFFFFFFFF;
	[tilespmem:v23+s21+$0x0] =	vst.idx.add.s32.msk vm10, v1  }
0x390: {  	v21 =	vnsel vm11, $0x0, v19;
	v22 =	vsel vm15, $0xFFFFFFFF, v2;
	v19 =	vshrl.u32 v15, $0xA;
	[tilespmem:v25+s21+$0x0] =	vst.idx.add.s32.msk vm9, v1  }
0x391: {  	v21 =	vadd.f32 v21, v20;
	v20 =	vxor.u32 v15, v22;
	vm9 =	vgt.s32 v19, v7  }
0x392: {  	v23 =	vsel vm14, $0xFFFFFFFF, v2;
	v22 =	vnsel vm9, $0x0, v20;
	v20 =	vshrl.u32 v16, $0xA;
	[tilespmem:v27+s21+$0x0] =	vst.idx.add.s32.msk vm8, v1  }
0x393: {  	v22 =	vadd.f32 v22, v21;
	v21 =	vxor.u32 v16, v23;
	vm8 =	vgt.s32 v20, v7  }
0x394: {  	v25 =	vsel vm13, $0xFFFFFFFF, v2;
	v23 =	vnsel vm8, $0x0, v21;
	v21 =	vshrl.u32 v14, $0xA;
	[tilespmem:v13+s21+$0x0] =	vst.idx.add.s32.msk vm6, v1;
	v13 =	vmovc v28  }
0x395: {  	v23 =	vadd.f32 v23, v22;
	v22 =	vxor.u32 v14, v25;
	vm6 =	vgt.s32 v21, v7  }
.Ltmp19:
0x396: {  	v27 =	vsel vm12, $0xFFFFFFFF, v2;
	v25 =	vnsel vm6, $0x0, v22;
	v22 =	vshrl.u32 v26, $0xA;
	[tilespmem:v10+s21+$0x0] =	vst.idx.add.s32.msk vm4, v1;
	v10 =	vmovc v24;
	(pc) =	sbr.rel @p0 .LBB2_40-.Ltmp19, $4  }
0x397: {  	v24 =	vxor.u32 v26, v27;
	v23 =	vadd.f32 v25, v23;
	vm4 =	vgt.s32 v22, v7  }
0x398: {  	v26 =	vsel vm7, $0xFFFFFFFF, v2;
	v25 =	vnsel vm4, $0x0, v24;
	v24 =	vshrl.u32 v30, $0xA;
	[tilespmem:v11+s21+$0x0] =	vst.idx.add.s32.msk vm3, v1;
	v11 =	vmovc v29  }
0x399: {  	v25 =	vadd.f32 v25, v23;
	v23 =	vxor.u32 v30, v26;
	vm3 =	vgt.s32 v24, v7  }
0x39a: {  	s28 =	sadd.s32 $0x80, s28;
	v27 =	vsel vm5, $0xFFFFFFFF, v2;
	v26 =	vnsel vm3, $0x0, v23;
	v23 =	vshrl.u32 v6, $0xA;
	[tilespmem:v12+s21+$0x0] =	vst.idx.add.s32.msk vm2, v1;
	v12 =	vmovc v31  }
0x39b: {  	vm2 =	veq.s32 v18, v7  }
0x39c: {  	vm3 =	veq.s32 v19, v7;
	v17 =	vand.u32 $0x3FF, v17  }
0x39d: {  	vm4 =	veq.s32 v20, v7;
	v15 =	vand.u32 $0x3FF, v15  }
0x39e: {  	vm5 =	veq.s32 v21, v7;
	v16 =	vand.u32 $0x3FF, v16  }
0x39f: {  	vm6 =	veq.s32 v22, v7;
	v14 =	vand.u32 $0x3FF, v14  }
0x3a0: {  	vm7 =	veq.s32 v24, v7  }
0x3a1: {  	[tilespmem:v17+s21+$0x0] =	vst.idx.add.s32.msk vm2, v1;
	v17 =	vshrl.u32 v8, $0xA;
	vm2 =	veq.s32 v23, v7  }
0x3a2: {  	[tilespmem:v15+s21+$0x0] =	vst.idx.add.s32.msk vm3, v1;
	vm3 =	veq.s32 v17, v7  }
0x3a3: {  	[tilespmem:v16+s21+$0x0] =	vst.idx.add.s32.msk vm4, v1  }
0x3a4: {  	[tilespmem:v14+s21+$0x0] =	vst.idx.add.s32.msk vm5, v1  }
0x3a5: {  	[tilespmem:v13+s21+$0x0] =	vst.idx.add.s32.msk vm6, v1  }
0x3a6: {  	[tilespmem:v10+s21+$0x0] =	vst.idx.add.s32.msk vm7, v1  }
0x3a7: {  	[tilespmem:v11+s21+$0x0] =	vst.idx.add.s32.msk vm2, v1  }
0x3a8: {  	s26 =	simm.s32 $0x10000;
	[tilespmem:v12+s21+$0x0] =	vst.idx.add.s32.msk vm3, v1  }
0x3a9: {  	(xrf0) =	vadd.scan.msk.s32 $0xffff, v9;
	v11 =	vld [tilespmem:s26+$0x0];
	_ =	sdelay $0x1  }
0x3aa: {  	v10 =	vadd.f32 v26, v25;
	_ =	sdelay $0x1  }
0x3ab: {  	v9 =	vxor.u32 v6, v27;
	s29 =	simm.s32 $0x10010;
	v13 =	vsel vm1, $0xFFFFFFFF, v2;
	vm2 =	vgt.s32 v23, v7  }
0x3ac: {  	v8 =	vxor.u32 v8, v13;
	vm1 =	vgt.s32 v17, v7;
	v12 =	vnsel vm2, $0x0, v9;
	v15 =	vld [tilespmem:s29+$0x0];
	(xrf0) =	vadd.scan.msk.s32 $0xffff, v11  }
0x3ad: {  	v6 =	vshll.u32 v7, $0xA;
	v7 =	vnsel vm1, $0x0, v8;
	v12 =	vadd.f32 v12, v10;
	v10, _, _ =	vpop (xrf0)  }
0x3ae: {  	s28 =	simm.s32 $0x0;
	v9 =	vor.u32 v3, v6;
	vm2 =	vgt.s32 v6, $0xFFFFFFFF;
	v13 =	vbroadcast v10, $0xF  }
0x3af: {  	v14 =	vor.u32 s28, v9;
	v10 =	vsel vm2, $0xFFFFFFFF, v2;
	v7 =	vadd.f32 v7, v12  }
0x3b0: {  	[tilespmem:s26+$0x0] =	vst v0;
	v12 =	vimm.s32 $0x0;
	v8 =	vsub.s32 v5, v13;
	v16 =	vcvt.s32.f32 v11  }
0x3b1: {  	s28 =	simm.s32 $0x10;
	[tilespmem:s29+$0x0] =	vst v0;
	v5 =	vxor.u32 v10, v14;
	v11 =	vimm.f32 $0.0e+00;
	v14 =	vcvt.s32.f32 v15  }
0x3b2: {  	s26 =	simm.s32 $0x20;
	(xrf0) =	vadd.scan.msk.s32 $0xffff, v15;
	v13 =	vmul.f32 v16, v5;
	v16 =	vor.u32 s28, v9;
	s28 =	simm.s32 $0x10020;
	v5 =	vimm.s32 $0x0;
	v15, _, _ =	vpop (xrf0)  }
.LBB2_42:
0x3b3: {  	v17 =	vld [tilespmem:s28+$0x0];
	[tilespmem:s28+$0x0] =	vst v0;
	p0 =	sne.s32 s26, $0x3F0;
	v16 =	vxor.u32 v10, v16;
	v18 =	vadd.s32 v12, v15;
	s29 =	smov.u32 s26;
	s26 =	sadd.s32 $0x10, s26  }
.Ltmp20:
0x3b4: {  	v14 =	vmul.f32 v14, v16;
	vm1 =	vle.s32 v18, v8;
	(pc) =	sbr.rel @p0 .LBB2_42-.Ltmp20, $4  }
0x3b5: {  	v16 =	vmpcnt.ones.xlane vm1;
	v19 =	vsel vm1, $0x0, v13  }
0x3b6: {  	v18 =	vbroadcast v15, $0xF;
	v11 =	vadd.f32 v19, v11;
	v13 =	vmov v14  }
0x3b7: {  	v5 =	vadd.s32 v5, v16  }
0x3b8: {  	s28 =	sadd.s32 $0x10, s28;
	v12 =	vadd.s32 v12, v18;
	v16 =	vor.u32 s29, v9;
	v14 =	vcvt.s32.f32 v17;
	(xrf0) =	vadd.scan.msk.s32 $0xffff, v17;
	v15, _, _ =	vpop (xrf0)  }
0x3b9: {  	_ =	sdelay $0x1  }
0x3ba: {  	v9 =	vbroadcast v15, $0xF;
	v15 =	vadd.s32 v12, v15;
	_ =	sdelay $0x2  }
0x3bb: {  	v10 =	vxor.u32 v10, v16;
	vm1 =	vle.s32 v15, v8;
	v9 =	vadd.s32 v12, v9;
	v15, _, _ =	vpop (xrf0)  }
0x3bc: {  	v10 =	vmul.f32 v14, v10;
	v12 =	vsel vm1, $0x0, v13;
	v9 =	vadd.s32 v9, v15  }
0x3bd: {  	v11 =	vadd.f32 v12, v11;
	vm2 =	vle.s32 v9, v8  }
0x3be: {  	v8 =	vsel vm2, $0x0, v10  }
0x3bf: {  	v8 =	vadd.f32 v8, v11;
	_ =	sdelay $0x1  }
0x3c0: {  	v7 =	vadd.f32 v8, v7  }
0x3c1: {  	(xrf2) =	vadd.scan.msk.f32 $0xffff, v4  }
0x3c2: {  	(xrf2) =	vadd.scan.msk.f32 $0xffff, v7;
	_ =	sdelay $0x8  }
0x3c3: {  	v4, _, _ =	vpop (xrf2)  }
0x3c4: {  	v7, _, _ =	vpop (xrf2)  }
0x3c5: {  	v7 =	vbroadcast v7, $0xF;
	_ =	sdelay $0x1  }
0x3c6: {  	(erf) = vrcp.f32 v7;
	_ =	sdelay $0x1  }
0x3c7: {  	s26 =	simm.s32 $0x40;
	v8 =	vmpcnt.ones.xlane vm1  }
0x3c8: {  	v9 =	vmpcnt.ones.xlane vm2;
	v11 =	vld [tilespmem:s26+$0x30]  }
0x3c9: {  	v5 =	vadd.s32 v5, v8;
	v8 =	vld [tilespmem:s26+$0xFFFFFFD0]  }
0x3ca: {  	v5 =	vadd.s32 v5, v9;
	v9 =	vld [tilespmem:s26+$0x0];
	_ =	sdelay $0x1  }
0x3cb: {  	v5 =	vor.u32 v6, v5;
	v6 =	vld [tilespmem:s26+$0xFFFFFFE0]  }
0x3cc: {  	v4 =	vbroadcast v4, $0xF;
	v12 =	vxor.u32 $0x80000000, v11;
	v5 =	vxor.u32 $0x80000000, v5  }
0x3cd: {  	v13 =	vxor.u32 $0xFFFFFFFF, v8;
	v14 =	vxor.u32 $0x80000000, v8;
	vm2 =	vlt.s32 v8, $0x0;
	v10 =	vpop (erf)  }
0x3ce: {  	v20 =	vxor.u32 $0xFFFFFFFF, v9;
	vm1 =	veq.f32 v7, $0.0e+00;
	v7 =	vld [tilespmem:s26+$0xFFFFFFF0];
	v4 =	vmul.f32 v10, v4  }
0x3cf: {  	v22 =	vxor.u32 $0x80000000, v9;
	vm4 =	vlt.s32 v9, $0x0;
	vm7 =	vlt.s32 v14, v5  }
0x3d0: {  	v17 =	vld [tilespmem:s26+$0x20];
	v15 =	vxor.u32 $0xFFFFFFFF, v6;
	v16 =	vxor.u32 $0x80000000, v6;
	v4 =	vand.u32 $0x7FFFFFFF, v4  }
0x3d1: {  	v10 =	vxor.u32 $0xFFFFFFFF, v11;
	v4 =	vsel vm1, $0x0, v4;
	vm1 =	vlt.s32 v11, $0x0;
	v11 =	vld [tilespmem:s26+$0x10]  }
0x3d2: {  	vm14 =	vlt.s32 v22, v5;
	v10 =	vsel vm1, v12, v10;
	vm1 =	vlt.s32 v12, v5  }
0x3d3: {  	v18 =	vxor.u32 $0xFFFFFFFF, v7;
	v19 =	vxor.u32 $0x80000000, v7;
	v12 =	vld [tilespmem:s26+$0xFFFFFFC0];
	v8 =	vsel vm1, $0x0, v10  }
0x3d4: {  	vm3 =	vlt.s32 v7, $0x0;
	v7 =	vsel vm2, v14, v13;
	v8 =	vmul.f32 v8, v4  }
0x3d5: {  	vm2 =	vlt.s32 v17, $0x0;
	v13 =	vxor.u32 $0x80000000, v17;
	vm1 =	vlt.s32 v6, $0x0  }
0x3d6: {  	v21 =	vsel vm0, v10, v8;
	v9 =	vxor.u32 $0xFFFFFFFF, v11;
	v23 =	vxor.u32 $0x80000000, v11  }
0x3d7: {  	vm6 =	vlt.s32 v11, $0x0;
	v11 =	vxor.u32 $0xFFFFFFFF, v17;
	v10 =	vsel vm4, v22, v20  }
0x3d8: {  	v17 =	vsel vm7, $0x0, v7;
	v6 =	vxor.u32 $0xFFFFFFFF, v12;
	v8 =	vxor.u32 $0x80000000, v12  }
0x3d9: {  	vm5 =	vlt.s32 v12, $0x0;
	v9 =	vsel vm6, v23, v9;
	vm15 =	vlt.s32 v23, v5  }
0x3da: {  	v11 =	vsel vm2, v13, v11;
	vm2 =	vlt.s32 v13, v5;
	v12 =	vsel vm5, v8, v6  }
0x3db: {  	vm13 =	vlt.s32 v8, v5;
	v6 =	vsel vm1, v16, v15;
	vm1 =	vlt.s32 v16, v5  }
0x3dc: {  	v8 =	vsel vm3, v19, v18;
	vm3 =	vlt.s32 v19, v5;
	v15 =	vsel vm14, $0x0, v10  }
0x3dd: {  	v13 =	vsel vm2, $0x0, v11;
	v14 =	vsel vm13, $0x0, v12;
	v18 =	vsel vm1, $0x0, v6  }
0x3de: {  	s28 =	simm.s32 $0x0;
	s29 =	simm.s32 $0xC0;
	[tilespmem:s26+$0x30] =	vst v21;
	v16 =	vsel vm3, $0x0, v8;
	v19 =	vmul.f32 v14, v4;
	v14 =	vsel vm15, $0x0, v9  }
.LBB2_44:
0x3df: {  	v20 =	vld [tilespmem:s29+$0x30];
	s28 =	sadd.s32 $0x8, s28;
	v17 =	vmul.f32 v17, v4;
	v18 =	vmul.f32 v18, v4  }
0x3e0: {  	v16 =	vmul.f32 v16, v4;
	v15 =	vmul.f32 v15, v4;
	v21 =	vld [tilespmem:s29+$0xFFFFFFD0];
	p0 =	slt.u32 s28, $0x7F8;
	v12 =	vsel vm0, v12, v19  }
0x3e1: {  	v13 =	vmul.f32 v13, v4;
	v19 =	vld [tilespmem:s29+$0xFFFFFFE0];
	[tilespmem:s26+$0xFFFFFFC0] =	vst v12;
	v7 =	vsel vm0, v7, v17;
	v12 =	vmul.f32 v14, v4  }
0x3e2: {  	v6 =	vsel vm0, v6, v18;
	v14 =	vld [tilespmem:s29+$0xFFFFFFF0];
	[tilespmem:s26+$0xFFFFFFD0] =	vst v7;
	v7 =	vsel vm0, v8, v16;
	v8 =	vsel vm0, v10, v15  }
0x3e3: {  	v10 =	vld [tilespmem:s29+$0x0];
	[tilespmem:s26+$0xFFFFFFE0] =	vst v6;
	v6 =	vsel vm0, v9, v12;
	v9 =	vsel vm0, v11, v13  }
0x3e4: {  	v11 =	vld [tilespmem:s29+$0x10];
	v12 =	vxor.u32 $0xFFFFFFFF, v20;
	v13 =	vxor.u32 $0x80000000, v20;
	vm1 =	vlt.s32 v20, $0x0;
	[tilespmem:s26+$0xFFFFFFF0] =	vst v7  }
0x3e5: {  	v7 =	vxor.u32 $0xFFFFFFFF, v21;
	v15 =	vld [tilespmem:s29+$0x20];
	v12 =	vsel vm1, v13, v12;
	vm2 =	vlt.s32 v13, v5;
	[tilespmem:s26+$0x0] =	vst v8  }
0x3e6: {  	v13 =	vxor.u32 $0x80000000, v21;
	vm1 =	vlt.s32 v21, $0x0;
	v8 =	vld [tilespmem:s29+$0xFFFFFFC0];
	v16 =	vsel vm2, $0x0, v12;
	[tilespmem:s26+$0x10] =	vst v6  }
0x3e7: {  	v6 =	vxor.u32 $0xFFFFFFFF, v19;
	v17 =	vxor.u32 $0x80000000, v19;
	v16 =	vmul.f32 v16, v4;
	[tilespmem:s26+$0x20] =	vst v9;
	s26 =	smov.u32 s29  }
0x3e8: {  	vm2 =	vlt.s32 v19, $0x0;
	v9 =	vxor.u32 $0xFFFFFFFF, v14;
	v18 =	vxor.u32 $0x80000000, v14  }
0x3e9: {  	vm3 =	vlt.s32 v14, $0x0;
	v14 =	vxor.u32 $0xFFFFFFFF, v10;
	v12 =	vsel vm0, v12, v16  }
0x3ea: {  	vm4 =	vlt.s32 v10, $0x0;
	v16 =	vxor.u32 $0x80000000, v10;
	v19 =	vxor.u32 $0xFFFFFFFF, v11;
	[tilespmem:s29+$0x30] =	vst v12  }
0x3eb: {  	v10 =	vxor.u32 $0xFFFFFFFF, v8;
	v20 =	vxor.u32 $0x80000000, v8;
	vm5 =	vlt.s32 v8, $0x0  }
0x3ec: {  	v21 =	vxor.u32 $0x80000000, v11;
	vm6 =	vlt.s32 v11, $0x0;
	v11 =	vxor.u32 $0xFFFFFFFF, v15  }
0x3ed: {  	v22 =	vxor.u32 $0x80000000, v15;
	v12 =	vsel vm5, v20, v10;
	vm5 =	vlt.s32 v15, $0x0  }
0x3ee: {  	v7 =	vsel vm1, v13, v7;
	vm1 =	vlt.s32 v13, v5;
	vm7 =	vlt.s32 v20, v5  }
0x3ef: {  	v6 =	vsel vm2, v17, v6;
	vm2 =	vlt.s32 v17, v5;
	v8 =	vsel vm3, v18, v9  }
.Ltmp21:
0x3f0: {  	vm3 =	vlt.s32 v18, v5;
	v10 =	vsel vm4, v16, v14;
	vm4 =	vlt.s32 v16, v5;
	(pc) =	sbr.rel @p0 .LBB2_44-.Ltmp21, $4  }
0x3f1: {  	v9 =	vsel vm6, v21, v19;
	vm6 =	vlt.s32 v21, v5;
	v11 =	vsel vm5, v22, v11  }
0x3f2: {  	v17 =	vsel vm1, $0x0, v7;
	vm1 =	vlt.s32 v22, v5;
	v13 =	vsel vm7, $0x0, v12  }
0x3f3: {  	v18 =	vsel vm2, $0x0, v6;
	v16 =	vsel vm3, $0x0, v8;
	v15 =	vsel vm4, $0x0, v10  }
0x3f4: {  	s29 =	sadd.s32 $0x80, s29;
	v14 =	vsel vm6, $0x0, v9;
	v19 =	vmul.f32 v13, v4;
	v13 =	vsel vm1, $0x0, v11  }
0x3f5: {  	v5 =	vmul.f32 v17, v4  }
0x3f6: {  	v16 =	vmul.f32 v16, v4;
	v12 =	vsel vm0, v12, v19  }
0x3f7: {  	v17 =	vmul.f32 v18, v4;
	[tilespmem:s26+$0xFFFFFFC0] =	vst v12;
	v5 =	vsel vm0, v7, v5  }
0x3f8: {  	v7 =	vmul.f32 v15, v4;
	v8 =	vsel vm0, v8, v16;
	[tilespmem:s26+$0xFFFFFFD0] =	vst v5  }
0x3f9: {  	v5 =	vsel vm0, v6, v17;
	v6 =	vmul.f32 v14, v4;
	[tilespmem:s26+$0xFFFFFFF0] =	vst v8  }
0x3fa: {  	v4 =	vmul.f32 v13, v4;
	[tilespmem:s26+$0xFFFFFFE0] =	vst v5;
	v5 =	vsel vm0, v10, v7  }
0x3fb: {  	v6 =	vsel vm0, v9, v6;
	[tilespmem:s26+$0x0] =	vst v5  }
0x3fc: {  	v4 =	vsel vm0, v11, v4;
	[tilespmem:s26+$0x10] =	vst v6  }
0x3fd: {  	[tilespmem:s26+$0x20] =	vst v4  }
0x3fe: {  	[hbm4b:s11+s17] =	stream.strided.scatter [tilespmem:s2], [sflag:$0x3], $0x8000, s18, s17, $0x38;
	[tilespmem:$0x10900] =	vst v63  }
0x3ff: {  	_ =	swait.ge [sflag:s23], $0x8000  }
0x400: {  	[sflag:s23] =	ssyncset.done $0x0  }
0x401: {  	s28 =	simm.s32 $0x8040;
	[sflag:s23] =	ssyncadd.s32 $0xFFFF8000  }
0x402: {  	v4 =	vld [tilespmem:s28+$0xFFFFFFF0]  }
0x403: {  	v5 =	vld [tilespmem:s28+$0xFFFFFFD0]  }
0x404: {  	v16 =	vld [tilespmem:s28+$0x30]  }
0x405: {  	v8 =	vld [tilespmem:s28+$0xFFFFFFC0]  }
0x406: {  	v17 =	vld [tilespmem:s28+$0x20]  }
0x407: {  	v11 =	vld [tilespmem:s28+$0xFFFFFFE0]  }
0x408: {  	v9 =	vld [tilespmem:s28+$0x10]  }
0x409: {  	v6 =	vimm.f32 $0.0e+00;
	v7 =	vxor.u32 $0x80000000, v4;
	v10 =	vxor.u32 $0xFFFFFFFF, v4  }
0x40a: {  	vm1 =	vlt.s32 v5, $0x0;
	vm2 =	vlt.s32 v4, $0x0;
	v12 =	vxor.u32 $0x80000000, v16  }
0x40b: {  	v18 =	vld [tilespmem:s28+$0x0];
	v14 =	vxor.u32 $0xFFFFFFFF, v16;
	v6 =	vadd.f32 v8, v6;
	v23 =	vsel vm2, v10, v7  }
0x40c: {  	vm3 =	vlt.s32 v17, $0x0;
	v13 =	vxor.u32 $0xFFFFFFFF, v11;
	v25 =	vshrl.u32 v23, $0x15  }
0x40d: {  	v7 =	vxor.u32 $0x80000000, v9;
	v10 =	vxor.u32 $0xFFFFFFFF, v9;
	vm2 =	vlt.s32 v9, $0x0;
	(xrf1) =	vunique.msk.u32 $0xffff, v25  }
0x40e: {  	v21 =	vxor.u32 $0xFFFFFFFF, v17;
	v26 =	vxor.u32 $0x80000000, v8;
	v15 =	vsel vm2, v10, v7  }
0x40f: {  	v7 =	vxor.u32 $0x80000000, v5;
	v10 =	vxor.u32 $0xFFFFFFFF, v5;
	v5 =	vadd.f32 v5, v6  }
0x410: {  	v27 =	vxor.u32 $0xFFFFFFFF, v18;
	v28 =	vxor.u32 $0xFFFFFFFF, v8;
	v36 =	vshrl.u32 v15, $0x15  }
0x411: {  	vm2 =	vlt.s32 v16, $0x0;
	v6 =	vxor.u32 $0x80000000, v11;
	(xrf1) =	vunique.msk.u32 $0xffff, v36;
	v20 =	vadd.f32 v11, v5  }
0x412: {  	v19 =	vsel vm1, v10, v7;
	v7 =	vxor.u32 $0x80000000, v17;
	vm1 =	vlt.s32 v11, $0x0  }
0x413: {  	s26 =	simm.s32 $0x80C0;
	v14 =	vsel vm2, v14, v12;
	v21 =	vsel vm3, v21, v7;
	v7 =	vadd.f32 v4, v20  }
0x414: {  	v24 =	vld [tilespmem:s26+$0xFFFFFFD0];
	vm2 =	vlt.s32 v18, $0x0;
	v10 =	vshrl.u32 v19, $0x15;
	v22 =	vsel vm1, v13, v6  }
0x415: {  	v5 =	vld [tilespmem:$0x10830];
	vm1 =	vlt.s32 v8, $0x0;
	(xrf1) =	vunique.msk.u32 $0xffff, v10;
	v11 =	vshrl.u32 v22, $0x15;
	v12 =	vadd.f32 v18, v7  }
0x416: {  	v6 =	vld [tilespmem:s26+$0xFFFFFFF0];
	v13 =	vshrl.u32 v21, $0x15;
	v26 =	vsel vm1, v28, v26;
	v20 =	vxor.u32 $0x80000000, v18;
	(xrf1) =	vunique.msk.u32 $0xffff, v11  }
0x417: {  	v8 =	vld [tilespmem:s26+$0x0];
	(xrf1) =	vunique.msk.u32 $0xffff, v13;
	v20 =	vsel vm2, v27, v20;
	v27 =	vadd.f32 v9, v12;
	v12 =	vshrl.u32 v26, $0x15  }
0x418: {  	[tilespmem:s28+$0x30] =	vst v14;
	v4 =	vld [tilespmem:s26+$0x30];
	(xrf1) =	vunique.msk.u32 $0xffff, v12  }
0x419: {  	[tilespmem:s28+$0x10] =	vst v15;
	v15 =	vshrl.u32 v14, $0x15;
	v7 =	vld [tilespmem:s26+$0x10]  }
0x41a: {  	[tilespmem:s28+$0xFFFFFFE0] =	vst v22;
	v14 =	vshrl.u32 v20, $0x15;
	(xrf1) =	vunique.msk.u32 $0xffff, v15  }
0x41b: {  	vm1 =	vlt.s32 v24, $0x0;
	v22 =	vxor.u32 $0x80000000, v6;
	v28 =	vxor.u32 $0xFFFFFFFF, v6;
	v9 =	vld [tilespmem:s26+$0x20];
	_, v30, vm6 =	vpop (xrf1);
	(xrf1) =	vunique.msk.u32 $0xffff, v14  }
0x41c: {  	[tilespmem:s28+$0xFFFFFFD0] =	vst v19;
	v18 =	vld [tilespmem:s26+$0xFFFFFFC0];
	vm3 =	vlt.s32 v6, $0x0;
	v19 =	vxor.u32 $0x80000000, v8;
	v27 =	vadd.f32 v17, v27  }
0x41d: {  	v29 =	vxor.u32 $0x80000000, v4;
	v37 =	vxor.u32 $0xFFFFFFFF, v4;
	vm2 =	vlt.s32 v4, $0x0  }
0x41e: {  	[tilespmem:s28+$0x0] =	vst v20;
	v17 =	vld [tilespmem:s26+$0xFFFFFFE0];
	v29 =	vsel vm2, v37, v29;
	v31 =	vxor.u32 $0x80000000, v7;
	v20 =	vadd.f32 v16, v27  }
0x41f: {  	v27 =	vxor.u32 $0x80000000, v24;
	v16 =	vsel vm3, v28, v22;
	v28 =	vxor.u32 $0xFFFFFFFF, v24;
	_, v38, vm7 =	vpop (xrf1)  }
0x420: {  	[tilespmem:s28+$0x20] =	vst v21;
	v32 =	vxor.u32 $0xFFFFFFFF, v7;
	vm4 =	vlt.s32 v9, $0x0;
	v21 =	vsel vm1, v28, v27  }
0x421: {  	[tilespmem:s28+$0xFFFFFFF0] =	vst v23;
	vm1 =	vlt.s32 v7, $0x0;
	v34 =	vxor.u32 $0xFFFFFFFF, v9;
	v22 =	vadd.f32 v18, v20  }
0x422: {  	[tilespmem:s28+$0xFFFFFFC0] =	vst v26;
	v20 =	vshrl.u32 v16, $0x15;
	v28 =	vsel vm1, v32, v31;
	v31 =	vxor.u32 $0x80000000, v9  }
0x423: {  	v32 =	vxor.u32 $0x80000000, v18;
	v33 =	vxor.u32 $0x80000000, v17;
	v26 =	vshrl.u32 v28, $0x15;
	(xrf1) =	vunique.msk.u32 $0xffff, v20;
	_, v23, vm1 =	vpop (xrf1)  }
0x424: {  	vm5 =	vlt.s32 v17, $0x0;
	v22 =	vadd.f32 v24, v22;
	(xrf1) =	vunique.msk.u32 $0xffff, v26;
	_, v27, vm3 =	vpop (xrf1);
	[tilespmem:v25+s21+$0x0] =	vst.idx.add.s32.msk vm6, v30  }
0x425: {  	s29 =	simm.s32 $0x8140;
	s28 =	simm.s32 $0x8;
	v35 =	vxor.u32 $0xFFFFFFFF, v17;
	v24 =	vshrl.u32 v21, $0x15;
	v30 =	vxor.u32 $0xFFFFFFFF, v8;
	_, v25, vm2 =	vpop (xrf1);
	[tilespmem:v36+s21+$0x0] =	vst.idx.add.s32.msk vm7, v38  }
.LBB2_46:
0x426: {  	v36 =	vld [tilespmem:s29+$0xFFFFFFD0];
	s28 =	sadd.s32 $0x8, s28;
	v33 =	vsel vm5, v35, v33;
	v17 =	vadd.f32 v17, v22;
	[tilespmem:s26+$0x30] =	vst v29;
	(xrf1) =	vunique.msk.u32 $0xffff, v24;
	_, v22, vm5 =	vpop (xrf1)  }
0x427: {  	v38 =	vmovc v20;
	v39 =	vmov v26;
	v35 =	vld [tilespmem:s29+$0x10];
	p0 =	slt.u32 s28, $0x7F8;
	v37 =	vshrl.u32 v33, $0x15;
	[tilespmem:s26+$0x10] =	vst v28;
	v28 =	vsel vm4, v34, v31  }
0x428: {  	v20 =	vxor.u32 $0xFFFFFFFF, v18;
	vm4 =	vlt.s32 v18, $0x0;
	v17 =	vadd.f32 v6, v17;
	v6 =	vld [tilespmem:s29+$0xFFFFFFF0];
	(xrf1) =	vunique.msk.u32 $0xffff, v37;
	_, v26, vm6 =	vpop (xrf1)  }
0x429: {  	v32 =	vsel vm4, v20, v32;
	v31 =	vld [tilespmem:s29+$0x30];
	[tilespmem:s26+$0xFFFFFFE0] =	vst v33;
	v33 =	vshrl.u32 v28, $0x15;
	_, v34, vm4 =	vpop (xrf1)  }
0x42a: {  	v40 =	vshrl.u32 v32, $0x15;
	v17 =	vadd.f32 v8, v17;
	(xrf1) =	vunique.msk.u32 $0xffff, v33;
	[tilespmem:v10+s21+$0x0] =	vst.idx.add.s32.msk vm1, v23;
	v10 =	vmovc v24  }
0x42b: {  	vm1 =	vlt.s32 v8, $0x0;
	(xrf1) =	vunique.msk.u32 $0xffff, v40;
	[tilespmem:v11+s21+$0x0] =	vst.idx.add.s32.msk vm3, v27;
	v11 =	vmov v37  }
0x42c: {  	v24 =	vshrl.u32 v29, $0x15;
	v19 =	vsel vm1, v30, v19;
	v8 =	vld [tilespmem:s29+$0x0];
	[tilespmem:s26+$0xFFFFFFD0] =	vst v21;
	v17 =	vadd.f32 v7, v17;
	v7 =	vmovc v35  }
0x42d: {  	v27 =	vshrl.u32 v19, $0x15;
	v18 =	vld [tilespmem:s29+$0xFFFFFFC0];
	[tilespmem:s26+$0x0] =	vst v19;
	(xrf1) =	vunique.msk.u32 $0xffff, v24  }
0x42e: {  	v19 =	vxor.u32 $0x80000000, v6;
	v20 =	vxor.u32 $0xFFFFFFFF, v6;
	v21 =	vadd.f32 v9, v17;
	v9 =	vld [tilespmem:s29+$0x20];
	(xrf1) =	vunique.msk.u32 $0xffff, v27  }
0x42f: {  	vm1 =	vlt.s32 v36, $0x0;
	v29 =	vxor.u32 $0x80000000, v31;
	v37 =	vxor.u32 $0xFFFFFFFF, v31;
	v17 =	vld [tilespmem:s29+$0xFFFFFFE0];
	[tilespmem:s26+$0x20] =	vst v28  }
0x430: {  	vm3 =	vlt.s32 v6, $0x0;
	vm7 =	vlt.s32 v31, $0x0;
	v21 =	vadd.f32 v4, v21;
	[tilespmem:v13+s21+$0x0] =	vst.idx.add.s32.msk vm2, v25;
	v4 =	vmovc v31  }
0x431: {  	v28 =	vxor.u32 $0x80000000, v36;
	v25 =	vsel vm3, v20, v19;
	v19 =	vxor.u32 $0x80000000, v8;
	_, v30, vm8 =	vpop (xrf1);
	[tilespmem:v15+s21+$0x0] =	vst.idx.add.s32.msk vm6, v26  }
0x432: {  	v20 =	vshrl.u32 v25, $0x15;
	v35 =	vadd.f32 v18, v21;
	v21 =	vxor.u32 $0xFFFFFFFF, v36;
	_, v41, vm2 =	vpop (xrf1);
	[tilespmem:v14+s21+$0x0] =	vst.idx.add.s32.msk vm4, v34  }
0x433: {  	v13 =	vmovc v33;
	v26 =	vxor.u32 $0xFFFFFFFF, v7;
	v34 =	vxor.u32 $0x80000000, v7;
	vm4 =	vlt.s32 v9, $0x0;
	[tilespmem:v12+s21+$0x0] =	vst.idx.add.s32.msk vm5, v22;
	v12 =	vmovc v40  }
.Ltmp22:
0x434: {  	vm3 =	vlt.s32 v7, $0x0;
	v21 =	vsel vm1, v21, v28;
	v22 =	vadd.f32 v36, v35;
	[tilespmem:s26+$0xFFFFFFC0] =	vst v32;
	_, v23, vm1 =	vpop (xrf1);
	(pc) =	sbr.rel @p0 .LBB2_46-.Ltmp22, $4  }
0x435: {  	v15 =	vmovc v24;
	v14 =	vmovc v27;
	v28 =	vsel vm3, v26, v34;
	v31 =	vxor.u32 $0x80000000, v9;
	v33 =	vxor.u32 $0x80000000, v17;
	[tilespmem:s26+$0xFFFFFFF0] =	vst v16;
	s26 =	smov.u32 s29  }
0x436: {  	v34 =	vxor.u32 $0xFFFFFFFF, v9;
	vm5 =	vlt.s32 v17, $0x0;
	v26 =	vshrl.u32 v28, $0x15;
	(xrf1) =	vunique.msk.u32 $0xffff, v20;
	_, v27, vm3 =	vpop (xrf1)  }
0x437: {  	v32 =	vxor.u32 $0x80000000, v18;
	v24 =	vshrl.u32 v21, $0x15;
	v16 =	vmovc v25;
	(xrf1) =	vunique.msk.u32 $0xffff, v26;
	[tilespmem:v38+s21+$0x0] =	vst.idx.add.s32.msk vm8, v30  }
0x438: {  	v29 =	vsel vm7, v37, v29;
	v35 =	vxor.u32 $0xFFFFFFFF, v17;
	s29 =	sadd.s32 $0x80, s29;
	v30 =	vxor.u32 $0xFFFFFFFF, v8;
	[tilespmem:v39+s21+$0x0] =	vst.idx.add.s32.msk vm2, v41;
	_, v25, vm2 =	vpop (xrf1)  }
0x439: {  	v33 =	vsel vm5, v35, v33;
	v31 =	vsel vm4, v34, v31  }
0x43a: {  	(xrf1) =	vunique.msk.u32 $0xffff, v24;
	v57 =	vxor.u32 $0xFFFFFFFF, v18;
	vm12 =	vlt.s32 v18, $0x0;
	v35 =	vshrl.u32 v33, $0x15  }
0x43b: {  	v18 =	vsel vm12, v57, v32;
	v58 =	vshrl.u32 v31, $0x15;
	(xrf1) =	vunique.msk.u32 $0xffff, v35  }
0x43c: {  	vm13 =	vlt.s32 v8, $0x0;
	v34 =	vshrl.u32 v18, $0x15;
	(xrf1) =	vunique.msk.u32 $0xffff, v58  }
0x43d: {  	v59 =	vshrl.u32 v29, $0x15;
	v19 =	vsel vm13, v30, v19;
	(xrf1) =	vunique.msk.u32 $0xffff, v34  }
0x43e: {  	[tilespmem:s26+$0x30] =	vst v29;
	v36 =	vshrl.u32 v19, $0x15;
	(xrf1) =	vunique.msk.u32 $0xffff, v59  }
0x43f: {  	[tilespmem:s26+$0x10] =	vst v28;
	(xrf1) =	vunique.msk.u32 $0xffff, v36  }
0x440: {  	[tilespmem:v10+s21+$0x0] =	vst.idx.add.s32.msk vm1, v23  }
0x441: {  	_, v60, vm14 =	vpop (xrf1);
	[tilespmem:v11+s21+$0x0] =	vst.idx.add.s32.msk vm3, v27  }
0x442: {  	[tilespmem:s26+$0xFFFFFFD0] =	vst v21;
	_, v61, vm15 =	vpop (xrf1)  }
0x443: {  	[tilespmem:v13+s21+$0x0] =	vst.idx.add.s32.msk vm2, v25;
	_, v10, vm1 =	vpop (xrf1)  }
0x444: {  	[tilespmem:s26+$0xFFFFFFF0] =	vst v16  }
0x445: {  	[tilespmem:s26+$0xFFFFFFE0] =	vst v33  }
0x446: {  	[tilespmem:s26+$0x20] =	vst v31;
	_, v11, vm3 =	vpop (xrf1)  }
0x447: {  	[tilespmem:s26+$0x0] =	vst v19;
	_, v13, vm2 =	vpop (xrf1)  }
0x448: {  	[tilespmem:v15+s21+$0x0] =	vst.idx.add.s32.msk vm15, v61;
	_, v15, vm5 =	vpop (xrf1)  }
0x449: {  	[tilespmem:v14+s21+$0x0] =	vst.idx.add.s32.msk vm1, v10;
	_, v10, vm1 =	vpop (xrf1)  }
0x44a: {  	[tilespmem:v12+s21+$0x0] =	vst.idx.add.s32.msk vm14, v60;
	_, v12, vm4 =	vpop (xrf1)  }
0x44b: {  	[tilespmem:s26+$0xFFFFFFC0] =	vst v18;
	_, v62, vm6 =	vpop (xrf1)  }
0x44c: {  	[tilespmem:v20+s21+$0x0] =	vst.idx.add.s32.msk vm3, v11;
	_, v11, vm3 =	vpop (xrf1)  }
0x44d: {  	[tilespmem:v26+s21+$0x0] =	vst.idx.add.s32.msk vm2, v13;
	_, v13, vm2 =	vpop (xrf1)  }
0x44e: {  	[tilespmem:v24+s21+$0x0] =	vst.idx.add.s32.msk vm5, v15  }
0x44f: {  	[tilespmem:v35+s21+$0x0] =	vst.idx.add.s32.msk vm1, v10  }
0x450: {  	[tilespmem:v58+s21+$0x0] =	vst.idx.add.s32.msk vm4, v12  }
0x451: {  	[tilespmem:v34+s21+$0x0] =	vst.idx.add.s32.msk vm6, v62  }
0x452: {  	[tilespmem:v59+s21+$0x0] =	vst.idx.add.s32.msk vm3, v11  }
0x453: {  	s31 =	simm.s32 $0x0;
	[tilespmem:v36+s21+$0x0] =	vst.idx.add.s32.msk vm2, v13  }
0x454: {  	v10 =	vld [tilespmem:s31+$0x10000];
	_ =	sdelay $0x1  }
0x455: {  	v11 =	vadd.f32 v17, v22;
	_ =	sdelay $0x1  }
0x456: {  	v6 =	vadd.f32 v6, v11  }
0x457: {  	s28 =	simm.s32 $0x10;
	(xrf0) =	vadd.scan.msk.s32 $0xffff, v10  }
0x458: {  	v8 =	vadd.f32 v8, v6;
	v6 =	vld [tilespmem:s28+$0x10000];
	_ =	sdelay $0x1  }
0x459: {  	v8 =	vadd.f32 v7, v8;
	_ =	sdelay $0x1  }
0x45a: {  	v8 =	vadd.f32 v9, v8  }
0x45b: {  	s29 =	simm.s32 $0x20;
	v7 =	vimm.s32 $0x0;
	v11, _, _ =	vpop (xrf0);
	(xrf0) =	vadd.scan.msk.s32 $0xffff, v6  }
0x45c: {  	v4 =	vadd.f32 v4, v8;
	v8 =	vld [tilespmem:s29+$0x10000];
	v63 =	vadd.s32 v7, v11  }
0x45d: {  	vm1 =	vle.s32 v63, v5  }
0x45e: {  	[tilespmem:s31+$0x10000] =	vst v0;
	v12 =	vmpcnt.ones.xlane vm1  }
0x45f: {  	[tilespmem:s28+$0x10000] =	vst v0;
	v11 =	vbroadcast v11, $0xF;
	v9 =	vnsel vm1, $0x0, v10  }
0x460: {  	s26 =	simm.s32 $0xC0;
	[tilespmem:s29+$0x10000] =	vst v0;
	v9 =	vadd.s32 v7, v9;
	v10 =	vadd.s32 v7, v12  }
.LBB2_48:
0x461: {  	s28 =	sshra.s32 s26, $0x2;
	p0 =	sne.s32 s26, $0x1FC0;
	s26 =	sadd.s32 $0x40, s26;
	(xrf0) =	vadd.scan.msk.s32 $0xffff, v8;
	v12, _, _ =	vpop (xrf0);
	v7 =	vadd.s32 v7, v11;
	v11 =	vmov v8  }
.Ltmp23:
0x462: {  	v8 =	vld [tilespmem:s28+$0x10000];
	[tilespmem:s28+$0x10000] =	vst v0;
	v13 =	vadd.s32 v7, v12;
	(pc) =	sbr.rel @p0 .LBB2_48-.Ltmp23, $4  }
0x463: {  	vm1 =	vle.s32 v13, v5  }
0x464: {  	v13 =	vmpcnt.ones.xlane vm1;
	v14 =	vnsel vm1, $0x0, v6;
	v6 =	vmov v11  }
0x465: {  	v11 =	vbroadcast v12, $0xF;
	v9 =	vadd.s32 v9, v14  }
0x466: {  	v10 =	vadd.s32 v10, v13  }
0x467: {  	(xrf0) =	vadd.scan.msk.s32 $0xffff, v8;
	_ =	sdelay $0x2  }
0x468: {  	v12, _, _ =	vpop (xrf0)  }
0x469: {  	v13 =	vbroadcast v12, $0xF  }
0x46a: {  	v7 =	vadd.s32 v7, v11;
	s26 =	simm.s32 $0x8040  }
0x46b: {  	v11 =	vadd.s32 v7, v12;
	v7 =	vadd.s32 v7, v13;
	v13 =	vld [tilespmem:s26+$0xFFFFFFC0];
	v12, _, _ =	vpop (xrf0)  }
0x46c: {  	vm1 =	vle.s32 v11, v5;
	v7 =	vadd.s32 v7, v12  }
0x46d: {  	v11 =	vmpcnt.ones.xlane vm1;
	v12 =	vld [tilespmem:s26+$0xFFFFFFE0];
	vm2 =	vle.s32 v7, v5  }
0x46e: {  	v7 =	vmpcnt.ones.xlane vm2  }
0x46f: {  	v10 =	vadd.s32 v10, v11  }
0x470: {  	v14 =	vld [tilespmem:s26+$0xFFFFFFF0];
	v11 =	vshrl.u32 v13, $0x15;
	v7 =	vadd.s32 v10, v7  }
0x471: {  	v6 =	vnsel vm1, $0x0, v6;
	v10 =	vld [tilespmem:s26+$0x20];
	vm4 =	veq.s32 v11, v7;
	v11 =	vshrl.u32 v13, $0xA  }
0x472: {  	v6 =	vadd.s32 v9, v6;
	v15 =	vand.u32 $0x7FF, v11;
	v11 =	vshrl.u32 v12, $0x15  }
0x473: {  	v16 =	vld [tilespmem:s26+$0x30];
	v8 =	vnsel vm2, $0x0, v8;
	v12 =	vshrl.u32 v12, $0xA;
	vm3 =	veq.s32 v11, v7  }
0x474: {  	v6 =	vadd.s32 v6, v8;
	v8 =	vld [tilespmem:s26+$0xFFFFFFD0];
	v11 =	vand.u32 $0x7FF, v12;
	_ =	sdelay $0x1  }
0x475: {  	v9 =	vshrl.u32 v14, $0xA;
	v13 =	vshrl.u32 v14, $0x15;
	v12 =	vld [tilespmem:s26+$0x10];
	v14 =	vshrl.u32 v10, $0x15  }
0x476: {  	vm1 =	veq.s32 v13, v7;
	v13 =	vld [tilespmem:s26+$0x0];
	v10 =	vshrl.u32 v10, $0xA;
	vm2 =	veq.s32 v14, v7  }
0x477: {  	s28 =	simm.s32 $0x80C0;
	s26 =	simm.s32 $0x0;
	v10 =	vand.u32 $0x7FF, v10;
	v14 =	vshrl.u32 v16, $0xA;
	[tilespmem:v15+s21+$0x0] =	vst.idx.add.s32.msk vm4, v1;
	v15 =	vshrl.u32 v16, $0x15  }
.LBB2_50:
0x478: {  	s26 =	sadd.s32 $0x8, s26;
	v16 =	vshrl.u32 v8, $0x15;
	[tilespmem:v11+s21+$0x0] =	vst.idx.add.s32.msk vm3, v1;
	vm4 =	veq.s32 v15, v7  }
0x479: {  	v8 =	vshrl.u32 v8, $0xA;
	v11 =	vand.u32 $0x7FF, v9;
	v15 =	vld [tilespmem:s28+$0xFFFFFFF0];
	p0 =	slt.u32 s26, $0x7F8;
	vm5 =	veq.s32 v16, v7  }
0x47a: {  	v14 =	vand.u32 $0x7FF, v14;
	v17 =	vand.u32 $0x7FF, v8;
	v16 =	vld [tilespmem:s28+$0xFFFFFFE0];
	v8 =	vshrl.u32 v12, $0x15  }
0x47b: {  	v18 =	vld [tilespmem:s28+$0xFFFFFFC0];
	v9 =	vshrl.u32 v13, $0x15;
	vm6 =	veq.s32 v8, v7;
	v8 =	vshrl.u32 v12, $0xA  }
0x47c: {  	v19 =	vld [tilespmem:s28+$0x30];
	vm7 =	veq.s32 v9, v7;
	v9 =	vshrl.u32 v13, $0xA;
	v12 =	vand.u32 $0x7FF, v8  }
0x47d: {  	v20 =	vld [tilespmem:s28+$0x20];
	v13 =	vand.u32 $0x7FF, v9  }
0x47e: {  	v8 =	vld [tilespmem:s28+$0xFFFFFFD0];
	v9 =	vshrl.u32 v15, $0xA  }
0x47f: {  	[tilespmem:v11+s21+$0x0] =	vst.idx.add.s32.msk vm1, v1  }
0x480: {  	v21 =	vshrl.u32 v16, $0x15;
	v16 =	vshrl.u32 v16, $0xA;
	v11 =	vshrl.u32 v18, $0x15;
	[tilespmem:v10+s21+$0x0] =	vst.idx.add.s32.msk vm2, v1  }
0x481: {  	v10 =	vshrl.u32 v18, $0xA;
	vm3 =	veq.s32 v21, v7;
	vm8 =	veq.s32 v11, v7;
	[tilespmem:v12+s21+$0x0] =	vst.idx.add.s32.msk vm6, v1  }
0x482: {  	v10 =	vand.u32 $0x7FF, v10;
	v11 =	vand.u32 $0x7FF, v16;
	[tilespmem:v13+s21+$0x0] =	vst.idx.add.s32.msk vm7, v1  }
.Ltmp24:
0x483: {  	v12 =	vshrl.u32 v15, $0x15;
	[tilespmem:v14+s21+$0x0] =	vst.idx.add.s32.msk vm4, v1;
	(pc) =	sbr.rel @p0 .LBB2_50-.Ltmp24, $4  }
0x484: {  	vm1 =	veq.s32 v12, v7;
	[tilespmem:v17+s21+$0x0] =	vst.idx.add.s32.msk vm5, v1  }
0x485: {  	v14 =	vshrl.u32 v20, $0x15;
	v12 =	vld [tilespmem:s28+$0x10]  }
0x486: {  	vm2 =	veq.s32 v14, v7;
	v14 =	vshrl.u32 v20, $0xA;
	v13 =	vld [tilespmem:s28+$0x0]  }
0x487: {  	v15 =	vshrl.u32 v19, $0x15;
	s28 =	sadd.s32 $0x80, s28;
	[tilespmem:v10+s21+$0x0] =	vst.idx.add.s32.msk vm8, v1;
	v10 =	vand.u32 $0x7FF, v14;
	v14 =	vshrl.u32 v19, $0xA  }
0x488: {  	_ =	sdelay $0x3  }
0x489: {  	v9 =	vand.u32 $0x7FF, v9;
	v63 =	vshrl.u32 v8, $0x15  }
0x48a: {  	vm6 =	veq.s32 v15, v7;
	[tilespmem:v11+s21+$0x0] =	vst.idx.add.s32.msk vm3, v1;
	v8 =	vshrl.u32 v8, $0xA;
	v11 =	vand.u32 $0x7FF, v14  }
0x48b: {  	vm3 =	veq.s32 v63, v7;
	v8 =	vand.u32 $0x7FF, v8;
	v16 =	vshrl.u32 v12, $0x15  }
0x48c: {  	v12 =	vshrl.u32 v12, $0xA;
	vm4 =	veq.s32 v16, v7;
	v62 =	vshrl.u32 v13, $0x15  }
0x48d: {  	v13 =	vshrl.u32 v13, $0xA;
	v12 =	vand.u32 $0x7FF, v12;
	vm5 =	veq.s32 v62, v7  }
0x48e: {  	[tilespmem:v10+s21+$0x0] =	vst.idx.add.s32.msk vm2, v1;
	v13 =	vand.u32 $0x7FF, v13  }
0x48f: {  	[tilespmem:v9+s21+$0x0] =	vst.idx.add.s32.msk vm1, v1  }
0x490: {  	[tilespmem:v11+s21+$0x0] =	vst.idx.add.s32.msk vm6, v1  }
0x491: {  	[tilespmem:v8+s21+$0x0] =	vst.idx.add.s32.msk vm3, v1  }
0x492: {  	[tilespmem:v12+s21+$0x0] =	vst.idx.add.s32.msk vm4, v1  }
0x493: {  	s26 =	simm.s32 $0x0;
	[tilespmem:v13+s21+$0x0] =	vst.idx.add.s32.msk vm5, v1  }
0x494: {  	v8 =	vld [tilespmem:s26+$0x10000];
	_ =	sdelay $0x2  }
0x495: {  	(xrf0) =	vadd.scan.msk.s32 $0xffff, v6;
	_ =	sdelay $0x1  }
0x496: {  	(xrf0) =	vadd.scan.msk.s32 $0xffff, v8  }
0x497: {  	s28 =	simm.s32 $0x10  }
0x498: {  	v9 =	vld [tilespmem:s28+$0x10000];
	_ =	sdelay $0x1  }
0x499: {  	v6, _, _ =	vpop (xrf0)  }
0x49a: {  	v10 =	vbroadcast v6, $0xF  }
0x49b: {  	v6 =	vimm.s32 $0x0;
	v12, _, _ =	vpop (xrf0)  }
0x49c: {  	s29 =	simm.s32 $0x20;
	v5 =	vsub.s32 v5, v10;
	(xrf0) =	vadd.scan.msk.s32 $0xffff, v9;
	v10 =	vadd.s32 v6, v12  }
0x49d: {  	vm1 =	vle.s32 v10, v5;
	v10 =	vld [tilespmem:s29+$0x10000];
	_ =	sdelay $0x1  }
0x49e: {  	[tilespmem:s26+$0x10000] =	vst v0;
	v13 =	vmpcnt.ones.xlane vm1;
	v8 =	vnsel vm1, $0x0, v8  }
0x49f: {  	[tilespmem:s28+$0x10000] =	vst v0;
	v11 =	vadd.s32 v6, v8;
	v8 =	vbroadcast v12, $0xF  }
0x4a0: {  	s26 =	simm.s32 $0xC0;
	[tilespmem:s29+$0x10000] =	vst v0;
	v12 =	vadd.s32 v6, v13  }
.LBB2_52:
0x4a1: {  	s28 =	sshra.s32 s26, $0x2;
	p0 =	sne.s32 s26, $0x1FC0;
	s26 =	sadd.s32 $0x40, s26;
	(xrf0) =	vadd.scan.msk.s32 $0xffff, v10;
	v13, _, _ =	vpop (xrf0);
	v6 =	vadd.s32 v6, v8;
	v8 =	vmov v10  }
.Ltmp25:
0x4a2: {  	v10 =	vld [tilespmem:s28+$0x10000];
	[tilespmem:s28+$0x10000] =	vst v0;
	v14 =	vadd.s32 v6, v13;
	(pc) =	sbr.rel @p0 .LBB2_52-.Ltmp25, $4  }
0x4a3: {  	vm1 =	vle.s32 v14, v5  }
0x4a4: {  	v14 =	vmpcnt.ones.xlane vm1;
	v15 =	vnsel vm1, $0x0, v9;
	v9 =	vmov v8  }
0x4a5: {  	v8 =	vbroadcast v13, $0xF;
	v11 =	vadd.s32 v11, v15  }
0x4a6: {  	v12 =	vadd.s32 v12, v14  }
0x4a7: {  	s26 =	simm.s32 $0x8040  }
0x4a8: {  	(xrf0) =	vadd.scan.msk.s32 $0xffff, v10;
	v23 =	vld [tilespmem:s26+$0x10]  }
0x4a9: {  	v24 =	vld [tilespmem:s26+$0x0]  }
0x4aa: {  	v13, _, _ =	vpop (xrf0);
	v8 =	vadd.s32 v6, v8;
	v17 =	vld [tilespmem:s26+$0xFFFFFFC0]  }
0x4ab: {  	v14 =	vbroadcast v13, $0xF;
	v13 =	vadd.s32 v8, v13;
	v16 =	vld [tilespmem:s26+$0xFFFFFFE0]  }
0x4ac: {  	vm1 =	vle.s32 v13, v5  }
0x4ad: {  	v7 =	vshll.u32 v7, $0xB;
	v20 =	vimm.f32 $0.0e+00;
	v9 =	vnsel vm1, $0x0, v9  }
0x4ae: {  	v14 =	vadd.s32 v8, v14;
	v8 =	vld [tilespmem:s26+$0x30];
	v9 =	vadd.s32 v11, v9;
	v15, _, _ =	vpop (xrf0);
	vm3 =	vgt.s32 v23, $0xFFFFFFFF  }
0x4af: {  	vm4 =	vgt.s32 v17, $0xFFFFFFFF;
	v13 =	vadd.s32 v14, v15;
	v15 =	vmpcnt.ones.xlane vm1  }
0x4b0: {  	v6 =	vld [tilespmem:s26+$0x20];
	vm6 =	vgt.s32 v24, $0xFFFFFFFF;
	v18 =	vshrl.u32 v17, $0xA;
	vm15 =	vgt.s32 v16, $0xFFFFFFFF  }
0x4b1: {  	v19 =	vsel vm4, $0xFFFFFFFF, v2;
	vm2 =	vle.s32 v13, v5;
	v11 =	vadd.s32 v12, v15;
	v15 =	vld [tilespmem:s26+$0xFFFFFFD0]  }
0x4b2: {  	v25 =	vsel vm15, $0xFFFFFFFF, v2;
	v27 =	vsel vm6, $0xFFFFFFFF, v2;
	v13 =	vmpcnt.ones.xlane vm2  }
0x4b3: {  	vm1 =	vgt.s32 v8, $0xFFFFFFFF;
	v19 =	vxor.u32 v17, v19;
	v10 =	vnsel vm2, $0x0, v10  }
0x4b4: {  	v14 =	vld [tilespmem:s26+$0xFFFFFFF0];
	v12 =	vand.u32 $0x3FF, v8;
	v9 =	vadd.s32 v9, v10;
	v10 =	vadd.s32 v11, v13  }
0x4b5: {  	vm2 =	vgt.s32 v6, $0xFFFFFFFF;
	v13 =	vand.u32 $0x3FF, v24;
	v7 =	vor.u32 v7, v10  }
0x4b6: {  	v11 =	vand.u32 $0x3FF, v6;
	vm7 =	vgt.s32 v18, v7;
	vm8 =	vgt.s32 v15, $0xFFFFFFFF  }
0x4b7: {  	v21 =	vnsel vm7, $0x0, v19;
	v19 =	vshrl.u32 v15, $0xA;
	v22 =	vsel vm8, $0xFFFFFFFF, v2  }
0x4b8: {  	v21 =	vadd.f32 v21, v20;
	vm12 =	vgt.s32 v19, v7;
	v20 =	vxor.u32 v15, v22  }
0x4b9: {  	vm5 =	vgt.s32 v14, $0xFFFFFFFF;
	v22 =	vnsel vm12, $0x0, v20;
	v20 =	vshrl.u32 v16, $0xA  }
0x4ba: {  	v22 =	vadd.f32 v22, v21;
	v21 =	vxor.u32 v16, v25;
	vm13 =	vgt.s32 v20, v7  }
0x4bb: {  	v26 =	vsel vm5, $0xFFFFFFFF, v2;
	v25 =	vnsel vm13, $0x0, v21;
	v21 =	vshrl.u32 v14, $0xA  }
0x4bc: {  	v25 =	vadd.f32 v25, v22;
	v22 =	vxor.u32 v14, v26;
	vm14 =	vgt.s32 v21, v7  }
0x4bd: {  	v10 =	vand.u32 $0x3FF, v23;
	v26 =	vnsel vm14, $0x0, v22;
	v22 =	vshrl.u32 v24, $0xA  }
0x4be: {  	v24 =	vxor.u32 v24, v27;
	v25 =	vadd.f32 v26, v25;
	vm15 =	vgt.s32 v22, v7  }
0x4bf: {  	v27 =	vsel vm3, $0xFFFFFFFF, v2;
	v26 =	vnsel vm15, $0x0, v24;
	v24 =	vshrl.u32 v23, $0xA  }
0x4c0: {  	v23 =	vxor.u32 v23, v27;
	v25 =	vadd.f32 v26, v25;
	vm3 =	vgt.s32 v24, v7  }
0x4c1: {  	s28 =	simm.s32 $0x80C0;
	s26 =	simm.s32 $0x0;
	v27 =	vsel vm2, $0xFFFFFFFF, v2;
	v26 =	vnsel vm3, $0x0, v23;
	v23 =	vshrl.u32 v6, $0xA  }
.LBB2_54:
0x4c2: {  	v25 =	vadd.f32 v26, v25;
	v26 =	vxor.u32 v6, v27;
	v6 =	vld [tilespmem:s28+$0x20];
	vm2 =	vgt.s32 v23, v7  }
0x4c3: {  	v28 =	vsel vm1, $0xFFFFFFFF, v2;
	v29 =	vshrl.u32 v8, $0xA;
	v27 =	vld [tilespmem:s28+$0x30];
	v26 =	vnsel vm2, $0x0, v26  }
0x4c4: {  	v8 =	vxor.u32 v8, v28;
	vm1 =	vgt.s32 v29, v7;
	v30 =	vld [tilespmem:s28+$0x10];
	v25 =	vadd.f32 v26, v25  }
0x4c5: {  	vm11 =	veq.s32 v18, v7;
	vm10 =	veq.s32 v19, v7;
	v8 =	vnsel vm1, $0x0, v8;
	v26 =	vld [tilespmem:s28+$0x0]  }
0x4c6: {  	vm9 =	veq.s32 v20, v7;
	vm8 =	veq.s32 v21, v7;
	v18 =	vld [tilespmem:s28+$0xFFFFFFF0];
	v20 =	vadd.f32 v8, v25  }
0x4c7: {  	s26 =	sadd.s32 $0x8, s26;
	vm6 =	veq.s32 v22, v7;
	vm4 =	veq.s32 v24, v7;
	vm3 =	veq.s32 v23, v7;
	v19 =	vld [tilespmem:s28+$0xFFFFFFC0]  }
0x4c8: {  	v22 =	vand.u32 $0x3FF, v17;
	v23 =	vand.u32 $0x3FF, v15;
	p0 =	slt.u32 s26, $0x7F8;
	vm2 =	veq.s32 v29, v7;
	v21 =	vld [tilespmem:s28+$0xFFFFFFE0];
	v8 =	vmovc v27  }
0x4c9: {  	v25 =	vand.u32 $0x3FF, v16;
	v27 =	vand.u32 $0x3FF, v14;
	v15 =	vld [tilespmem:s28+$0xFFFFFFD0];
	v24 =	vand.u32 $0x3FF, v30  }
0x4ca: {  	v29 =	vand.u32 $0x3FF, v6;
	v31 =	vand.u32 $0x3FF, v8;
	v28 =	vand.u32 $0x3FF, v26  }
0x4cb: {  	vm5 =	vgt.s32 v6, $0xFFFFFFFF;
	vm7 =	vgt.s32 v30, $0xFFFFFFFF;
	vm1 =	vgt.s32 v8, $0xFFFFFFFF;
	v14 =	vmovc v18  }
0x4cc: {  	vm12 =	vgt.s32 v26, $0xFFFFFFFF;
	vm14 =	vgt.s32 v19, $0xFFFFFFFF;
	vm13 =	vgt.s32 v14, $0xFFFFFFFF;
	v17 =	vmovc v19  }
0x4cd: {  	v19 =	vsel vm14, $0xFFFFFFFF, v2;
	v18 =	vshrl.u32 v17, $0xA;
	vm14 =	vgt.s32 v21, $0xFFFFFFFF;
	[tilespmem:v22+s21+$0x0] =	vst.idx.add.s32.msk vm11, v1;
	v16 =	vmovc v21  }
0x4ce: {  	v19 =	vxor.u32 v17, v19;
	vm11 =	vgt.s32 v18, v7;
	vm15 =	vgt.s32 v15, $0xFFFFFFFF;
	[tilespmem:v23+s21+$0x0] =	vst.idx.add.s32.msk vm10, v1  }
0x4cf: {  	v21 =	vnsel vm11, $0x0, v19;
	v22 =	vsel vm15, $0xFFFFFFFF, v2;
	v19 =	vshrl.u32 v15, $0xA;
	[tilespmem:v25+s21+$0x0] =	vst.idx.add.s32.msk vm9, v1  }
0x4d0: {  	v21 =	vadd.f32 v21, v20;
	v20 =	vxor.u32 v15, v22;
	vm9 =	vgt.s32 v19, v7  }
0x4d1: {  	v23 =	vsel vm14, $0xFFFFFFFF, v2;
	v22 =	vnsel vm9, $0x0, v20;
	v20 =	vshrl.u32 v16, $0xA;
	[tilespmem:v27+s21+$0x0] =	vst.idx.add.s32.msk vm8, v1  }
0x4d2: {  	v22 =	vadd.f32 v22, v21;
	v21 =	vxor.u32 v16, v23;
	vm8 =	vgt.s32 v20, v7  }
0x4d3: {  	v25 =	vsel vm13, $0xFFFFFFFF, v2;
	v23 =	vnsel vm8, $0x0, v21;
	v21 =	vshrl.u32 v14, $0xA;
	[tilespmem:v13+s21+$0x0] =	vst.idx.add.s32.msk vm6, v1;
	v13 =	vmovc v28  }
0x4d4: {  	v23 =	vadd.f32 v23, v22;
	v22 =	vxor.u32 v14, v25;
	vm6 =	vgt.s32 v21, v7  }
.Ltmp26:
0x4d5: {  	v27 =	vsel vm12, $0xFFFFFFFF, v2;
	v25 =	vnsel vm6, $0x0, v22;
	v22 =	vshrl.u32 v26, $0xA;
	[tilespmem:v10+s21+$0x0] =	vst.idx.add.s32.msk vm4, v1;
	v10 =	vmovc v24;
	(pc) =	sbr.rel @p0 .LBB2_54-.Ltmp26, $4  }
0x4d6: {  	v24 =	vxor.u32 v26, v27;
	v23 =	vadd.f32 v25, v23;
	vm4 =	vgt.s32 v22, v7  }
0x4d7: {  	v26 =	vsel vm7, $0xFFFFFFFF, v2;
	v25 =	vnsel vm4, $0x0, v24;
	v24 =	vshrl.u32 v30, $0xA;
	[tilespmem:v11+s21+$0x0] =	vst.idx.add.s32.msk vm3, v1;
	v11 =	vmovc v29  }
0x4d8: {  	v25 =	vadd.f32 v25, v23;
	v23 =	vxor.u32 v30, v26;
	vm3 =	vgt.s32 v24, v7  }
0x4d9: {  	s28 =	sadd.s32 $0x80, s28;
	v27 =	vsel vm5, $0xFFFFFFFF, v2;
	v26 =	vnsel vm3, $0x0, v23;
	v23 =	vshrl.u32 v6, $0xA;
	[tilespmem:v12+s21+$0x0] =	vst.idx.add.s32.msk vm2, v1;
	v12 =	vmovc v31  }
0x4da: {  	vm2 =	veq.s32 v18, v7  }
0x4db: {  	vm3 =	veq.s32 v19, v7;
	v17 =	vand.u32 $0x3FF, v17  }
0x4dc: {  	vm4 =	veq.s32 v20, v7;
	v15 =	vand.u32 $0x3FF, v15  }
0x4dd: {  	vm5 =	veq.s32 v21, v7;
	v16 =	vand.u32 $0x3FF, v16  }
0x4de: {  	vm6 =	veq.s32 v22, v7;
	v14 =	vand.u32 $0x3FF, v14  }
0x4df: {  	vm7 =	veq.s32 v24, v7  }
0x4e0: {  	[tilespmem:v17+s21+$0x0] =	vst.idx.add.s32.msk vm2, v1;
	v17 =	vshrl.u32 v8, $0xA;
	vm2 =	veq.s32 v23, v7  }
0x4e1: {  	[tilespmem:v15+s21+$0x0] =	vst.idx.add.s32.msk vm3, v1;
	vm3 =	veq.s32 v17, v7  }
0x4e2: {  	[tilespmem:v16+s21+$0x0] =	vst.idx.add.s32.msk vm4, v1  }
0x4e3: {  	[tilespmem:v14+s21+$0x0] =	vst.idx.add.s32.msk vm5, v1  }
0x4e4: {  	[tilespmem:v13+s21+$0x0] =	vst.idx.add.s32.msk vm6, v1  }
0x4e5: {  	[tilespmem:v10+s21+$0x0] =	vst.idx.add.s32.msk vm7, v1  }
0x4e6: {  	[tilespmem:v11+s21+$0x0] =	vst.idx.add.s32.msk vm2, v1  }
0x4e7: {  	s26 =	simm.s32 $0x10000;
	[tilespmem:v12+s21+$0x0] =	vst.idx.add.s32.msk vm3, v1  }
0x4e8: {  	(xrf0) =	vadd.scan.msk.s32 $0xffff, v9;
	v11 =	vld [tilespmem:s26+$0x0];
	_ =	sdelay $0x1  }
0x4e9: {  	v10 =	vadd.f32 v26, v25;
	_ =	sdelay $0x1  }
0x4ea: {  	v9 =	vxor.u32 v6, v27;
	s29 =	simm.s32 $0x10010;
	v13 =	vsel vm1, $0xFFFFFFFF, v2;
	vm2 =	vgt.s32 v23, v7  }
0x4eb: {  	v8 =	vxor.u32 v8, v13;
	vm1 =	vgt.s32 v17, v7;
	v12 =	vnsel vm2, $0x0, v9;
	v15 =	vld [tilespmem:s29+$0x0];
	(xrf0) =	vadd.scan.msk.s32 $0xffff, v11  }
0x4ec: {  	v6 =	vshll.u32 v7, $0xA;
	v7 =	vnsel vm1, $0x0, v8;
	v12 =	vadd.f32 v12, v10;
	v10, _, _ =	vpop (xrf0)  }
0x4ed: {  	s28 =	simm.s32 $0x0;
	v9 =	vor.u32 v3, v6;
	vm2 =	vgt.s32 v6, $0xFFFFFFFF;
	v13 =	vbroadcast v10, $0xF  }
0x4ee: {  	v14 =	vor.u32 s28, v9;
	v10 =	vsel vm2, $0xFFFFFFFF, v2;
	v7 =	vadd.f32 v7, v12  }
0x4ef: {  	[tilespmem:s26+$0x0] =	vst v0;
	v12 =	vimm.s32 $0x0;
	v8 =	vsub.s32 v5, v13;
	v16 =	vcvt.s32.f32 v11  }
0x4f0: {  	s28 =	simm.s32 $0x10;
	[tilespmem:s29+$0x0] =	vst v0;
	v5 =	vxor.u32 v10, v14;
	v11 =	vimm.f32 $0.0e+00;
	v14 =	vcvt.s32.f32 v15  }
0x4f1: {  	s26 =	simm.s32 $0x20;
	(xrf0) =	vadd.scan.msk.s32 $0xffff, v15;
	v13 =	vmul.f32 v16, v5;
	v16 =	vor.u32 s28, v9;
	s28 =	simm.s32 $0x10020;
	v5 =	vimm.s32 $0x0;
	v15, _, _ =	vpop (xrf0)  }
.LBB2_56:
0x4f2: {  	v17 =	vld [tilespmem:s28+$0x0];
	[tilespmem:s28+$0x0] =	vst v0;
	p0 =	sne.s32 s26, $0x3F0;
	v16 =	vxor.u32 v10, v16;
	v18 =	vadd.s32 v12, v15;
	s29 =	smov.u32 s26;
	s26 =	sadd.s32 $0x10, s26  }
.Ltmp27:
0x4f3: {  	v14 =	vmul.f32 v14, v16;
	vm1 =	vle.s32 v18, v8;
	(pc) =	sbr.rel @p0 .LBB2_56-.Ltmp27, $4  }
0x4f4: {  	v16 =	vmpcnt.ones.xlane vm1;
	v19 =	vsel vm1, $0x0, v13  }
0x4f5: {  	v18 =	vbroadcast v15, $0xF;
	v11 =	vadd.f32 v19, v11;
	v13 =	vmov v14  }
0x4f6: {  	v5 =	vadd.s32 v5, v16  }
0x4f7: {  	s28 =	sadd.s32 $0x10, s28;
	v12 =	vadd.s32 v12, v18;
	v16 =	vor.u32 s29, v9;
	v14 =	vcvt.s32.f32 v17;
	(xrf0) =	vadd.scan.msk.s32 $0xffff, v17;
	v15, _, _ =	vpop (xrf0)  }
0x4f8: {  	_ =	sdelay $0x1  }
0x4f9: {  	v9 =	vbroadcast v15, $0xF;
	v15 =	vadd.s32 v12, v15;
	_ =	sdelay $0x2  }
0x4fa: {  	v10 =	vxor.u32 v10, v16;
	vm1 =	vle.s32 v15, v8;
	v9 =	vadd.s32 v12, v9;
	v15, _, _ =	vpop (xrf0)  }
0x4fb: {  	v10 =	vmul.f32 v14, v10;
	v12 =	vsel vm1, $0x0, v13;
	v9 =	vadd.s32 v9, v15  }
0x4fc: {  	v11 =	vadd.f32 v12, v11;
	vm2 =	vle.s32 v9, v8  }
0x4fd: {  	v8 =	vsel vm2, $0x0, v10  }
0x4fe: {  	v8 =	vadd.f32 v8, v11;
	_ =	sdelay $0x1  }
0x4ff: {  	v7 =	vadd.f32 v8, v7  }
0x500: {  	(xrf2) =	vadd.scan.msk.f32 $0xffff, v4  }
0x501: {  	(xrf2) =	vadd.scan.msk.f32 $0xffff, v7;
	_ =	sdelay $0x8  }
0x502: {  	v4, _, _ =	vpop (xrf2)  }
0x503: {  	v7, _, _ =	vpop (xrf2)  }
0x504: {  	v7 =	vbroadcast v7, $0xF;
	_ =	sdelay $0x1  }
0x505: {  	(erf) = vrcp.f32 v7;
	_ =	sdelay $0x1  }
0x506: {  	s26 =	simm.s32 $0x8040;
	v8 =	vmpcnt.ones.xlane vm1  }
0x507: {  	v9 =	vmpcnt.ones.xlane vm2;
	v11 =	vld [tilespmem:s26+$0x30]  }
0x508: {  	v5 =	vadd.s32 v5, v8;
	v8 =	vld [tilespmem:s26+$0xFFFFFFD0]  }
0x509: {  	v5 =	vadd.s32 v5, v9;
	v9 =	vld [tilespmem:s26+$0x0];
	_ =	sdelay $0x1  }
0x50a: {  	v5 =	vor.u32 v6, v5;
	v6 =	vld [tilespmem:s26+$0xFFFFFFE0]  }
0x50b: {  	v4 =	vbroadcast v4, $0xF;
	v12 =	vxor.u32 $0x80000000, v11;
	v5 =	vxor.u32 $0x80000000, v5  }
0x50c: {  	v13 =	vxor.u32 $0xFFFFFFFF, v8;
	v14 =	vxor.u32 $0x80000000, v8;
	vm2 =	vlt.s32 v8, $0x0;
	v10 =	vpop (erf)  }
0x50d: {  	v20 =	vxor.u32 $0xFFFFFFFF, v9;
	vm1 =	veq.f32 v7, $0.0e+00;
	v7 =	vld [tilespmem:s26+$0xFFFFFFF0];
	v4 =	vmul.f32 v10, v4  }
0x50e: {  	v22 =	vxor.u32 $0x80000000, v9;
	vm4 =	vlt.s32 v9, $0x0;
	vm7 =	vlt.s32 v14, v5  }
0x50f: {  	v17 =	vld [tilespmem:s26+$0x20];
	v15 =	vxor.u32 $0xFFFFFFFF, v6;
	v16 =	vxor.u32 $0x80000000, v6;
	v4 =	vand.u32 $0x7FFFFFFF, v4  }
0x510: {  	v10 =	vxor.u32 $0xFFFFFFFF, v11;
	v4 =	vsel vm1, $0x0, v4;
	vm1 =	vlt.s32 v11, $0x0;
	v11 =	vld [tilespmem:s26+$0x10]  }
0x511: {  	vm14 =	vlt.s32 v22, v5;
	v10 =	vsel vm1, v12, v10;
	vm1 =	vlt.s32 v12, v5  }
0x512: {  	v18 =	vxor.u32 $0xFFFFFFFF, v7;
	v19 =	vxor.u32 $0x80000000, v7;
	v12 =	vld [tilespmem:s26+$0xFFFFFFC0];
	v8 =	vsel vm1, $0x0, v10  }
0x513: {  	vm3 =	vlt.s32 v7, $0x0;
	v7 =	vsel vm2, v14, v13;
	v8 =	vmul.f32 v8, v4  }
0x514: {  	vm2 =	vlt.s32 v17, $0x0;
	v13 =	vxor.u32 $0x80000000, v17;
	vm1 =	vlt.s32 v6, $0x0  }
0x515: {  	v21 =	vsel vm0, v10, v8;
	v9 =	vxor.u32 $0xFFFFFFFF, v11;
	v23 =	vxor.u32 $0x80000000, v11  }
0x516: {  	vm6 =	vlt.s32 v11, $0x0;
	v11 =	vxor.u32 $0xFFFFFFFF, v17;
	v10 =	vsel vm4, v22, v20  }
0x517: {  	v17 =	vsel vm7, $0x0, v7;
	v6 =	vxor.u32 $0xFFFFFFFF, v12;
	v8 =	vxor.u32 $0x80000000, v12  }
0x518: {  	vm5 =	vlt.s32 v12, $0x0;
	v9 =	vsel vm6, v23, v9;
	vm15 =	vlt.s32 v23, v5  }
0x519: {  	v11 =	vsel vm2, v13, v11;
	vm2 =	vlt.s32 v13, v5;
	v12 =	vsel vm5, v8, v6  }
0x51a: {  	vm13 =	vlt.s32 v8, v5;
	v6 =	vsel vm1, v16, v15;
	vm1 =	vlt.s32 v16, v5  }
0x51b: {  	v8 =	vsel vm3, v19, v18;
	vm3 =	vlt.s32 v19, v5;
	v15 =	vsel vm14, $0x0, v10  }
0x51c: {  	v13 =	vsel vm2, $0x0, v11;
	v14 =	vsel vm13, $0x0, v12;
	v18 =	vsel vm1, $0x0, v6  }
0x51d: {  	s28 =	simm.s32 $0x0;
	s29 =	simm.s32 $0x80C0;
	[tilespmem:s26+$0x30] =	vst v21;
	v16 =	vsel vm3, $0x0, v8;
	v19 =	vmul.f32 v14, v4;
	v14 =	vsel vm15, $0x0, v9  }
.LBB2_58:
0x51e: {  	v20 =	vld [tilespmem:s29+$0x30];
	s28 =	sadd.s32 $0x8, s28;
	v17 =	vmul.f32 v17, v4;
	v18 =	vmul.f32 v18, v4  }
0x51f: {  	v16 =	vmul.f32 v16, v4;
	v15 =	vmul.f32 v15, v4;
	v21 =	vld [tilespmem:s29+$0xFFFFFFD0];
	p0 =	slt.u32 s28, $0x7F8;
	v12 =	vsel vm0, v12, v19  }
0x520: {  	v13 =	vmul.f32 v13, v4;
	v19 =	vld [tilespmem:s29+$0xFFFFFFE0];
	[tilespmem:s26+$0xFFFFFFC0] =	vst v12;
	v7 =	vsel vm0, v7, v17;
	v12 =	vmul.f32 v14, v4  }
0x521: {  	v6 =	vsel vm0, v6, v18;
	v14 =	vld [tilespmem:s29+$0xFFFFFFF0];
	[tilespmem:s26+$0xFFFFFFD0] =	vst v7;
	v7 =	vsel vm0, v8, v16;
	v8 =	vsel vm0, v10, v15  }
0x522: {  	v10 =	vld [tilespmem:s29+$0x0];
	[tilespmem:s26+$0xFFFFFFE0] =	vst v6;
	v6 =	vsel vm0, v9, v12;
	v9 =	vsel vm0, v11, v13  }
0x523: {  	v11 =	vld [tilespmem:s29+$0x10];
	v12 =	vxor.u32 $0xFFFFFFFF, v20;
	v13 =	vxor.u32 $0x80000000, v20;
	vm1 =	vlt.s32 v20, $0x0;
	[tilespmem:s26+$0xFFFFFFF0] =	vst v7  }
0x524: {  	v7 =	vxor.u32 $0xFFFFFFFF, v21;
	v15 =	vld [tilespmem:s29+$0x20];
	v12 =	vsel vm1, v13, v12;
	vm2 =	vlt.s32 v13, v5;
	[tilespmem:s26+$0x0] =	vst v8  }
0x525: {  	v13 =	vxor.u32 $0x80000000, v21;
	vm1 =	vlt.s32 v21, $0x0;
	v8 =	vld [tilespmem:s29+$0xFFFFFFC0];
	v16 =	vsel vm2, $0x0, v12;
	[tilespmem:s26+$0x10] =	vst v6  }
0x526: {  	v6 =	vxor.u32 $0xFFFFFFFF, v19;
	v17 =	vxor.u32 $0x80000000, v19;
	v16 =	vmul.f32 v16, v4;
	[tilespmem:s26+$0x20] =	vst v9;
	s26 =	smov.u32 s29  }
0x527: {  	vm2 =	vlt.s32 v19, $0x0;
	v9 =	vxor.u32 $0xFFFFFFFF, v14;
	v18 =	vxor.u32 $0x80000000, v14  }
0x528: {  	vm3 =	vlt.s32 v14, $0x0;
	v14 =	vxor.u32 $0xFFFFFFFF, v10;
	v12 =	vsel vm0, v12, v16  }
0x529: {  	vm4 =	vlt.s32 v10, $0x0;
	v16 =	vxor.u32 $0x80000000, v10;
	v19 =	vxor.u32 $0xFFFFFFFF, v11;
	[tilespmem:s29+$0x30] =	vst v12  }
0x52a: {  	v10 =	vxor.u32 $0xFFFFFFFF, v8;
	v20 =	vxor.u32 $0x80000000, v8;
	vm5 =	vlt.s32 v8, $0x0  }
0x52b: {  	v21 =	vxor.u32 $0x80000000, v11;
	vm6 =	vlt.s32 v11, $0x0;
	v11 =	vxor.u32 $0xFFFFFFFF, v15  }
0x52c: {  	v22 =	vxor.u32 $0x80000000, v15;
	v12 =	vsel vm5, v20, v10;
	vm5 =	vlt.s32 v15, $0x0  }
0x52d: {  	v7 =	vsel vm1, v13, v7;
	vm1 =	vlt.s32 v13, v5;
	vm7 =	vlt.s32 v20, v5  }
0x52e: {  	v6 =	vsel vm2, v17, v6;
	vm2 =	vlt.s32 v17, v5;
	v8 =	vsel vm3, v18, v9  }
.Ltmp28:
0x52f: {  	vm3 =	vlt.s32 v18, v5;
	v10 =	vsel vm4, v16, v14;
	vm4 =	vlt.s32 v16, v5;
	(pc) =	sbr.rel @p0 .LBB2_58-.Ltmp28, $4  }
0x530: {  	v9 =	vsel vm6, v21, v19;
	vm6 =	vlt.s32 v21, v5;
	v11 =	vsel vm5, v22, v11  }
0x531: {  	v17 =	vsel vm1, $0x0, v7;
	vm1 =	vlt.s32 v22, v5;
	v13 =	vsel vm7, $0x0, v12  }
0x532: {  	v18 =	vsel vm2, $0x0, v6;
	v16 =	vsel vm3, $0x0, v8;
	v15 =	vsel vm4, $0x0, v10  }
0x533: {  	s29 =	sadd.s32 $0x80, s29;
	v14 =	vsel vm6, $0x0, v9;
	v19 =	vmul.f32 v13, v4;
	v13 =	vsel vm1, $0x0, v11  }
0x534: {  	v5 =	vmul.f32 v17, v4;
	v61 =	vmul.f32 v18, v4  }
0x535: {  	v16 =	vmul.f32 v16, v4;
	v62 =	vmul.f32 v15, v4;
	v12 =	vsel vm0, v12, v19  }
0x536: {  	v63 =	vmul.f32 v14, v4;
	v4 =	vmul.f32 v13, v4;
	[tilespmem:s26+$0xFFFFFFC0] =	vst v12;
	v5 =	vsel vm0, v7, v5  }
0x537: {  	v8 =	vsel vm0, v8, v16;
	[tilespmem:s26+$0xFFFFFFD0] =	vst v5  }
0x538: {  	v4 =	vsel vm0, v11, v4;
	[tilespmem:s26+$0xFFFFFFF0] =	vst v8  }
0x539: {  	v5 =	vsel vm0, v6, v61;
	[tilespmem:s26+$0x20] =	vst v4  }
0x53a: {  	v6 =	vsel vm0, v9, v63;
	[tilespmem:s26+$0xFFFFFFE0] =	vst v5  }
0x53b: {  	v5 =	vsel vm0, v10, v62;
	[tilespmem:s26+$0x10] =	vst v6  }
0x53c: {  	s25 =	sadd.s32 $0x1, s25;
	[tilespmem:s26+$0x0] =	vst v5  }
0x53d: {  	[hbm4b:s12+s17] =	stream.strided.scatter [tilespmem:s19], [sflag:$0x4], $0x8000, s18, s17, $0x38;
	[tilespmem:$0x10900] =	vst v63  }
0x53e: {  	p0 =	sne.s32 s25, s13;
	_ =	swait.ge [sflag:s22], $0x8000  }
.Ltmp29:
0x53f: {  	[sflag:s22] =	ssyncset.done $0x0;
	(pc) =	sbr.rel @p0 .LBB2_1-.Ltmp29, $4  }
0x540: {  	[sflag:s22] =	ssyncadd.s32 $0xFFFF8000  }
0x541: {  	_ =	swait.ge [sflag:s24], $0x8000  }
0x542: {  	[sflag:s24] =	ssyncset.done $0x0  }
0x543: {  	[sflag:s24] =	ssyncadd.s32 $0xFFFF8000  }
0x544: {  	_ =	sfence.sel $0x180000  }
0x545: {  	[bflag:$0x0] =	sbarrier.arrive $0xFFFF  }
0x546: {  	p0 =	sne.s32 s1, $0x0;
	_ =	strace $0x90000047  }
0x547: {  	s0 =	sadd.s32 @!p0 $0x100000, s0;
	[bflag:$0x2] =	sbarrier.arrive $0xFFFF  }
0x548: {  	[sflag:s0] =	ssyncadd.tile.s32 @!p0 $0x1;
	_ =	shalt  }
.Lfunc_end2:
_tile_overlayer_lowered:
.L_overlay_start_2:
0x549: {  	(tag) =	ssettag $0x2  }
0x54a: {  	s0 =	rddreg [dreg:$0x0];
	s2 =	stileid.u32  }
0x54b: {  	s1 =	rddreg [dreg:$0x1];
	p0 =	sne.s32 s2, $0x0  }
0x54c: {  	s3 =	rddreg [dreg:$0x2];
	[bflag:$0x3] =	sbarrier.arrive $0xFFFF;
	s2 =	simm.s32 @!p0 $0x1C05  }
0x54d: {  	[timem:s3], [sflag:s2] =	dma.local @!p0 [hbm:s0], s1  }
0x54e: {  	s0 =	simm.s32 @!p0 $0x5  }
0x54f: {  	_ =	swait.ge @!p0 [sflag:s0], s1  }
0x550: {  	s1 =	ssub.s32 @!p0 $0x0, s1;
	[sflag:s0] =	ssyncset.done @!p0 $0x0  }
0x551: {  	[sflag:s0] =	ssyncadd.s32 @!p0 s1  }
0x552: {  	[bflag:$0x3] =	sbarrier.arrive $0xFFFF  }
0x553: {  	_ =	shalt  }

</sc_bundles>
